<compile_context>
chip_gen: v7x
topology: tpu7x:2x2x1
jax: 0.10.2.dev20260603
libtpu: 0.0.44.dev20260713+nightly
codegen_flags: <defaults>
</compile_context>

<pallas_src>
import functools

import jax
import jax.numpy as jnp
from jax import lax
from jax.experimental import pallas as pl
from jax.experimental.pallas import tpu as pltpu
from jax.experimental.pallas import tpu_sc as plsc

_B, _T, _C = 16, 1024, 999
_N = _B * _T

_M = 12288
_OPS = 4
_ROWS = 512
_STEPS = _M // (_OPS * _ROWS)

_NC, _NS, _L = 2, 16, 16
_NW = _NC * _NS
_SCROWS = _N - _M
_PWR = _SCROWS // _NW
_KR = 32
_NCH = _PWR // _KR
_FULLV = (_C - _L) // _L + 1
_TAILC = _C - _L
_TAILN = _C - _FULLV * _L
assert _PWR % _KR == 0 and _FULLV == 62 and _TAILN == 7


def _tc_body(*refs):
    x_refs = refs[:_OPS]
    t_refs = refs[_OPS:2 * _OPS]
    o_ref = refs[2 * _OPS]
    col = lax.broadcasted_iota(jnp.int32, (_ROWS, _C), 1)
    part = jnp.float32(0.0)
    for x_ref, t_ref in zip(x_refs, t_refs):
        x = x_ref[...]
        t = t_ref[...]
        hit = col == (t - 1)
        part += jnp.sum(x * x) - 2.0 * jnp.sum(jnp.where(hit, x, 0.0))

    @pl.when(pl.program_id(0) == 0)
    def _():
        o_ref[0, 0] = 0.0

    o_ref[0, 0] += part


_sc_mesh = plsc.VectorSubcoreMesh(core_axis_name="c", subcore_axis_name="s")


@functools.partial(
    pl.kernel,
    mesh=_sc_mesh,
    out_type=jax.ShapeDtypeStruct((_NW, _L), jnp.float32),
    scratch_types=[
        pltpu.VMEM((_KR, _C), jnp.float32),
        pltpu.VMEM((_KR, _C), jnp.float32),
        pltpu.VMEM((_PWR,), jnp.int32),
        pltpu.VMEM((_L,), jnp.float32),
        pltpu.SemaphoreType.DMA,
        pltpu.SemaphoreType.DMA,
    ],
    compiler_params=pltpu.CompilerParams(needs_layout_passes=False),
)
def _sc_tail(x_hbm, t_hbm, out_hbm, buf0_v, buf1_v, t_v, acc_v, sem0, sem1):
    wid = lax.axis_index("s") * _NC + lax.axis_index("c")
    rbase = _M + wid * _PWR
    pltpu.sync_copy(t_hbm.at[pl.ds(rbase, _PWR)], t_v)

    bufs = [buf0_v, buf1_v]
    sems = [sem0, sem1]
    copies = [None, None]
    copies[0] = pltpu.async_copy(
        x_hbm.at[pl.ds(rbase, _KR), :], bufs[0], sems[0])
    acc = jnp.zeros((_L,), jnp.float32)
    lane = lax.iota(jnp.int32, _L)
    for c in range(_NCH):
        b = c % 2
        if c + 1 < _NCH:
            copies[1 - b] = pltpu.async_copy(
                x_hbm.at[pl.ds(rbase + (c + 1) * _KR, _KR), :],
                bufs[1 - b], sems[1 - b])
        copies[b].wait()
        buf = bufs[b]

        def col_step(j, a, buf=buf):
            for r in range(_KR):
                v = buf[r, pl.ds(j * _L, _L)]
                a = a + v * v
            return a

        acc = lax.fori_loop(0, _FULLV, col_step, acc)
        for r in range(_KR):
            v = buf[r, pl.ds(_TAILC, _L)]
            acc = acc + jnp.where(lane >= _L - _TAILN, v * v, 0.0)

        for g in range(_KR // _L):
            tt = t_v[pl.ds(c * _KR + g * _L, _L)]
            rows = g * _L + lane
            cols = jnp.maximum(tt - 1, 0)
            gv = plsc.load_gather(buf, [rows, cols])
            acc = acc - 2.0 * jnp.where(tt >= 1, gv, 0.0)

    acc_v[...] = acc
    pltpu.sync_copy(acc_v, out_hbm.at[wid])


def kernel(rel_ress, targets, mask):
    del mask
    x = rel_ress.reshape(_N, _C)
    t_flat = targets.astype(jnp.int32).reshape(_N)
    t_col = t_flat.reshape(_N, 1)
    x_specs = [
        pl.BlockSpec((_ROWS, _C), lambda i, k=k: (i + k * _STEPS, 0))
        for k in range(_OPS)
    ]
    t_specs = [
        pl.BlockSpec((_ROWS, 1), lambda i, k=k: (i + k * _STEPS, 0))
        for k in range(_OPS)
    ]
    sc_parts = _sc_tail(x, t_flat)
    out = pl.pallas_call(
        _tc_body,
        grid=(_STEPS,),
        in_specs=x_specs + t_specs,
        out_specs=pl.BlockSpec(memory_space=pltpu.SMEM),
        out_shape=jax.ShapeDtypeStruct((1, 1), jnp.float32),
    )(*([x] * _OPS + [t_col] * _OPS))
    total = out[0, 0] + jnp.sum(sc_parts)
    return (total + jnp.float32(_N)) / jnp.float32(_N * (_C + 1))

# --- scband reference (transcript-rebuilt; emitter-appended) ---
"""Pipeline reference for scband-relation-classification-criterion-86706799771963 (READ-ONLY COPY).

The authoritative reference and input builder live on the scoring server;
editing this copy changes nothing except your own understanding.
"""

import jax, jax.numpy as jnp
import numpy as np

NOUNS_SIZE = 999

def setup_inputs(seed: int = 0) -> dict:
    key = jax.random.key(seed)
    k1, k2, k3 = jax.random.split(key, 3)
    rel_ress = jax.random.normal(k1, (16, 1024, NOUNS_SIZE), dtype=jnp.float32)
    targets = jax.random.randint(k2, (16, 1024), 0, 999)
    mask = jax.random.uniform(k3, (16, 1024), dtype=jnp.float32)
    return {"rel_ress": rel_ress, "targets": targets, "mask": mask}

def reference(rel_ress, targets, mask):
    T = rel_ress.shape[1]
    targets = targets[:, :T]
    mask = mask[:, :T]  # computed in original but unused by the loss
    rel_flat = rel_ress.reshape(-1, NOUNS_SIZE)
    t = targets.reshape(-1)
    # rows with label > nouns_size are zeroed out (mask -> 0, index -> 0)
    t_nouns_mask = (t <= NOUNS_SIZE).astype(jnp.float32)
    t_f = t.astype(jnp.float32) * t_nouns_mask
    N = rel_flat.shape[0]
    rel_zero = jnp.zeros((N, 1), dtype=jnp.float32)
    rel = jnp.concatenate([rel_zero, rel_flat], axis=1)
    onehot = jnp.zeros((N, NOUNS_SIZE + 1), dtype=jnp.float32)
    onehot = onehot.at[jnp.arange(N), t_f.astype(jnp.int32)].set(t_nouns_mask)
    return jnp.mean((rel - onehot) ** 2)

if __name__ == "__main__":
    import jax
    _d = setup_inputs()
    print(jax.jit(kernel)(*tuple(_d.values())))

</pallas_src>

<mosaic_0001>
#map = affine_map<(d0, d1) -> (0, 0)>
#map1 = affine_map<(d0, d1) -> (0)>
module attributes {stable_mosaic.version = 14 : i64} {
  func.func @_sc_tail(%arg0: i32, %arg1: i32, %arg2: memref<16384x999xf32, #tpu.memory_space<hbm>>, %arg3: memref<16384xi32, #tpu.memory_space<hbm>>, %arg4: memref<32x16xf32, #tpu.memory_space<hbm>>, %arg5: memref<32x999xf32, #tpu.memory_space<vmem>>, %arg6: memref<32x999xf32, #tpu.memory_space<vmem>>, %arg7: memref<128xi32, #tpu.memory_space<vmem>>, %arg8: memref<16xf32, #tpu.memory_space<vmem>>, %arg9: memref<!tpu.dma_semaphore, #tpu.memory_space<semaphore_mem>>, %arg10: memref<!tpu.dma_semaphore, #tpu.memory_space<semaphore_mem>>) attributes {dimension_semantics = [#tpu.dimension_semantics<core_parallel>, #tpu.dimension_semantics<subcore_parallel>], iteration_bounds = array<i64: 2, 16>, scalar_prefetch = 0 : i64, scratch_operands = 6 : i64, tpu.core_type = #tpu.core_type<sc_vector_subcore>, window_params = [{transform_indices = #map}, {transform_indices = #map1}, {transform_indices = #map}]} {
    %mul3A = arith.constant 2 : i32
    %mul3A_0 = arith.muli %arg1, %mul3A : i32
    %add3A = arith.addi %mul3A_0, %arg0 : i32
    %mul3A_1 = arith.constant 128 : i32
    %mul3A_2 = arith.muli %add3A, %mul3A_1 : i32
    %add3A_3 = arith.constant 12288 : i32
    %add3A_4 = arith.addi %add3A_3, %mul3A_2 : i32
    "tpu.region"() ({
      %run_scoped3A = tpu.sem_alloc : memref<!tpu.dma_semaphore, #tpu.memory_space<semaphore_mem>>
      %dma_start3A_1771 = tpu.memref_slice %arg3[%add3A_4] : memref<16384xi32, #tpu.memory_space<hbm>> -> memref<128xi32, #tpu.memory_space<hbm>>
      %dma_start3A_1772 = tpu.memref_slice %arg3[%add3A_4] : memref<16384xi32, #tpu.memory_space<hbm>> -> memref<128xi32, #tpu.memory_space<hbm>>
      tpu.enqueue_dma source(%dma_start3A_1772 : memref<128xi32, #tpu.memory_space<hbm>>) target(%arg7 : memref<128xi32, #tpu.memory_space<vmem>>) target_semaphore(%run_scoped3A : memref<!tpu.dma_semaphore, #tpu.memory_space<semaphore_mem>>)
      %dma_wait3A_1773 = tpu.memref_slice %arg3[%add3A_4] : memref<16384xi32, #tpu.memory_space<hbm>> -> memref<128xi32, #tpu.memory_space<hbm>>
      %dma_wait3A_1774 = tpu.memref_slice %arg3[%add3A_4] : memref<16384xi32, #tpu.memory_space<hbm>> -> memref<128xi32, #tpu.memory_space<hbm>>
      tpu.wait_dma2 semaphore(%run_scoped3A : memref<!tpu.dma_semaphore, #tpu.memory_space<semaphore_mem>>) src(%dma_wait3A_1774 : memref<128xi32, #tpu.memory_space<hbm>>) dst(%arg7 : memref<128xi32, #tpu.memory_space<vmem>>)
      tpu.yield
    }) : () -> ()
    %dma_start3A = arith.constant 0 : i32
    %dma_start3A_5 = tpu.memref_slice %arg2[%add3A_4, %dma_start3A] : memref<16384x999xf32, #tpu.memory_space<hbm>> -> memref<32x999xf32, #tpu.memory_space<hbm>>
    %dma_start3A_6 = arith.constant 0 : i32
    %dma_start3A_7 = tpu.memref_slice %arg2[%add3A_4, %dma_start3A_6] : memref<16384x999xf32, #tpu.memory_space<hbm>> -> memref<32x999xf32, #tpu.memory_space<hbm>>
    tpu.enqueue_dma source(%dma_start3A_7 : memref<32x999xf32, #tpu.memory_space<hbm>>) target(%arg5 : memref<32x999xf32, #tpu.memory_space<vmem>>) target_semaphore(%arg9 : memref<!tpu.dma_semaphore, #tpu.memory_space<semaphore_mem>>)
    %broadcast_in_dim3A = arith.constant 0.000000e+00 : f32
    %broadcast_in_dim3A_8 = vector.broadcast %broadcast_in_dim3A : f32 to vector<16xf32>
    %iota3A = tpu.iota {dimensions = array<i32: 0>} : vector<16xi32>
    %add3A_9 = arith.constant 32 : i32
    %add3A_10 = arith.addi %add3A_4, %add3A_9 : i32
    %dma_start3A_11 = arith.constant 0 : i32
    %dma_start3A_12 = tpu.memref_slice %arg2[%add3A_10, %dma_start3A_11] : memref<16384x999xf32, #tpu.memory_space<hbm>> -> memref<32x999xf32, #tpu.memory_space<hbm>>
    %dma_start3A_13 = arith.constant 0 : i32
    %dma_start3A_14 = tpu.memref_slice %arg2[%add3A_10, %dma_start3A_13] : memref<16384x999xf32, #tpu.memory_space<hbm>> -> memref<32x999xf32, #tpu.memory_space<hbm>>
    tpu.enqueue_dma source(%dma_start3A_14 : memref<32x999xf32, #tpu.memory_space<hbm>>) target(%arg6 : memref<32x999xf32, #tpu.memory_space<vmem>>) target_semaphore(%arg10 : memref<!tpu.dma_semaphore, #tpu.memory_space<semaphore_mem>>)
    %dma_wait3A = arith.constant 0 : i32
    %dma_wait3A_15 = tpu.memref_slice %arg2[%add3A_4, %dma_wait3A] : memref<16384x999xf32, #tpu.memory_space<hbm>> -> memref<32x999xf32, #tpu.memory_space<hbm>>
    %dma_wait3A_16 = arith.constant 0 : i32
    %dma_wait3A_17 = tpu.memref_slice %arg2[%add3A_4, %dma_wait3A_16] : memref<16384x999xf32, #tpu.memory_space<hbm>> -> memref<32x999xf32, #tpu.memory_space<hbm>>
    tpu.wait_dma2 semaphore(%arg9 : memref<!tpu.dma_semaphore, #tpu.memory_space<semaphore_mem>>) src(%dma_wait3A_17 : memref<32x999xf32, #tpu.memory_space<hbm>>) dst(%arg5 : memref<32x999xf32, #tpu.memory_space<vmem>>)
    %scan3A = arith.constant 0 : i32
    %scan3A_18 = arith.constant 62 : i32
    %scan3A_19 = arith.addi %scan3A, %scan3A_18 : i32
    %scan3A_20 = arith.constant 1 : i32
    %scan3A_21 = scf.for %scan3A_1771 = %scan3A to %scan3A_19 step %scan3A_20 iter_args(%scan3A_1772 = %broadcast_in_dim3A_8) -> (vector<16xf32>)  : i32 {
      %mul3A_1773 = arith.constant 16 : i32
      %mul3A_1774 = arith.muli %scan3A_1771, %mul3A_1773 : i32
      %get3A_1775 = arith.constant 0 : i32
      %get3A_1776 = arith.index_cast %get3A_1775 : i32 to index
      %get3A_1777 = arith.index_cast %mul3A_1774 : i32 to index
      %get3A_1778 = tpu.vector_load %arg5[%get3A_1776, %get3A_1777] {strides = array<i32>} : memref<32x999xf32, #tpu.memory_space<vmem>>, vector<16xf32>,
      %mul3A_1779 = arith.mulf %get3A_1778, %get3A_1778 : vector<16xf32>
      %add3A_1780 = arith.addf %scan3A_1772, %mul3A_1779 : vector<16xf32>
      %mul3A_1781 = arith.constant 16 : i32
      %mul3A_1782 = arith.muli %scan3A_1771, %mul3A_1781 : i32
      %get3A_1783 = arith.constant 1 : i32
      %get3A_1784 = arith.index_cast %get3A_1783 : i32 to index
      %get3A_1785 = arith.index_cast %mul3A_1782 : i32 to index
      %get3A_1786 = tpu.vector_load %arg5[%get3A_1784, %get3A_1785] {strides = array<i32>} : memref<32x999xf32, #tpu.memory_space<vmem>>, vector<16xf32>,
      %mul3A_1787 = arith.mulf %get3A_1786, %get3A_1786 : vector<16xf32>
      %add3A_1788 = arith.addf %add3A_1780, %mul3A_1787 : vector<16xf32>
      %mul3A_1789 = arith.constant 16 : i32
      %mul3A_1790 = arith.muli %scan3A_1771, %mul3A_1789 : i32
      %get3A_1791 = arith.constant 2 : i32
      %get3A_1792 = arith.index_cast %get3A_1791 : i32 to index
      %get3A_1793 = arith.index_cast %mul3A_1790 : i32 to index
      %get3A_1794 = tpu.vector_load %arg5[%get3A_1792, %get3A_1793] {strides = array<i32>} : memref<32x999xf32, #tpu.memory_space<vmem>>, vector<16xf32>,
      %mul3A_1795 = arith.mulf %get3A_1794, %get3A_1794 : vector<16xf32>
      %add3A_1796 = arith.addf %add3A_1788, %mul3A_1795 : vector<16xf32>
      %mul3A_1797 = arith.constant 16 : i32
      %mul3A_1798 = arith.muli %scan3A_1771, %mul3A_1797 : i32
      %get3A_1799 = arith.constant 3 : i32
      %get3A_1800 = arith.index_cast %get3A_1799 : i32 to index
      %get3A_1801 = arith.index_cast %mul3A_1798 : i32 to index
      %get3A_1802 = tpu.vector_load %arg5[%get3A_1800, %get3A_1801] {strides = array<i32>} : memref<32x999xf32, #tpu.memory_space<vmem>>, vector<16xf32>,
      %mul3A_1803 = arith.mulf %get3A_1802, %get3A_1802 : vector<16xf32>
      %add3A_1804 = arith.addf %add3A_1796, %mul3A_1803 : vector<16xf32>
      %mul3A_1805 = arith.constant 16 : i32
      %mul3A_1806 = arith.muli %scan3A_1771, %mul3A_1805 : i32
      %get3A_1807 = arith.constant 4 : i32
      %get3A_1808 = arith.index_cast %get3A_1807 : i32 to index
      %get3A_1809 = arith.index_cast %mul3A_1806 : i32 to index
      %get3A_1810 = tpu.vector_load %arg5[%get3A_1808, %get3A_1809] {strides = array<i32>} : memref<32x999xf32, #tpu.memory_space<vmem>>, vector<16xf32>,
      %mul3A_1811 = arith.mulf %get3A_1810, %get3A_1810 : vector<16xf32>
      %add3A_1812 = arith.addf %add3A_1804, %mul3A_1811 : vector<16xf32>
      %mul3A_1813 = arith.constant 16 : i32
      %mul3A_1814 = arith.muli %scan3A_1771, %mul3A_1813 : i32
      %get3A_1815 = arith.constant 5 : i32
      %get3A_1816 = arith.index_cast %get3A_1815 : i32 to index
      %get3A_1817 = arith.index_cast %mul3A_1814 : i32 to index
      %get3A_1818 = tpu.vector_load %arg5[%get3A_1816, %get3A_1817] {strides = array<i32>} : memref<32x999xf32, #tpu.memory_space<vmem>>, vector<16xf32>,
      %mul3A_1819 = arith.mulf %get3A_1818, %get3A_1818 : vector<16xf32>
      %add3A_1820 = arith.addf %add3A_1812, %mul3A_1819 : vector<16xf32>
      %mul3A_1821 = arith.constant 16 : i32
      %mul3A_1822 = arith.muli %scan3A_1771, %mul3A_1821 : i32
      %get3A_1823 = arith.constant 6 : i32
      %get3A_1824 = arith.index_cast %get3A_1823 : i32 to index
      %get3A_1825 = arith.index_cast %mul3A_1822 : i32 to index
      %get3A_1826 = tpu.vector_load %arg5[%get3A_1824, %get3A_1825] {strides = array<i32>} : memref<32x999xf32, #tpu.memory_space<vmem>>, vector<16xf32>,
      %mul3A_1827 = arith.mulf %get3A_1826, %get3A_1826 : vector<16xf32>
      %add3A_1828 = arith.addf %add3A_1820, %mul3A_1827 : vector<16xf32>
      %mul3A_1829 = arith.constant 16 : i32
      %mul3A_1830 = arith.muli %scan3A_1771, %mul3A_1829 : i32
      %get3A_1831 = arith.constant 7 : i32
      %get3A_1832 = arith.index_cast %get3A_1831 : i32 to index
      %get3A_1833 = arith.index_cast %mul3A_1830 : i32 to index
      %get3A_1834 = tpu.vector_load %arg5[%get3A_1832, %get3A_1833] {strides = array<i32>} : memref<32x999xf32, #tpu.memory_space<vmem>>, vector<16xf32>,
      %mul3A_1835 = arith.mulf %get3A_1834, %get3A_1834 : vector<16xf32>
      %add3A_1836 = arith.addf %add3A_1828, %mul3A_1835 : vector<16xf32>
      %mul3A_1837 = arith.constant 16 : i32
      %mul3A_1838 = arith.muli %scan3A_1771, %mul3A_1837 : i32
      %get3A_1839 = arith.constant 8 : i32
      %get3A_1840 = arith.index_cast %get3A_1839 : i32 to index
      %get3A_1841 = arith.index_cast %mul3A_1838 : i32 to index
      %get3A_1842 = tpu.vector_load %arg5[%get3A_1840, %get3A_1841] {strides = array<i32>} : memref<32x999xf32, #tpu.memory_space<vmem>>, vector<16xf32>,
      %mul3A_1843 = arith.mulf %get3A_1842, %get3A_1842 : vector<16xf32>
      %add3A_1844 = arith.addf %add3A_1836, %mul3A_1843 : vector<16xf32>
      %mul3A_1845 = arith.constant 16 : i32
      %mul3A_1846 = arith.muli %scan3A_1771, %mul3A_1845 : i32
      %get3A_1847 = arith.constant 9 : i32
      %get3A_1848 = arith.index_cast %get3A_1847 : i32 to index
      %get3A_1849 = arith.index_cast %mul3A_1846 : i32 to index
      %get3A_1850 = tpu.vector_load %arg5[%get3A_1848, %get3A_1849] {strides = array<i32>} : memref<32x999xf32, #tpu.memory_space<vmem>>, vector<16xf32>,
      %mul3A_1851 = arith.mulf %get3A_1850, %get3A_1850 : vector<16xf32>
      %add3A_1852 = arith.addf %add3A_1844, %mul3A_1851 : vector<16xf32>
      %mul3A_1853 = arith.constant 16 : i32
      %mul3A_1854 = arith.muli %scan3A_1771, %mul3A_1853 : i32
      %get3A_1855 = arith.constant 10 : i32
      %get3A_1856 = arith.index_cast %get3A_1855 : i32 to index
      %get3A_1857 = arith.index_cast %mul3A_1854 : i32 to index
      %get3A_1858 = tpu.vector_load %arg5[%get3A_1856, %get3A_1857] {strides = array<i32>} : memref<32x999xf32, #tpu.memory_space<vmem>>, vector<16xf32>,
      %mul3A_1859 = arith.mulf %get3A_1858, %get3A_1858 : vector<16xf32>
      %add3A_1860 = arith.addf %add3A_1852, %mul3A_1859 : vector<16xf32>
      %mul3A_1861 = arith.constant 16 : i32
      %mul3A_1862 = arith.muli %scan3A_1771, %mul3A_1861 : i32
      %get3A_1863 = arith.constant 11 : i32
      %get3A_1864 = arith.index_cast %get3A_1863 : i32 to index
      %get3A_1865 = arith.index_cast %mul3A_1862 : i32 to index
      %get3A_1866 = tpu.vector_load %arg5[%get3A_1864, %get3A_1865] {strides = array<i32>} : memref<32x999xf32, #tpu.memory_space<vmem>>, vector<16xf32>,
      %mul3A_1867 = arith.mulf %get3A_1866, %get3A_1866 : vector<16xf32>
      %add3A_1868 = arith.addf %add3A_1860, %mul3A_1867 : vector<16xf32>
      %mul3A_1869 = arith.constant 16 : i32
      %mul3A_1870 = arith.muli %scan3A_1771, %mul3A_1869 : i32
      %get3A_1871 = arith.constant 12 : i32
      %get3A_1872 = arith.index_cast %get3A_1871 : i32 to index
      %get3A_1873 = arith.index_cast %mul3A_1870 : i32 to index
      %get3A_1874 = tpu.vector_load %arg5[%get3A_1872, %get3A_1873] {strides = array<i32>} : memref<32x999xf32, #tpu.memory_space<vmem>>, vector<16xf32>,
      %mul3A_1875 = arith.mulf %get3A_1874, %get3A_1874 : vector<16xf32>
      %add3A_1876 = arith.addf %add3A_1868, %mul3A_1875 : vector<16xf32>
      %mul3A_1877 = arith.constant 16 : i32
      %mul3A_1878 = arith.muli %scan3A_1771, %mul3A_1877 : i32
      %get3A_1879 = arith.constant 13 : i32
      %get3A_1880 = arith.index_cast %get3A_1879 : i32 to index
      %get3A_1881 = arith.index_cast %mul3A_1878 : i32 to index
      %get3A_1882 = tpu.vector_load %arg5[%get3A_1880, %get3A_1881] {strides = array<i32>} : memref<32x999xf32, #tpu.memory_space<vmem>>, vector<16xf32>,
      %mul3A_1883 = arith.mulf %get3A_1882, %get3A_1882 : vector<16xf32>
      %add3A_1884 = arith.addf %add3A_1876, %mul3A_1883 : vector<16xf32>
      %mul3A_1885 = arith.constant 16 : i32
      %mul3A_1886 = arith.muli %scan3A_1771, %mul3A_1885 : i32
      %get3A_1887 = arith.constant 14 : i32
      %get3A_1888 = arith.index_cast %get3A_1887 : i32 to index
      %get3A_1889 = arith.index_cast %mul3A_1886 : i32 to index
      %get3A_1890 = tpu.vector_load %arg5[%get3A_1888, %get3A_1889] {strides = array<i32>} : memref<32x999xf32, #tpu.memory_space<vmem>>, vector<16xf32>,
      %mul3A_1891 = arith.mulf %get3A_1890, %get3A_1890 : vector<16xf32>
      %add3A_1892 = arith.addf %add3A_1884, %mul3A_1891 : vector<16xf32>
      %mul3A_1893 = arith.constant 16 : i32
      %mul3A_1894 = arith.muli %scan3A_1771, %mul3A_1893 : i32
      %get3A_1895 = arith.constant 15 : i32
      %get3A_1896 = arith.index_cast %get3A_1895 : i32 to index
      %get3A_1897 = arith.index_cast %mul3A_1894 : i32 to index
      %get3A_1898 = tpu.vector_load %arg5[%get3A_1896, %get3A_1897] {strides = array<i32>} : memref<32x999xf32, #tpu.memory_space<vmem>>, vector<16xf32>,
      %mul3A_1899 = arith.mulf %get3A_1898, %get3A_1898 : vector<16xf32>
      %add3A_1900 = arith.addf %add3A_1892, %mul3A_1899 : vector<16xf32>
      %mul3A_1901 = arith.constant 16 : i32
      %mul3A_1902 = arith.muli %scan3A_1771, %mul3A_1901 : i32
      %get3A_1903 = arith.constant 16 : i32
      %get3A_1904 = arith.index_cast %get3A_1903 : i32 to index
      %get3A_1905 = arith.index_cast %mul3A_1902 : i32 to index
      %get3A_1906 = tpu.vector_load %arg5[%get3A_1904, %get3A_1905] {strides = array<i32>} : memref<32x999xf32, #tpu.memory_space<vmem>>, vector<16xf32>,
      %mul3A_1907 = arith.mulf %get3A_1906, %get3A_1906 : vector<16xf32>
      %add3A_1908 = arith.addf %add3A_1900, %mul3A_1907 : vector<16xf32>
      %mul3A_1909 = arith.constant 16 : i32
      %mul3A_1910 = arith.muli %scan3A_1771, %mul3A_1909 : i32
      %get3A_1911 = arith.constant 17 : i32
      %get3A_1912 = arith.index_cast %get3A_1911 : i32 to index
      %get3A_1913 = arith.index_cast %mul3A_1910 : i32 to index
      %get3A_1914 = tpu.vector_load %arg5[%get3A_1912, %get3A_1913] {strides = array<i32>} : memref<32x999xf32, #tpu.memory_space<vmem>>, vector<16xf32>,
      %mul3A_1915 = arith.mulf %get3A_1914, %get3A_1914 : vector<16xf32>
      %add3A_1916 = arith.addf %add3A_1908, %mul3A_1915 : vector<16xf32>
      %mul3A_1917 = arith.constant 16 : i32
      %mul3A_1918 = arith.muli %scan3A_1771, %mul3A_1917 : i32
      %get3A_1919 = arith.constant 18 : i32
      %get3A_1920 = arith.index_cast %get3A_1919 : i32 to index
      %get3A_1921 = arith.index_cast %mul3A_1918 : i32 to index
      %get3A_1922 = tpu.vector_load %arg5[%get3A_1920, %get3A_1921] {strides = array<i32>} : memref<32x999xf32, #tpu.memory_space<vmem>>, vector<16xf32>,
      %mul3A_1923 = arith.mulf %get3A_1922, %get3A_1922 : vector<16xf32>
      %add3A_1924 = arith.addf %add3A_1916, %mul3A_1923 : vector<16xf32>
      %mul3A_1925 = arith.constant 16 : i32
      %mul3A_1926 = arith.muli %scan3A_1771, %mul3A_1925 : i32
      %get3A_1927 = arith.constant 19 : i32
      %get3A_1928 = arith.index_cast %get3A_1927 : i32 to index
      %get3A_1929 = arith.index_cast %mul3A_1926 : i32 to index
      %get3A_1930 = tpu.vector_load %arg5[%get3A_1928, %get3A_1929] {strides = array<i32>} : memref<32x999xf32, #tpu.memory_space<vmem>>, vector<16xf32>,
      %mul3A_1931 = arith.mulf %get3A_1930, %get3A_1930 : vector<16xf32>
      %add3A_1932 = arith.addf %add3A_1924, %mul3A_1931 : vector<16xf32>
      %mul3A_1933 = arith.constant 16 : i32
      %mul3A_1934 = arith.muli %scan3A_1771, %mul3A_1933 : i32
      %get3A_1935 = arith.constant 20 : i32
      %get3A_1936 = arith.index_cast %get3A_1935 : i32 to index
      %get3A_1937 = arith.index_cast %mul3A_1934 : i32 to index
      %get3A_1938 = tpu.vector_load %arg5[%get3A_1936, %get3A_1937] {strides = array<i32>} : memref<32x999xf32, #tpu.memory_space<vmem>>, vector<16xf32>,
      %mul3A_1939 = arith.mulf %get3A_1938, %get3A_1938 : vector<16xf32>
      %add3A_1940 = arith.addf %add3A_1932, %mul3A_1939 : vector<16xf32>
      %mul3A_1941 = arith.constant 16 : i32
      %mul3A_1942 = arith.muli %scan3A_1771, %mul3A_1941 : i32
      %get3A_1943 = arith.constant 21 : i32
      %get3A_1944 = arith.index_cast %get3A_1943 : i32 to index
      %get3A_1945 = arith.index_cast %mul3A_1942 : i32 to index
      %get3A_1946 = tpu.vector_load %arg5[%get3A_1944, %get3A_1945] {strides = array<i32>} : memref<32x999xf32, #tpu.memory_space<vmem>>, vector<16xf32>,
      %mul3A_1947 = arith.mulf %get3A_1946, %get3A_1946 : vector<16xf32>
      %add3A_1948 = arith.addf %add3A_1940, %mul3A_1947 : vector<16xf32>
      %mul3A_1949 = arith.constant 16 : i32
      %mul3A_1950 = arith.muli %scan3A_1771, %mul3A_1949 : i32
      %get3A_1951 = arith.constant 22 : i32
      %get3A_1952 = arith.index_cast %get3A_1951 : i32 to index
      %get3A_1953 = arith.index_cast %mul3A_1950 : i32 to index
      %get3A_1954 = tpu.vector_load %arg5[%get3A_1952, %get3A_1953] {strides = array<i32>} : memref<32x999xf32, #tpu.memory_space<vmem>>, vector<16xf32>,
      %mul3A_1955 = arith.mulf %get3A_1954, %get3A_1954 : vector<16xf32>
      %add3A_1956 = arith.addf %add3A_1948, %mul3A_1955 : vector<16xf32>
      %mul3A_1957 = arith.constant 16 : i32
      %mul3A_1958 = arith.muli %scan3A_1771, %mul3A_1957 : i32
      %get3A_1959 = arith.constant 23 : i32
      %get3A_1960 = arith.index_cast %get3A_1959 : i32 to index
      %get3A_1961 = arith.index_cast %mul3A_1958 : i32 to index
      %get3A_1962 = tpu.vector_load %arg5[%get3A_1960, %get3A_1961] {strides = array<i32>} : memref<32x999xf32, #tpu.memory_space<vmem>>, vector<16xf32>,
      %mul3A_1963 = arith.mulf %get3A_1962, %get3A_1962 : vector<16xf32>
      %add3A_1964 = arith.addf %add3A_1956, %mul3A_1963 : vector<16xf32>
      %mul3A_1965 = arith.constant 16 : i32
      %mul3A_1966 = arith.muli %scan3A_1771, %mul3A_1965 : i32
      %get3A_1967 = arith.constant 24 : i32
      %get3A_1968 = arith.index_cast %get3A_1967 : i32 to index
      %get3A_1969 = arith.index_cast %mul3A_1966 : i32 to index
      %get3A_1970 = tpu.vector_load %arg5[%get3A_1968, %get3A_1969] {strides = array<i32>} : memref<32x999xf32, #tpu.memory_space<vmem>>, vector<16xf32>,
      %mul3A_1971 = arith.mulf %get3A_1970, %get3A_1970 : vector<16xf32>
      %add3A_1972 = arith.addf %add3A_1964, %mul3A_1971 : vector<16xf32>
      %mul3A_1973 = arith.constant 16 : i32
      %mul3A_1974 = arith.muli %scan3A_1771, %mul3A_1973 : i32
      %get3A_1975 = arith.constant 25 : i32
      %get3A_1976 = arith.index_cast %get3A_1975 : i32 to index
      %get3A_1977 = arith.index_cast %mul3A_1974 : i32 to index
      %get3A_1978 = tpu.vector_load %arg5[%get3A_1976, %get3A_1977] {strides = array<i32>} : memref<32x999xf32, #tpu.memory_space<vmem>>, vector<16xf32>,
      %mul3A_1979 = arith.mulf %get3A_1978, %get3A_1978 : vector<16xf32>
      %add3A_1980 = arith.addf %add3A_1972, %mul3A_1979 : vector<16xf32>
      %mul3A_1981 = arith.constant 16 : i32
      %mul3A_1982 = arith.muli %scan3A_1771, %mul3A_1981 : i32
      %get3A_1983 = arith.constant 26 : i32
      %get3A_1984 = arith.index_cast %get3A_1983 : i32 to index
      %get3A_1985 = arith.index_cast %mul3A_1982 : i32 to index
      %get3A_1986 = tpu.vector_load %arg5[%get3A_1984, %get3A_1985] {strides = array<i32>} : memref<32x999xf32, #tpu.memory_space<vmem>>, vector<16xf32>,
      %mul3A_1987 = arith.mulf %get3A_1986, %get3A_1986 : vector<16xf32>
      %add3A_1988 = arith.addf %add3A_1980, %mul3A_1987 : vector<16xf32>
      %mul3A_1989 = arith.constant 16 : i32
      %mul3A_1990 = arith.muli %scan3A_1771, %mul3A_1989 : i32
      %get3A_1991 = arith.constant 27 : i32
      %get3A_1992 = arith.index_cast %get3A_1991 : i32 to index
      %get3A_1993 = arith.index_cast %mul3A_1990 : i32 to index
      %get3A_1994 = tpu.vector_load %arg5[%get3A_1992, %get3A_1993] {strides = array<i32>} : memref<32x999xf32, #tpu.memory_space<vmem>>, vector<16xf32>,
      %mul3A_1995 = arith.mulf %get3A_1994, %get3A_1994 : vector<16xf32>
      %add3A_1996 = arith.addf %add3A_1988, %mul3A_1995 : vector<16xf32>
      %mul3A_1997 = arith.constant 16 : i32
      %mul3A_1998 = arith.muli %scan3A_1771, %mul3A_1997 : i32
      %get3A_1999 = arith.constant 28 : i32
      %get3A_2000 = arith.index_cast %get3A_1999 : i32 to index
      %get3A_2001 = arith.index_cast %mul3A_1998 : i32 to index
      %get3A_2002 = tpu.vector_load %arg5[%get3A_2000, %get3A_2001] {strides = array<i32>} : memref<32x999xf32, #tpu.memory_space<vmem>>, vector<16xf32>,
      %mul3A_2003 = arith.mulf %get3A_2002, %get3A_2002 : vector<16xf32>
      %add3A_2004 = arith.addf %add3A_1996, %mul3A_2003 : vector<16xf32>
      %mul3A_2005 = arith.constant 16 : i32
      %mul3A_2006 = arith.muli %scan3A_1771, %mul3A_2005 : i32
      %get3A_2007 = arith.constant 29 : i32
      %get3A_2008 = arith.index_cast %get3A_2007 : i32 to index
      %get3A_2009 = arith.index_cast %mul3A_2006 : i32 to index
      %get3A_2010 = tpu.vector_load %arg5[%get3A_2008, %get3A_2009] {strides = array<i32>} : memref<32x999xf32, #tpu.memory_space<vmem>>, vector<16xf32>,
      %mul3A_2011 = arith.mulf %get3A_2010, %get3A_2010 : vector<16xf32>
      %add3A_2012 = arith.addf %add3A_2004, %mul3A_2011 : vector<16xf32>
      %mul3A_2013 = arith.constant 16 : i32
      %mul3A_2014 = arith.muli %scan3A_1771, %mul3A_2013 : i32
      %get3A_2015 = arith.constant 30 : i32
      %get3A_2016 = arith.index_cast %get3A_2015 : i32 to index
      %get3A_2017 = arith.index_cast %mul3A_2014 : i32 to index
      %get3A_2018 = tpu.vector_load %arg5[%get3A_2016, %get3A_2017] {strides = array<i32>} : memref<32x999xf32, #tpu.memory_space<vmem>>, vector<16xf32>,
      %mul3A_2019 = arith.mulf %get3A_2018, %get3A_2018 : vector<16xf32>
      %add3A_2020 = arith.addf %add3A_2012, %mul3A_2019 : vector<16xf32>
      %mul3A_2021 = arith.constant 16 : i32
      %mul3A_2022 = arith.muli %scan3A_1771, %mul3A_2021 : i32
      %get3A_2023 = arith.constant 31 : i32
      %get3A_2024 = arith.index_cast %get3A_2023 : i32 to index
      %get3A_2025 = arith.index_cast %mul3A_2022 : i32 to index
      %get3A_2026 = tpu.vector_load %arg5[%get3A_2024, %get3A_2025] {strides = array<i32>} : memref<32x999xf32, #tpu.memory_space<vmem>>, vector<16xf32>,
      %mul3A_2027 = arith.mulf %get3A_2026, %get3A_2026 : vector<16xf32>
      %add3A_2028 = arith.addf %add3A_2020, %mul3A_2027 : vector<16xf32>
      scf.yield %add3A_2028 : vector<16xf32>
    }
    %scan3A_22 = arith.constant 62 : i32
    %get3A = arith.constant 0 : i32
    %get3A_23 = arith.index_cast %get3A : i32 to index
    %get3A_24 = arith.constant 983 : index
    %get3A_25 = tpu.vector_load %arg5[%get3A_23, %get3A_24] {strides = array<i32>} : memref<32x999xf32, #tpu.memory_space<vmem>>, vector<16xf32>,
    %ge3A = arith.constant 9 : i32
    %ge3A_26 = vector.broadcast %ge3A : i32 to vector<16xi32>
    %ge3A_27 = arith.cmpi sge, %iota3A, %ge3A_26 : vector<16xi32>
    %mul3A_28 = arith.mulf %get3A_25, %get3A_25 : vector<16xf32>
    %jit3A = arith.constant 0.000000e+00 : f32
    %broadcast_in_dim3A_29 = vector.broadcast %jit3A : f32 to vector<16xf32>
    %select_n3A = arith.select %ge3A_27, %mul3A_28, %broadcast_in_dim3A_29 : vector<16xi1>, vector<16xf32>
    %add3A_30 = arith.addf %scan3A_21, %select_n3A : vector<16xf32>
    %get3A_31 = arith.constant 1 : i32
    %get3A_32 = arith.index_cast %get3A_31 : i32 to index
    %get3A_33 = arith.constant 983 : index
    %get3A_34 = tpu.vector_load %arg5[%get3A_32, %get3A_33] {strides = array<i32>} : memref<32x999xf32, #tpu.memory_space<vmem>>, vector<16xf32>,
    %ge3A_35 = arith.constant 9 : i32
    %ge3A_36 = vector.broadcast %ge3A_35 : i32 to vector<16xi32>
    %ge3A_37 = arith.cmpi sge, %iota3A, %ge3A_36 : vector<16xi32>
    %mul3A_38 = arith.mulf %get3A_34, %get3A_34 : vector<16xf32>
    %jit3A_39 = arith.constant 0.000000e+00 : f32
    %broadcast_in_dim3A_40 = vector.broadcast %jit3A_39 : f32 to vector<16xf32>
    %select_n3A_41 = arith.select %ge3A_37, %mul3A_38, %broadcast_in_dim3A_40 : vector<16xi1>, vector<16xf32>
    %add3A_42 = arith.addf %add3A_30, %select_n3A_41 : vector<16xf32>
    %get3A_43 = arith.constant 2 : i32
    %get3A_44 = arith.index_cast %get3A_43 : i32 to index
    %get3A_45 = arith.constant 983 : index
    %get3A_46 = tpu.vector_load %arg5[%get3A_44, %get3A_45] {strides = array<i32>} : memref<32x999xf32, #tpu.memory_space<vmem>>, vector<16xf32>,
    %ge3A_47 = arith.constant 9 : i32
    %ge3A_48 = vector.broadcast %ge3A_47 : i32 to vector<16xi32>
    %ge3A_49 = arith.cmpi sge, %iota3A, %ge3A_48 : vector<16xi32>
    %mul3A_50 = arith.mulf %get3A_46, %get3A_46 : vector<16xf32>
    %jit3A_51 = arith.constant 0.000000e+00 : f32
    %broadcast_in_dim3A_52 = vector.broadcast %jit3A_51 : f32 to vector<16xf32>
    %select_n3A_53 = arith.select %ge3A_49, %mul3A_50, %broadcast_in_dim3A_52 : vector<16xi1>, vector<16xf32>
    %add3A_54 = arith.addf %add3A_42, %select_n3A_53 : vector<16xf32>
    %get3A_55 = arith.constant 3 : i32
    %get3A_56 = arith.index_cast %get3A_55 : i32 to index
    %get3A_57 = arith.constant 983 : index
    %get3A_58 = tpu.vector_load %arg5[%get3A_56, %get3A_57] {strides = array<i32>} : memref<32x999xf32, #tpu.memory_space<vmem>>, vector<16xf32>,
    %ge3A_59 = arith.constant 9 : i32
    %ge3A_60 = vector.broadcast %ge3A_59 : i32 to vector<16xi32>
    %ge3A_61 = arith.cmpi sge, %iota3A, %ge3A_60 : vector<16xi32>
    %mul3A_62 = arith.mulf %get3A_58, %get3A_58 : vector<16xf32>
    %jit3A_63 = arith.constant 0.000000e+00 : f32
    %broadcast_in_dim3A_64 = vector.broadcast %jit3A_63 : f32 to vector<16xf32>
    %select_n3A_65 = arith.select %ge3A_61, %mul3A_62, %broadcast_in_dim3A_64 : vector<16xi1>, vector<16xf32>
    %add3A_66 = arith.addf %add3A_54, %select_n3A_65 : vector<16xf32>
    %get3A_67 = arith.constant 4 : i32
    %get3A_68 = arith.index_cast %get3A_67 : i32 to index
    %get3A_69 = arith.constant 983 : index
    %get3A_70 = tpu.vector_load %arg5[%get3A_68, %get3A_69] {strides = array<i32>} : memref<32x999xf32, #tpu.memory_space<vmem>>, vector<16xf32>,
    %ge3A_71 = arith.constant 9 : i32
    %ge3A_72 = vector.broadcast %ge3A_71 : i32 to vector<16xi32>
    %ge3A_73 = arith.cmpi sge, %iota3A, %ge3A_72 : vector<16xi32>
    %mul3A_74 = arith.mulf %get3A_70, %get3A_70 : vector<16xf32>
    %jit3A_75 = arith.constant 0.000000e+00 : f32
    %broadcast_in_dim3A_76 = vector.broadcast %jit3A_75 : f32 to vector<16xf32>
    %select_n3A_77 = arith.select %ge3A_73, %mul3A_74, %broadcast_in_dim3A_76 : vector<16xi1>, vector<16xf32>
    %add3A_78 = arith.addf %add3A_66, %select_n3A_77 : vector<16xf32>
    %get3A_79 = arith.constant 5 : i32
    %get3A_80 = arith.index_cast %get3A_79 : i32 to index
    %get3A_81 = arith.constant 983 : index
    %get3A_82 = tpu.vector_load %arg5[%get3A_80, %get3A_81] {strides = array<i32>} : memref<32x999xf32, #tpu.memory_space<vmem>>, vector<16xf32>,
    %ge3A_83 = arith.constant 9 : i32
    %ge3A_84 = vector.broadcast %ge3A_83 : i32 to vector<16xi32>
    %ge3A_85 = arith.cmpi sge, %iota3A, %ge3A_84 : vector<16xi32>
    %mul3A_86 = arith.mulf %get3A_82, %get3A_82 : vector<16xf32>
    %jit3A_87 = arith.constant 0.000000e+00 : f32
    %broadcast_in_dim3A_88 = vector.broadcast %jit3A_87 : f32 to vector<16xf32>
    %select_n3A_89 = arith.select %ge3A_85, %mul3A_86, %broadcast_in_dim3A_88 : vector<16xi1>, vector<16xf32>
    %add3A_90 = arith.addf %add3A_78, %select_n3A_89 : vector<16xf32>
    %get3A_91 = arith.constant 6 : i32
    %get3A_92 = arith.index_cast %get3A_91 : i32 to index
    %get3A_93 = arith.constant 983 : index
    %get3A_94 = tpu.vector_load %arg5[%get3A_92, %get3A_93] {strides = array<i32>} : memref<32x999xf32, #tpu.memory_space<vmem>>, vector<16xf32>,
    %ge3A_95 = arith.constant 9 : i32
    %ge3A_96 = vector.broadcast %ge3A_95 : i32 to vector<16xi32>
    %ge3A_97 = arith.cmpi sge, %iota3A, %ge3A_96 : vector<16xi32>
    %mul3A_98 = arith.mulf %get3A_94, %get3A_94 : vector<16xf32>
    %jit3A_99 = arith.constant 0.000000e+00 : f32
    %broadcast_in_dim3A_100 = vector.broadcast %jit3A_99 : f32 to vector<16xf32>
    %select_n3A_101 = arith.select %ge3A_97, %mul3A_98, %broadcast_in_dim3A_100 : vector<16xi1>, vector<16xf32>
    %add3A_102 = arith.addf %add3A_90, %select_n3A_101 : vector<16xf32>
    %get3A_103 = arith.constant 7 : i32
    %get3A_104 = arith.index_cast %get3A_103 : i32 to index
    %get3A_105 = arith.constant 983 : index
    %get3A_106 = tpu.vector_load %arg5[%get3A_104, %get3A_105] {strides = array<i32>} : memref<32x999xf32, #tpu.memory_space<vmem>>, vector<16xf32>,
    %ge3A_107 = arith.constant 9 : i32
    %ge3A_108 = vector.broadcast %ge3A_107 : i32 to vector<16xi32>
    %ge3A_109 = arith.cmpi sge, %iota3A, %ge3A_108 : vector<16xi32>
    %mul3A_110 = arith.mulf %get3A_106, %get3A_106 : vector<16xf32>
    %jit3A_111 = arith.constant 0.000000e+00 : f32
    %broadcast_in_dim3A_112 = vector.broadcast %jit3A_111 : f32 to vector<16xf32>
    %select_n3A_113 = arith.select %ge3A_109, %mul3A_110, %broadcast_in_dim3A_112 : vector<16xi1>, vector<16xf32>
    %add3A_114 = arith.addf %add3A_102, %select_n3A_113 : vector<16xf32>
    %get3A_115 = arith.constant 8 : i32
    %get3A_116 = arith.index_cast %get3A_115 : i32 to index
    %get3A_117 = arith.constant 983 : index
    %get3A_118 = tpu.vector_load %arg5[%get3A_116, %get3A_117] {strides = array<i32>} : memref<32x999xf32, #tpu.memory_space<vmem>>, vector<16xf32>,
    %ge3A_119 = arith.constant 9 : i32
    %ge3A_120 = vector.broadcast %ge3A_119 : i32 to vector<16xi32>
    %ge3A_121 = arith.cmpi sge, %iota3A, %ge3A_120 : vector<16xi32>
    %mul3A_122 = arith.mulf %get3A_118, %get3A_118 : vector<16xf32>
    %jit3A_123 = arith.constant 0.000000e+00 : f32
    %broadcast_in_dim3A_124 = vector.broadcast %jit3A_123 : f32 to vector<16xf32>
    %select_n3A_125 = arith.select %ge3A_121, %mul3A_122, %broadcast_in_dim3A_124 : vector<16xi1>, vector<16xf32>
    %add3A_126 = arith.addf %add3A_114, %select_n3A_125 : vector<16xf32>
    %get3A_127 = arith.constant 9 : i32
    %get3A_128 = arith.index_cast %get3A_127 : i32 to index
    %get3A_129 = arith.constant 983 : index
    %get3A_130 = tpu.vector_load %arg5[%get3A_128, %get3A_129] {strides = array<i32>} : memref<32x999xf32, #tpu.memory_space<vmem>>, vector<16xf32>,
    %ge3A_131 = arith.constant 9 : i32
    %ge3A_132 = vector.broadcast %ge3A_131 : i32 to vector<16xi32>
    %ge3A_133 = arith.cmpi sge, %iota3A, %ge3A_132 : vector<16xi32>
    %mul3A_134 = arith.mulf %get3A_130, %get3A_130 : vector<16xf32>
    %jit3A_135 = arith.constant 0.000000e+00 : f32
    %broadcast_in_dim3A_136 = vector.broadcast %jit3A_135 : f32 to vector<16xf32>
    %select_n3A_137 = arith.select %ge3A_133, %mul3A_134, %broadcast_in_dim3A_136 : vector<16xi1>, vector<16xf32>
    %add3A_138 = arith.addf %add3A_126, %select_n3A_137 : vector<16xf32>
    %get3A_139 = arith.constant 10 : i32
    %get3A_140 = arith.index_cast %get3A_139 : i32 to index
    %get3A_141 = arith.constant 983 : index
    %get3A_142 = tpu.vector_load %arg5[%get3A_140, %get3A_141] {strides = array<i32>} : memref<32x999xf32, #tpu.memory_space<vmem>>, vector<16xf32>,
    %ge3A_143 = arith.constant 9 : i32
    %ge3A_144 = vector.broadcast %ge3A_143 : i32 to vector<16xi32>
    %ge3A_145 = arith.cmpi sge, %iota3A, %ge3A_144 : vector<16xi32>
    %mul3A_146 = arith.mulf %get3A_142, %get3A_142 : vector<16xf32>
    %jit3A_147 = arith.constant 0.000000e+00 : f32
    %broadcast_in_dim3A_148 = vector.broadcast %jit3A_147 : f32 to vector<16xf32>
    %select_n3A_149 = arith.select %ge3A_145, %mul3A_146, %broadcast_in_dim3A_148 : vector<16xi1>, vector<16xf32>
    %add3A_150 = arith.addf %add3A_138, %select_n3A_149 : vector<16xf32>
    %get3A_151 = arith.constant 11 : i32
    %get3A_152 = arith.index_cast %get3A_151 : i32 to index
    %get3A_153 = arith.constant 983 : index
    %get3A_154 = tpu.vector_load %arg5[%get3A_152, %get3A_153] {strides = array<i32>} : memref<32x999xf32, #tpu.memory_space<vmem>>, vector<16xf32>,
    %ge3A_155 = arith.constant 9 : i32
    %ge3A_156 = vector.broadcast %ge3A_155 : i32 to vector<16xi32>
    %ge3A_157 = arith.cmpi sge, %iota3A, %ge3A_156 : vector<16xi32>
    %mul3A_158 = arith.mulf %get3A_154, %get3A_154 : vector<16xf32>
    %jit3A_159 = arith.constant 0.000000e+00 : f32
    %broadcast_in_dim3A_160 = vector.broadcast %jit3A_159 : f32 to vector<16xf32>
    %select_n3A_161 = arith.select %ge3A_157, %mul3A_158, %broadcast_in_dim3A_160 : vector<16xi1>, vector<16xf32>
    %add3A_162 = arith.addf %add3A_150, %select_n3A_161 : vector<16xf32>
    %get3A_163 = arith.constant 12 : i32
    %get3A_164 = arith.index_cast %get3A_163 : i32 to index
    %get3A_165 = arith.constant 983 : index
    %get3A_166 = tpu.vector_load %arg5[%get3A_164, %get3A_165] {strides = array<i32>} : memref<32x999xf32, #tpu.memory_space<vmem>>, vector<16xf32>,
    %ge3A_167 = arith.constant 9 : i32
    %ge3A_168 = vector.broadcast %ge3A_167 : i32 to vector<16xi32>
    %ge3A_169 = arith.cmpi sge, %iota3A, %ge3A_168 : vector<16xi32>
    %mul3A_170 = arith.mulf %get3A_166, %get3A_166 : vector<16xf32>
    %jit3A_171 = arith.constant 0.000000e+00 : f32
    %broadcast_in_dim3A_172 = vector.broadcast %jit3A_171 : f32 to vector<16xf32>
    %select_n3A_173 = arith.select %ge3A_169, %mul3A_170, %broadcast_in_dim3A_172 : vector<16xi1>, vector<16xf32>
    %add3A_174 = arith.addf %add3A_162, %select_n3A_173 : vector<16xf32>
    %get3A_175 = arith.constant 13 : i32
    %get3A_176 = arith.index_cast %get3A_175 : i32 to index
    %get3A_177 = arith.constant 983 : index
    %get3A_178 = tpu.vector_load %arg5[%get3A_176, %get3A_177] {strides = array<i32>} : memref<32x999xf32, #tpu.memory_space<vmem>>, vector<16xf32>,
    %ge3A_179 = arith.constant 9 : i32
    %ge3A_180 = vector.broadcast %ge3A_179 : i32 to vector<16xi32>
    %ge3A_181 = arith.cmpi sge, %iota3A, %ge3A_180 : vector<16xi32>
    %mul3A_182 = arith.mulf %get3A_178, %get3A_178 : vector<16xf32>
    %jit3A_183 = arith.constant 0.000000e+00 : f32
    %broadcast_in_dim3A_184 = vector.broadcast %jit3A_183 : f32 to vector<16xf32>
    %select_n3A_185 = arith.select %ge3A_181, %mul3A_182, %broadcast_in_dim3A_184 : vector<16xi1>, vector<16xf32>
    %add3A_186 = arith.addf %add3A_174, %select_n3A_185 : vector<16xf32>
    %get3A_187 = arith.constant 14 : i32
    %get3A_188 = arith.index_cast %get3A_187 : i32 to index
    %get3A_189 = arith.constant 983 : index
    %get3A_190 = tpu.vector_load %arg5[%get3A_188, %get3A_189] {strides = array<i32>} : memref<32x999xf32, #tpu.memory_space<vmem>>, vector<16xf32>,
    %ge3A_191 = arith.constant 9 : i32
    %ge3A_192 = vector.broadcast %ge3A_191 : i32 to vector<16xi32>
    %ge3A_193 = arith.cmpi sge, %iota3A, %ge3A_192 : vector<16xi32>
    %mul3A_194 = arith.mulf %get3A_190, %get3A_190 : vector<16xf32>
    %jit3A_195 = arith.constant 0.000000e+00 : f32
    %broadcast_in_dim3A_196 = vector.broadcast %jit3A_195 : f32 to vector<16xf32>
    %select_n3A_197 = arith.select %ge3A_193, %mul3A_194, %broadcast_in_dim3A_196 : vector<16xi1>, vector<16xf32>
    %add3A_198 = arith.addf %add3A_186, %select_n3A_197 : vector<16xf32>
    %get3A_199 = arith.constant 15 : i32
    %get3A_200 = arith.index_cast %get3A_199 : i32 to index
    %get3A_201 = arith.constant 983 : index
    %get3A_202 = tpu.vector_load %arg5[%get3A_200, %get3A_201] {strides = array<i32>} : memref<32x999xf32, #tpu.memory_space<vmem>>, vector<16xf32>,
    %ge3A_203 = arith.constant 9 : i32
    %ge3A_204 = vector.broadcast %ge3A_203 : i32 to vector<16xi32>
    %ge3A_205 = arith.cmpi sge, %iota3A, %ge3A_204 : vector<16xi32>
    %mul3A_206 = arith.mulf %get3A_202, %get3A_202 : vector<16xf32>
    %jit3A_207 = arith.constant 0.000000e+00 : f32
    %broadcast_in_dim3A_208 = vector.broadcast %jit3A_207 : f32 to vector<16xf32>
    %select_n3A_209 = arith.select %ge3A_205, %mul3A_206, %broadcast_in_dim3A_208 : vector<16xi1>, vector<16xf32>
    %add3A_210 = arith.addf %add3A_198, %select_n3A_209 : vector<16xf32>
    %get3A_211 = arith.constant 16 : i32
    %get3A_212 = arith.index_cast %get3A_211 : i32 to index
    %get3A_213 = arith.constant 983 : index
    %get3A_214 = tpu.vector_load %arg5[%get3A_212, %get3A_213] {strides = array<i32>} : memref<32x999xf32, #tpu.memory_space<vmem>>, vector<16xf32>,
    %ge3A_215 = arith.constant 9 : i32
    %ge3A_216 = vector.broadcast %ge3A_215 : i32 to vector<16xi32>
    %ge3A_217 = arith.cmpi sge, %iota3A, %ge3A_216 : vector<16xi32>
    %mul3A_218 = arith.mulf %get3A_214, %get3A_214 : vector<16xf32>
    %jit3A_219 = arith.constant 0.000000e+00 : f32
    %broadcast_in_dim3A_220 = vector.broadcast %jit3A_219 : f32 to vector<16xf32>
    %select_n3A_221 = arith.select %ge3A_217, %mul3A_218, %broadcast_in_dim3A_220 : vector<16xi1>, vector<16xf32>
    %add3A_222 = arith.addf %add3A_210, %select_n3A_221 : vector<16xf32>
    %get3A_223 = arith.constant 17 : i32
    %get3A_224 = arith.index_cast %get3A_223 : i32 to index
    %get3A_225 = arith.constant 983 : index
    %get3A_226 = tpu.vector_load %arg5[%get3A_224, %get3A_225] {strides = array<i32>} : memref<32x999xf32, #tpu.memory_space<vmem>>, vector<16xf32>,
    %ge3A_227 = arith.constant 9 : i32
    %ge3A_228 = vector.broadcast %ge3A_227 : i32 to vector<16xi32>
    %ge3A_229 = arith.cmpi sge, %iota3A, %ge3A_228 : vector<16xi32>
    %mul3A_230 = arith.mulf %get3A_226, %get3A_226 : vector<16xf32>
    %jit3A_231 = arith.constant 0.000000e+00 : f32
    %broadcast_in_dim3A_232 = vector.broadcast %jit3A_231 : f32 to vector<16xf32>
    %select_n3A_233 = arith.select %ge3A_229, %mul3A_230, %broadcast_in_dim3A_232 : vector<16xi1>, vector<16xf32>
    %add3A_234 = arith.addf %add3A_222, %select_n3A_233 : vector<16xf32>
    %get3A_235 = arith.constant 18 : i32
    %get3A_236 = arith.index_cast %get3A_235 : i32 to index
    %get3A_237 = arith.constant 983 : index
    %get3A_238 = tpu.vector_load %arg5[%get3A_236, %get3A_237] {strides = array<i32>} : memref<32x999xf32, #tpu.memory_space<vmem>>, vector<16xf32>,
    %ge3A_239 = arith.constant 9 : i32
    %ge3A_240 = vector.broadcast %ge3A_239 : i32 to vector<16xi32>
    %ge3A_241 = arith.cmpi sge, %iota3A, %ge3A_240 : vector<16xi32>
    %mul3A_242 = arith.mulf %get3A_238, %get3A_238 : vector<16xf32>
    %jit3A_243 = arith.constant 0.000000e+00 : f32
    %broadcast_in_dim3A_244 = vector.broadcast %jit3A_243 : f32 to vector<16xf32>
    %select_n3A_245 = arith.select %ge3A_241, %mul3A_242, %broadcast_in_dim3A_244 : vector<16xi1>, vector<16xf32>
    %add3A_246 = arith.addf %add3A_234, %select_n3A_245 : vector<16xf32>
    %get3A_247 = arith.constant 19 : i32
    %get3A_248 = arith.index_cast %get3A_247 : i32 to index
    %get3A_249 = arith.constant 983 : index
    %get3A_250 = tpu.vector_load %arg5[%get3A_248, %get3A_249] {strides = array<i32>} : memref<32x999xf32, #tpu.memory_space<vmem>>, vector<16xf32>,
    %ge3A_251 = arith.constant 9 : i32
    %ge3A_252 = vector.broadcast %ge3A_251 : i32 to vector<16xi32>
    %ge3A_253 = arith.cmpi sge, %iota3A, %ge3A_252 : vector<16xi32>
    %mul3A_254 = arith.mulf %get3A_250, %get3A_250 : vector<16xf32>
    %jit3A_255 = arith.constant 0.000000e+00 : f32
    %broadcast_in_dim3A_256 = vector.broadcast %jit3A_255 : f32 to vector<16xf32>
    %select_n3A_257 = arith.select %ge3A_253, %mul3A_254, %broadcast_in_dim3A_256 : vector<16xi1>, vector<16xf32>
    %add3A_258 = arith.addf %add3A_246, %select_n3A_257 : vector<16xf32>
    %get3A_259 = arith.constant 20 : i32
    %get3A_260 = arith.index_cast %get3A_259 : i32 to index
    %get3A_261 = arith.constant 983 : index
    %get3A_262 = tpu.vector_load %arg5[%get3A_260, %get3A_261] {strides = array<i32>} : memref<32x999xf32, #tpu.memory_space<vmem>>, vector<16xf32>,
    %ge3A_263 = arith.constant 9 : i32
    %ge3A_264 = vector.broadcast %ge3A_263 : i32 to vector<16xi32>
    %ge3A_265 = arith.cmpi sge, %iota3A, %ge3A_264 : vector<16xi32>
    %mul3A_266 = arith.mulf %get3A_262, %get3A_262 : vector<16xf32>
    %jit3A_267 = arith.constant 0.000000e+00 : f32
    %broadcast_in_dim3A_268 = vector.broadcast %jit3A_267 : f32 to vector<16xf32>
    %select_n3A_269 = arith.select %ge3A_265, %mul3A_266, %broadcast_in_dim3A_268 : vector<16xi1>, vector<16xf32>
    %add3A_270 = arith.addf %add3A_258, %select_n3A_269 : vector<16xf32>
    %get3A_271 = arith.constant 21 : i32
    %get3A_272 = arith.index_cast %get3A_271 : i32 to index
    %get3A_273 = arith.constant 983 : index
    %get3A_274 = tpu.vector_load %arg5[%get3A_272, %get3A_273] {strides = array<i32>} : memref<32x999xf32, #tpu.memory_space<vmem>>, vector<16xf32>,
    %ge3A_275 = arith.constant 9 : i32
    %ge3A_276 = vector.broadcast %ge3A_275 : i32 to vector<16xi32>
    %ge3A_277 = arith.cmpi sge, %iota3A, %ge3A_276 : vector<16xi32>
    %mul3A_278 = arith.mulf %get3A_274, %get3A_274 : vector<16xf32>
    %jit3A_279 = arith.constant 0.000000e+00 : f32
    %broadcast_in_dim3A_280 = vector.broadcast %jit3A_279 : f32 to vector<16xf32>
    %select_n3A_281 = arith.select %ge3A_277, %mul3A_278, %broadcast_in_dim3A_280 : vector<16xi1>, vector<16xf32>
    %add3A_282 = arith.addf %add3A_270, %select_n3A_281 : vector<16xf32>
    %get3A_283 = arith.constant 22 : i32
    %get3A_284 = arith.index_cast %get3A_283 : i32 to index
    %get3A_285 = arith.constant 983 : index
    %get3A_286 = tpu.vector_load %arg5[%get3A_284, %get3A_285] {strides = array<i32>} : memref<32x999xf32, #tpu.memory_space<vmem>>, vector<16xf32>,
    %ge3A_287 = arith.constant 9 : i32
    %ge3A_288 = vector.broadcast %ge3A_287 : i32 to vector<16xi32>
    %ge3A_289 = arith.cmpi sge, %iota3A, %ge3A_288 : vector<16xi32>
    %mul3A_290 = arith.mulf %get3A_286, %get3A_286 : vector<16xf32>
    %jit3A_291 = arith.constant 0.000000e+00 : f32
    %broadcast_in_dim3A_292 = vector.broadcast %jit3A_291 : f32 to vector<16xf32>
    %select_n3A_293 = arith.select %ge3A_289, %mul3A_290, %broadcast_in_dim3A_292 : vector<16xi1>, vector<16xf32>
    %add3A_294 = arith.addf %add3A_282, %select_n3A_293 : vector<16xf32>
    %get3A_295 = arith.constant 23 : i32
    %get3A_296 = arith.index_cast %get3A_295 : i32 to index
    %get3A_297 = arith.constant 983 : index
    %get3A_298 = tpu.vector_load %arg5[%get3A_296, %get3A_297] {strides = array<i32>} : memref<32x999xf32, #tpu.memory_space<vmem>>, vector<16xf32>,
    %ge3A_299 = arith.constant 9 : i32
    %ge3A_300 = vector.broadcast %ge3A_299 : i32 to vector<16xi32>
    %ge3A_301 = arith.cmpi sge, %iota3A, %ge3A_300 : vector<16xi32>
    %mul3A_302 = arith.mulf %get3A_298, %get3A_298 : vector<16xf32>
    %jit3A_303 = arith.constant 0.000000e+00 : f32
    %broadcast_in_dim3A_304 = vector.broadcast %jit3A_303 : f32 to vector<16xf32>
    %select_n3A_305 = arith.select %ge3A_301, %mul3A_302, %broadcast_in_dim3A_304 : vector<16xi1>, vector<16xf32>
    %add3A_306 = arith.addf %add3A_294, %select_n3A_305 : vector<16xf32>
    %get3A_307 = arith.constant 24 : i32
    %get3A_308 = arith.index_cast %get3A_307 : i32 to index
    %get3A_309 = arith.constant 983 : index
    %get3A_310 = tpu.vector_load %arg5[%get3A_308, %get3A_309] {strides = array<i32>} : memref<32x999xf32, #tpu.memory_space<vmem>>, vector<16xf32>,
    %ge3A_311 = arith.constant 9 : i32
    %ge3A_312 = vector.broadcast %ge3A_311 : i32 to vector<16xi32>
    %ge3A_313 = arith.cmpi sge, %iota3A, %ge3A_312 : vector<16xi32>
    %mul3A_314 = arith.mulf %get3A_310, %get3A_310 : vector<16xf32>
    %jit3A_315 = arith.constant 0.000000e+00 : f32
    %broadcast_in_dim3A_316 = vector.broadcast %jit3A_315 : f32 to vector<16xf32>
    %select_n3A_317 = arith.select %ge3A_313, %mul3A_314, %broadcast_in_dim3A_316 : vector<16xi1>, vector<16xf32>
    %add3A_318 = arith.addf %add3A_306, %select_n3A_317 : vector<16xf32>
    %get3A_319 = arith.constant 25 : i32
    %get3A_320 = arith.index_cast %get3A_319 : i32 to index
    %get3A_321 = arith.constant 983 : index
    %get3A_322 = tpu.vector_load %arg5[%get3A_320, %get3A_321] {strides = array<i32>} : memref<32x999xf32, #tpu.memory_space<vmem>>, vector<16xf32>,
    %ge3A_323 = arith.constant 9 : i32
    %ge3A_324 = vector.broadcast %ge3A_323 : i32 to vector<16xi32>
    %ge3A_325 = arith.cmpi sge, %iota3A, %ge3A_324 : vector<16xi32>
    %mul3A_326 = arith.mulf %get3A_322, %get3A_322 : vector<16xf32>
    %jit3A_327 = arith.constant 0.000000e+00 : f32
    %broadcast_in_dim3A_328 = vector.broadcast %jit3A_327 : f32 to vector<16xf32>
    %select_n3A_329 = arith.select %ge3A_325, %mul3A_326, %broadcast_in_dim3A_328 : vector<16xi1>, vector<16xf32>
    %add3A_330 = arith.addf %add3A_318, %select_n3A_329 : vector<16xf32>
    %get3A_331 = arith.constant 26 : i32
    %get3A_332 = arith.index_cast %get3A_331 : i32 to index
    %get3A_333 = arith.constant 983 : index
    %get3A_334 = tpu.vector_load %arg5[%get3A_332, %get3A_333] {strides = array<i32>} : memref<32x999xf32, #tpu.memory_space<vmem>>, vector<16xf32>,
    %ge3A_335 = arith.constant 9 : i32
    %ge3A_336 = vector.broadcast %ge3A_335 : i32 to vector<16xi32>
    %ge3A_337 = arith.cmpi sge, %iota3A, %ge3A_336 : vector<16xi32>
    %mul3A_338 = arith.mulf %get3A_334, %get3A_334 : vector<16xf32>
    %jit3A_339 = arith.constant 0.000000e+00 : f32
    %broadcast_in_dim3A_340 = vector.broadcast %jit3A_339 : f32 to vector<16xf32>
    %select_n3A_341 = arith.select %ge3A_337, %mul3A_338, %broadcast_in_dim3A_340 : vector<16xi1>, vector<16xf32>
    %add3A_342 = arith.addf %add3A_330, %select_n3A_341 : vector<16xf32>
    %get3A_343 = arith.constant 27 : i32
    %get3A_344 = arith.index_cast %get3A_343 : i32 to index
    %get3A_345 = arith.constant 983 : index
    %get3A_346 = tpu.vector_load %arg5[%get3A_344, %get3A_345] {strides = array<i32>} : memref<32x999xf32, #tpu.memory_space<vmem>>, vector<16xf32>,
    %ge3A_347 = arith.constant 9 : i32
    %ge3A_348 = vector.broadcast %ge3A_347 : i32 to vector<16xi32>
    %ge3A_349 = arith.cmpi sge, %iota3A, %ge3A_348 : vector<16xi32>
    %mul3A_350 = arith.mulf %get3A_346, %get3A_346 : vector<16xf32>
    %jit3A_351 = arith.constant 0.000000e+00 : f32
    %broadcast_in_dim3A_352 = vector.broadcast %jit3A_351 : f32 to vector<16xf32>
    %select_n3A_353 = arith.select %ge3A_349, %mul3A_350, %broadcast_in_dim3A_352 : vector<16xi1>, vector<16xf32>
    %add3A_354 = arith.addf %add3A_342, %select_n3A_353 : vector<16xf32>
    %get3A_355 = arith.constant 28 : i32
    %get3A_356 = arith.index_cast %get3A_355 : i32 to index
    %get3A_357 = arith.constant 983 : index
    %get3A_358 = tpu.vector_load %arg5[%get3A_356, %get3A_357] {strides = array<i32>} : memref<32x999xf32, #tpu.memory_space<vmem>>, vector<16xf32>,
    %ge3A_359 = arith.constant 9 : i32
    %ge3A_360 = vector.broadcast %ge3A_359 : i32 to vector<16xi32>
    %ge3A_361 = arith.cmpi sge, %iota3A, %ge3A_360 : vector<16xi32>
    %mul3A_362 = arith.mulf %get3A_358, %get3A_358 : vector<16xf32>
    %jit3A_363 = arith.constant 0.000000e+00 : f32
    %broadcast_in_dim3A_364 = vector.broadcast %jit3A_363 : f32 to vector<16xf32>
    %select_n3A_365 = arith.select %ge3A_361, %mul3A_362, %broadcast_in_dim3A_364 : vector<16xi1>, vector<16xf32>
    %add3A_366 = arith.addf %add3A_354, %select_n3A_365 : vector<16xf32>
    %get3A_367 = arith.constant 29 : i32
    %get3A_368 = arith.index_cast %get3A_367 : i32 to index
    %get3A_369 = arith.constant 983 : index
    %get3A_370 = tpu.vector_load %arg5[%get3A_368, %get3A_369] {strides = array<i32>} : memref<32x999xf32, #tpu.memory_space<vmem>>, vector<16xf32>,
    %ge3A_371 = arith.constant 9 : i32
    %ge3A_372 = vector.broadcast %ge3A_371 : i32 to vector<16xi32>
    %ge3A_373 = arith.cmpi sge, %iota3A, %ge3A_372 : vector<16xi32>
    %mul3A_374 = arith.mulf %get3A_370, %get3A_370 : vector<16xf32>
    %jit3A_375 = arith.constant 0.000000e+00 : f32
    %broadcast_in_dim3A_376 = vector.broadcast %jit3A_375 : f32 to vector<16xf32>
    %select_n3A_377 = arith.select %ge3A_373, %mul3A_374, %broadcast_in_dim3A_376 : vector<16xi1>, vector<16xf32>
    %add3A_378 = arith.addf %add3A_366, %select_n3A_377 : vector<16xf32>
    %get3A_379 = arith.constant 30 : i32
    %get3A_380 = arith.index_cast %get3A_379 : i32 to index
    %get3A_381 = arith.constant 983 : index
    %get3A_382 = tpu.vector_load %arg5[%get3A_380, %get3A_381] {strides = array<i32>} : memref<32x999xf32, #tpu.memory_space<vmem>>, vector<16xf32>,
    %ge3A_383 = arith.constant 9 : i32
    %ge3A_384 = vector.broadcast %ge3A_383 : i32 to vector<16xi32>
    %ge3A_385 = arith.cmpi sge, %iota3A, %ge3A_384 : vector<16xi32>
    %mul3A_386 = arith.mulf %get3A_382, %get3A_382 : vector<16xf32>
    %jit3A_387 = arith.constant 0.000000e+00 : f32
    %broadcast_in_dim3A_388 = vector.broadcast %jit3A_387 : f32 to vector<16xf32>
    %select_n3A_389 = arith.select %ge3A_385, %mul3A_386, %broadcast_in_dim3A_388 : vector<16xi1>, vector<16xf32>
    %add3A_390 = arith.addf %add3A_378, %select_n3A_389 : vector<16xf32>
    %get3A_391 = arith.constant 31 : i32
    %get3A_392 = arith.index_cast %get3A_391 : i32 to index
    %get3A_393 = arith.constant 983 : index
    %get3A_394 = tpu.vector_load %arg5[%get3A_392, %get3A_393] {strides = array<i32>} : memref<32x999xf32, #tpu.memory_space<vmem>>, vector<16xf32>,
    %ge3A_395 = arith.constant 9 : i32
    %ge3A_396 = vector.broadcast %ge3A_395 : i32 to vector<16xi32>
    %ge3A_397 = arith.cmpi sge, %iota3A, %ge3A_396 : vector<16xi32>
    %mul3A_398 = arith.mulf %get3A_394, %get3A_394 : vector<16xf32>
    %jit3A_399 = arith.constant 0.000000e+00 : f32
    %broadcast_in_dim3A_400 = vector.broadcast %jit3A_399 : f32 to vector<16xf32>
    %select_n3A_401 = arith.select %ge3A_397, %mul3A_398, %broadcast_in_dim3A_400 : vector<16xi1>, vector<16xf32>
    %add3A_402 = arith.addf %add3A_390, %select_n3A_401 : vector<16xf32>
    %get3A_403 = arith.constant 0 : index
    %get3A_404 = tpu.vector_load %arg7[%get3A_403] {strides = array<i32>} : memref<128xi32, #tpu.memory_space<vmem>>, vector<16xi32>,
    %add3A_405 = arith.constant 0 : i32
    %add3A_406 = vector.broadcast %add3A_405 : i32 to vector<16xi32>
    %add3A_407 = arith.addi %add3A_406, %iota3A : vector<16xi32>
    %sub3A = arith.constant 1 : i32
    %sub3A_408 = vector.broadcast %sub3A : i32 to vector<16xi32>
    %sub3A_409 = arith.subi %get3A_404, %sub3A_408 : vector<16xi32>
    %max3A = arith.constant 0 : i32
    %max3A_410 = vector.broadcast %max3A : i32 to vector<16xi32>
    %max3A_411 = arith.maxsi %sub3A_409, %max3A_410 : vector<16xi32>
    %gather3A = tpu.vector_load_idx %arg5[%add3A_407, %max3A_411] : memref<32x999xf32, #tpu.memory_space<vmem>>[vector<16xi32>, vector<16xi32>], vector<16xf32>,
    %ge3A_412 = arith.constant 1 : i32
    %ge3A_413 = vector.broadcast %ge3A_412 : i32 to vector<16xi32>
    %ge3A_414 = arith.cmpi sge, %get3A_404, %ge3A_413 : vector<16xi32>
    %jit3A_415 = arith.constant 0.000000e+00 : f32
    %broadcast_in_dim3A_416 = vector.broadcast %jit3A_415 : f32 to vector<16xf32>
    %select_n3A_417 = arith.select %ge3A_414, %gather3A, %broadcast_in_dim3A_416 : vector<16xi1>, vector<16xf32>
    %mul3A_418 = arith.constant 2.000000e+00 : f32
    %mul3A_419 = vector.broadcast %mul3A_418 : f32 to vector<16xf32>
    %mul3A_420 = arith.mulf %mul3A_419, %select_n3A_417 : vector<16xf32>
    %sub3A_421 = arith.subf %add3A_402, %mul3A_420 : vector<16xf32>
    %get3A_422 = arith.constant 16 : index
    %get3A_423 = tpu.vector_load %arg7[%get3A_422] {strides = array<i32>} : memref<128xi32, #tpu.memory_space<vmem>>, vector<16xi32>,
    %add3A_424 = arith.constant 16 : i32
    %add3A_425 = vector.broadcast %add3A_424 : i32 to vector<16xi32>
    %add3A_426 = arith.addi %add3A_425, %iota3A : vector<16xi32>
    %sub3A_427 = arith.constant 1 : i32
    %sub3A_428 = vector.broadcast %sub3A_427 : i32 to vector<16xi32>
    %sub3A_429 = arith.subi %get3A_423, %sub3A_428 : vector<16xi32>
    %max3A_430 = arith.constant 0 : i32
    %max3A_431 = vector.broadcast %max3A_430 : i32 to vector<16xi32>
    %max3A_432 = arith.maxsi %sub3A_429, %max3A_431 : vector<16xi32>
    %gather3A_433 = tpu.vector_load_idx %arg5[%add3A_426, %max3A_432] : memref<32x999xf32, #tpu.memory_space<vmem>>[vector<16xi32>, vector<16xi32>], vector<16xf32>,
    %ge3A_434 = arith.constant 1 : i32
    %ge3A_435 = vector.broadcast %ge3A_434 : i32 to vector<16xi32>
    %ge3A_436 = arith.cmpi sge, %get3A_423, %ge3A_435 : vector<16xi32>
    %jit3A_437 = arith.constant 0.000000e+00 : f32
    %broadcast_in_dim3A_438 = vector.broadcast %jit3A_437 : f32 to vector<16xf32>
    %select_n3A_439 = arith.select %ge3A_436, %gather3A_433, %broadcast_in_dim3A_438 : vector<16xi1>, vector<16xf32>
    %mul3A_440 = arith.constant 2.000000e+00 : f32
    %mul3A_441 = vector.broadcast %mul3A_440 : f32 to vector<16xf32>
    %mul3A_442 = arith.mulf %mul3A_441, %select_n3A_439 : vector<16xf32>
    %sub3A_443 = arith.subf %sub3A_421, %mul3A_442 : vector<16xf32>
    %add3A_444 = arith.constant 64 : i32
    %add3A_445 = arith.addi %add3A_4, %add3A_444 : i32
    %dma_start3A_446 = arith.constant 0 : i32
    %dma_start3A_447 = tpu.memref_slice %arg2[%add3A_445, %dma_start3A_446] : memref<16384x999xf32, #tpu.memory_space<hbm>> -> memref<32x999xf32, #tpu.memory_space<hbm>>
    %dma_start3A_448 = arith.constant 0 : i32
    %dma_start3A_449 = tpu.memref_slice %arg2[%add3A_445, %dma_start3A_448] : memref<16384x999xf32, #tpu.memory_space<hbm>> -> memref<32x999xf32, #tpu.memory_space<hbm>>
    tpu.enqueue_dma source(%dma_start3A_449 : memref<32x999xf32, #tpu.memory_space<hbm>>) target(%arg5 : memref<32x999xf32, #tpu.memory_space<vmem>>) target_semaphore(%arg9 : memref<!tpu.dma_semaphore, #tpu.memory_space<semaphore_mem>>)
    %dma_wait3A_450 = arith.constant 0 : i32
    %dma_wait3A_451 = tpu.memref_slice %arg2[%add3A_10, %dma_wait3A_450] : memref<16384x999xf32, #tpu.memory_space<hbm>> -> memref<32x999xf32, #tpu.memory_space<hbm>>
    %dma_wait3A_452 = arith.constant 0 : i32
    %dma_wait3A_453 = tpu.memref_slice %arg2[%add3A_10, %dma_wait3A_452] : memref<16384x999xf32, #tpu.memory_space<hbm>> -> memref<32x999xf32, #tpu.memory_space<hbm>>
    tpu.wait_dma2 semaphore(%arg10 : memref<!tpu.dma_semaphore, #tpu.memory_space<semaphore_mem>>) src(%dma_wait3A_453 : memref<32x999xf32, #tpu.memory_space<hbm>>) dst(%arg6 : memref<32x999xf32, #tpu.memory_space<vmem>>)
    %scan3A_454 = arith.constant 0 : i32
    %scan3A_455 = arith.constant 62 : i32
    %scan3A_456 = arith.addi %scan3A_454, %scan3A_455 : i32
    %scan3A_457 = arith.constant 1 : i32
    %scan3A_458 = scf.for %scan3A_1771 = %scan3A_454 to %scan3A_456 step %scan3A_457 iter_args(%scan3A_1772 = %sub3A_443) -> (vector<16xf32>)  : i32 {
      %mul3A_1773 = arith.constant 16 : i32
      %mul3A_1774 = arith.muli %scan3A_1771, %mul3A_1773 : i32
      %get3A_1775 = arith.constant 0 : i32
      %get3A_1776 = arith.index_cast %get3A_1775 : i32 to index
      %get3A_1777 = arith.index_cast %mul3A_1774 : i32 to index
      %get3A_1778 = tpu.vector_load %arg6[%get3A_1776, %get3A_1777] {strides = array<i32>} : memref<32x999xf32, #tpu.memory_space<vmem>>, vector<16xf32>,
      %mul3A_1779 = arith.mulf %get3A_1778, %get3A_1778 : vector<16xf32>
      %add3A_1780 = arith.addf %scan3A_1772, %mul3A_1779 : vector<16xf32>
      %mul3A_1781 = arith.constant 16 : i32
      %mul3A_1782 = arith.muli %scan3A_1771, %mul3A_1781 : i32
      %get3A_1783 = arith.constant 1 : i32
      %get3A_1784 = arith.index_cast %get3A_1783 : i32 to index
      %get3A_1785 = arith.index_cast %mul3A_1782 : i32 to index
      %get3A_1786 = tpu.vector_load %arg6[%get3A_1784, %get3A_1785] {strides = array<i32>} : memref<32x999xf32, #tpu.memory_space<vmem>>, vector<16xf32>,
      %mul3A_1787 = arith.mulf %get3A_1786, %get3A_1786 : vector<16xf32>
      %add3A_1788 = arith.addf %add3A_1780, %mul3A_1787 : vector<16xf32>
      %mul3A_1789 = arith.constant 16 : i32
      %mul3A_1790 = arith.muli %scan3A_1771, %mul3A_1789 : i32
      %get3A_1791 = arith.constant 2 : i32
      %get3A_1792 = arith.index_cast %get3A_1791 : i32 to index
      %get3A_1793 = arith.index_cast %mul3A_1790 : i32 to index
      %get3A_1794 = tpu.vector_load %arg6[%get3A_1792, %get3A_1793] {strides = array<i32>} : memref<32x999xf32, #tpu.memory_space<vmem>>, vector<16xf32>,
      %mul3A_1795 = arith.mulf %get3A_1794, %get3A_1794 : vector<16xf32>
      %add3A_1796 = arith.addf %add3A_1788, %mul3A_1795 : vector<16xf32>
      %mul3A_1797 = arith.constant 16 : i32
      %mul3A_1798 = arith.muli %scan3A_1771, %mul3A_1797 : i32
      %get3A_1799 = arith.constant 3 : i32
      %get3A_1800 = arith.index_cast %get3A_1799 : i32 to index
      %get3A_1801 = arith.index_cast %mul3A_1798 : i32 to index
      %get3A_1802 = tpu.vector_load %arg6[%get3A_1800, %get3A_1801] {strides = array<i32>} : memref<32x999xf32, #tpu.memory_space<vmem>>, vector<16xf32>,
      %mul3A_1803 = arith.mulf %get3A_1802, %get3A_1802 : vector<16xf32>
      %add3A_1804 = arith.addf %add3A_1796, %mul3A_1803 : vector<16xf32>
      %mul3A_1805 = arith.constant 16 : i32
      %mul3A_1806 = arith.muli %scan3A_1771, %mul3A_1805 : i32
      %get3A_1807 = arith.constant 4 : i32
      %get3A_1808 = arith.index_cast %get3A_1807 : i32 to index
      %get3A_1809 = arith.index_cast %mul3A_1806 : i32 to index
      %get3A_1810 = tpu.vector_load %arg6[%get3A_1808, %get3A_1809] {strides = array<i32>} : memref<32x999xf32, #tpu.memory_space<vmem>>, vector<16xf32>,
      %mul3A_1811 = arith.mulf %get3A_1810, %get3A_1810 : vector<16xf32>
      %add3A_1812 = arith.addf %add3A_1804, %mul3A_1811 : vector<16xf32>
      %mul3A_1813 = arith.constant 16 : i32
      %mul3A_1814 = arith.muli %scan3A_1771, %mul3A_1813 : i32
      %get3A_1815 = arith.constant 5 : i32
      %get3A_1816 = arith.index_cast %get3A_1815 : i32 to index
      %get3A_1817 = arith.index_cast %mul3A_1814 : i32 to index
      %get3A_1818 = tpu.vector_load %arg6[%get3A_1816, %get3A_1817] {strides = array<i32>} : memref<32x999xf32, #tpu.memory_space<vmem>>, vector<16xf32>,
      %mul3A_1819 = arith.mulf %get3A_1818, %get3A_1818 : vector<16xf32>
      %add3A_1820 = arith.addf %add3A_1812, %mul3A_1819 : vector<16xf32>
      %mul3A_1821 = arith.constant 16 : i32
      %mul3A_1822 = arith.muli %scan3A_1771, %mul3A_1821 : i32
      %get3A_1823 = arith.constant 6 : i32
      %get3A_1824 = arith.index_cast %get3A_1823 : i32 to index
      %get3A_1825 = arith.index_cast %mul3A_1822 : i32 to index
      %get3A_1826 = tpu.vector_load %arg6[%get3A_1824, %get3A_1825] {strides = array<i32>} : memref<32x999xf32, #tpu.memory_space<vmem>>, vector<16xf32>,
      %mul3A_1827 = arith.mulf %get3A_1826, %get3A_1826 : vector<16xf32>
      %add3A_1828 = arith.addf %add3A_1820, %mul3A_1827 : vector<16xf32>
      %mul3A_1829 = arith.constant 16 : i32
      %mul3A_1830 = arith.muli %scan3A_1771, %mul3A_1829 : i32
      %get3A_1831 = arith.constant 7 : i32
      %get3A_1832 = arith.index_cast %get3A_1831 : i32 to index
      %get3A_1833 = arith.index_cast %mul3A_1830 : i32 to index
      %get3A_1834 = tpu.vector_load %arg6[%get3A_1832, %get3A_1833] {strides = array<i32>} : memref<32x999xf32, #tpu.memory_space<vmem>>, vector<16xf32>,
      %mul3A_1835 = arith.mulf %get3A_1834, %get3A_1834 : vector<16xf32>
      %add3A_1836 = arith.addf %add3A_1828, %mul3A_1835 : vector<16xf32>
      %mul3A_1837 = arith.constant 16 : i32
      %mul3A_1838 = arith.muli %scan3A_1771, %mul3A_1837 : i32
      %get3A_1839 = arith.constant 8 : i32
      %get3A_1840 = arith.index_cast %get3A_1839 : i32 to index
      %get3A_1841 = arith.index_cast %mul3A_1838 : i32 to index
      %get3A_1842 = tpu.vector_load %arg6[%get3A_1840, %get3A_1841] {strides = array<i32>} : memref<32x999xf32, #tpu.memory_space<vmem>>, vector<16xf32>,
      %mul3A_1843 = arith.mulf %get3A_1842, %get3A_1842 : vector<16xf32>
      %add3A_1844 = arith.addf %add3A_1836, %mul3A_1843 : vector<16xf32>
      %mul3A_1845 = arith.constant 16 : i32
      %mul3A_1846 = arith.muli %scan3A_1771, %mul3A_1845 : i32
      %get3A_1847 = arith.constant 9 : i32
      %get3A_1848 = arith.index_cast %get3A_1847 : i32 to index
      %get3A_1849 = arith.index_cast %mul3A_1846 : i32 to index
      %get3A_1850 = tpu.vector_load %arg6[%get3A_1848, %get3A_1849] {strides = array<i32>} : memref<32x999xf32, #tpu.memory_space<vmem>>, vector<16xf32>,
      %mul3A_1851 = arith.mulf %get3A_1850, %get3A_1850 : vector<16xf32>
      %add3A_1852 = arith.addf %add3A_1844, %mul3A_1851 : vector<16xf32>
      %mul3A_1853 = arith.constant 16 : i32
      %mul3A_1854 = arith.muli %scan3A_1771, %mul3A_1853 : i32
      %get3A_1855 = arith.constant 10 : i32
      %get3A_1856 = arith.index_cast %get3A_1855 : i32 to index
      %get3A_1857 = arith.index_cast %mul3A_1854 : i32 to index
      %get3A_1858 = tpu.vector_load %arg6[%get3A_1856, %get3A_1857] {strides = array<i32>} : memref<32x999xf32, #tpu.memory_space<vmem>>, vector<16xf32>,
      %mul3A_1859 = arith.mulf %get3A_1858, %get3A_1858 : vector<16xf32>
      %add3A_1860 = arith.addf %add3A_1852, %mul3A_1859 : vector<16xf32>
      %mul3A_1861 = arith.constant 16 : i32
      %mul3A_1862 = arith.muli %scan3A_1771, %mul3A_1861 : i32
      %get3A_1863 = arith.constant 11 : i32
      %get3A_1864 = arith.index_cast %get3A_1863 : i32 to index
      %get3A_1865 = arith.index_cast %mul3A_1862 : i32 to index
      %get3A_1866 = tpu.vector_load %arg6[%get3A_1864, %get3A_1865] {strides = array<i32>} : memref<32x999xf32, #tpu.memory_space<vmem>>, vector<16xf32>,
      %mul3A_1867 = arith.mulf %get3A_1866, %get3A_1866 : vector<16xf32>
      %add3A_1868 = arith.addf %add3A_1860, %mul3A_1867 : vector<16xf32>
      %mul3A_1869 = arith.constant 16 : i32
      %mul3A_1870 = arith.muli %scan3A_1771, %mul3A_1869 : i32
      %get3A_1871 = arith.constant 12 : i32
      %get3A_1872 = arith.index_cast %get3A_1871 : i32 to index
      %get3A_1873 = arith.index_cast %mul3A_1870 : i32 to index
      %get3A_1874 = tpu.vector_load %arg6[%get3A_1872, %get3A_1873] {strides = array<i32>} : memref<32x999xf32, #tpu.memory_space<vmem>>, vector<16xf32>,
      %mul3A_1875 = arith.mulf %get3A_1874, %get3A_1874 : vector<16xf32>
      %add3A_1876 = arith.addf %add3A_1868, %mul3A_1875 : vector<16xf32>
      %mul3A_1877 = arith.constant 16 : i32
      %mul3A_1878 = arith.muli %scan3A_1771, %mul3A_1877 : i32
      %get3A_1879 = arith.constant 13 : i32
      %get3A_1880 = arith.index_cast %get3A_1879 : i32 to index
      %get3A_1881 = arith.index_cast %mul3A_1878 : i32 to index
      %get3A_1882 = tpu.vector_load %arg6[%get3A_1880, %get3A_1881] {strides = array<i32>} : memref<32x999xf32, #tpu.memory_space<vmem>>, vector<16xf32>,
      %mul3A_1883 = arith.mulf %get3A_1882, %get3A_1882 : vector<16xf32>
      %add3A_1884 = arith.addf %add3A_1876, %mul3A_1883 : vector<16xf32>
      %mul3A_1885 = arith.constant 16 : i32
      %mul3A_1886 = arith.muli %scan3A_1771, %mul3A_1885 : i32
      %get3A_1887 = arith.constant 14 : i32
      %get3A_1888 = arith.index_cast %get3A_1887 : i32 to index
      %get3A_1889 = arith.index_cast %mul3A_1886 : i32 to index
      %get3A_1890 = tpu.vector_load %arg6[%get3A_1888, %get3A_1889] {strides = array<i32>} : memref<32x999xf32, #tpu.memory_space<vmem>>, vector<16xf32>,
      %mul3A_1891 = arith.mulf %get3A_1890, %get3A_1890 : vector<16xf32>
      %add3A_1892 = arith.addf %add3A_1884, %mul3A_1891 : vector<16xf32>
      %mul3A_1893 = arith.constant 16 : i32
      %mul3A_1894 = arith.muli %scan3A_1771, %mul3A_1893 : i32
      %get3A_1895 = arith.constant 15 : i32
      %get3A_1896 = arith.index_cast %get3A_1895 : i32 to index
      %get3A_1897 = arith.index_cast %mul3A_1894 : i32 to index
      %get3A_1898 = tpu.vector_load %arg6[%get3A_1896, %get3A_1897] {strides = array<i32>} : memref<32x999xf32, #tpu.memory_space<vmem>>, vector<16xf32>,
      %mul3A_1899 = arith.mulf %get3A_1898, %get3A_1898 : vector<16xf32>
      %add3A_1900 = arith.addf %add3A_1892, %mul3A_1899 : vector<16xf32>
      %mul3A_1901 = arith.constant 16 : i32
      %mul3A_1902 = arith.muli %scan3A_1771, %mul3A_1901 : i32
      %get3A_1903 = arith.constant 16 : i32
      %get3A_1904 = arith.index_cast %get3A_1903 : i32 to index
      %get3A_1905 = arith.index_cast %mul3A_1902 : i32 to index
      %get3A_1906 = tpu.vector_load %arg6[%get3A_1904, %get3A_1905] {strides = array<i32>} : memref<32x999xf32, #tpu.memory_space<vmem>>, vector<16xf32>,
      %mul3A_1907 = arith.mulf %get3A_1906, %get3A_1906 : vector<16xf32>
      %add3A_1908 = arith.addf %add3A_1900, %mul3A_1907 : vector<16xf32>
      %mul3A_1909 = arith.constant 16 : i32
      %mul3A_1910 = arith.muli %scan3A_1771, %mul3A_1909 : i32
      %get3A_1911 = arith.constant 17 : i32
      %get3A_1912 = arith.index_cast %get3A_1911 : i32 to index
      %get3A_1913 = arith.index_cast %mul3A_1910 : i32 to index
      %get3A_1914 = tpu.vector_load %arg6[%get3A_1912, %get3A_1913] {strides = array<i32>} : memref<32x999xf32, #tpu.memory_space<vmem>>, vector<16xf32>,
      %mul3A_1915 = arith.mulf %get3A_1914, %get3A_1914 : vector<16xf32>
      %add3A_1916 = arith.addf %add3A_1908, %mul3A_1915 : vector<16xf32>
      %mul3A_1917 = arith.constant 16 : i32
      %mul3A_1918 = arith.muli %scan3A_1771, %mul3A_1917 : i32
      %get3A_1919 = arith.constant 18 : i32
      %get3A_1920 = arith.index_cast %get3A_1919 : i32 to index
      %get3A_1921 = arith.index_cast %mul3A_1918 : i32 to index
      %get3A_1922 = tpu.vector_load %arg6[%get3A_1920, %get3A_1921] {strides = array<i32>} : memref<32x999xf32, #tpu.memory_space<vmem>>, vector<16xf32>,
      %mul3A_1923 = arith.mulf %get3A_1922, %get3A_1922 : vector<16xf32>
      %add3A_1924 = arith.addf %add3A_1916, %mul3A_1923 : vector<16xf32>
      %mul3A_1925 = arith.constant 16 : i32
      %mul3A_1926 = arith.muli %scan3A_1771, %mul3A_1925 : i32
      %get3A_1927 = arith.constant 19 : i32
      %get3A_1928 = arith.index_cast %get3A_1927 : i32 to index
      %get3A_1929 = arith.index_cast %mul3A_1926 : i32 to index
      %get3A_1930 = tpu.vector_load %arg6[%get3A_1928, %get3A_1929] {strides = array<i32>} : memref<32x999xf32, #tpu.memory_space<vmem>>, vector<16xf32>,
      %mul3A_1931 = arith.mulf %get3A_1930, %get3A_1930 : vector<16xf32>
      %add3A_1932 = arith.addf %add3A_1924, %mul3A_1931 : vector<16xf32>
      %mul3A_1933 = arith.constant 16 : i32
      %mul3A_1934 = arith.muli %scan3A_1771, %mul3A_1933 : i32
      %get3A_1935 = arith.constant 20 : i32
      %get3A_1936 = arith.index_cast %get3A_1935 : i32 to index
      %get3A_1937 = arith.index_cast %mul3A_1934 : i32 to index
      %get3A_1938 = tpu.vector_load %arg6[%get3A_1936, %get3A_1937] {strides = array<i32>} : memref<32x999xf32, #tpu.memory_space<vmem>>, vector<16xf32>,
      %mul3A_1939 = arith.mulf %get3A_1938, %get3A_1938 : vector<16xf32>
      %add3A_1940 = arith.addf %add3A_1932, %mul3A_1939 : vector<16xf32>
      %mul3A_1941 = arith.constant 16 : i32
      %mul3A_1942 = arith.muli %scan3A_1771, %mul3A_1941 : i32
      %get3A_1943 = arith.constant 21 : i32
      %get3A_1944 = arith.index_cast %get3A_1943 : i32 to index
      %get3A_1945 = arith.index_cast %mul3A_1942 : i32 to index
      %get3A_1946 = tpu.vector_load %arg6[%get3A_1944, %get3A_1945] {strides = array<i32>} : memref<32x999xf32, #tpu.memory_space<vmem>>, vector<16xf32>,
      %mul3A_1947 = arith.mulf %get3A_1946, %get3A_1946 : vector<16xf32>
      %add3A_1948 = arith.addf %add3A_1940, %mul3A_1947 : vector<16xf32>
      %mul3A_1949 = arith.constant 16 : i32
      %mul3A_1950 = arith.muli %scan3A_1771, %mul3A_1949 : i32
      %get3A_1951 = arith.constant 22 : i32
      %get3A_1952 = arith.index_cast %get3A_1951 : i32 to index
      %get3A_1953 = arith.index_cast %mul3A_1950 : i32 to index
      %get3A_1954 = tpu.vector_load %arg6[%get3A_1952, %get3A_1953] {strides = array<i32>} : memref<32x999xf32, #tpu.memory_space<vmem>>, vector<16xf32>,
      %mul3A_1955 = arith.mulf %get3A_1954, %get3A_1954 : vector<16xf32>
      %add3A_1956 = arith.addf %add3A_1948, %mul3A_1955 : vector<16xf32>
      %mul3A_1957 = arith.constant 16 : i32
      %mul3A_1958 = arith.muli %scan3A_1771, %mul3A_1957 : i32
      %get3A_1959 = arith.constant 23 : i32
      %get3A_1960 = arith.index_cast %get3A_1959 : i32 to index
      %get3A_1961 = arith.index_cast %mul3A_1958 : i32 to index
      %get3A_1962 = tpu.vector_load %arg6[%get3A_1960, %get3A_1961] {strides = array<i32>} : memref<32x999xf32, #tpu.memory_space<vmem>>, vector<16xf32>,
      %mul3A_1963 = arith.mulf %get3A_1962, %get3A_1962 : vector<16xf32>
      %add3A_1964 = arith.addf %add3A_1956, %mul3A_1963 : vector<16xf32>
      %mul3A_1965 = arith.constant 16 : i32
      %mul3A_1966 = arith.muli %scan3A_1771, %mul3A_1965 : i32
      %get3A_1967 = arith.constant 24 : i32
      %get3A_1968 = arith.index_cast %get3A_1967 : i32 to index
      %get3A_1969 = arith.index_cast %mul3A_1966 : i32 to index
      %get3A_1970 = tpu.vector_load %arg6[%get3A_1968, %get3A_1969] {strides = array<i32>} : memref<32x999xf32, #tpu.memory_space<vmem>>, vector<16xf32>,
      %mul3A_1971 = arith.mulf %get3A_1970, %get3A_1970 : vector<16xf32>
      %add3A_1972 = arith.addf %add3A_1964, %mul3A_1971 : vector<16xf32>
      %mul3A_1973 = arith.constant 16 : i32
      %mul3A_1974 = arith.muli %scan3A_1771, %mul3A_1973 : i32
      %get3A_1975 = arith.constant 25 : i32
      %get3A_1976 = arith.index_cast %get3A_1975 : i32 to index
      %get3A_1977 = arith.index_cast %mul3A_1974 : i32 to index
      %get3A_1978 = tpu.vector_load %arg6[%get3A_1976, %get3A_1977] {strides = array<i32>} : memref<32x999xf32, #tpu.memory_space<vmem>>, vector<16xf32>,
      %mul3A_1979 = arith.mulf %get3A_1978, %get3A_1978 : vector<16xf32>
      %add3A_1980 = arith.addf %add3A_1972, %mul3A_1979 : vector<16xf32>
      %mul3A_1981 = arith.constant 16 : i32
      %mul3A_1982 = arith.muli %scan3A_1771, %mul3A_1981 : i32
      %get3A_1983 = arith.constant 26 : i32
      %get3A_1984 = arith.index_cast %get3A_1983 : i32 to index
      %get3A_1985 = arith.index_cast %mul3A_1982 : i32 to index
      %get3A_1986 = tpu.vector_load %arg6[%get3A_1984, %get3A_1985] {strides = array<i32>} : memref<32x999xf32, #tpu.memory_space<vmem>>, vector<16xf32>,
      %mul3A_1987 = arith.mulf %get3A_1986, %get3A_1986 : vector<16xf32>
      %add3A_1988 = arith.addf %add3A_1980, %mul3A_1987 : vector<16xf32>
      %mul3A_1989 = arith.constant 16 : i32
      %mul3A_1990 = arith.muli %scan3A_1771, %mul3A_1989 : i32
      %get3A_1991 = arith.constant 27 : i32
      %get3A_1992 = arith.index_cast %get3A_1991 : i32 to index
      %get3A_1993 = arith.index_cast %mul3A_1990 : i32 to index
      %get3A_1994 = tpu.vector_load %arg6[%get3A_1992, %get3A_1993] {strides = array<i32>} : memref<32x999xf32, #tpu.memory_space<vmem>>, vector<16xf32>,
      %mul3A_1995 = arith.mulf %get3A_1994, %get3A_1994 : vector<16xf32>
      %add3A_1996 = arith.addf %add3A_1988, %mul3A_1995 : vector<16xf32>
      %mul3A_1997 = arith.constant 16 : i32
      %mul3A_1998 = arith.muli %scan3A_1771, %mul3A_1997 : i32
      %get3A_1999 = arith.constant 28 : i32
      %get3A_2000 = arith.index_cast %get3A_1999 : i32 to index
      %get3A_2001 = arith.index_cast %mul3A_1998 : i32 to index
      %get3A_2002 = tpu.vector_load %arg6[%get3A_2000, %get3A_2001] {strides = array<i32>} : memref<32x999xf32, #tpu.memory_space<vmem>>, vector<16xf32>,
      %mul3A_2003 = arith.mulf %get3A_2002, %get3A_2002 : vector<16xf32>
      %add3A_2004 = arith.addf %add3A_1996, %mul3A_2003 : vector<16xf32>
      %mul3A_2005 = arith.constant 16 : i32
      %mul3A_2006 = arith.muli %scan3A_1771, %mul3A_2005 : i32
      %get3A_2007 = arith.constant 29 : i32
      %get3A_2008 = arith.index_cast %get3A_2007 : i32 to index
      %get3A_2009 = arith.index_cast %mul3A_2006 : i32 to index
      %get3A_2010 = tpu.vector_load %arg6[%get3A_2008, %get3A_2009] {strides = array<i32>} : memref<32x999xf32, #tpu.memory_space<vmem>>, vector<16xf32>,
      %mul3A_2011 = arith.mulf %get3A_2010, %get3A_2010 : vector<16xf32>
      %add3A_2012 = arith.addf %add3A_2004, %mul3A_2011 : vector<16xf32>
      %mul3A_2013 = arith.constant 16 : i32
      %mul3A_2014 = arith.muli %scan3A_1771, %mul3A_2013 : i32
      %get3A_2015 = arith.constant 30 : i32
      %get3A_2016 = arith.index_cast %get3A_2015 : i32 to index
      %get3A_2017 = arith.index_cast %mul3A_2014 : i32 to index
      %get3A_2018 = tpu.vector_load %arg6[%get3A_2016, %get3A_2017] {strides = array<i32>} : memref<32x999xf32, #tpu.memory_space<vmem>>, vector<16xf32>,
      %mul3A_2019 = arith.mulf %get3A_2018, %get3A_2018 : vector<16xf32>
      %add3A_2020 = arith.addf %add3A_2012, %mul3A_2019 : vector<16xf32>
      %mul3A_2021 = arith.constant 16 : i32
      %mul3A_2022 = arith.muli %scan3A_1771, %mul3A_2021 : i32
      %get3A_2023 = arith.constant 31 : i32
      %get3A_2024 = arith.index_cast %get3A_2023 : i32 to index
      %get3A_2025 = arith.index_cast %mul3A_2022 : i32 to index
      %get3A_2026 = tpu.vector_load %arg6[%get3A_2024, %get3A_2025] {strides = array<i32>} : memref<32x999xf32, #tpu.memory_space<vmem>>, vector<16xf32>,
      %mul3A_2027 = arith.mulf %get3A_2026, %get3A_2026 : vector<16xf32>
      %add3A_2028 = arith.addf %add3A_2020, %mul3A_2027 : vector<16xf32>
      scf.yield %add3A_2028 : vector<16xf32>
    }
    %scan3A_459 = arith.constant 62 : i32
    %get3A_460 = arith.constant 0 : i32
    %get3A_461 = arith.index_cast %get3A_460 : i32 to index
    %get3A_462 = arith.constant 983 : index
    %get3A_463 = tpu.vector_load %arg6[%get3A_461, %get3A_462] {strides = array<i32>} : memref<32x999xf32, #tpu.memory_space<vmem>>, vector<16xf32>,
    %ge3A_464 = arith.constant 9 : i32
    %ge3A_465 = vector.broadcast %ge3A_464 : i32 to vector<16xi32>
    %ge3A_466 = arith.cmpi sge, %iota3A, %ge3A_465 : vector<16xi32>
    %mul3A_467 = arith.mulf %get3A_463, %get3A_463 : vector<16xf32>
    %jit3A_468 = arith.constant 0.000000e+00 : f32
    %broadcast_in_dim3A_469 = vector.broadcast %jit3A_468 : f32 to vector<16xf32>
    %select_n3A_470 = arith.select %ge3A_466, %mul3A_467, %broadcast_in_dim3A_469 : vector<16xi1>, vector<16xf32>
    %add3A_471 = arith.addf %scan3A_458, %select_n3A_470 : vector<16xf32>
    %get3A_472 = arith.constant 1 : i32
    %get3A_473 = arith.index_cast %get3A_472 : i32 to index
    %get3A_474 = arith.constant 983 : index
    %get3A_475 = tpu.vector_load %arg6[%get3A_473, %get3A_474] {strides = array<i32>} : memref<32x999xf32, #tpu.memory_space<vmem>>, vector<16xf32>,
    %ge3A_476 = arith.constant 9 : i32
    %ge3A_477 = vector.broadcast %ge3A_476 : i32 to vector<16xi32>
    %ge3A_478 = arith.cmpi sge, %iota3A, %ge3A_477 : vector<16xi32>
    %mul3A_479 = arith.mulf %get3A_475, %get3A_475 : vector<16xf32>
    %jit3A_480 = arith.constant 0.000000e+00 : f32
    %broadcast_in_dim3A_481 = vector.broadcast %jit3A_480 : f32 to vector<16xf32>
    %select_n3A_482 = arith.select %ge3A_478, %mul3A_479, %broadcast_in_dim3A_481 : vector<16xi1>, vector<16xf32>
    %add3A_483 = arith.addf %add3A_471, %select_n3A_482 : vector<16xf32>
    %get3A_484 = arith.constant 2 : i32
    %get3A_485 = arith.index_cast %get3A_484 : i32 to index
    %get3A_486 = arith.constant 983 : index
    %get3A_487 = tpu.vector_load %arg6[%get3A_485, %get3A_486] {strides = array<i32>} : memref<32x999xf32, #tpu.memory_space<vmem>>, vector<16xf32>,
    %ge3A_488 = arith.constant 9 : i32
    %ge3A_489 = vector.broadcast %ge3A_488 : i32 to vector<16xi32>
    %ge3A_490 = arith.cmpi sge, %iota3A, %ge3A_489 : vector<16xi32>
    %mul3A_491 = arith.mulf %get3A_487, %get3A_487 : vector<16xf32>
    %jit3A_492 = arith.constant 0.000000e+00 : f32
    %broadcast_in_dim3A_493 = vector.broadcast %jit3A_492 : f32 to vector<16xf32>
    %select_n3A_494 = arith.select %ge3A_490, %mul3A_491, %broadcast_in_dim3A_493 : vector<16xi1>, vector<16xf32>
    %add3A_495 = arith.addf %add3A_483, %select_n3A_494 : vector<16xf32>
    %get3A_496 = arith.constant 3 : i32
    %get3A_497 = arith.index_cast %get3A_496 : i32 to index
    %get3A_498 = arith.constant 983 : index
    %get3A_499 = tpu.vector_load %arg6[%get3A_497, %get3A_498] {strides = array<i32>} : memref<32x999xf32, #tpu.memory_space<vmem>>, vector<16xf32>,
    %ge3A_500 = arith.constant 9 : i32
    %ge3A_501 = vector.broadcast %ge3A_500 : i32 to vector<16xi32>
    %ge3A_502 = arith.cmpi sge, %iota3A, %ge3A_501 : vector<16xi32>
    %mul3A_503 = arith.mulf %get3A_499, %get3A_499 : vector<16xf32>
    %jit3A_504 = arith.constant 0.000000e+00 : f32
    %broadcast_in_dim3A_505 = vector.broadcast %jit3A_504 : f32 to vector<16xf32>
    %select_n3A_506 = arith.select %ge3A_502, %mul3A_503, %broadcast_in_dim3A_505 : vector<16xi1>, vector<16xf32>
    %add3A_507 = arith.addf %add3A_495, %select_n3A_506 : vector<16xf32>
    %get3A_508 = arith.constant 4 : i32
    %get3A_509 = arith.index_cast %get3A_508 : i32 to index
    %get3A_510 = arith.constant 983 : index
    %get3A_511 = tpu.vector_load %arg6[%get3A_509, %get3A_510] {strides = array<i32>} : memref<32x999xf32, #tpu.memory_space<vmem>>, vector<16xf32>,
    %ge3A_512 = arith.constant 9 : i32
    %ge3A_513 = vector.broadcast %ge3A_512 : i32 to vector<16xi32>
    %ge3A_514 = arith.cmpi sge, %iota3A, %ge3A_513 : vector<16xi32>
    %mul3A_515 = arith.mulf %get3A_511, %get3A_511 : vector<16xf32>
    %jit3A_516 = arith.constant 0.000000e+00 : f32
    %broadcast_in_dim3A_517 = vector.broadcast %jit3A_516 : f32 to vector<16xf32>
    %select_n3A_518 = arith.select %ge3A_514, %mul3A_515, %broadcast_in_dim3A_517 : vector<16xi1>, vector<16xf32>
    %add3A_519 = arith.addf %add3A_507, %select_n3A_518 : vector<16xf32>
    %get3A_520 = arith.constant 5 : i32
    %get3A_521 = arith.index_cast %get3A_520 : i32 to index
    %get3A_522 = arith.constant 983 : index
    %get3A_523 = tpu.vector_load %arg6[%get3A_521, %get3A_522] {strides = array<i32>} : memref<32x999xf32, #tpu.memory_space<vmem>>, vector<16xf32>,
    %ge3A_524 = arith.constant 9 : i32
    %ge3A_525 = vector.broadcast %ge3A_524 : i32 to vector<16xi32>
    %ge3A_526 = arith.cmpi sge, %iota3A, %ge3A_525 : vector<16xi32>
    %mul3A_527 = arith.mulf %get3A_523, %get3A_523 : vector<16xf32>
    %jit3A_528 = arith.constant 0.000000e+00 : f32
    %broadcast_in_dim3A_529 = vector.broadcast %jit3A_528 : f32 to vector<16xf32>
    %select_n3A_530 = arith.select %ge3A_526, %mul3A_527, %broadcast_in_dim3A_529 : vector<16xi1>, vector<16xf32>
    %add3A_531 = arith.addf %add3A_519, %select_n3A_530 : vector<16xf32>
    %get3A_532 = arith.constant 6 : i32
    %get3A_533 = arith.index_cast %get3A_532 : i32 to index
    %get3A_534 = arith.constant 983 : index
    %get3A_535 = tpu.vector_load %arg6[%get3A_533, %get3A_534] {strides = array<i32>} : memref<32x999xf32, #tpu.memory_space<vmem>>, vector<16xf32>,
    %ge3A_536 = arith.constant 9 : i32
    %ge3A_537 = vector.broadcast %ge3A_536 : i32 to vector<16xi32>
    %ge3A_538 = arith.cmpi sge, %iota3A, %ge3A_537 : vector<16xi32>
    %mul3A_539 = arith.mulf %get3A_535, %get3A_535 : vector<16xf32>
    %jit3A_540 = arith.constant 0.000000e+00 : f32
    %broadcast_in_dim3A_541 = vector.broadcast %jit3A_540 : f32 to vector<16xf32>
    %select_n3A_542 = arith.select %ge3A_538, %mul3A_539, %broadcast_in_dim3A_541 : vector<16xi1>, vector<16xf32>
    %add3A_543 = arith.addf %add3A_531, %select_n3A_542 : vector<16xf32>
    %get3A_544 = arith.constant 7 : i32
    %get3A_545 = arith.index_cast %get3A_544 : i32 to index
    %get3A_546 = arith.constant 983 : index
    %get3A_547 = tpu.vector_load %arg6[%get3A_545, %get3A_546] {strides = array<i32>} : memref<32x999xf32, #tpu.memory_space<vmem>>, vector<16xf32>,
    %ge3A_548 = arith.constant 9 : i32
    %ge3A_549 = vector.broadcast %ge3A_548 : i32 to vector<16xi32>
    %ge3A_550 = arith.cmpi sge, %iota3A, %ge3A_549 : vector<16xi32>
    %mul3A_551 = arith.mulf %get3A_547, %get3A_547 : vector<16xf32>
    %jit3A_552 = arith.constant 0.000000e+00 : f32
    %broadcast_in_dim3A_553 = vector.broadcast %jit3A_552 : f32 to vector<16xf32>
    %select_n3A_554 = arith.select %ge3A_550, %mul3A_551, %broadcast_in_dim3A_553 : vector<16xi1>, vector<16xf32>
    %add3A_555 = arith.addf %add3A_543, %select_n3A_554 : vector<16xf32>
    %get3A_556 = arith.constant 8 : i32
    %get3A_557 = arith.index_cast %get3A_556 : i32 to index
    %get3A_558 = arith.constant 983 : index
    %get3A_559 = tpu.vector_load %arg6[%get3A_557, %get3A_558] {strides = array<i32>} : memref<32x999xf32, #tpu.memory_space<vmem>>, vector<16xf32>,
    %ge3A_560 = arith.constant 9 : i32
    %ge3A_561 = vector.broadcast %ge3A_560 : i32 to vector<16xi32>
    %ge3A_562 = arith.cmpi sge, %iota3A, %ge3A_561 : vector<16xi32>
    %mul3A_563 = arith.mulf %get3A_559, %get3A_559 : vector<16xf32>
    %jit3A_564 = arith.constant 0.000000e+00 : f32
    %broadcast_in_dim3A_565 = vector.broadcast %jit3A_564 : f32 to vector<16xf32>
    %select_n3A_566 = arith.select %ge3A_562, %mul3A_563, %broadcast_in_dim3A_565 : vector<16xi1>, vector<16xf32>
    %add3A_567 = arith.addf %add3A_555, %select_n3A_566 : vector<16xf32>
    %get3A_568 = arith.constant 9 : i32
    %get3A_569 = arith.index_cast %get3A_568 : i32 to index
    %get3A_570 = arith.constant 983 : index
    %get3A_571 = tpu.vector_load %arg6[%get3A_569, %get3A_570] {strides = array<i32>} : memref<32x999xf32, #tpu.memory_space<vmem>>, vector<16xf32>,
    %ge3A_572 = arith.constant 9 : i32
    %ge3A_573 = vector.broadcast %ge3A_572 : i32 to vector<16xi32>
    %ge3A_574 = arith.cmpi sge, %iota3A, %ge3A_573 : vector<16xi32>
    %mul3A_575 = arith.mulf %get3A_571, %get3A_571 : vector<16xf32>
    %jit3A_576 = arith.constant 0.000000e+00 : f32
    %broadcast_in_dim3A_577 = vector.broadcast %jit3A_576 : f32 to vector<16xf32>
    %select_n3A_578 = arith.select %ge3A_574, %mul3A_575, %broadcast_in_dim3A_577 : vector<16xi1>, vector<16xf32>
    %add3A_579 = arith.addf %add3A_567, %select_n3A_578 : vector<16xf32>
    %get3A_580 = arith.constant 10 : i32
    %get3A_581 = arith.index_cast %get3A_580 : i32 to index
    %get3A_582 = arith.constant 983 : index
    %get3A_583 = tpu.vector_load %arg6[%get3A_581, %get3A_582] {strides = array<i32>} : memref<32x999xf32, #tpu.memory_space<vmem>>, vector<16xf32>,
    %ge3A_584 = arith.constant 9 : i32
    %ge3A_585 = vector.broadcast %ge3A_584 : i32 to vector<16xi32>
    %ge3A_586 = arith.cmpi sge, %iota3A, %ge3A_585 : vector<16xi32>
    %mul3A_587 = arith.mulf %get3A_583, %get3A_583 : vector<16xf32>
    %jit3A_588 = arith.constant 0.000000e+00 : f32
    %broadcast_in_dim3A_589 = vector.broadcast %jit3A_588 : f32 to vector<16xf32>
    %select_n3A_590 = arith.select %ge3A_586, %mul3A_587, %broadcast_in_dim3A_589 : vector<16xi1>, vector<16xf32>
    %add3A_591 = arith.addf %add3A_579, %select_n3A_590 : vector<16xf32>
    %get3A_592 = arith.constant 11 : i32
    %get3A_593 = arith.index_cast %get3A_592 : i32 to index
    %get3A_594 = arith.constant 983 : index
    %get3A_595 = tpu.vector_load %arg6[%get3A_593, %get3A_594] {strides = array<i32>} : memref<32x999xf32, #tpu.memory_space<vmem>>, vector<16xf32>,
    %ge3A_596 = arith.constant 9 : i32
    %ge3A_597 = vector.broadcast %ge3A_596 : i32 to vector<16xi32>
    %ge3A_598 = arith.cmpi sge, %iota3A, %ge3A_597 : vector<16xi32>
    %mul3A_599 = arith.mulf %get3A_595, %get3A_595 : vector<16xf32>
    %jit3A_600 = arith.constant 0.000000e+00 : f32
    %broadcast_in_dim3A_601 = vector.broadcast %jit3A_600 : f32 to vector<16xf32>
    %select_n3A_602 = arith.select %ge3A_598, %mul3A_599, %broadcast_in_dim3A_601 : vector<16xi1>, vector<16xf32>
    %add3A_603 = arith.addf %add3A_591, %select_n3A_602 : vector<16xf32>
    %get3A_604 = arith.constant 12 : i32
    %get3A_605 = arith.index_cast %get3A_604 : i32 to index
    %get3A_606 = arith.constant 983 : index
    %get3A_607 = tpu.vector_load %arg6[%get3A_605, %get3A_606] {strides = array<i32>} : memref<32x999xf32, #tpu.memory_space<vmem>>, vector<16xf32>,
    %ge3A_608 = arith.constant 9 : i32
    %ge3A_609 = vector.broadcast %ge3A_608 : i32 to vector<16xi32>
    %ge3A_610 = arith.cmpi sge, %iota3A, %ge3A_609 : vector<16xi32>
    %mul3A_611 = arith.mulf %get3A_607, %get3A_607 : vector<16xf32>
    %jit3A_612 = arith.constant 0.000000e+00 : f32
    %broadcast_in_dim3A_613 = vector.broadcast %jit3A_612 : f32 to vector<16xf32>
    %select_n3A_614 = arith.select %ge3A_610, %mul3A_611, %broadcast_in_dim3A_613 : vector<16xi1>, vector<16xf32>
    %add3A_615 = arith.addf %add3A_603, %select_n3A_614 : vector<16xf32>
    %get3A_616 = arith.constant 13 : i32
    %get3A_617 = arith.index_cast %get3A_616 : i32 to index
    %get3A_618 = arith.constant 983 : index
    %get3A_619 = tpu.vector_load %arg6[%get3A_617, %get3A_618] {strides = array<i32>} : memref<32x999xf32, #tpu.memory_space<vmem>>, vector<16xf32>,
    %ge3A_620 = arith.constant 9 : i32
    %ge3A_621 = vector.broadcast %ge3A_620 : i32 to vector<16xi32>
    %ge3A_622 = arith.cmpi sge, %iota3A, %ge3A_621 : vector<16xi32>
    %mul3A_623 = arith.mulf %get3A_619, %get3A_619 : vector<16xf32>
    %jit3A_624 = arith.constant 0.000000e+00 : f32
    %broadcast_in_dim3A_625 = vector.broadcast %jit3A_624 : f32 to vector<16xf32>
    %select_n3A_626 = arith.select %ge3A_622, %mul3A_623, %broadcast_in_dim3A_625 : vector<16xi1>, vector<16xf32>
    %add3A_627 = arith.addf %add3A_615, %select_n3A_626 : vector<16xf32>
    %get3A_628 = arith.constant 14 : i32
    %get3A_629 = arith.index_cast %get3A_628 : i32 to index
    %get3A_630 = arith.constant 983 : index
    %get3A_631 = tpu.vector_load %arg6[%get3A_629, %get3A_630] {strides = array<i32>} : memref<32x999xf32, #tpu.memory_space<vmem>>, vector<16xf32>,
    %ge3A_632 = arith.constant 9 : i32
    %ge3A_633 = vector.broadcast %ge3A_632 : i32 to vector<16xi32>
    %ge3A_634 = arith.cmpi sge, %iota3A, %ge3A_633 : vector<16xi32>
    %mul3A_635 = arith.mulf %get3A_631, %get3A_631 : vector<16xf32>
    %jit3A_636 = arith.constant 0.000000e+00 : f32
    %broadcast_in_dim3A_637 = vector.broadcast %jit3A_636 : f32 to vector<16xf32>
    %select_n3A_638 = arith.select %ge3A_634, %mul3A_635, %broadcast_in_dim3A_637 : vector<16xi1>, vector<16xf32>
    %add3A_639 = arith.addf %add3A_627, %select_n3A_638 : vector<16xf32>
    %get3A_640 = arith.constant 15 : i32
    %get3A_641 = arith.index_cast %get3A_640 : i32 to index
    %get3A_642 = arith.constant 983 : index
    %get3A_643 = tpu.vector_load %arg6[%get3A_641, %get3A_642] {strides = array<i32>} : memref<32x999xf32, #tpu.memory_space<vmem>>, vector<16xf32>,
    %ge3A_644 = arith.constant 9 : i32
    %ge3A_645 = vector.broadcast %ge3A_644 : i32 to vector<16xi32>
    %ge3A_646 = arith.cmpi sge, %iota3A, %ge3A_645 : vector<16xi32>
    %mul3A_647 = arith.mulf %get3A_643, %get3A_643 : vector<16xf32>
    %jit3A_648 = arith.constant 0.000000e+00 : f32
    %broadcast_in_dim3A_649 = vector.broadcast %jit3A_648 : f32 to vector<16xf32>
    %select_n3A_650 = arith.select %ge3A_646, %mul3A_647, %broadcast_in_dim3A_649 : vector<16xi1>, vector<16xf32>
    %add3A_651 = arith.addf %add3A_639, %select_n3A_650 : vector<16xf32>
    %get3A_652 = arith.constant 16 : i32
    %get3A_653 = arith.index_cast %get3A_652 : i32 to index
    %get3A_654 = arith.constant 983 : index
    %get3A_655 = tpu.vector_load %arg6[%get3A_653, %get3A_654] {strides = array<i32>} : memref<32x999xf32, #tpu.memory_space<vmem>>, vector<16xf32>,
    %ge3A_656 = arith.constant 9 : i32
    %ge3A_657 = vector.broadcast %ge3A_656 : i32 to vector<16xi32>
    %ge3A_658 = arith.cmpi sge, %iota3A, %ge3A_657 : vector<16xi32>
    %mul3A_659 = arith.mulf %get3A_655, %get3A_655 : vector<16xf32>
    %jit3A_660 = arith.constant 0.000000e+00 : f32
    %broadcast_in_dim3A_661 = vector.broadcast %jit3A_660 : f32 to vector<16xf32>
    %select_n3A_662 = arith.select %ge3A_658, %mul3A_659, %broadcast_in_dim3A_661 : vector<16xi1>, vector<16xf32>
    %add3A_663 = arith.addf %add3A_651, %select_n3A_662 : vector<16xf32>
    %get3A_664 = arith.constant 17 : i32
    %get3A_665 = arith.index_cast %get3A_664 : i32 to index
    %get3A_666 = arith.constant 983 : index
    %get3A_667 = tpu.vector_load %arg6[%get3A_665, %get3A_666] {strides = array<i32>} : memref<32x999xf32, #tpu.memory_space<vmem>>, vector<16xf32>,
    %ge3A_668 = arith.constant 9 : i32
    %ge3A_669 = vector.broadcast %ge3A_668 : i32 to vector<16xi32>
    %ge3A_670 = arith.cmpi sge, %iota3A, %ge3A_669 : vector<16xi32>
    %mul3A_671 = arith.mulf %get3A_667, %get3A_667 : vector<16xf32>
    %jit3A_672 = arith.constant 0.000000e+00 : f32
    %broadcast_in_dim3A_673 = vector.broadcast %jit3A_672 : f32 to vector<16xf32>
    %select_n3A_674 = arith.select %ge3A_670, %mul3A_671, %broadcast_in_dim3A_673 : vector<16xi1>, vector<16xf32>
    %add3A_675 = arith.addf %add3A_663, %select_n3A_674 : vector<16xf32>
    %get3A_676 = arith.constant 18 : i32
    %get3A_677 = arith.index_cast %get3A_676 : i32 to index
    %get3A_678 = arith.constant 983 : index
    %get3A_679 = tpu.vector_load %arg6[%get3A_677, %get3A_678] {strides = array<i32>} : memref<32x999xf32, #tpu.memory_space<vmem>>, vector<16xf32>,
    %ge3A_680 = arith.constant 9 : i32
    %ge3A_681 = vector.broadcast %ge3A_680 : i32 to vector<16xi32>
    %ge3A_682 = arith.cmpi sge, %iota3A, %ge3A_681 : vector<16xi32>
    %mul3A_683 = arith.mulf %get3A_679, %get3A_679 : vector<16xf32>
    %jit3A_684 = arith.constant 0.000000e+00 : f32
    %broadcast_in_dim3A_685 = vector.broadcast %jit3A_684 : f32 to vector<16xf32>
    %select_n3A_686 = arith.select %ge3A_682, %mul3A_683, %broadcast_in_dim3A_685 : vector<16xi1>, vector<16xf32>
    %add3A_687 = arith.addf %add3A_675, %select_n3A_686 : vector<16xf32>
    %get3A_688 = arith.constant 19 : i32
    %get3A_689 = arith.index_cast %get3A_688 : i32 to index
    %get3A_690 = arith.constant 983 : index
    %get3A_691 = tpu.vector_load %arg6[%get3A_689, %get3A_690] {strides = array<i32>} : memref<32x999xf32, #tpu.memory_space<vmem>>, vector<16xf32>,
    %ge3A_692 = arith.constant 9 : i32
    %ge3A_693 = vector.broadcast %ge3A_692 : i32 to vector<16xi32>
    %ge3A_694 = arith.cmpi sge, %iota3A, %ge3A_693 : vector<16xi32>
    %mul3A_695 = arith.mulf %get3A_691, %get3A_691 : vector<16xf32>
    %jit3A_696 = arith.constant 0.000000e+00 : f32
    %broadcast_in_dim3A_697 = vector.broadcast %jit3A_696 : f32 to vector<16xf32>
    %select_n3A_698 = arith.select %ge3A_694, %mul3A_695, %broadcast_in_dim3A_697 : vector<16xi1>, vector<16xf32>
    %add3A_699 = arith.addf %add3A_687, %select_n3A_698 : vector<16xf32>
    %get3A_700 = arith.constant 20 : i32
    %get3A_701 = arith.index_cast %get3A_700 : i32 to index
    %get3A_702 = arith.constant 983 : index
    %get3A_703 = tpu.vector_load %arg6[%get3A_701, %get3A_702] {strides = array<i32>} : memref<32x999xf32, #tpu.memory_space<vmem>>, vector<16xf32>,
    %ge3A_704 = arith.constant 9 : i32
    %ge3A_705 = vector.broadcast %ge3A_704 : i32 to vector<16xi32>
    %ge3A_706 = arith.cmpi sge, %iota3A, %ge3A_705 : vector<16xi32>
    %mul3A_707 = arith.mulf %get3A_703, %get3A_703 : vector<16xf32>
    %jit3A_708 = arith.constant 0.000000e+00 : f32
    %broadcast_in_dim3A_709 = vector.broadcast %jit3A_708 : f32 to vector<16xf32>
    %select_n3A_710 = arith.select %ge3A_706, %mul3A_707, %broadcast_in_dim3A_709 : vector<16xi1>, vector<16xf32>
    %add3A_711 = arith.addf %add3A_699, %select_n3A_710 : vector<16xf32>
    %get3A_712 = arith.constant 21 : i32
    %get3A_713 = arith.index_cast %get3A_712 : i32 to index
    %get3A_714 = arith.constant 983 : index
    %get3A_715 = tpu.vector_load %arg6[%get3A_713, %get3A_714] {strides = array<i32>} : memref<32x999xf32, #tpu.memory_space<vmem>>, vector<16xf32>,
    %ge3A_716 = arith.constant 9 : i32
    %ge3A_717 = vector.broadcast %ge3A_716 : i32 to vector<16xi32>
    %ge3A_718 = arith.cmpi sge, %iota3A, %ge3A_717 : vector<16xi32>
    %mul3A_719 = arith.mulf %get3A_715, %get3A_715 : vector<16xf32>
    %jit3A_720 = arith.constant 0.000000e+00 : f32
    %broadcast_in_dim3A_721 = vector.broadcast %jit3A_720 : f32 to vector<16xf32>
    %select_n3A_722 = arith.select %ge3A_718, %mul3A_719, %broadcast_in_dim3A_721 : vector<16xi1>, vector<16xf32>
    %add3A_723 = arith.addf %add3A_711, %select_n3A_722 : vector<16xf32>
    %get3A_724 = arith.constant 22 : i32
    %get3A_725 = arith.index_cast %get3A_724 : i32 to index
    %get3A_726 = arith.constant 983 : index
    %get3A_727 = tpu.vector_load %arg6[%get3A_725, %get3A_726] {strides = array<i32>} : memref<32x999xf32, #tpu.memory_space<vmem>>, vector<16xf32>,
    %ge3A_728 = arith.constant 9 : i32
    %ge3A_729 = vector.broadcast %ge3A_728 : i32 to vector<16xi32>
    %ge3A_730 = arith.cmpi sge, %iota3A, %ge3A_729 : vector<16xi32>
    %mul3A_731 = arith.mulf %get3A_727, %get3A_727 : vector<16xf32>
    %jit3A_732 = arith.constant 0.000000e+00 : f32
    %broadcast_in_dim3A_733 = vector.broadcast %jit3A_732 : f32 to vector<16xf32>
    %select_n3A_734 = arith.select %ge3A_730, %mul3A_731, %broadcast_in_dim3A_733 : vector<16xi1>, vector<16xf32>
    %add3A_735 = arith.addf %add3A_723, %select_n3A_734 : vector<16xf32>
    %get3A_736 = arith.constant 23 : i32
    %get3A_737 = arith.index_cast %get3A_736 : i32 to index
    %get3A_738 = arith.constant 983 : index
    %get3A_739 = tpu.vector_load %arg6[%get3A_737, %get3A_738] {strides = array<i32>} : memref<32x999xf32, #tpu.memory_space<vmem>>, vector<16xf32>,
    %ge3A_740 = arith.constant 9 : i32
    %ge3A_741 = vector.broadcast %ge3A_740 : i32 to vector<16xi32>
    %ge3A_742 = arith.cmpi sge, %iota3A, %ge3A_741 : vector<16xi32>
    %mul3A_743 = arith.mulf %get3A_739, %get3A_739 : vector<16xf32>
    %jit3A_744 = arith.constant 0.000000e+00 : f32
    %broadcast_in_dim3A_745 = vector.broadcast %jit3A_744 : f32 to vector<16xf32>
    %select_n3A_746 = arith.select %ge3A_742, %mul3A_743, %broadcast_in_dim3A_745 : vector<16xi1>, vector<16xf32>
    %add3A_747 = arith.addf %add3A_735, %select_n3A_746 : vector<16xf32>
    %get3A_748 = arith.constant 24 : i32
    %get3A_749 = arith.index_cast %get3A_748 : i32 to index
    %get3A_750 = arith.constant 983 : index
    %get3A_751 = tpu.vector_load %arg6[%get3A_749, %get3A_750] {strides = array<i32>} : memref<32x999xf32, #tpu.memory_space<vmem>>, vector<16xf32>,
    %ge3A_752 = arith.constant 9 : i32
    %ge3A_753 = vector.broadcast %ge3A_752 : i32 to vector<16xi32>
    %ge3A_754 = arith.cmpi sge, %iota3A, %ge3A_753 : vector<16xi32>
    %mul3A_755 = arith.mulf %get3A_751, %get3A_751 : vector<16xf32>
    %jit3A_756 = arith.constant 0.000000e+00 : f32
    %broadcast_in_dim3A_757 = vector.broadcast %jit3A_756 : f32 to vector<16xf32>
    %select_n3A_758 = arith.select %ge3A_754, %mul3A_755, %broadcast_in_dim3A_757 : vector<16xi1>, vector<16xf32>
    %add3A_759 = arith.addf %add3A_747, %select_n3A_758 : vector<16xf32>
    %get3A_760 = arith.constant 25 : i32
    %get3A_761 = arith.index_cast %get3A_760 : i32 to index
    %get3A_762 = arith.constant 983 : index
    %get3A_763 = tpu.vector_load %arg6[%get3A_761, %get3A_762] {strides = array<i32>} : memref<32x999xf32, #tpu.memory_space<vmem>>, vector<16xf32>,
    %ge3A_764 = arith.constant 9 : i32
    %ge3A_765 = vector.broadcast %ge3A_764 : i32 to vector<16xi32>
    %ge3A_766 = arith.cmpi sge, %iota3A, %ge3A_765 : vector<16xi32>
    %mul3A_767 = arith.mulf %get3A_763, %get3A_763 : vector<16xf32>
    %jit3A_768 = arith.constant 0.000000e+00 : f32
    %broadcast_in_dim3A_769 = vector.broadcast %jit3A_768 : f32 to vector<16xf32>
    %select_n3A_770 = arith.select %ge3A_766, %mul3A_767, %broadcast_in_dim3A_769 : vector<16xi1>, vector<16xf32>
    %add3A_771 = arith.addf %add3A_759, %select_n3A_770 : vector<16xf32>
    %get3A_772 = arith.constant 26 : i32
    %get3A_773 = arith.index_cast %get3A_772 : i32 to index
    %get3A_774 = arith.constant 983 : index
    %get3A_775 = tpu.vector_load %arg6[%get3A_773, %get3A_774] {strides = array<i32>} : memref<32x999xf32, #tpu.memory_space<vmem>>, vector<16xf32>,
    %ge3A_776 = arith.constant 9 : i32
    %ge3A_777 = vector.broadcast %ge3A_776 : i32 to vector<16xi32>
    %ge3A_778 = arith.cmpi sge, %iota3A, %ge3A_777 : vector<16xi32>
    %mul3A_779 = arith.mulf %get3A_775, %get3A_775 : vector<16xf32>
    %jit3A_780 = arith.constant 0.000000e+00 : f32
    %broadcast_in_dim3A_781 = vector.broadcast %jit3A_780 : f32 to vector<16xf32>
    %select_n3A_782 = arith.select %ge3A_778, %mul3A_779, %broadcast_in_dim3A_781 : vector<16xi1>, vector<16xf32>
    %add3A_783 = arith.addf %add3A_771, %select_n3A_782 : vector<16xf32>
    %get3A_784 = arith.constant 27 : i32
    %get3A_785 = arith.index_cast %get3A_784 : i32 to index
    %get3A_786 = arith.constant 983 : index
    %get3A_787 = tpu.vector_load %arg6[%get3A_785, %get3A_786] {strides = array<i32>} : memref<32x999xf32, #tpu.memory_space<vmem>>, vector<16xf32>,
    %ge3A_788 = arith.constant 9 : i32
    %ge3A_789 = vector.broadcast %ge3A_788 : i32 to vector<16xi32>
    %ge3A_790 = arith.cmpi sge, %iota3A, %ge3A_789 : vector<16xi32>
    %mul3A_791 = arith.mulf %get3A_787, %get3A_787 : vector<16xf32>
    %jit3A_792 = arith.constant 0.000000e+00 : f32
    %broadcast_in_dim3A_793 = vector.broadcast %jit3A_792 : f32 to vector<16xf32>
    %select_n3A_794 = arith.select %ge3A_790, %mul3A_791, %broadcast_in_dim3A_793 : vector<16xi1>, vector<16xf32>
    %add3A_795 = arith.addf %add3A_783, %select_n3A_794 : vector<16xf32>
    %get3A_796 = arith.constant 28 : i32
    %get3A_797 = arith.index_cast %get3A_796 : i32 to index
    %get3A_798 = arith.constant 983 : index
    %get3A_799 = tpu.vector_load %arg6[%get3A_797, %get3A_798] {strides = array<i32>} : memref<32x999xf32, #tpu.memory_space<vmem>>, vector<16xf32>,
    %ge3A_800 = arith.constant 9 : i32
    %ge3A_801 = vector.broadcast %ge3A_800 : i32 to vector<16xi32>
    %ge3A_802 = arith.cmpi sge, %iota3A, %ge3A_801 : vector<16xi32>
    %mul3A_803 = arith.mulf %get3A_799, %get3A_799 : vector<16xf32>
    %jit3A_804 = arith.constant 0.000000e+00 : f32
    %broadcast_in_dim3A_805 = vector.broadcast %jit3A_804 : f32 to vector<16xf32>
    %select_n3A_806 = arith.select %ge3A_802, %mul3A_803, %broadcast_in_dim3A_805 : vector<16xi1>, vector<16xf32>
    %add3A_807 = arith.addf %add3A_795, %select_n3A_806 : vector<16xf32>
    %get3A_808 = arith.constant 29 : i32
    %get3A_809 = arith.index_cast %get3A_808 : i32 to index
    %get3A_810 = arith.constant 983 : index
    %get3A_811 = tpu.vector_load %arg6[%get3A_809, %get3A_810] {strides = array<i32>} : memref<32x999xf32, #tpu.memory_space<vmem>>, vector<16xf32>,
    %ge3A_812 = arith.constant 9 : i32
    %ge3A_813 = vector.broadcast %ge3A_812 : i32 to vector<16xi32>
    %ge3A_814 = arith.cmpi sge, %iota3A, %ge3A_813 : vector<16xi32>
    %mul3A_815 = arith.mulf %get3A_811, %get3A_811 : vector<16xf32>
    %jit3A_816 = arith.constant 0.000000e+00 : f32
    %broadcast_in_dim3A_817 = vector.broadcast %jit3A_816 : f32 to vector<16xf32>
    %select_n3A_818 = arith.select %ge3A_814, %mul3A_815, %broadcast_in_dim3A_817 : vector<16xi1>, vector<16xf32>
    %add3A_819 = arith.addf %add3A_807, %select_n3A_818 : vector<16xf32>
    %get3A_820 = arith.constant 30 : i32
    %get3A_821 = arith.index_cast %get3A_820 : i32 to index
    %get3A_822 = arith.constant 983 : index
    %get3A_823 = tpu.vector_load %arg6[%get3A_821, %get3A_822] {strides = array<i32>} : memref<32x999xf32, #tpu.memory_space<vmem>>, vector<16xf32>,
    %ge3A_824 = arith.constant 9 : i32
    %ge3A_825 = vector.broadcast %ge3A_824 : i32 to vector<16xi32>
    %ge3A_826 = arith.cmpi sge, %iota3A, %ge3A_825 : vector<16xi32>
    %mul3A_827 = arith.mulf %get3A_823, %get3A_823 : vector<16xf32>
    %jit3A_828 = arith.constant 0.000000e+00 : f32
    %broadcast_in_dim3A_829 = vector.broadcast %jit3A_828 : f32 to vector<16xf32>
    %select_n3A_830 = arith.select %ge3A_826, %mul3A_827, %broadcast_in_dim3A_829 : vector<16xi1>, vector<16xf32>
    %add3A_831 = arith.addf %add3A_819, %select_n3A_830 : vector<16xf32>
    %get3A_832 = arith.constant 31 : i32
    %get3A_833 = arith.index_cast %get3A_832 : i32 to index
    %get3A_834 = arith.constant 983 : index
    %get3A_835 = tpu.vector_load %arg6[%get3A_833, %get3A_834] {strides = array<i32>} : memref<32x999xf32, #tpu.memory_space<vmem>>, vector<16xf32>,
    %ge3A_836 = arith.constant 9 : i32
    %ge3A_837 = vector.broadcast %ge3A_836 : i32 to vector<16xi32>
    %ge3A_838 = arith.cmpi sge, %iota3A, %ge3A_837 : vector<16xi32>
    %mul3A_839 = arith.mulf %get3A_835, %get3A_835 : vector<16xf32>
    %jit3A_840 = arith.constant 0.000000e+00 : f32
    %broadcast_in_dim3A_841 = vector.broadcast %jit3A_840 : f32 to vector<16xf32>
    %select_n3A_842 = arith.select %ge3A_838, %mul3A_839, %broadcast_in_dim3A_841 : vector<16xi1>, vector<16xf32>
    %add3A_843 = arith.addf %add3A_831, %select_n3A_842 : vector<16xf32>
    %get3A_844 = arith.constant 32 : index
    %get3A_845 = tpu.vector_load %arg7[%get3A_844] {strides = array<i32>} : memref<128xi32, #tpu.memory_space<vmem>>, vector<16xi32>,
    %add3A_846 = arith.constant 0 : i32
    %add3A_847 = vector.broadcast %add3A_846 : i32 to vector<16xi32>
    %add3A_848 = arith.addi %add3A_847, %iota3A : vector<16xi32>
    %sub3A_849 = arith.constant 1 : i32
    %sub3A_850 = vector.broadcast %sub3A_849 : i32 to vector<16xi32>
    %sub3A_851 = arith.subi %get3A_845, %sub3A_850 : vector<16xi32>
    %max3A_852 = arith.constant 0 : i32
    %max3A_853 = vector.broadcast %max3A_852 : i32 to vector<16xi32>
    %max3A_854 = arith.maxsi %sub3A_851, %max3A_853 : vector<16xi32>
    %gather3A_855 = tpu.vector_load_idx %arg6[%add3A_848, %max3A_854] : memref<32x999xf32, #tpu.memory_space<vmem>>[vector<16xi32>, vector<16xi32>], vector<16xf32>,
    %ge3A_856 = arith.constant 1 : i32
    %ge3A_857 = vector.broadcast %ge3A_856 : i32 to vector<16xi32>
    %ge3A_858 = arith.cmpi sge, %get3A_845, %ge3A_857 : vector<16xi32>
    %jit3A_859 = arith.constant 0.000000e+00 : f32
    %broadcast_in_dim3A_860 = vector.broadcast %jit3A_859 : f32 to vector<16xf32>
    %select_n3A_861 = arith.select %ge3A_858, %gather3A_855, %broadcast_in_dim3A_860 : vector<16xi1>, vector<16xf32>
    %mul3A_862 = arith.constant 2.000000e+00 : f32
    %mul3A_863 = vector.broadcast %mul3A_862 : f32 to vector<16xf32>
    %mul3A_864 = arith.mulf %mul3A_863, %select_n3A_861 : vector<16xf32>
    %sub3A_865 = arith.subf %add3A_843, %mul3A_864 : vector<16xf32>
    %get3A_866 = arith.constant 48 : index
    %get3A_867 = tpu.vector_load %arg7[%get3A_866] {strides = array<i32>} : memref<128xi32, #tpu.memory_space<vmem>>, vector<16xi32>,
    %add3A_868 = arith.constant 16 : i32
    %add3A_869 = vector.broadcast %add3A_868 : i32 to vector<16xi32>
    %add3A_870 = arith.addi %add3A_869, %iota3A : vector<16xi32>
    %sub3A_871 = arith.constant 1 : i32
    %sub3A_872 = vector.broadcast %sub3A_871 : i32 to vector<16xi32>
    %sub3A_873 = arith.subi %get3A_867, %sub3A_872 : vector<16xi32>
    %max3A_874 = arith.constant 0 : i32
    %max3A_875 = vector.broadcast %max3A_874 : i32 to vector<16xi32>
    %max3A_876 = arith.maxsi %sub3A_873, %max3A_875 : vector<16xi32>
    %gather3A_877 = tpu.vector_load_idx %arg6[%add3A_870, %max3A_876] : memref<32x999xf32, #tpu.memory_space<vmem>>[vector<16xi32>, vector<16xi32>], vector<16xf32>,
    %ge3A_878 = arith.constant 1 : i32
    %ge3A_879 = vector.broadcast %ge3A_878 : i32 to vector<16xi32>
    %ge3A_880 = arith.cmpi sge, %get3A_867, %ge3A_879 : vector<16xi32>
    %jit3A_881 = arith.constant 0.000000e+00 : f32
    %broadcast_in_dim3A_882 = vector.broadcast %jit3A_881 : f32 to vector<16xf32>
    %select_n3A_883 = arith.select %ge3A_880, %gather3A_877, %broadcast_in_dim3A_882 : vector<16xi1>, vector<16xf32>
    %mul3A_884 = arith.constant 2.000000e+00 : f32
    %mul3A_885 = vector.broadcast %mul3A_884 : f32 to vector<16xf32>
    %mul3A_886 = arith.mulf %mul3A_885, %select_n3A_883 : vector<16xf32>
    %sub3A_887 = arith.subf %sub3A_865, %mul3A_886 : vector<16xf32>
    %add3A_888 = arith.constant 96 : i32
    %add3A_889 = arith.addi %add3A_4, %add3A_888 : i32
    %dma_start3A_890 = arith.constant 0 : i32
    %dma_start3A_891 = tpu.memref_slice %arg2[%add3A_889, %dma_start3A_890] : memref<16384x999xf32, #tpu.memory_space<hbm>> -> memref<32x999xf32, #tpu.memory_space<hbm>>
    %dma_start3A_892 = arith.constant 0 : i32
    %dma_start3A_893 = tpu.memref_slice %arg2[%add3A_889, %dma_start3A_892] : memref<16384x999xf32, #tpu.memory_space<hbm>> -> memref<32x999xf32, #tpu.memory_space<hbm>>
    tpu.enqueue_dma source(%dma_start3A_893 : memref<32x999xf32, #tpu.memory_space<hbm>>) target(%arg6 : memref<32x999xf32, #tpu.memory_space<vmem>>) target_semaphore(%arg10 : memref<!tpu.dma_semaphore, #tpu.memory_space<semaphore_mem>>)
    %dma_wait3A_894 = arith.constant 0 : i32
    %dma_wait3A_895 = tpu.memref_slice %arg2[%add3A_445, %dma_wait3A_894] : memref<16384x999xf32, #tpu.memory_space<hbm>> -> memref<32x999xf32, #tpu.memory_space<hbm>>
    %dma_wait3A_896 = arith.constant 0 : i32
    %dma_wait3A_897 = tpu.memref_slice %arg2[%add3A_445, %dma_wait3A_896] : memref<16384x999xf32, #tpu.memory_space<hbm>> -> memref<32x999xf32, #tpu.memory_space<hbm>>
    tpu.wait_dma2 semaphore(%arg9 : memref<!tpu.dma_semaphore, #tpu.memory_space<semaphore_mem>>) src(%dma_wait3A_897 : memref<32x999xf32, #tpu.memory_space<hbm>>) dst(%arg5 : memref<32x999xf32, #tpu.memory_space<vmem>>)
    %scan3A_898 = arith.constant 0 : i32
    %scan3A_899 = arith.constant 62 : i32
    %scan3A_900 = arith.addi %scan3A_898, %scan3A_899 : i32
    %scan3A_901 = arith.constant 1 : i32
    %scan3A_902 = scf.for %scan3A_1771 = %scan3A_898 to %scan3A_900 step %scan3A_901 iter_args(%scan3A_1772 = %sub3A_887) -> (vector<16xf32>)  : i32 {
      %mul3A_1773 = arith.constant 16 : i32
      %mul3A_1774 = arith.muli %scan3A_1771, %mul3A_1773 : i32
      %get3A_1775 = arith.constant 0 : i32
      %get3A_1776 = arith.index_cast %get3A_1775 : i32 to index
      %get3A_1777 = arith.index_cast %mul3A_1774 : i32 to index
      %get3A_1778 = tpu.vector_load %arg5[%get3A_1776, %get3A_1777] {strides = array<i32>} : memref<32x999xf32, #tpu.memory_space<vmem>>, vector<16xf32>,
      %mul3A_1779 = arith.mulf %get3A_1778, %get3A_1778 : vector<16xf32>
      %add3A_1780 = arith.addf %scan3A_1772, %mul3A_1779 : vector<16xf32>
      %mul3A_1781 = arith.constant 16 : i32
      %mul3A_1782 = arith.muli %scan3A_1771, %mul3A_1781 : i32
      %get3A_1783 = arith.constant 1 : i32
      %get3A_1784 = arith.index_cast %get3A_1783 : i32 to index
      %get3A_1785 = arith.index_cast %mul3A_1782 : i32 to index
      %get3A_1786 = tpu.vector_load %arg5[%get3A_1784, %get3A_1785] {strides = array<i32>} : memref<32x999xf32, #tpu.memory_space<vmem>>, vector<16xf32>,
      %mul3A_1787 = arith.mulf %get3A_1786, %get3A_1786 : vector<16xf32>
      %add3A_1788 = arith.addf %add3A_1780, %mul3A_1787 : vector<16xf32>
      %mul3A_1789 = arith.constant 16 : i32
      %mul3A_1790 = arith.muli %scan3A_1771, %mul3A_1789 : i32
      %get3A_1791 = arith.constant 2 : i32
      %get3A_1792 = arith.index_cast %get3A_1791 : i32 to index
      %get3A_1793 = arith.index_cast %mul3A_1790 : i32 to index
      %get3A_1794 = tpu.vector_load %arg5[%get3A_1792, %get3A_1793] {strides = array<i32>} : memref<32x999xf32, #tpu.memory_space<vmem>>, vector<16xf32>,
      %mul3A_1795 = arith.mulf %get3A_1794, %get3A_1794 : vector<16xf32>
      %add3A_1796 = arith.addf %add3A_1788, %mul3A_1795 : vector<16xf32>
      %mul3A_1797 = arith.constant 16 : i32
      %mul3A_1798 = arith.muli %scan3A_1771, %mul3A_1797 : i32
      %get3A_1799 = arith.constant 3 : i32
      %get3A_1800 = arith.index_cast %get3A_1799 : i32 to index
      %get3A_1801 = arith.index_cast %mul3A_1798 : i32 to index
      %get3A_1802 = tpu.vector_load %arg5[%get3A_1800, %get3A_1801] {strides = array<i32>} : memref<32x999xf32, #tpu.memory_space<vmem>>, vector<16xf32>,
      %mul3A_1803 = arith.mulf %get3A_1802, %get3A_1802 : vector<16xf32>
      %add3A_1804 = arith.addf %add3A_1796, %mul3A_1803 : vector<16xf32>
      %mul3A_1805 = arith.constant 16 : i32
      %mul3A_1806 = arith.muli %scan3A_1771, %mul3A_1805 : i32
      %get3A_1807 = arith.constant 4 : i32
      %get3A_1808 = arith.index_cast %get3A_1807 : i32 to index
      %get3A_1809 = arith.index_cast %mul3A_1806 : i32 to index
      %get3A_1810 = tpu.vector_load %arg5[%get3A_1808, %get3A_1809] {strides = array<i32>} : memref<32x999xf32, #tpu.memory_space<vmem>>, vector<16xf32>,
      %mul3A_1811 = arith.mulf %get3A_1810, %get3A_1810 : vector<16xf32>
      %add3A_1812 = arith.addf %add3A_1804, %mul3A_1811 : vector<16xf32>
      %mul3A_1813 = arith.constant 16 : i32
      %mul3A_1814 = arith.muli %scan3A_1771, %mul3A_1813 : i32
      %get3A_1815 = arith.constant 5 : i32
      %get3A_1816 = arith.index_cast %get3A_1815 : i32 to index
      %get3A_1817 = arith.index_cast %mul3A_1814 : i32 to index
      %get3A_1818 = tpu.vector_load %arg5[%get3A_1816, %get3A_1817] {strides = array<i32>} : memref<32x999xf32, #tpu.memory_space<vmem>>, vector<16xf32>,
      %mul3A_1819 = arith.mulf %get3A_1818, %get3A_1818 : vector<16xf32>
      %add3A_1820 = arith.addf %add3A_1812, %mul3A_1819 : vector<16xf32>
      %mul3A_1821 = arith.constant 16 : i32
      %mul3A_1822 = arith.muli %scan3A_1771, %mul3A_1821 : i32
      %get3A_1823 = arith.constant 6 : i32
      %get3A_1824 = arith.index_cast %get3A_1823 : i32 to index
      %get3A_1825 = arith.index_cast %mul3A_1822 : i32 to index
      %get3A_1826 = tpu.vector_load %arg5[%get3A_1824, %get3A_1825] {strides = array<i32>} : memref<32x999xf32, #tpu.memory_space<vmem>>, vector<16xf32>,
      %mul3A_1827 = arith.mulf %get3A_1826, %get3A_1826 : vector<16xf32>
      %add3A_1828 = arith.addf %add3A_1820, %mul3A_1827 : vector<16xf32>
      %mul3A_1829 = arith.constant 16 : i32
      %mul3A_1830 = arith.muli %scan3A_1771, %mul3A_1829 : i32
      %get3A_1831 = arith.constant 7 : i32
      %get3A_1832 = arith.index_cast %get3A_1831 : i32 to index
      %get3A_1833 = arith.index_cast %mul3A_1830 : i32 to index
      %get3A_1834 = tpu.vector_load %arg5[%get3A_1832, %get3A_1833] {strides = array<i32>} : memref<32x999xf32, #tpu.memory_space<vmem>>, vector<16xf32>,
      %mul3A_1835 = arith.mulf %get3A_1834, %get3A_1834 : vector<16xf32>
      %add3A_1836 = arith.addf %add3A_1828, %mul3A_1835 : vector<16xf32>
      %mul3A_1837 = arith.constant 16 : i32
      %mul3A_1838 = arith.muli %scan3A_1771, %mul3A_1837 : i32
      %get3A_1839 = arith.constant 8 : i32
      %get3A_1840 = arith.index_cast %get3A_1839 : i32 to index
      %get3A_1841 = arith.index_cast %mul3A_1838 : i32 to index
      %get3A_1842 = tpu.vector_load %arg5[%get3A_1840, %get3A_1841] {strides = array<i32>} : memref<32x999xf32, #tpu.memory_space<vmem>>, vector<16xf32>,
      %mul3A_1843 = arith.mulf %get3A_1842, %get3A_1842 : vector<16xf32>
      %add3A_1844 = arith.addf %add3A_1836, %mul3A_1843 : vector<16xf32>
      %mul3A_1845 = arith.constant 16 : i32
      %mul3A_1846 = arith.muli %scan3A_1771, %mul3A_1845 : i32
      %get3A_1847 = arith.constant 9 : i32
      %get3A_1848 = arith.index_cast %get3A_1847 : i32 to index
      %get3A_1849 = arith.index_cast %mul3A_1846 : i32 to index
      %get3A_1850 = tpu.vector_load %arg5[%get3A_1848, %get3A_1849] {strides = array<i32>} : memref<32x999xf32, #tpu.memory_space<vmem>>, vector<16xf32>,
      %mul3A_1851 = arith.mulf %get3A_1850, %get3A_1850 : vector<16xf32>
      %add3A_1852 = arith.addf %add3A_1844, %mul3A_1851 : vector<16xf32>
      %mul3A_1853 = arith.constant 16 : i32
      %mul3A_1854 = arith.muli %scan3A_1771, %mul3A_1853 : i32
      %get3A_1855 = arith.constant 10 : i32
      %get3A_1856 = arith.index_cast %get3A_1855 : i32 to index
      %get3A_1857 = arith.index_cast %mul3A_1854 : i32 to index
      %get3A_1858 = tpu.vector_load %arg5[%get3A_1856, %get3A_1857] {strides = array<i32>} : memref<32x999xf32, #tpu.memory_space<vmem>>, vector<16xf32>,
      %mul3A_1859 = arith.mulf %get3A_1858, %get3A_1858 : vector<16xf32>
      %add3A_1860 = arith.addf %add3A_1852, %mul3A_1859 : vector<16xf32>
      %mul3A_1861 = arith.constant 16 : i32
      %mul3A_1862 = arith.muli %scan3A_1771, %mul3A_1861 : i32
      %get3A_1863 = arith.constant 11 : i32
      %get3A_1864 = arith.index_cast %get3A_1863 : i32 to index
      %get3A_1865 = arith.index_cast %mul3A_1862 : i32 to index
      %get3A_1866 = tpu.vector_load %arg5[%get3A_1864, %get3A_1865] {strides = array<i32>} : memref<32x999xf32, #tpu.memory_space<vmem>>, vector<16xf32>,
      %mul3A_1867 = arith.mulf %get3A_1866, %get3A_1866 : vector<16xf32>
      %add3A_1868 = arith.addf %add3A_1860, %mul3A_1867 : vector<16xf32>
      %mul3A_1869 = arith.constant 16 : i32
      %mul3A_1870 = arith.muli %scan3A_1771, %mul3A_1869 : i32
      %get3A_1871 = arith.constant 12 : i32
      %get3A_1872 = arith.index_cast %get3A_1871 : i32 to index
      %get3A_1873 = arith.index_cast %mul3A_1870 : i32 to index
      %get3A_1874 = tpu.vector_load %arg5[%get3A_1872, %get3A_1873] {strides = array<i32>} : memref<32x999xf32, #tpu.memory_space<vmem>>, vector<16xf32>,
      %mul3A_1875 = arith.mulf %get3A_1874, %get3A_1874 : vector<16xf32>
      %add3A_1876 = arith.addf %add3A_1868, %mul3A_1875 : vector<16xf32>
      %mul3A_1877 = arith.constant 16 : i32
      %mul3A_1878 = arith.muli %scan3A_1771, %mul3A_1877 : i32
      %get3A_1879 = arith.constant 13 : i32
      %get3A_1880 = arith.index_cast %get3A_1879 : i32 to index
      %get3A_1881 = arith.index_cast %mul3A_1878 : i32 to index
      %get3A_1882 = tpu.vector_load %arg5[%get3A_1880, %get3A_1881] {strides = array<i32>} : memref<32x999xf32, #tpu.memory_space<vmem>>, vector<16xf32>,
      %mul3A_1883 = arith.mulf %get3A_1882, %get3A_1882 : vector<16xf32>
      %add3A_1884 = arith.addf %add3A_1876, %mul3A_1883 : vector<16xf32>
      %mul3A_1885 = arith.constant 16 : i32
      %mul3A_1886 = arith.muli %scan3A_1771, %mul3A_1885 : i32
      %get3A_1887 = arith.constant 14 : i32
      %get3A_1888 = arith.index_cast %get3A_1887 : i32 to index
      %get3A_1889 = arith.index_cast %mul3A_1886 : i32 to index
      %get3A_1890 = tpu.vector_load %arg5[%get3A_1888, %get3A_1889] {strides = array<i32>} : memref<32x999xf32, #tpu.memory_space<vmem>>, vector<16xf32>,
      %mul3A_1891 = arith.mulf %get3A_1890, %get3A_1890 : vector<16xf32>
      %add3A_1892 = arith.addf %add3A_1884, %mul3A_1891 : vector<16xf32>
      %mul3A_1893 = arith.constant 16 : i32
      %mul3A_1894 = arith.muli %scan3A_1771, %mul3A_1893 : i32
      %get3A_1895 = arith.constant 15 : i32
      %get3A_1896 = arith.index_cast %get3A_1895 : i32 to index
      %get3A_1897 = arith.index_cast %mul3A_1894 : i32 to index
      %get3A_1898 = tpu.vector_load %arg5[%get3A_1896, %get3A_1897] {strides = array<i32>} : memref<32x999xf32, #tpu.memory_space<vmem>>, vector<16xf32>,
      %mul3A_1899 = arith.mulf %get3A_1898, %get3A_1898 : vector<16xf32>
      %add3A_1900 = arith.addf %add3A_1892, %mul3A_1899 : vector<16xf32>
      %mul3A_1901 = arith.constant 16 : i32
      %mul3A_1902 = arith.muli %scan3A_1771, %mul3A_1901 : i32
      %get3A_1903 = arith.constant 16 : i32
      %get3A_1904 = arith.index_cast %get3A_1903 : i32 to index
      %get3A_1905 = arith.index_cast %mul3A_1902 : i32 to index
      %get3A_1906 = tpu.vector_load %arg5[%get3A_1904, %get3A_1905] {strides = array<i32>} : memref<32x999xf32, #tpu.memory_space<vmem>>, vector<16xf32>,
      %mul3A_1907 = arith.mulf %get3A_1906, %get3A_1906 : vector<16xf32>
      %add3A_1908 = arith.addf %add3A_1900, %mul3A_1907 : vector<16xf32>
      %mul3A_1909 = arith.constant 16 : i32
      %mul3A_1910 = arith.muli %scan3A_1771, %mul3A_1909 : i32
      %get3A_1911 = arith.constant 17 : i32
      %get3A_1912 = arith.index_cast %get3A_1911 : i32 to index
      %get3A_1913 = arith.index_cast %mul3A_1910 : i32 to index
      %get3A_1914 = tpu.vector_load %arg5[%get3A_1912, %get3A_1913] {strides = array<i32>} : memref<32x999xf32, #tpu.memory_space<vmem>>, vector<16xf32>,
      %mul3A_1915 = arith.mulf %get3A_1914, %get3A_1914 : vector<16xf32>
      %add3A_1916 = arith.addf %add3A_1908, %mul3A_1915 : vector<16xf32>
      %mul3A_1917 = arith.constant 16 : i32
      %mul3A_1918 = arith.muli %scan3A_1771, %mul3A_1917 : i32
      %get3A_1919 = arith.constant 18 : i32
      %get3A_1920 = arith.index_cast %get3A_1919 : i32 to index
      %get3A_1921 = arith.index_cast %mul3A_1918 : i32 to index
      %get3A_1922 = tpu.vector_load %arg5[%get3A_1920, %get3A_1921] {strides = array<i32>} : memref<32x999xf32, #tpu.memory_space<vmem>>, vector<16xf32>,
      %mul3A_1923 = arith.mulf %get3A_1922, %get3A_1922 : vector<16xf32>
      %add3A_1924 = arith.addf %add3A_1916, %mul3A_1923 : vector<16xf32>
      %mul3A_1925 = arith.constant 16 : i32
      %mul3A_1926 = arith.muli %scan3A_1771, %mul3A_1925 : i32
      %get3A_1927 = arith.constant 19 : i32
      %get3A_1928 = arith.index_cast %get3A_1927 : i32 to index
      %get3A_1929 = arith.index_cast %mul3A_1926 : i32 to index
      %get3A_1930 = tpu.vector_load %arg5[%get3A_1928, %get3A_1929] {strides = array<i32>} : memref<32x999xf32, #tpu.memory_space<vmem>>, vector<16xf32>,
      %mul3A_1931 = arith.mulf %get3A_1930, %get3A_1930 : vector<16xf32>
      %add3A_1932 = arith.addf %add3A_1924, %mul3A_1931 : vector<16xf32>
      %mul3A_1933 = arith.constant 16 : i32
      %mul3A_1934 = arith.muli %scan3A_1771, %mul3A_1933 : i32
      %get3A_1935 = arith.constant 20 : i32
      %get3A_1936 = arith.index_cast %get3A_1935 : i32 to index
      %get3A_1937 = arith.index_cast %mul3A_1934 : i32 to index
      %get3A_1938 = tpu.vector_load %arg5[%get3A_1936, %get3A_1937] {strides = array<i32>} : memref<32x999xf32, #tpu.memory_space<vmem>>, vector<16xf32>,
      %mul3A_1939 = arith.mulf %get3A_1938, %get3A_1938 : vector<16xf32>
      %add3A_1940 = arith.addf %add3A_1932, %mul3A_1939 : vector<16xf32>
      %mul3A_1941 = arith.constant 16 : i32
      %mul3A_1942 = arith.muli %scan3A_1771, %mul3A_1941 : i32
      %get3A_1943 = arith.constant 21 : i32
      %get3A_1944 = arith.index_cast %get3A_1943 : i32 to index
      %get3A_1945 = arith.index_cast %mul3A_1942 : i32 to index
      %get3A_1946 = tpu.vector_load %arg5[%get3A_1944, %get3A_1945] {strides = array<i32>} : memref<32x999xf32, #tpu.memory_space<vmem>>, vector<16xf32>,
      %mul3A_1947 = arith.mulf %get3A_1946, %get3A_1946 : vector<16xf32>
      %add3A_1948 = arith.addf %add3A_1940, %mul3A_1947 : vector<16xf32>
      %mul3A_1949 = arith.constant 16 : i32
      %mul3A_1950 = arith.muli %scan3A_1771, %mul3A_1949 : i32
      %get3A_1951 = arith.constant 22 : i32
      %get3A_1952 = arith.index_cast %get3A_1951 : i32 to index
      %get3A_1953 = arith.index_cast %mul3A_1950 : i32 to index
      %get3A_1954 = tpu.vector_load %arg5[%get3A_1952, %get3A_1953] {strides = array<i32>} : memref<32x999xf32, #tpu.memory_space<vmem>>, vector<16xf32>,
      %mul3A_1955 = arith.mulf %get3A_1954, %get3A_1954 : vector<16xf32>
      %add3A_1956 = arith.addf %add3A_1948, %mul3A_1955 : vector<16xf32>
      %mul3A_1957 = arith.constant 16 : i32
      %mul3A_1958 = arith.muli %scan3A_1771, %mul3A_1957 : i32
      %get3A_1959 = arith.constant 23 : i32
      %get3A_1960 = arith.index_cast %get3A_1959 : i32 to index
      %get3A_1961 = arith.index_cast %mul3A_1958 : i32 to index
      %get3A_1962 = tpu.vector_load %arg5[%get3A_1960, %get3A_1961] {strides = array<i32>} : memref<32x999xf32, #tpu.memory_space<vmem>>, vector<16xf32>,
      %mul3A_1963 = arith.mulf %get3A_1962, %get3A_1962 : vector<16xf32>
      %add3A_1964 = arith.addf %add3A_1956, %mul3A_1963 : vector<16xf32>
      %mul3A_1965 = arith.constant 16 : i32
      %mul3A_1966 = arith.muli %scan3A_1771, %mul3A_1965 : i32
      %get3A_1967 = arith.constant 24 : i32
      %get3A_1968 = arith.index_cast %get3A_1967 : i32 to index
      %get3A_1969 = arith.index_cast %mul3A_1966 : i32 to index
      %get3A_1970 = tpu.vector_load %arg5[%get3A_1968, %get3A_1969] {strides = array<i32>} : memref<32x999xf32, #tpu.memory_space<vmem>>, vector<16xf32>,
      %mul3A_1971 = arith.mulf %get3A_1970, %get3A_1970 : vector<16xf32>
      %add3A_1972 = arith.addf %add3A_1964, %mul3A_1971 : vector<16xf32>
      %mul3A_1973 = arith.constant 16 : i32
      %mul3A_1974 = arith.muli %scan3A_1771, %mul3A_1973 : i32
      %get3A_1975 = arith.constant 25 : i32
      %get3A_1976 = arith.index_cast %get3A_1975 : i32 to index
      %get3A_1977 = arith.index_cast %mul3A_1974 : i32 to index
      %get3A_1978 = tpu.vector_load %arg5[%get3A_1976, %get3A_1977] {strides = array<i32>} : memref<32x999xf32, #tpu.memory_space<vmem>>, vector<16xf32>,
      %mul3A_1979 = arith.mulf %get3A_1978, %get3A_1978 : vector<16xf32>
      %add3A_1980 = arith.addf %add3A_1972, %mul3A_1979 : vector<16xf32>
      %mul3A_1981 = arith.constant 16 : i32
      %mul3A_1982 = arith.muli %scan3A_1771, %mul3A_1981 : i32
      %get3A_1983 = arith.constant 26 : i32
      %get3A_1984 = arith.index_cast %get3A_1983 : i32 to index
      %get3A_1985 = arith.index_cast %mul3A_1982 : i32 to index
      %get3A_1986 = tpu.vector_load %arg5[%get3A_1984, %get3A_1985] {strides = array<i32>} : memref<32x999xf32, #tpu.memory_space<vmem>>, vector<16xf32>,
      %mul3A_1987 = arith.mulf %get3A_1986, %get3A_1986 : vector<16xf32>
      %add3A_1988 = arith.addf %add3A_1980, %mul3A_1987 : vector<16xf32>
      %mul3A_1989 = arith.constant 16 : i32
      %mul3A_1990 = arith.muli %scan3A_1771, %mul3A_1989 : i32
      %get3A_1991 = arith.constant 27 : i32
      %get3A_1992 = arith.index_cast %get3A_1991 : i32 to index
      %get3A_1993 = arith.index_cast %mul3A_1990 : i32 to index
      %get3A_1994 = tpu.vector_load %arg5[%get3A_1992, %get3A_1993] {strides = array<i32>} : memref<32x999xf32, #tpu.memory_space<vmem>>, vector<16xf32>,
      %mul3A_1995 = arith.mulf %get3A_1994, %get3A_1994 : vector<16xf32>
      %add3A_1996 = arith.addf %add3A_1988, %mul3A_1995 : vector<16xf32>
      %mul3A_1997 = arith.constant 16 : i32
      %mul3A_1998 = arith.muli %scan3A_1771, %mul3A_1997 : i32
      %get3A_1999 = arith.constant 28 : i32
      %get3A_2000 = arith.index_cast %get3A_1999 : i32 to index
      %get3A_2001 = arith.index_cast %mul3A_1998 : i32 to index
      %get3A_2002 = tpu.vector_load %arg5[%get3A_2000, %get3A_2001] {strides = array<i32>} : memref<32x999xf32, #tpu.memory_space<vmem>>, vector<16xf32>,
      %mul3A_2003 = arith.mulf %get3A_2002, %get3A_2002 : vector<16xf32>
      %add3A_2004 = arith.addf %add3A_1996, %mul3A_2003 : vector<16xf32>
      %mul3A_2005 = arith.constant 16 : i32
      %mul3A_2006 = arith.muli %scan3A_1771, %mul3A_2005 : i32
      %get3A_2007 = arith.constant 29 : i32
      %get3A_2008 = arith.index_cast %get3A_2007 : i32 to index
      %get3A_2009 = arith.index_cast %mul3A_2006 : i32 to index
      %get3A_2010 = tpu.vector_load %arg5[%get3A_2008, %get3A_2009] {strides = array<i32>} : memref<32x999xf32, #tpu.memory_space<vmem>>, vector<16xf32>,
      %mul3A_2011 = arith.mulf %get3A_2010, %get3A_2010 : vector<16xf32>
      %add3A_2012 = arith.addf %add3A_2004, %mul3A_2011 : vector<16xf32>
      %mul3A_2013 = arith.constant 16 : i32
      %mul3A_2014 = arith.muli %scan3A_1771, %mul3A_2013 : i32
      %get3A_2015 = arith.constant 30 : i32
      %get3A_2016 = arith.index_cast %get3A_2015 : i32 to index
      %get3A_2017 = arith.index_cast %mul3A_2014 : i32 to index
      %get3A_2018 = tpu.vector_load %arg5[%get3A_2016, %get3A_2017] {strides = array<i32>} : memref<32x999xf32, #tpu.memory_space<vmem>>, vector<16xf32>,
      %mul3A_2019 = arith.mulf %get3A_2018, %get3A_2018 : vector<16xf32>
      %add3A_2020 = arith.addf %add3A_2012, %mul3A_2019 : vector<16xf32>
      %mul3A_2021 = arith.constant 16 : i32
      %mul3A_2022 = arith.muli %scan3A_1771, %mul3A_2021 : i32
      %get3A_2023 = arith.constant 31 : i32
      %get3A_2024 = arith.index_cast %get3A_2023 : i32 to index
      %get3A_2025 = arith.index_cast %mul3A_2022 : i32 to index
      %get3A_2026 = tpu.vector_load %arg5[%get3A_2024, %get3A_2025] {strides = array<i32>} : memref<32x999xf32, #tpu.memory_space<vmem>>, vector<16xf32>,
      %mul3A_2027 = arith.mulf %get3A_2026, %get3A_2026 : vector<16xf32>
      %add3A_2028 = arith.addf %add3A_2020, %mul3A_2027 : vector<16xf32>
      scf.yield %add3A_2028 : vector<16xf32>
    }
    %scan3A_903 = arith.constant 62 : i32
    %get3A_904 = arith.constant 0 : i32
    %get3A_905 = arith.index_cast %get3A_904 : i32 to index
    %get3A_906 = arith.constant 983 : index
    %get3A_907 = tpu.vector_load %arg5[%get3A_905, %get3A_906] {strides = array<i32>} : memref<32x999xf32, #tpu.memory_space<vmem>>, vector<16xf32>,
    %ge3A_908 = arith.constant 9 : i32
    %ge3A_909 = vector.broadcast %ge3A_908 : i32 to vector<16xi32>
    %ge3A_910 = arith.cmpi sge, %iota3A, %ge3A_909 : vector<16xi32>
    %mul3A_911 = arith.mulf %get3A_907, %get3A_907 : vector<16xf32>
    %jit3A_912 = arith.constant 0.000000e+00 : f32
    %broadcast_in_dim3A_913 = vector.broadcast %jit3A_912 : f32 to vector<16xf32>
    %select_n3A_914 = arith.select %ge3A_910, %mul3A_911, %broadcast_in_dim3A_913 : vector<16xi1>, vector<16xf32>
    %add3A_915 = arith.addf %scan3A_902, %select_n3A_914 : vector<16xf32>
    %get3A_916 = arith.constant 1 : i32
    %get3A_917 = arith.index_cast %get3A_916 : i32 to index
    %get3A_918 = arith.constant 983 : index
    %get3A_919 = tpu.vector_load %arg5[%get3A_917, %get3A_918] {strides = array<i32>} : memref<32x999xf32, #tpu.memory_space<vmem>>, vector<16xf32>,
    %ge3A_920 = arith.constant 9 : i32
    %ge3A_921 = vector.broadcast %ge3A_920 : i32 to vector<16xi32>
    %ge3A_922 = arith.cmpi sge, %iota3A, %ge3A_921 : vector<16xi32>
    %mul3A_923 = arith.mulf %get3A_919, %get3A_919 : vector<16xf32>
    %jit3A_924 = arith.constant 0.000000e+00 : f32
    %broadcast_in_dim3A_925 = vector.broadcast %jit3A_924 : f32 to vector<16xf32>
    %select_n3A_926 = arith.select %ge3A_922, %mul3A_923, %broadcast_in_dim3A_925 : vector<16xi1>, vector<16xf32>
    %add3A_927 = arith.addf %add3A_915, %select_n3A_926 : vector<16xf32>
    %get3A_928 = arith.constant 2 : i32
    %get3A_929 = arith.index_cast %get3A_928 : i32 to index
    %get3A_930 = arith.constant 983 : index
    %get3A_931 = tpu.vector_load %arg5[%get3A_929, %get3A_930] {strides = array<i32>} : memref<32x999xf32, #tpu.memory_space<vmem>>, vector<16xf32>,
    %ge3A_932 = arith.constant 9 : i32
    %ge3A_933 = vector.broadcast %ge3A_932 : i32 to vector<16xi32>
    %ge3A_934 = arith.cmpi sge, %iota3A, %ge3A_933 : vector<16xi32>
    %mul3A_935 = arith.mulf %get3A_931, %get3A_931 : vector<16xf32>
    %jit3A_936 = arith.constant 0.000000e+00 : f32
    %broadcast_in_dim3A_937 = vector.broadcast %jit3A_936 : f32 to vector<16xf32>
    %select_n3A_938 = arith.select %ge3A_934, %mul3A_935, %broadcast_in_dim3A_937 : vector<16xi1>, vector<16xf32>
    %add3A_939 = arith.addf %add3A_927, %select_n3A_938 : vector<16xf32>
    %get3A_940 = arith.constant 3 : i32
    %get3A_941 = arith.index_cast %get3A_940 : i32 to index
    %get3A_942 = arith.constant 983 : index
    %get3A_943 = tpu.vector_load %arg5[%get3A_941, %get3A_942] {strides = array<i32>} : memref<32x999xf32, #tpu.memory_space<vmem>>, vector<16xf32>,
    %ge3A_944 = arith.constant 9 : i32
    %ge3A_945 = vector.broadcast %ge3A_944 : i32 to vector<16xi32>
    %ge3A_946 = arith.cmpi sge, %iota3A, %ge3A_945 : vector<16xi32>
    %mul3A_947 = arith.mulf %get3A_943, %get3A_943 : vector<16xf32>
    %jit3A_948 = arith.constant 0.000000e+00 : f32
    %broadcast_in_dim3A_949 = vector.broadcast %jit3A_948 : f32 to vector<16xf32>
    %select_n3A_950 = arith.select %ge3A_946, %mul3A_947, %broadcast_in_dim3A_949 : vector<16xi1>, vector<16xf32>
    %add3A_951 = arith.addf %add3A_939, %select_n3A_950 : vector<16xf32>
    %get3A_952 = arith.constant 4 : i32
    %get3A_953 = arith.index_cast %get3A_952 : i32 to index
    %get3A_954 = arith.constant 983 : index
    %get3A_955 = tpu.vector_load %arg5[%get3A_953, %get3A_954] {strides = array<i32>} : memref<32x999xf32, #tpu.memory_space<vmem>>, vector<16xf32>,
    %ge3A_956 = arith.constant 9 : i32
    %ge3A_957 = vector.broadcast %ge3A_956 : i32 to vector<16xi32>
    %ge3A_958 = arith.cmpi sge, %iota3A, %ge3A_957 : vector<16xi32>
    %mul3A_959 = arith.mulf %get3A_955, %get3A_955 : vector<16xf32>
    %jit3A_960 = arith.constant 0.000000e+00 : f32
    %broadcast_in_dim3A_961 = vector.broadcast %jit3A_960 : f32 to vector<16xf32>
    %select_n3A_962 = arith.select %ge3A_958, %mul3A_959, %broadcast_in_dim3A_961 : vector<16xi1>, vector<16xf32>
    %add3A_963 = arith.addf %add3A_951, %select_n3A_962 : vector<16xf32>
    %get3A_964 = arith.constant 5 : i32
    %get3A_965 = arith.index_cast %get3A_964 : i32 to index
    %get3A_966 = arith.constant 983 : index
    %get3A_967 = tpu.vector_load %arg5[%get3A_965, %get3A_966] {strides = array<i32>} : memref<32x999xf32, #tpu.memory_space<vmem>>, vector<16xf32>,
    %ge3A_968 = arith.constant 9 : i32
    %ge3A_969 = vector.broadcast %ge3A_968 : i32 to vector<16xi32>
    %ge3A_970 = arith.cmpi sge, %iota3A, %ge3A_969 : vector<16xi32>
    %mul3A_971 = arith.mulf %get3A_967, %get3A_967 : vector<16xf32>
    %jit3A_972 = arith.constant 0.000000e+00 : f32
    %broadcast_in_dim3A_973 = vector.broadcast %jit3A_972 : f32 to vector<16xf32>
    %select_n3A_974 = arith.select %ge3A_970, %mul3A_971, %broadcast_in_dim3A_973 : vector<16xi1>, vector<16xf32>
    %add3A_975 = arith.addf %add3A_963, %select_n3A_974 : vector<16xf32>
    %get3A_976 = arith.constant 6 : i32
    %get3A_977 = arith.index_cast %get3A_976 : i32 to index
    %get3A_978 = arith.constant 983 : index
    %get3A_979 = tpu.vector_load %arg5[%get3A_977, %get3A_978] {strides = array<i32>} : memref<32x999xf32, #tpu.memory_space<vmem>>, vector<16xf32>,
    %ge3A_980 = arith.constant 9 : i32
    %ge3A_981 = vector.broadcast %ge3A_980 : i32 to vector<16xi32>
    %ge3A_982 = arith.cmpi sge, %iota3A, %ge3A_981 : vector<16xi32>
    %mul3A_983 = arith.mulf %get3A_979, %get3A_979 : vector<16xf32>
    %jit3A_984 = arith.constant 0.000000e+00 : f32
    %broadcast_in_dim3A_985 = vector.broadcast %jit3A_984 : f32 to vector<16xf32>
    %select_n3A_986 = arith.select %ge3A_982, %mul3A_983, %broadcast_in_dim3A_985 : vector<16xi1>, vector<16xf32>
    %add3A_987 = arith.addf %add3A_975, %select_n3A_986 : vector<16xf32>
    %get3A_988 = arith.constant 7 : i32
    %get3A_989 = arith.index_cast %get3A_988 : i32 to index
    %get3A_990 = arith.constant 983 : index
    %get3A_991 = tpu.vector_load %arg5[%get3A_989, %get3A_990] {strides = array<i32>} : memref<32x999xf32, #tpu.memory_space<vmem>>, vector<16xf32>,
    %ge3A_992 = arith.constant 9 : i32
    %ge3A_993 = vector.broadcast %ge3A_992 : i32 to vector<16xi32>
    %ge3A_994 = arith.cmpi sge, %iota3A, %ge3A_993 : vector<16xi32>
    %mul3A_995 = arith.mulf %get3A_991, %get3A_991 : vector<16xf32>
    %jit3A_996 = arith.constant 0.000000e+00 : f32
    %broadcast_in_dim3A_997 = vector.broadcast %jit3A_996 : f32 to vector<16xf32>
    %select_n3A_998 = arith.select %ge3A_994, %mul3A_995, %broadcast_in_dim3A_997 : vector<16xi1>, vector<16xf32>
    %add3A_999 = arith.addf %add3A_987, %select_n3A_998 : vector<16xf32>
    %get3A_1000 = arith.constant 8 : i32
    %get3A_1001 = arith.index_cast %get3A_1000 : i32 to index
    %get3A_1002 = arith.constant 983 : index
    %get3A_1003 = tpu.vector_load %arg5[%get3A_1001, %get3A_1002] {strides = array<i32>} : memref<32x999xf32, #tpu.memory_space<vmem>>, vector<16xf32>,
    %ge3A_1004 = arith.constant 9 : i32
    %ge3A_1005 = vector.broadcast %ge3A_1004 : i32 to vector<16xi32>
    %ge3A_1006 = arith.cmpi sge, %iota3A, %ge3A_1005 : vector<16xi32>
    %mul3A_1007 = arith.mulf %get3A_1003, %get3A_1003 : vector<16xf32>
    %jit3A_1008 = arith.constant 0.000000e+00 : f32
    %broadcast_in_dim3A_1009 = vector.broadcast %jit3A_1008 : f32 to vector<16xf32>
    %select_n3A_1010 = arith.select %ge3A_1006, %mul3A_1007, %broadcast_in_dim3A_1009 : vector<16xi1>, vector<16xf32>
    %add3A_1011 = arith.addf %add3A_999, %select_n3A_1010 : vector<16xf32>
    %get3A_1012 = arith.constant 9 : i32
    %get3A_1013 = arith.index_cast %get3A_1012 : i32 to index
    %get3A_1014 = arith.constant 983 : index
    %get3A_1015 = tpu.vector_load %arg5[%get3A_1013, %get3A_1014] {strides = array<i32>} : memref<32x999xf32, #tpu.memory_space<vmem>>, vector<16xf32>,
    %ge3A_1016 = arith.constant 9 : i32
    %ge3A_1017 = vector.broadcast %ge3A_1016 : i32 to vector<16xi32>
    %ge3A_1018 = arith.cmpi sge, %iota3A, %ge3A_1017 : vector<16xi32>
    %mul3A_1019 = arith.mulf %get3A_1015, %get3A_1015 : vector<16xf32>
    %jit3A_1020 = arith.constant 0.000000e+00 : f32
    %broadcast_in_dim3A_1021 = vector.broadcast %jit3A_1020 : f32 to vector<16xf32>
    %select_n3A_1022 = arith.select %ge3A_1018, %mul3A_1019, %broadcast_in_dim3A_1021 : vector<16xi1>, vector<16xf32>
    %add3A_1023 = arith.addf %add3A_1011, %select_n3A_1022 : vector<16xf32>
    %get3A_1024 = arith.constant 10 : i32
    %get3A_1025 = arith.index_cast %get3A_1024 : i32 to index
    %get3A_1026 = arith.constant 983 : index
    %get3A_1027 = tpu.vector_load %arg5[%get3A_1025, %get3A_1026] {strides = array<i32>} : memref<32x999xf32, #tpu.memory_space<vmem>>, vector<16xf32>,
    %ge3A_1028 = arith.constant 9 : i32
    %ge3A_1029 = vector.broadcast %ge3A_1028 : i32 to vector<16xi32>
    %ge3A_1030 = arith.cmpi sge, %iota3A, %ge3A_1029 : vector<16xi32>
    %mul3A_1031 = arith.mulf %get3A_1027, %get3A_1027 : vector<16xf32>
    %jit3A_1032 = arith.constant 0.000000e+00 : f32
    %broadcast_in_dim3A_1033 = vector.broadcast %jit3A_1032 : f32 to vector<16xf32>
    %select_n3A_1034 = arith.select %ge3A_1030, %mul3A_1031, %broadcast_in_dim3A_1033 : vector<16xi1>, vector<16xf32>
    %add3A_1035 = arith.addf %add3A_1023, %select_n3A_1034 : vector<16xf32>
    %get3A_1036 = arith.constant 11 : i32
    %get3A_1037 = arith.index_cast %get3A_1036 : i32 to index
    %get3A_1038 = arith.constant 983 : index
    %get3A_1039 = tpu.vector_load %arg5[%get3A_1037, %get3A_1038] {strides = array<i32>} : memref<32x999xf32, #tpu.memory_space<vmem>>, vector<16xf32>,
    %ge3A_1040 = arith.constant 9 : i32
    %ge3A_1041 = vector.broadcast %ge3A_1040 : i32 to vector<16xi32>
    %ge3A_1042 = arith.cmpi sge, %iota3A, %ge3A_1041 : vector<16xi32>
    %mul3A_1043 = arith.mulf %get3A_1039, %get3A_1039 : vector<16xf32>
    %jit3A_1044 = arith.constant 0.000000e+00 : f32
    %broadcast_in_dim3A_1045 = vector.broadcast %jit3A_1044 : f32 to vector<16xf32>
    %select_n3A_1046 = arith.select %ge3A_1042, %mul3A_1043, %broadcast_in_dim3A_1045 : vector<16xi1>, vector<16xf32>
    %add3A_1047 = arith.addf %add3A_1035, %select_n3A_1046 : vector<16xf32>
    %get3A_1048 = arith.constant 12 : i32
    %get3A_1049 = arith.index_cast %get3A_1048 : i32 to index
    %get3A_1050 = arith.constant 983 : index
    %get3A_1051 = tpu.vector_load %arg5[%get3A_1049, %get3A_1050] {strides = array<i32>} : memref<32x999xf32, #tpu.memory_space<vmem>>, vector<16xf32>,
    %ge3A_1052 = arith.constant 9 : i32
    %ge3A_1053 = vector.broadcast %ge3A_1052 : i32 to vector<16xi32>
    %ge3A_1054 = arith.cmpi sge, %iota3A, %ge3A_1053 : vector<16xi32>
    %mul3A_1055 = arith.mulf %get3A_1051, %get3A_1051 : vector<16xf32>
    %jit3A_1056 = arith.constant 0.000000e+00 : f32
    %broadcast_in_dim3A_1057 = vector.broadcast %jit3A_1056 : f32 to vector<16xf32>
    %select_n3A_1058 = arith.select %ge3A_1054, %mul3A_1055, %broadcast_in_dim3A_1057 : vector<16xi1>, vector<16xf32>
    %add3A_1059 = arith.addf %add3A_1047, %select_n3A_1058 : vector<16xf32>
    %get3A_1060 = arith.constant 13 : i32
    %get3A_1061 = arith.index_cast %get3A_1060 : i32 to index
    %get3A_1062 = arith.constant 983 : index
    %get3A_1063 = tpu.vector_load %arg5[%get3A_1061, %get3A_1062] {strides = array<i32>} : memref<32x999xf32, #tpu.memory_space<vmem>>, vector<16xf32>,
    %ge3A_1064 = arith.constant 9 : i32
    %ge3A_1065 = vector.broadcast %ge3A_1064 : i32 to vector<16xi32>
    %ge3A_1066 = arith.cmpi sge, %iota3A, %ge3A_1065 : vector<16xi32>
    %mul3A_1067 = arith.mulf %get3A_1063, %get3A_1063 : vector<16xf32>
    %jit3A_1068 = arith.constant 0.000000e+00 : f32
    %broadcast_in_dim3A_1069 = vector.broadcast %jit3A_1068 : f32 to vector<16xf32>
    %select_n3A_1070 = arith.select %ge3A_1066, %mul3A_1067, %broadcast_in_dim3A_1069 : vector<16xi1>, vector<16xf32>
    %add3A_1071 = arith.addf %add3A_1059, %select_n3A_1070 : vector<16xf32>
    %get3A_1072 = arith.constant 14 : i32
    %get3A_1073 = arith.index_cast %get3A_1072 : i32 to index
    %get3A_1074 = arith.constant 983 : index
    %get3A_1075 = tpu.vector_load %arg5[%get3A_1073, %get3A_1074] {strides = array<i32>} : memref<32x999xf32, #tpu.memory_space<vmem>>, vector<16xf32>,
    %ge3A_1076 = arith.constant 9 : i32
    %ge3A_1077 = vector.broadcast %ge3A_1076 : i32 to vector<16xi32>
    %ge3A_1078 = arith.cmpi sge, %iota3A, %ge3A_1077 : vector<16xi32>
    %mul3A_1079 = arith.mulf %get3A_1075, %get3A_1075 : vector<16xf32>
    %jit3A_1080 = arith.constant 0.000000e+00 : f32
    %broadcast_in_dim3A_1081 = vector.broadcast %jit3A_1080 : f32 to vector<16xf32>
    %select_n3A_1082 = arith.select %ge3A_1078, %mul3A_1079, %broadcast_in_dim3A_1081 : vector<16xi1>, vector<16xf32>
    %add3A_1083 = arith.addf %add3A_1071, %select_n3A_1082 : vector<16xf32>
    %get3A_1084 = arith.constant 15 : i32
    %get3A_1085 = arith.index_cast %get3A_1084 : i32 to index
    %get3A_1086 = arith.constant 983 : index
    %get3A_1087 = tpu.vector_load %arg5[%get3A_1085, %get3A_1086] {strides = array<i32>} : memref<32x999xf32, #tpu.memory_space<vmem>>, vector<16xf32>,
    %ge3A_1088 = arith.constant 9 : i32
    %ge3A_1089 = vector.broadcast %ge3A_1088 : i32 to vector<16xi32>
    %ge3A_1090 = arith.cmpi sge, %iota3A, %ge3A_1089 : vector<16xi32>
    %mul3A_1091 = arith.mulf %get3A_1087, %get3A_1087 : vector<16xf32>
    %jit3A_1092 = arith.constant 0.000000e+00 : f32
    %broadcast_in_dim3A_1093 = vector.broadcast %jit3A_1092 : f32 to vector<16xf32>
    %select_n3A_1094 = arith.select %ge3A_1090, %mul3A_1091, %broadcast_in_dim3A_1093 : vector<16xi1>, vector<16xf32>
    %add3A_1095 = arith.addf %add3A_1083, %select_n3A_1094 : vector<16xf32>
    %get3A_1096 = arith.constant 16 : i32
    %get3A_1097 = arith.index_cast %get3A_1096 : i32 to index
    %get3A_1098 = arith.constant 983 : index
    %get3A_1099 = tpu.vector_load %arg5[%get3A_1097, %get3A_1098] {strides = array<i32>} : memref<32x999xf32, #tpu.memory_space<vmem>>, vector<16xf32>,
    %ge3A_1100 = arith.constant 9 : i32
    %ge3A_1101 = vector.broadcast %ge3A_1100 : i32 to vector<16xi32>
    %ge3A_1102 = arith.cmpi sge, %iota3A, %ge3A_1101 : vector<16xi32>
    %mul3A_1103 = arith.mulf %get3A_1099, %get3A_1099 : vector<16xf32>
    %jit3A_1104 = arith.constant 0.000000e+00 : f32
    %broadcast_in_dim3A_1105 = vector.broadcast %jit3A_1104 : f32 to vector<16xf32>
    %select_n3A_1106 = arith.select %ge3A_1102, %mul3A_1103, %broadcast_in_dim3A_1105 : vector<16xi1>, vector<16xf32>
    %add3A_1107 = arith.addf %add3A_1095, %select_n3A_1106 : vector<16xf32>
    %get3A_1108 = arith.constant 17 : i32
    %get3A_1109 = arith.index_cast %get3A_1108 : i32 to index
    %get3A_1110 = arith.constant 983 : index
    %get3A_1111 = tpu.vector_load %arg5[%get3A_1109, %get3A_1110] {strides = array<i32>} : memref<32x999xf32, #tpu.memory_space<vmem>>, vector<16xf32>,
    %ge3A_1112 = arith.constant 9 : i32
    %ge3A_1113 = vector.broadcast %ge3A_1112 : i32 to vector<16xi32>
    %ge3A_1114 = arith.cmpi sge, %iota3A, %ge3A_1113 : vector<16xi32>
    %mul3A_1115 = arith.mulf %get3A_1111, %get3A_1111 : vector<16xf32>
    %jit3A_1116 = arith.constant 0.000000e+00 : f32
    %broadcast_in_dim3A_1117 = vector.broadcast %jit3A_1116 : f32 to vector<16xf32>
    %select_n3A_1118 = arith.select %ge3A_1114, %mul3A_1115, %broadcast_in_dim3A_1117 : vector<16xi1>, vector<16xf32>
    %add3A_1119 = arith.addf %add3A_1107, %select_n3A_1118 : vector<16xf32>
    %get3A_1120 = arith.constant 18 : i32
    %get3A_1121 = arith.index_cast %get3A_1120 : i32 to index
    %get3A_1122 = arith.constant 983 : index
    %get3A_1123 = tpu.vector_load %arg5[%get3A_1121, %get3A_1122] {strides = array<i32>} : memref<32x999xf32, #tpu.memory_space<vmem>>, vector<16xf32>,
    %ge3A_1124 = arith.constant 9 : i32
    %ge3A_1125 = vector.broadcast %ge3A_1124 : i32 to vector<16xi32>
    %ge3A_1126 = arith.cmpi sge, %iota3A, %ge3A_1125 : vector<16xi32>
    %mul3A_1127 = arith.mulf %get3A_1123, %get3A_1123 : vector<16xf32>
    %jit3A_1128 = arith.constant 0.000000e+00 : f32
    %broadcast_in_dim3A_1129 = vector.broadcast %jit3A_1128 : f32 to vector<16xf32>
    %select_n3A_1130 = arith.select %ge3A_1126, %mul3A_1127, %broadcast_in_dim3A_1129 : vector<16xi1>, vector<16xf32>
    %add3A_1131 = arith.addf %add3A_1119, %select_n3A_1130 : vector<16xf32>
    %get3A_1132 = arith.constant 19 : i32
    %get3A_1133 = arith.index_cast %get3A_1132 : i32 to index
    %get3A_1134 = arith.constant 983 : index
    %get3A_1135 = tpu.vector_load %arg5[%get3A_1133, %get3A_1134] {strides = array<i32>} : memref<32x999xf32, #tpu.memory_space<vmem>>, vector<16xf32>,
    %ge3A_1136 = arith.constant 9 : i32
    %ge3A_1137 = vector.broadcast %ge3A_1136 : i32 to vector<16xi32>
    %ge3A_1138 = arith.cmpi sge, %iota3A, %ge3A_1137 : vector<16xi32>
    %mul3A_1139 = arith.mulf %get3A_1135, %get3A_1135 : vector<16xf32>
    %jit3A_1140 = arith.constant 0.000000e+00 : f32
    %broadcast_in_dim3A_1141 = vector.broadcast %jit3A_1140 : f32 to vector<16xf32>
    %select_n3A_1142 = arith.select %ge3A_1138, %mul3A_1139, %broadcast_in_dim3A_1141 : vector<16xi1>, vector<16xf32>
    %add3A_1143 = arith.addf %add3A_1131, %select_n3A_1142 : vector<16xf32>
    %get3A_1144 = arith.constant 20 : i32
    %get3A_1145 = arith.index_cast %get3A_1144 : i32 to index
    %get3A_1146 = arith.constant 983 : index
    %get3A_1147 = tpu.vector_load %arg5[%get3A_1145, %get3A_1146] {strides = array<i32>} : memref<32x999xf32, #tpu.memory_space<vmem>>, vector<16xf32>,
    %ge3A_1148 = arith.constant 9 : i32
    %ge3A_1149 = vector.broadcast %ge3A_1148 : i32 to vector<16xi32>
    %ge3A_1150 = arith.cmpi sge, %iota3A, %ge3A_1149 : vector<16xi32>
    %mul3A_1151 = arith.mulf %get3A_1147, %get3A_1147 : vector<16xf32>
    %jit3A_1152 = arith.constant 0.000000e+00 : f32
    %broadcast_in_dim3A_1153 = vector.broadcast %jit3A_1152 : f32 to vector<16xf32>
    %select_n3A_1154 = arith.select %ge3A_1150, %mul3A_1151, %broadcast_in_dim3A_1153 : vector<16xi1>, vector<16xf32>
    %add3A_1155 = arith.addf %add3A_1143, %select_n3A_1154 : vector<16xf32>
    %get3A_1156 = arith.constant 21 : i32
    %get3A_1157 = arith.index_cast %get3A_1156 : i32 to index
    %get3A_1158 = arith.constant 983 : index
    %get3A_1159 = tpu.vector_load %arg5[%get3A_1157, %get3A_1158] {strides = array<i32>} : memref<32x999xf32, #tpu.memory_space<vmem>>, vector<16xf32>,
    %ge3A_1160 = arith.constant 9 : i32
    %ge3A_1161 = vector.broadcast %ge3A_1160 : i32 to vector<16xi32>
    %ge3A_1162 = arith.cmpi sge, %iota3A, %ge3A_1161 : vector<16xi32>
    %mul3A_1163 = arith.mulf %get3A_1159, %get3A_1159 : vector<16xf32>
    %jit3A_1164 = arith.constant 0.000000e+00 : f32
    %broadcast_in_dim3A_1165 = vector.broadcast %jit3A_1164 : f32 to vector<16xf32>
    %select_n3A_1166 = arith.select %ge3A_1162, %mul3A_1163, %broadcast_in_dim3A_1165 : vector<16xi1>, vector<16xf32>
    %add3A_1167 = arith.addf %add3A_1155, %select_n3A_1166 : vector<16xf32>
    %get3A_1168 = arith.constant 22 : i32
    %get3A_1169 = arith.index_cast %get3A_1168 : i32 to index
    %get3A_1170 = arith.constant 983 : index
    %get3A_1171 = tpu.vector_load %arg5[%get3A_1169, %get3A_1170] {strides = array<i32>} : memref<32x999xf32, #tpu.memory_space<vmem>>, vector<16xf32>,
    %ge3A_1172 = arith.constant 9 : i32
    %ge3A_1173 = vector.broadcast %ge3A_1172 : i32 to vector<16xi32>
    %ge3A_1174 = arith.cmpi sge, %iota3A, %ge3A_1173 : vector<16xi32>
    %mul3A_1175 = arith.mulf %get3A_1171, %get3A_1171 : vector<16xf32>
    %jit3A_1176 = arith.constant 0.000000e+00 : f32
    %broadcast_in_dim3A_1177 = vector.broadcast %jit3A_1176 : f32 to vector<16xf32>
    %select_n3A_1178 = arith.select %ge3A_1174, %mul3A_1175, %broadcast_in_dim3A_1177 : vector<16xi1>, vector<16xf32>
    %add3A_1179 = arith.addf %add3A_1167, %select_n3A_1178 : vector<16xf32>
    %get3A_1180 = arith.constant 23 : i32
    %get3A_1181 = arith.index_cast %get3A_1180 : i32 to index
    %get3A_1182 = arith.constant 983 : index
    %get3A_1183 = tpu.vector_load %arg5[%get3A_1181, %get3A_1182] {strides = array<i32>} : memref<32x999xf32, #tpu.memory_space<vmem>>, vector<16xf32>,
    %ge3A_1184 = arith.constant 9 : i32
    %ge3A_1185 = vector.broadcast %ge3A_1184 : i32 to vector<16xi32>
    %ge3A_1186 = arith.cmpi sge, %iota3A, %ge3A_1185 : vector<16xi32>
    %mul3A_1187 = arith.mulf %get3A_1183, %get3A_1183 : vector<16xf32>
    %jit3A_1188 = arith.constant 0.000000e+00 : f32
    %broadcast_in_dim3A_1189 = vector.broadcast %jit3A_1188 : f32 to vector<16xf32>
    %select_n3A_1190 = arith.select %ge3A_1186, %mul3A_1187, %broadcast_in_dim3A_1189 : vector<16xi1>, vector<16xf32>
    %add3A_1191 = arith.addf %add3A_1179, %select_n3A_1190 : vector<16xf32>
    %get3A_1192 = arith.constant 24 : i32
    %get3A_1193 = arith.index_cast %get3A_1192 : i32 to index
    %get3A_1194 = arith.constant 983 : index
    %get3A_1195 = tpu.vector_load %arg5[%get3A_1193, %get3A_1194] {strides = array<i32>} : memref<32x999xf32, #tpu.memory_space<vmem>>, vector<16xf32>,
    %ge3A_1196 = arith.constant 9 : i32
    %ge3A_1197 = vector.broadcast %ge3A_1196 : i32 to vector<16xi32>
    %ge3A_1198 = arith.cmpi sge, %iota3A, %ge3A_1197 : vector<16xi32>
    %mul3A_1199 = arith.mulf %get3A_1195, %get3A_1195 : vector<16xf32>
    %jit3A_1200 = arith.constant 0.000000e+00 : f32
    %broadcast_in_dim3A_1201 = vector.broadcast %jit3A_1200 : f32 to vector<16xf32>
    %select_n3A_1202 = arith.select %ge3A_1198, %mul3A_1199, %broadcast_in_dim3A_1201 : vector<16xi1>, vector<16xf32>
    %add3A_1203 = arith.addf %add3A_1191, %select_n3A_1202 : vector<16xf32>
    %get3A_1204 = arith.constant 25 : i32
    %get3A_1205 = arith.index_cast %get3A_1204 : i32 to index
    %get3A_1206 = arith.constant 983 : index
    %get3A_1207 = tpu.vector_load %arg5[%get3A_1205, %get3A_1206] {strides = array<i32>} : memref<32x999xf32, #tpu.memory_space<vmem>>, vector<16xf32>,
    %ge3A_1208 = arith.constant 9 : i32
    %ge3A_1209 = vector.broadcast %ge3A_1208 : i32 to vector<16xi32>
    %ge3A_1210 = arith.cmpi sge, %iota3A, %ge3A_1209 : vector<16xi32>
    %mul3A_1211 = arith.mulf %get3A_1207, %get3A_1207 : vector<16xf32>
    %jit3A_1212 = arith.constant 0.000000e+00 : f32
    %broadcast_in_dim3A_1213 = vector.broadcast %jit3A_1212 : f32 to vector<16xf32>
    %select_n3A_1214 = arith.select %ge3A_1210, %mul3A_1211, %broadcast_in_dim3A_1213 : vector<16xi1>, vector<16xf32>
    %add3A_1215 = arith.addf %add3A_1203, %select_n3A_1214 : vector<16xf32>
    %get3A_1216 = arith.constant 26 : i32
    %get3A_1217 = arith.index_cast %get3A_1216 : i32 to index
    %get3A_1218 = arith.constant 983 : index
    %get3A_1219 = tpu.vector_load %arg5[%get3A_1217, %get3A_1218] {strides = array<i32>} : memref<32x999xf32, #tpu.memory_space<vmem>>, vector<16xf32>,
    %ge3A_1220 = arith.constant 9 : i32
    %ge3A_1221 = vector.broadcast %ge3A_1220 : i32 to vector<16xi32>
    %ge3A_1222 = arith.cmpi sge, %iota3A, %ge3A_1221 : vector<16xi32>
    %mul3A_1223 = arith.mulf %get3A_1219, %get3A_1219 : vector<16xf32>
    %jit3A_1224 = arith.constant 0.000000e+00 : f32
    %broadcast_in_dim3A_1225 = vector.broadcast %jit3A_1224 : f32 to vector<16xf32>
    %select_n3A_1226 = arith.select %ge3A_1222, %mul3A_1223, %broadcast_in_dim3A_1225 : vector<16xi1>, vector<16xf32>
    %add3A_1227 = arith.addf %add3A_1215, %select_n3A_1226 : vector<16xf32>
    %get3A_1228 = arith.constant 27 : i32
    %get3A_1229 = arith.index_cast %get3A_1228 : i32 to index
    %get3A_1230 = arith.constant 983 : index
    %get3A_1231 = tpu.vector_load %arg5[%get3A_1229, %get3A_1230] {strides = array<i32>} : memref<32x999xf32, #tpu.memory_space<vmem>>, vector<16xf32>,
    %ge3A_1232 = arith.constant 9 : i32
    %ge3A_1233 = vector.broadcast %ge3A_1232 : i32 to vector<16xi32>
    %ge3A_1234 = arith.cmpi sge, %iota3A, %ge3A_1233 : vector<16xi32>
    %mul3A_1235 = arith.mulf %get3A_1231, %get3A_1231 : vector<16xf32>
    %jit3A_1236 = arith.constant 0.000000e+00 : f32
    %broadcast_in_dim3A_1237 = vector.broadcast %jit3A_1236 : f32 to vector<16xf32>
    %select_n3A_1238 = arith.select %ge3A_1234, %mul3A_1235, %broadcast_in_dim3A_1237 : vector<16xi1>, vector<16xf32>
    %add3A_1239 = arith.addf %add3A_1227, %select_n3A_1238 : vector<16xf32>
    %get3A_1240 = arith.constant 28 : i32
    %get3A_1241 = arith.index_cast %get3A_1240 : i32 to index
    %get3A_1242 = arith.constant 983 : index
    %get3A_1243 = tpu.vector_load %arg5[%get3A_1241, %get3A_1242] {strides = array<i32>} : memref<32x999xf32, #tpu.memory_space<vmem>>, vector<16xf32>,
    %ge3A_1244 = arith.constant 9 : i32
    %ge3A_1245 = vector.broadcast %ge3A_1244 : i32 to vector<16xi32>
    %ge3A_1246 = arith.cmpi sge, %iota3A, %ge3A_1245 : vector<16xi32>
    %mul3A_1247 = arith.mulf %get3A_1243, %get3A_1243 : vector<16xf32>
    %jit3A_1248 = arith.constant 0.000000e+00 : f32
    %broadcast_in_dim3A_1249 = vector.broadcast %jit3A_1248 : f32 to vector<16xf32>
    %select_n3A_1250 = arith.select %ge3A_1246, %mul3A_1247, %broadcast_in_dim3A_1249 : vector<16xi1>, vector<16xf32>
    %add3A_1251 = arith.addf %add3A_1239, %select_n3A_1250 : vector<16xf32>
    %get3A_1252 = arith.constant 29 : i32
    %get3A_1253 = arith.index_cast %get3A_1252 : i32 to index
    %get3A_1254 = arith.constant 983 : index
    %get3A_1255 = tpu.vector_load %arg5[%get3A_1253, %get3A_1254] {strides = array<i32>} : memref<32x999xf32, #tpu.memory_space<vmem>>, vector<16xf32>,
    %ge3A_1256 = arith.constant 9 : i32
    %ge3A_1257 = vector.broadcast %ge3A_1256 : i32 to vector<16xi32>
    %ge3A_1258 = arith.cmpi sge, %iota3A, %ge3A_1257 : vector<16xi32>
    %mul3A_1259 = arith.mulf %get3A_1255, %get3A_1255 : vector<16xf32>
    %jit3A_1260 = arith.constant 0.000000e+00 : f32
    %broadcast_in_dim3A_1261 = vector.broadcast %jit3A_1260 : f32 to vector<16xf32>
    %select_n3A_1262 = arith.select %ge3A_1258, %mul3A_1259, %broadcast_in_dim3A_1261 : vector<16xi1>, vector<16xf32>
    %add3A_1263 = arith.addf %add3A_1251, %select_n3A_1262 : vector<16xf32>
    %get3A_1264 = arith.constant 30 : i32
    %get3A_1265 = arith.index_cast %get3A_1264 : i32 to index
    %get3A_1266 = arith.constant 983 : index
    %get3A_1267 = tpu.vector_load %arg5[%get3A_1265, %get3A_1266] {strides = array<i32>} : memref<32x999xf32, #tpu.memory_space<vmem>>, vector<16xf32>,
    %ge3A_1268 = arith.constant 9 : i32
    %ge3A_1269 = vector.broadcast %ge3A_1268 : i32 to vector<16xi32>
    %ge3A_1270 = arith.cmpi sge, %iota3A, %ge3A_1269 : vector<16xi32>
    %mul3A_1271 = arith.mulf %get3A_1267, %get3A_1267 : vector<16xf32>
    %jit3A_1272 = arith.constant 0.000000e+00 : f32
    %broadcast_in_dim3A_1273 = vector.broadcast %jit3A_1272 : f32 to vector<16xf32>
    %select_n3A_1274 = arith.select %ge3A_1270, %mul3A_1271, %broadcast_in_dim3A_1273 : vector<16xi1>, vector<16xf32>
    %add3A_1275 = arith.addf %add3A_1263, %select_n3A_1274 : vector<16xf32>
    %get3A_1276 = arith.constant 31 : i32
    %get3A_1277 = arith.index_cast %get3A_1276 : i32 to index
    %get3A_1278 = arith.constant 983 : index
    %get3A_1279 = tpu.vector_load %arg5[%get3A_1277, %get3A_1278] {strides = array<i32>} : memref<32x999xf32, #tpu.memory_space<vmem>>, vector<16xf32>,
    %ge3A_1280 = arith.constant 9 : i32
    %ge3A_1281 = vector.broadcast %ge3A_1280 : i32 to vector<16xi32>
    %ge3A_1282 = arith.cmpi sge, %iota3A, %ge3A_1281 : vector<16xi32>
    %mul3A_1283 = arith.mulf %get3A_1279, %get3A_1279 : vector<16xf32>
    %jit3A_1284 = arith.constant 0.000000e+00 : f32
    %broadcast_in_dim3A_1285 = vector.broadcast %jit3A_1284 : f32 to vector<16xf32>
    %select_n3A_1286 = arith.select %ge3A_1282, %mul3A_1283, %broadcast_in_dim3A_1285 : vector<16xi1>, vector<16xf32>
    %add3A_1287 = arith.addf %add3A_1275, %select_n3A_1286 : vector<16xf32>
    %get3A_1288 = arith.constant 64 : index
    %get3A_1289 = tpu.vector_load %arg7[%get3A_1288] {strides = array<i32>} : memref<128xi32, #tpu.memory_space<vmem>>, vector<16xi32>,
    %add3A_1290 = arith.constant 0 : i32
    %add3A_1291 = vector.broadcast %add3A_1290 : i32 to vector<16xi32>
    %add3A_1292 = arith.addi %add3A_1291, %iota3A : vector<16xi32>
    %sub3A_1293 = arith.constant 1 : i32
    %sub3A_1294 = vector.broadcast %sub3A_1293 : i32 to vector<16xi32>
    %sub3A_1295 = arith.subi %get3A_1289, %sub3A_1294 : vector<16xi32>
    %max3A_1296 = arith.constant 0 : i32
    %max3A_1297 = vector.broadcast %max3A_1296 : i32 to vector<16xi32>
    %max3A_1298 = arith.maxsi %sub3A_1295, %max3A_1297 : vector<16xi32>
    %gather3A_1299 = tpu.vector_load_idx %arg5[%add3A_1292, %max3A_1298] : memref<32x999xf32, #tpu.memory_space<vmem>>[vector<16xi32>, vector<16xi32>], vector<16xf32>,
    %ge3A_1300 = arith.constant 1 : i32
    %ge3A_1301 = vector.broadcast %ge3A_1300 : i32 to vector<16xi32>
    %ge3A_1302 = arith.cmpi sge, %get3A_1289, %ge3A_1301 : vector<16xi32>
    %jit3A_1303 = arith.constant 0.000000e+00 : f32
    %broadcast_in_dim3A_1304 = vector.broadcast %jit3A_1303 : f32 to vector<16xf32>
    %select_n3A_1305 = arith.select %ge3A_1302, %gather3A_1299, %broadcast_in_dim3A_1304 : vector<16xi1>, vector<16xf32>
    %mul3A_1306 = arith.constant 2.000000e+00 : f32
    %mul3A_1307 = vector.broadcast %mul3A_1306 : f32 to vector<16xf32>
    %mul3A_1308 = arith.mulf %mul3A_1307, %select_n3A_1305 : vector<16xf32>
    %sub3A_1309 = arith.subf %add3A_1287, %mul3A_1308 : vector<16xf32>
    %get3A_1310 = arith.constant 80 : index
    %get3A_1311 = tpu.vector_load %arg7[%get3A_1310] {strides = array<i32>} : memref<128xi32, #tpu.memory_space<vmem>>, vector<16xi32>,
    %add3A_1312 = arith.constant 16 : i32
    %add3A_1313 = vector.broadcast %add3A_1312 : i32 to vector<16xi32>
    %add3A_1314 = arith.addi %add3A_1313, %iota3A : vector<16xi32>
    %sub3A_1315 = arith.constant 1 : i32
    %sub3A_1316 = vector.broadcast %sub3A_1315 : i32 to vector<16xi32>
    %sub3A_1317 = arith.subi %get3A_1311, %sub3A_1316 : vector<16xi32>
    %max3A_1318 = arith.constant 0 : i32
    %max3A_1319 = vector.broadcast %max3A_1318 : i32 to vector<16xi32>
    %max3A_1320 = arith.maxsi %sub3A_1317, %max3A_1319 : vector<16xi32>
    %gather3A_1321 = tpu.vector_load_idx %arg5[%add3A_1314, %max3A_1320] : memref<32x999xf32, #tpu.memory_space<vmem>>[vector<16xi32>, vector<16xi32>], vector<16xf32>,
    %ge3A_1322 = arith.constant 1 : i32
    %ge3A_1323 = vector.broadcast %ge3A_1322 : i32 to vector<16xi32>
    %ge3A_1324 = arith.cmpi sge, %get3A_1311, %ge3A_1323 : vector<16xi32>
    %jit3A_1325 = arith.constant 0.000000e+00 : f32
    %broadcast_in_dim3A_1326 = vector.broadcast %jit3A_1325 : f32 to vector<16xf32>
    %select_n3A_1327 = arith.select %ge3A_1324, %gather3A_1321, %broadcast_in_dim3A_1326 : vector<16xi1>, vector<16xf32>
    %mul3A_1328 = arith.constant 2.000000e+00 : f32
    %mul3A_1329 = vector.broadcast %mul3A_1328 : f32 to vector<16xf32>
    %mul3A_1330 = arith.mulf %mul3A_1329, %select_n3A_1327 : vector<16xf32>
    %sub3A_1331 = arith.subf %sub3A_1309, %mul3A_1330 : vector<16xf32>
    %dma_wait3A_1332 = arith.constant 0 : i32
    %dma_wait3A_1333 = tpu.memref_slice %arg2[%add3A_889, %dma_wait3A_1332] : memref<16384x999xf32, #tpu.memory_space<hbm>> -> memref<32x999xf32, #tpu.memory_space<hbm>>
    %dma_wait3A_1334 = arith.constant 0 : i32
    %dma_wait3A_1335 = tpu.memref_slice %arg2[%add3A_889, %dma_wait3A_1334] : memref<16384x999xf32, #tpu.memory_space<hbm>> -> memref<32x999xf32, #tpu.memory_space<hbm>>
    tpu.wait_dma2 semaphore(%arg10 : memref<!tpu.dma_semaphore, #tpu.memory_space<semaphore_mem>>) src(%dma_wait3A_1335 : memref<32x999xf32, #tpu.memory_space<hbm>>) dst(%arg6 : memref<32x999xf32, #tpu.memory_space<vmem>>)
    %scan3A_1336 = arith.constant 0 : i32
    %scan3A_1337 = arith.constant 62 : i32
    %scan3A_1338 = arith.addi %scan3A_1336, %scan3A_1337 : i32
    %scan3A_1339 = arith.constant 1 : i32
    %scan3A_1340 = scf.for %scan3A_1771 = %scan3A_1336 to %scan3A_1338 step %scan3A_1339 iter_args(%scan3A_1772 = %sub3A_1331) -> (vector<16xf32>)  : i32 {
      %mul3A_1773 = arith.constant 16 : i32
      %mul3A_1774 = arith.muli %scan3A_1771, %mul3A_1773 : i32
      %get3A_1775 = arith.constant 0 : i32
      %get3A_1776 = arith.index_cast %get3A_1775 : i32 to index
      %get3A_1777 = arith.index_cast %mul3A_1774 : i32 to index
      %get3A_1778 = tpu.vector_load %arg6[%get3A_1776, %get3A_1777] {strides = array<i32>} : memref<32x999xf32, #tpu.memory_space<vmem>>, vector<16xf32>,
      %mul3A_1779 = arith.mulf %get3A_1778, %get3A_1778 : vector<16xf32>
      %add3A_1780 = arith.addf %scan3A_1772, %mul3A_1779 : vector<16xf32>
      %mul3A_1781 = arith.constant 16 : i32
      %mul3A_1782 = arith.muli %scan3A_1771, %mul3A_1781 : i32
      %get3A_1783 = arith.constant 1 : i32
      %get3A_1784 = arith.index_cast %get3A_1783 : i32 to index
      %get3A_1785 = arith.index_cast %mul3A_1782 : i32 to index
      %get3A_1786 = tpu.vector_load %arg6[%get3A_1784, %get3A_1785] {strides = array<i32>} : memref<32x999xf32, #tpu.memory_space<vmem>>, vector<16xf32>,
      %mul3A_1787 = arith.mulf %get3A_1786, %get3A_1786 : vector<16xf32>
      %add3A_1788 = arith.addf %add3A_1780, %mul3A_1787 : vector<16xf32>
      %mul3A_1789 = arith.constant 16 : i32
      %mul3A_1790 = arith.muli %scan3A_1771, %mul3A_1789 : i32
      %get3A_1791 = arith.constant 2 : i32
      %get3A_1792 = arith.index_cast %get3A_1791 : i32 to index
      %get3A_1793 = arith.index_cast %mul3A_1790 : i32 to index
      %get3A_1794 = tpu.vector_load %arg6[%get3A_1792, %get3A_1793] {strides = array<i32>} : memref<32x999xf32, #tpu.memory_space<vmem>>, vector<16xf32>,
      %mul3A_1795 = arith.mulf %get3A_1794, %get3A_1794 : vector<16xf32>
      %add3A_1796 = arith.addf %add3A_1788, %mul3A_1795 : vector<16xf32>
      %mul3A_1797 = arith.constant 16 : i32
      %mul3A_1798 = arith.muli %scan3A_1771, %mul3A_1797 : i32
      %get3A_1799 = arith.constant 3 : i32
      %get3A_1800 = arith.index_cast %get3A_1799 : i32 to index
      %get3A_1801 = arith.index_cast %mul3A_1798 : i32 to index
      %get3A_1802 = tpu.vector_load %arg6[%get3A_1800, %get3A_1801] {strides = array<i32>} : memref<32x999xf32, #tpu.memory_space<vmem>>, vector<16xf32>,
      %mul3A_1803 = arith.mulf %get3A_1802, %get3A_1802 : vector<16xf32>
      %add3A_1804 = arith.addf %add3A_1796, %mul3A_1803 : vector<16xf32>
      %mul3A_1805 = arith.constant 16 : i32
      %mul3A_1806 = arith.muli %scan3A_1771, %mul3A_1805 : i32
      %get3A_1807 = arith.constant 4 : i32
      %get3A_1808 = arith.index_cast %get3A_1807 : i32 to index
      %get3A_1809 = arith.index_cast %mul3A_1806 : i32 to index
      %get3A_1810 = tpu.vector_load %arg6[%get3A_1808, %get3A_1809] {strides = array<i32>} : memref<32x999xf32, #tpu.memory_space<vmem>>, vector<16xf32>,
      %mul3A_1811 = arith.mulf %get3A_1810, %get3A_1810 : vector<16xf32>
      %add3A_1812 = arith.addf %add3A_1804, %mul3A_1811 : vector<16xf32>
      %mul3A_1813 = arith.constant 16 : i32
      %mul3A_1814 = arith.muli %scan3A_1771, %mul3A_1813 : i32
      %get3A_1815 = arith.constant 5 : i32
      %get3A_1816 = arith.index_cast %get3A_1815 : i32 to index
      %get3A_1817 = arith.index_cast %mul3A_1814 : i32 to index
      %get3A_1818 = tpu.vector_load %arg6[%get3A_1816, %get3A_1817] {strides = array<i32>} : memref<32x999xf32, #tpu.memory_space<vmem>>, vector<16xf32>,
      %mul3A_1819 = arith.mulf %get3A_1818, %get3A_1818 : vector<16xf32>
      %add3A_1820 = arith.addf %add3A_1812, %mul3A_1819 : vector<16xf32>
      %mul3A_1821 = arith.constant 16 : i32
      %mul3A_1822 = arith.muli %scan3A_1771, %mul3A_1821 : i32
      %get3A_1823 = arith.constant 6 : i32
      %get3A_1824 = arith.index_cast %get3A_1823 : i32 to index
      %get3A_1825 = arith.index_cast %mul3A_1822 : i32 to index
      %get3A_1826 = tpu.vector_load %arg6[%get3A_1824, %get3A_1825] {strides = array<i32>} : memref<32x999xf32, #tpu.memory_space<vmem>>, vector<16xf32>,
      %mul3A_1827 = arith.mulf %get3A_1826, %get3A_1826 : vector<16xf32>
      %add3A_1828 = arith.addf %add3A_1820, %mul3A_1827 : vector<16xf32>
      %mul3A_1829 = arith.constant 16 : i32
      %mul3A_1830 = arith.muli %scan3A_1771, %mul3A_1829 : i32
      %get3A_1831 = arith.constant 7 : i32
      %get3A_1832 = arith.index_cast %get3A_1831 : i32 to index
      %get3A_1833 = arith.index_cast %mul3A_1830 : i32 to index
      %get3A_1834 = tpu.vector_load %arg6[%get3A_1832, %get3A_1833] {strides = array<i32>} : memref<32x999xf32, #tpu.memory_space<vmem>>, vector<16xf32>,
      %mul3A_1835 = arith.mulf %get3A_1834, %get3A_1834 : vector<16xf32>
      %add3A_1836 = arith.addf %add3A_1828, %mul3A_1835 : vector<16xf32>
      %mul3A_1837 = arith.constant 16 : i32
      %mul3A_1838 = arith.muli %scan3A_1771, %mul3A_1837 : i32
      %get3A_1839 = arith.constant 8 : i32
      %get3A_1840 = arith.index_cast %get3A_1839 : i32 to index
      %get3A_1841 = arith.index_cast %mul3A_1838 : i32 to index
      %get3A_1842 = tpu.vector_load %arg6[%get3A_1840, %get3A_1841] {strides = array<i32>} : memref<32x999xf32, #tpu.memory_space<vmem>>, vector<16xf32>,
      %mul3A_1843 = arith.mulf %get3A_1842, %get3A_1842 : vector<16xf32>
      %add3A_1844 = arith.addf %add3A_1836, %mul3A_1843 : vector<16xf32>
      %mul3A_1845 = arith.constant 16 : i32
      %mul3A_1846 = arith.muli %scan3A_1771, %mul3A_1845 : i32
      %get3A_1847 = arith.constant 9 : i32
      %get3A_1848 = arith.index_cast %get3A_1847 : i32 to index
      %get3A_1849 = arith.index_cast %mul3A_1846 : i32 to index
      %get3A_1850 = tpu.vector_load %arg6[%get3A_1848, %get3A_1849] {strides = array<i32>} : memref<32x999xf32, #tpu.memory_space<vmem>>, vector<16xf32>,
      %mul3A_1851 = arith.mulf %get3A_1850, %get3A_1850 : vector<16xf32>
      %add3A_1852 = arith.addf %add3A_1844, %mul3A_1851 : vector<16xf32>
      %mul3A_1853 = arith.constant 16 : i32
      %mul3A_1854 = arith.muli %scan3A_1771, %mul3A_1853 : i32
      %get3A_1855 = arith.constant 10 : i32
      %get3A_1856 = arith.index_cast %get3A_1855 : i32 to index
      %get3A_1857 = arith.index_cast %mul3A_1854 : i32 to index
      %get3A_1858 = tpu.vector_load %arg6[%get3A_1856, %get3A_1857] {strides = array<i32>} : memref<32x999xf32, #tpu.memory_space<vmem>>, vector<16xf32>,
      %mul3A_1859 = arith.mulf %get3A_1858, %get3A_1858 : vector<16xf32>
      %add3A_1860 = arith.addf %add3A_1852, %mul3A_1859 : vector<16xf32>
      %mul3A_1861 = arith.constant 16 : i32
      %mul3A_1862 = arith.muli %scan3A_1771, %mul3A_1861 : i32
      %get3A_1863 = arith.constant 11 : i32
      %get3A_1864 = arith.index_cast %get3A_1863 : i32 to index
      %get3A_1865 = arith.index_cast %mul3A_1862 : i32 to index
      %get3A_1866 = tpu.vector_load %arg6[%get3A_1864, %get3A_1865] {strides = array<i32>} : memref<32x999xf32, #tpu.memory_space<vmem>>, vector<16xf32>,
      %mul3A_1867 = arith.mulf %get3A_1866, %get3A_1866 : vector<16xf32>
      %add3A_1868 = arith.addf %add3A_1860, %mul3A_1867 : vector<16xf32>
      %mul3A_1869 = arith.constant 16 : i32
      %mul3A_1870 = arith.muli %scan3A_1771, %mul3A_1869 : i32
      %get3A_1871 = arith.constant 12 : i32
      %get3A_1872 = arith.index_cast %get3A_1871 : i32 to index
      %get3A_1873 = arith.index_cast %mul3A_1870 : i32 to index
      %get3A_1874 = tpu.vector_load %arg6[%get3A_1872, %get3A_1873] {strides = array<i32>} : memref<32x999xf32, #tpu.memory_space<vmem>>, vector<16xf32>,
      %mul3A_1875 = arith.mulf %get3A_1874, %get3A_1874 : vector<16xf32>
      %add3A_1876 = arith.addf %add3A_1868, %mul3A_1875 : vector<16xf32>
      %mul3A_1877 = arith.constant 16 : i32
      %mul3A_1878 = arith.muli %scan3A_1771, %mul3A_1877 : i32
      %get3A_1879 = arith.constant 13 : i32
      %get3A_1880 = arith.index_cast %get3A_1879 : i32 to index
      %get3A_1881 = arith.index_cast %mul3A_1878 : i32 to index
      %get3A_1882 = tpu.vector_load %arg6[%get3A_1880, %get3A_1881] {strides = array<i32>} : memref<32x999xf32, #tpu.memory_space<vmem>>, vector<16xf32>,
      %mul3A_1883 = arith.mulf %get3A_1882, %get3A_1882 : vector<16xf32>
      %add3A_1884 = arith.addf %add3A_1876, %mul3A_1883 : vector<16xf32>
      %mul3A_1885 = arith.constant 16 : i32
      %mul3A_1886 = arith.muli %scan3A_1771, %mul3A_1885 : i32
      %get3A_1887 = arith.constant 14 : i32
      %get3A_1888 = arith.index_cast %get3A_1887 : i32 to index
      %get3A_1889 = arith.index_cast %mul3A_1886 : i32 to index
      %get3A_1890 = tpu.vector_load %arg6[%get3A_1888, %get3A_1889] {strides = array<i32>} : memref<32x999xf32, #tpu.memory_space<vmem>>, vector<16xf32>,
      %mul3A_1891 = arith.mulf %get3A_1890, %get3A_1890 : vector<16xf32>
      %add3A_1892 = arith.addf %add3A_1884, %mul3A_1891 : vector<16xf32>
      %mul3A_1893 = arith.constant 16 : i32
      %mul3A_1894 = arith.muli %scan3A_1771, %mul3A_1893 : i32
      %get3A_1895 = arith.constant 15 : i32
      %get3A_1896 = arith.index_cast %get3A_1895 : i32 to index
      %get3A_1897 = arith.index_cast %mul3A_1894 : i32 to index
      %get3A_1898 = tpu.vector_load %arg6[%get3A_1896, %get3A_1897] {strides = array<i32>} : memref<32x999xf32, #tpu.memory_space<vmem>>, vector<16xf32>,
      %mul3A_1899 = arith.mulf %get3A_1898, %get3A_1898 : vector<16xf32>
      %add3A_1900 = arith.addf %add3A_1892, %mul3A_1899 : vector<16xf32>
      %mul3A_1901 = arith.constant 16 : i32
      %mul3A_1902 = arith.muli %scan3A_1771, %mul3A_1901 : i32
      %get3A_1903 = arith.constant 16 : i32
      %get3A_1904 = arith.index_cast %get3A_1903 : i32 to index
      %get3A_1905 = arith.index_cast %mul3A_1902 : i32 to index
      %get3A_1906 = tpu.vector_load %arg6[%get3A_1904, %get3A_1905] {strides = array<i32>} : memref<32x999xf32, #tpu.memory_space<vmem>>, vector<16xf32>,
      %mul3A_1907 = arith.mulf %get3A_1906, %get3A_1906 : vector<16xf32>
      %add3A_1908 = arith.addf %add3A_1900, %mul3A_1907 : vector<16xf32>
      %mul3A_1909 = arith.constant 16 : i32
      %mul3A_1910 = arith.muli %scan3A_1771, %mul3A_1909 : i32
      %get3A_1911 = arith.constant 17 : i32
      %get3A_1912 = arith.index_cast %get3A_1911 : i32 to index
      %get3A_1913 = arith.index_cast %mul3A_1910 : i32 to index
      %get3A_1914 = tpu.vector_load %arg6[%get3A_1912, %get3A_1913] {strides = array<i32>} : memref<32x999xf32, #tpu.memory_space<vmem>>, vector<16xf32>,
      %mul3A_1915 = arith.mulf %get3A_1914, %get3A_1914 : vector<16xf32>
      %add3A_1916 = arith.addf %add3A_1908, %mul3A_1915 : vector<16xf32>
      %mul3A_1917 = arith.constant 16 : i32
      %mul3A_1918 = arith.muli %scan3A_1771, %mul3A_1917 : i32
      %get3A_1919 = arith.constant 18 : i32
      %get3A_1920 = arith.index_cast %get3A_1919 : i32 to index
      %get3A_1921 = arith.index_cast %mul3A_1918 : i32 to index
      %get3A_1922 = tpu.vector_load %arg6[%get3A_1920, %get3A_1921] {strides = array<i32>} : memref<32x999xf32, #tpu.memory_space<vmem>>, vector<16xf32>,
      %mul3A_1923 = arith.mulf %get3A_1922, %get3A_1922 : vector<16xf32>
      %add3A_1924 = arith.addf %add3A_1916, %mul3A_1923 : vector<16xf32>
      %mul3A_1925 = arith.constant 16 : i32
      %mul3A_1926 = arith.muli %scan3A_1771, %mul3A_1925 : i32
      %get3A_1927 = arith.constant 19 : i32
      %get3A_1928 = arith.index_cast %get3A_1927 : i32 to index
      %get3A_1929 = arith.index_cast %mul3A_1926 : i32 to index
      %get3A_1930 = tpu.vector_load %arg6[%get3A_1928, %get3A_1929] {strides = array<i32>} : memref<32x999xf32, #tpu.memory_space<vmem>>, vector<16xf32>,
      %mul3A_1931 = arith.mulf %get3A_1930, %get3A_1930 : vector<16xf32>
      %add3A_1932 = arith.addf %add3A_1924, %mul3A_1931 : vector<16xf32>
      %mul3A_1933 = arith.constant 16 : i32
      %mul3A_1934 = arith.muli %scan3A_1771, %mul3A_1933 : i32
      %get3A_1935 = arith.constant 20 : i32
      %get3A_1936 = arith.index_cast %get3A_1935 : i32 to index
      %get3A_1937 = arith.index_cast %mul3A_1934 : i32 to index
      %get3A_1938 = tpu.vector_load %arg6[%get3A_1936, %get3A_1937] {strides = array<i32>} : memref<32x999xf32, #tpu.memory_space<vmem>>, vector<16xf32>,
      %mul3A_1939 = arith.mulf %get3A_1938, %get3A_1938 : vector<16xf32>
      %add3A_1940 = arith.addf %add3A_1932, %mul3A_1939 : vector<16xf32>
      %mul3A_1941 = arith.constant 16 : i32
      %mul3A_1942 = arith.muli %scan3A_1771, %mul3A_1941 : i32
      %get3A_1943 = arith.constant 21 : i32
      %get3A_1944 = arith.index_cast %get3A_1943 : i32 to index
      %get3A_1945 = arith.index_cast %mul3A_1942 : i32 to index
      %get3A_1946 = tpu.vector_load %arg6[%get3A_1944, %get3A_1945] {strides = array<i32>} : memref<32x999xf32, #tpu.memory_space<vmem>>, vector<16xf32>,
      %mul3A_1947 = arith.mulf %get3A_1946, %get3A_1946 : vector<16xf32>
      %add3A_1948 = arith.addf %add3A_1940, %mul3A_1947 : vector<16xf32>
      %mul3A_1949 = arith.constant 16 : i32
      %mul3A_1950 = arith.muli %scan3A_1771, %mul3A_1949 : i32
      %get3A_1951 = arith.constant 22 : i32
      %get3A_1952 = arith.index_cast %get3A_1951 : i32 to index
      %get3A_1953 = arith.index_cast %mul3A_1950 : i32 to index
      %get3A_1954 = tpu.vector_load %arg6[%get3A_1952, %get3A_1953] {strides = array<i32>} : memref<32x999xf32, #tpu.memory_space<vmem>>, vector<16xf32>,
      %mul3A_1955 = arith.mulf %get3A_1954, %get3A_1954 : vector<16xf32>
      %add3A_1956 = arith.addf %add3A_1948, %mul3A_1955 : vector<16xf32>
      %mul3A_1957 = arith.constant 16 : i32
      %mul3A_1958 = arith.muli %scan3A_1771, %mul3A_1957 : i32
      %get3A_1959 = arith.constant 23 : i32
      %get3A_1960 = arith.index_cast %get3A_1959 : i32 to index
      %get3A_1961 = arith.index_cast %mul3A_1958 : i32 to index
      %get3A_1962 = tpu.vector_load %arg6[%get3A_1960, %get3A_1961] {strides = array<i32>} : memref<32x999xf32, #tpu.memory_space<vmem>>, vector<16xf32>,
      %mul3A_1963 = arith.mulf %get3A_1962, %get3A_1962 : vector<16xf32>
      %add3A_1964 = arith.addf %add3A_1956, %mul3A_1963 : vector<16xf32>
      %mul3A_1965 = arith.constant 16 : i32
      %mul3A_1966 = arith.muli %scan3A_1771, %mul3A_1965 : i32
      %get3A_1967 = arith.constant 24 : i32
      %get3A_1968 = arith.index_cast %get3A_1967 : i32 to index
      %get3A_1969 = arith.index_cast %mul3A_1966 : i32 to index
      %get3A_1970 = tpu.vector_load %arg6[%get3A_1968, %get3A_1969] {strides = array<i32>} : memref<32x999xf32, #tpu.memory_space<vmem>>, vector<16xf32>,
      %mul3A_1971 = arith.mulf %get3A_1970, %get3A_1970 : vector<16xf32>
      %add3A_1972 = arith.addf %add3A_1964, %mul3A_1971 : vector<16xf32>
      %mul3A_1973 = arith.constant 16 : i32
      %mul3A_1974 = arith.muli %scan3A_1771, %mul3A_1973 : i32
      %get3A_1975 = arith.constant 25 : i32
      %get3A_1976 = arith.index_cast %get3A_1975 : i32 to index
      %get3A_1977 = arith.index_cast %mul3A_1974 : i32 to index
      %get3A_1978 = tpu.vector_load %arg6[%get3A_1976, %get3A_1977] {strides = array<i32>} : memref<32x999xf32, #tpu.memory_space<vmem>>, vector<16xf32>,
      %mul3A_1979 = arith.mulf %get3A_1978, %get3A_1978 : vector<16xf32>
      %add3A_1980 = arith.addf %add3A_1972, %mul3A_1979 : vector<16xf32>
      %mul3A_1981 = arith.constant 16 : i32
      %mul3A_1982 = arith.muli %scan3A_1771, %mul3A_1981 : i32
      %get3A_1983 = arith.constant 26 : i32
      %get3A_1984 = arith.index_cast %get3A_1983 : i32 to index
      %get3A_1985 = arith.index_cast %mul3A_1982 : i32 to index
      %get3A_1986 = tpu.vector_load %arg6[%get3A_1984, %get3A_1985] {strides = array<i32>} : memref<32x999xf32, #tpu.memory_space<vmem>>, vector<16xf32>,
      %mul3A_1987 = arith.mulf %get3A_1986, %get3A_1986 : vector<16xf32>
      %add3A_1988 = arith.addf %add3A_1980, %mul3A_1987 : vector<16xf32>
      %mul3A_1989 = arith.constant 16 : i32
      %mul3A_1990 = arith.muli %scan3A_1771, %mul3A_1989 : i32
      %get3A_1991 = arith.constant 27 : i32
      %get3A_1992 = arith.index_cast %get3A_1991 : i32 to index
      %get3A_1993 = arith.index_cast %mul3A_1990 : i32 to index
      %get3A_1994 = tpu.vector_load %arg6[%get3A_1992, %get3A_1993] {strides = array<i32>} : memref<32x999xf32, #tpu.memory_space<vmem>>, vector<16xf32>,
      %mul3A_1995 = arith.mulf %get3A_1994, %get3A_1994 : vector<16xf32>
      %add3A_1996 = arith.addf %add3A_1988, %mul3A_1995 : vector<16xf32>
      %mul3A_1997 = arith.constant 16 : i32
      %mul3A_1998 = arith.muli %scan3A_1771, %mul3A_1997 : i32
      %get3A_1999 = arith.constant 28 : i32
      %get3A_2000 = arith.index_cast %get3A_1999 : i32 to index
      %get3A_2001 = arith.index_cast %mul3A_1998 : i32 to index
      %get3A_2002 = tpu.vector_load %arg6[%get3A_2000, %get3A_2001] {strides = array<i32>} : memref<32x999xf32, #tpu.memory_space<vmem>>, vector<16xf32>,
      %mul3A_2003 = arith.mulf %get3A_2002, %get3A_2002 : vector<16xf32>
      %add3A_2004 = arith.addf %add3A_1996, %mul3A_2003 : vector<16xf32>
      %mul3A_2005 = arith.constant 16 : i32
      %mul3A_2006 = arith.muli %scan3A_1771, %mul3A_2005 : i32
      %get3A_2007 = arith.constant 29 : i32
      %get3A_2008 = arith.index_cast %get3A_2007 : i32 to index
      %get3A_2009 = arith.index_cast %mul3A_2006 : i32 to index
      %get3A_2010 = tpu.vector_load %arg6[%get3A_2008, %get3A_2009] {strides = array<i32>} : memref<32x999xf32, #tpu.memory_space<vmem>>, vector<16xf32>,
      %mul3A_2011 = arith.mulf %get3A_2010, %get3A_2010 : vector<16xf32>
      %add3A_2012 = arith.addf %add3A_2004, %mul3A_2011 : vector<16xf32>
      %mul3A_2013 = arith.constant 16 : i32
      %mul3A_2014 = arith.muli %scan3A_1771, %mul3A_2013 : i32
      %get3A_2015 = arith.constant 30 : i32
      %get3A_2016 = arith.index_cast %get3A_2015 : i32 to index
      %get3A_2017 = arith.index_cast %mul3A_2014 : i32 to index
      %get3A_2018 = tpu.vector_load %arg6[%get3A_2016, %get3A_2017] {strides = array<i32>} : memref<32x999xf32, #tpu.memory_space<vmem>>, vector<16xf32>,
      %mul3A_2019 = arith.mulf %get3A_2018, %get3A_2018 : vector<16xf32>
      %add3A_2020 = arith.addf %add3A_2012, %mul3A_2019 : vector<16xf32>
      %mul3A_2021 = arith.constant 16 : i32
      %mul3A_2022 = arith.muli %scan3A_1771, %mul3A_2021 : i32
      %get3A_2023 = arith.constant 31 : i32
      %get3A_2024 = arith.index_cast %get3A_2023 : i32 to index
      %get3A_2025 = arith.index_cast %mul3A_2022 : i32 to index
      %get3A_2026 = tpu.vector_load %arg6[%get3A_2024, %get3A_2025] {strides = array<i32>} : memref<32x999xf32, #tpu.memory_space<vmem>>, vector<16xf32>,
      %mul3A_2027 = arith.mulf %get3A_2026, %get3A_2026 : vector<16xf32>
      %add3A_2028 = arith.addf %add3A_2020, %mul3A_2027 : vector<16xf32>
      scf.yield %add3A_2028 : vector<16xf32>
    }
    %scan3A_1341 = arith.constant 62 : i32
    %get3A_1342 = arith.constant 0 : i32
    %get3A_1343 = arith.index_cast %get3A_1342 : i32 to index
    %get3A_1344 = arith.constant 983 : index
    %get3A_1345 = tpu.vector_load %arg6[%get3A_1343, %get3A_1344] {strides = array<i32>} : memref<32x999xf32, #tpu.memory_space<vmem>>, vector<16xf32>,
    %ge3A_1346 = arith.constant 9 : i32
    %ge3A_1347 = vector.broadcast %ge3A_1346 : i32 to vector<16xi32>
    %ge3A_1348 = arith.cmpi sge, %iota3A, %ge3A_1347 : vector<16xi32>
    %mul3A_1349 = arith.mulf %get3A_1345, %get3A_1345 : vector<16xf32>
    %jit3A_1350 = arith.constant 0.000000e+00 : f32
    %broadcast_in_dim3A_1351 = vector.broadcast %jit3A_1350 : f32 to vector<16xf32>
    %select_n3A_1352 = arith.select %ge3A_1348, %mul3A_1349, %broadcast_in_dim3A_1351 : vector<16xi1>, vector<16xf32>
    %add3A_1353 = arith.addf %scan3A_1340, %select_n3A_1352 : vector<16xf32>
    %get3A_1354 = arith.constant 1 : i32
    %get3A_1355 = arith.index_cast %get3A_1354 : i32 to index
    %get3A_1356 = arith.constant 983 : index
    %get3A_1357 = tpu.vector_load %arg6[%get3A_1355, %get3A_1356] {strides = array<i32>} : memref<32x999xf32, #tpu.memory_space<vmem>>, vector<16xf32>,
    %ge3A_1358 = arith.constant 9 : i32
    %ge3A_1359 = vector.broadcast %ge3A_1358 : i32 to vector<16xi32>
    %ge3A_1360 = arith.cmpi sge, %iota3A, %ge3A_1359 : vector<16xi32>
    %mul3A_1361 = arith.mulf %get3A_1357, %get3A_1357 : vector<16xf32>
    %jit3A_1362 = arith.constant 0.000000e+00 : f32
    %broadcast_in_dim3A_1363 = vector.broadcast %jit3A_1362 : f32 to vector<16xf32>
    %select_n3A_1364 = arith.select %ge3A_1360, %mul3A_1361, %broadcast_in_dim3A_1363 : vector<16xi1>, vector<16xf32>
    %add3A_1365 = arith.addf %add3A_1353, %select_n3A_1364 : vector<16xf32>
    %get3A_1366 = arith.constant 2 : i32
    %get3A_1367 = arith.index_cast %get3A_1366 : i32 to index
    %get3A_1368 = arith.constant 983 : index
    %get3A_1369 = tpu.vector_load %arg6[%get3A_1367, %get3A_1368] {strides = array<i32>} : memref<32x999xf32, #tpu.memory_space<vmem>>, vector<16xf32>,
    %ge3A_1370 = arith.constant 9 : i32
    %ge3A_1371 = vector.broadcast %ge3A_1370 : i32 to vector<16xi32>
    %ge3A_1372 = arith.cmpi sge, %iota3A, %ge3A_1371 : vector<16xi32>
    %mul3A_1373 = arith.mulf %get3A_1369, %get3A_1369 : vector<16xf32>
    %jit3A_1374 = arith.constant 0.000000e+00 : f32
    %broadcast_in_dim3A_1375 = vector.broadcast %jit3A_1374 : f32 to vector<16xf32>
    %select_n3A_1376 = arith.select %ge3A_1372, %mul3A_1373, %broadcast_in_dim3A_1375 : vector<16xi1>, vector<16xf32>
    %add3A_1377 = arith.addf %add3A_1365, %select_n3A_1376 : vector<16xf32>
    %get3A_1378 = arith.constant 3 : i32
    %get3A_1379 = arith.index_cast %get3A_1378 : i32 to index
    %get3A_1380 = arith.constant 983 : index
    %get3A_1381 = tpu.vector_load %arg6[%get3A_1379, %get3A_1380] {strides = array<i32>} : memref<32x999xf32, #tpu.memory_space<vmem>>, vector<16xf32>,
    %ge3A_1382 = arith.constant 9 : i32
    %ge3A_1383 = vector.broadcast %ge3A_1382 : i32 to vector<16xi32>
    %ge3A_1384 = arith.cmpi sge, %iota3A, %ge3A_1383 : vector<16xi32>
    %mul3A_1385 = arith.mulf %get3A_1381, %get3A_1381 : vector<16xf32>
    %jit3A_1386 = arith.constant 0.000000e+00 : f32
    %broadcast_in_dim3A_1387 = vector.broadcast %jit3A_1386 : f32 to vector<16xf32>
    %select_n3A_1388 = arith.select %ge3A_1384, %mul3A_1385, %broadcast_in_dim3A_1387 : vector<16xi1>, vector<16xf32>
    %add3A_1389 = arith.addf %add3A_1377, %select_n3A_1388 : vector<16xf32>
    %get3A_1390 = arith.constant 4 : i32
    %get3A_1391 = arith.index_cast %get3A_1390 : i32 to index
    %get3A_1392 = arith.constant 983 : index
    %get3A_1393 = tpu.vector_load %arg6[%get3A_1391, %get3A_1392] {strides = array<i32>} : memref<32x999xf32, #tpu.memory_space<vmem>>, vector<16xf32>,
    %ge3A_1394 = arith.constant 9 : i32
    %ge3A_1395 = vector.broadcast %ge3A_1394 : i32 to vector<16xi32>
    %ge3A_1396 = arith.cmpi sge, %iota3A, %ge3A_1395 : vector<16xi32>
    %mul3A_1397 = arith.mulf %get3A_1393, %get3A_1393 : vector<16xf32>
    %jit3A_1398 = arith.constant 0.000000e+00 : f32
    %broadcast_in_dim3A_1399 = vector.broadcast %jit3A_1398 : f32 to vector<16xf32>
    %select_n3A_1400 = arith.select %ge3A_1396, %mul3A_1397, %broadcast_in_dim3A_1399 : vector<16xi1>, vector<16xf32>
    %add3A_1401 = arith.addf %add3A_1389, %select_n3A_1400 : vector<16xf32>
    %get3A_1402 = arith.constant 5 : i32
    %get3A_1403 = arith.index_cast %get3A_1402 : i32 to index
    %get3A_1404 = arith.constant 983 : index
    %get3A_1405 = tpu.vector_load %arg6[%get3A_1403, %get3A_1404] {strides = array<i32>} : memref<32x999xf32, #tpu.memory_space<vmem>>, vector<16xf32>,
    %ge3A_1406 = arith.constant 9 : i32
    %ge3A_1407 = vector.broadcast %ge3A_1406 : i32 to vector<16xi32>
    %ge3A_1408 = arith.cmpi sge, %iota3A, %ge3A_1407 : vector<16xi32>
    %mul3A_1409 = arith.mulf %get3A_1405, %get3A_1405 : vector<16xf32>
    %jit3A_1410 = arith.constant 0.000000e+00 : f32
    %broadcast_in_dim3A_1411 = vector.broadcast %jit3A_1410 : f32 to vector<16xf32>
    %select_n3A_1412 = arith.select %ge3A_1408, %mul3A_1409, %broadcast_in_dim3A_1411 : vector<16xi1>, vector<16xf32>
    %add3A_1413 = arith.addf %add3A_1401, %select_n3A_1412 : vector<16xf32>
    %get3A_1414 = arith.constant 6 : i32
    %get3A_1415 = arith.index_cast %get3A_1414 : i32 to index
    %get3A_1416 = arith.constant 983 : index
    %get3A_1417 = tpu.vector_load %arg6[%get3A_1415, %get3A_1416] {strides = array<i32>} : memref<32x999xf32, #tpu.memory_space<vmem>>, vector<16xf32>,
    %ge3A_1418 = arith.constant 9 : i32
    %ge3A_1419 = vector.broadcast %ge3A_1418 : i32 to vector<16xi32>
    %ge3A_1420 = arith.cmpi sge, %iota3A, %ge3A_1419 : vector<16xi32>
    %mul3A_1421 = arith.mulf %get3A_1417, %get3A_1417 : vector<16xf32>
    %jit3A_1422 = arith.constant 0.000000e+00 : f32
    %broadcast_in_dim3A_1423 = vector.broadcast %jit3A_1422 : f32 to vector<16xf32>
    %select_n3A_1424 = arith.select %ge3A_1420, %mul3A_1421, %broadcast_in_dim3A_1423 : vector<16xi1>, vector<16xf32>
    %add3A_1425 = arith.addf %add3A_1413, %select_n3A_1424 : vector<16xf32>
    %get3A_1426 = arith.constant 7 : i32
    %get3A_1427 = arith.index_cast %get3A_1426 : i32 to index
    %get3A_1428 = arith.constant 983 : index
    %get3A_1429 = tpu.vector_load %arg6[%get3A_1427, %get3A_1428] {strides = array<i32>} : memref<32x999xf32, #tpu.memory_space<vmem>>, vector<16xf32>,
    %ge3A_1430 = arith.constant 9 : i32
    %ge3A_1431 = vector.broadcast %ge3A_1430 : i32 to vector<16xi32>
    %ge3A_1432 = arith.cmpi sge, %iota3A, %ge3A_1431 : vector<16xi32>
    %mul3A_1433 = arith.mulf %get3A_1429, %get3A_1429 : vector<16xf32>
    %jit3A_1434 = arith.constant 0.000000e+00 : f32
    %broadcast_in_dim3A_1435 = vector.broadcast %jit3A_1434 : f32 to vector<16xf32>
    %select_n3A_1436 = arith.select %ge3A_1432, %mul3A_1433, %broadcast_in_dim3A_1435 : vector<16xi1>, vector<16xf32>
    %add3A_1437 = arith.addf %add3A_1425, %select_n3A_1436 : vector<16xf32>
    %get3A_1438 = arith.constant 8 : i32
    %get3A_1439 = arith.index_cast %get3A_1438 : i32 to index
    %get3A_1440 = arith.constant 983 : index
    %get3A_1441 = tpu.vector_load %arg6[%get3A_1439, %get3A_1440] {strides = array<i32>} : memref<32x999xf32, #tpu.memory_space<vmem>>, vector<16xf32>,
    %ge3A_1442 = arith.constant 9 : i32
    %ge3A_1443 = vector.broadcast %ge3A_1442 : i32 to vector<16xi32>
    %ge3A_1444 = arith.cmpi sge, %iota3A, %ge3A_1443 : vector<16xi32>
    %mul3A_1445 = arith.mulf %get3A_1441, %get3A_1441 : vector<16xf32>
    %jit3A_1446 = arith.constant 0.000000e+00 : f32
    %broadcast_in_dim3A_1447 = vector.broadcast %jit3A_1446 : f32 to vector<16xf32>
    %select_n3A_1448 = arith.select %ge3A_1444, %mul3A_1445, %broadcast_in_dim3A_1447 : vector<16xi1>, vector<16xf32>
    %add3A_1449 = arith.addf %add3A_1437, %select_n3A_1448 : vector<16xf32>
    %get3A_1450 = arith.constant 9 : i32
    %get3A_1451 = arith.index_cast %get3A_1450 : i32 to index
    %get3A_1452 = arith.constant 983 : index
    %get3A_1453 = tpu.vector_load %arg6[%get3A_1451, %get3A_1452] {strides = array<i32>} : memref<32x999xf32, #tpu.memory_space<vmem>>, vector<16xf32>,
    %ge3A_1454 = arith.constant 9 : i32
    %ge3A_1455 = vector.broadcast %ge3A_1454 : i32 to vector<16xi32>
    %ge3A_1456 = arith.cmpi sge, %iota3A, %ge3A_1455 : vector<16xi32>
    %mul3A_1457 = arith.mulf %get3A_1453, %get3A_1453 : vector<16xf32>
    %jit3A_1458 = arith.constant 0.000000e+00 : f32
    %broadcast_in_dim3A_1459 = vector.broadcast %jit3A_1458 : f32 to vector<16xf32>
    %select_n3A_1460 = arith.select %ge3A_1456, %mul3A_1457, %broadcast_in_dim3A_1459 : vector<16xi1>, vector<16xf32>
    %add3A_1461 = arith.addf %add3A_1449, %select_n3A_1460 : vector<16xf32>
    %get3A_1462 = arith.constant 10 : i32
    %get3A_1463 = arith.index_cast %get3A_1462 : i32 to index
    %get3A_1464 = arith.constant 983 : index
    %get3A_1465 = tpu.vector_load %arg6[%get3A_1463, %get3A_1464] {strides = array<i32>} : memref<32x999xf32, #tpu.memory_space<vmem>>, vector<16xf32>,
    %ge3A_1466 = arith.constant 9 : i32
    %ge3A_1467 = vector.broadcast %ge3A_1466 : i32 to vector<16xi32>
    %ge3A_1468 = arith.cmpi sge, %iota3A, %ge3A_1467 : vector<16xi32>
    %mul3A_1469 = arith.mulf %get3A_1465, %get3A_1465 : vector<16xf32>
    %jit3A_1470 = arith.constant 0.000000e+00 : f32
    %broadcast_in_dim3A_1471 = vector.broadcast %jit3A_1470 : f32 to vector<16xf32>
    %select_n3A_1472 = arith.select %ge3A_1468, %mul3A_1469, %broadcast_in_dim3A_1471 : vector<16xi1>, vector<16xf32>
    %add3A_1473 = arith.addf %add3A_1461, %select_n3A_1472 : vector<16xf32>
    %get3A_1474 = arith.constant 11 : i32
    %get3A_1475 = arith.index_cast %get3A_1474 : i32 to index
    %get3A_1476 = arith.constant 983 : index
    %get3A_1477 = tpu.vector_load %arg6[%get3A_1475, %get3A_1476] {strides = array<i32>} : memref<32x999xf32, #tpu.memory_space<vmem>>, vector<16xf32>,
    %ge3A_1478 = arith.constant 9 : i32
    %ge3A_1479 = vector.broadcast %ge3A_1478 : i32 to vector<16xi32>
    %ge3A_1480 = arith.cmpi sge, %iota3A, %ge3A_1479 : vector<16xi32>
    %mul3A_1481 = arith.mulf %get3A_1477, %get3A_1477 : vector<16xf32>
    %jit3A_1482 = arith.constant 0.000000e+00 : f32
    %broadcast_in_dim3A_1483 = vector.broadcast %jit3A_1482 : f32 to vector<16xf32>
    %select_n3A_1484 = arith.select %ge3A_1480, %mul3A_1481, %broadcast_in_dim3A_1483 : vector<16xi1>, vector<16xf32>
    %add3A_1485 = arith.addf %add3A_1473, %select_n3A_1484 : vector<16xf32>
    %get3A_1486 = arith.constant 12 : i32
    %get3A_1487 = arith.index_cast %get3A_1486 : i32 to index
    %get3A_1488 = arith.constant 983 : index
    %get3A_1489 = tpu.vector_load %arg6[%get3A_1487, %get3A_1488] {strides = array<i32>} : memref<32x999xf32, #tpu.memory_space<vmem>>, vector<16xf32>,
    %ge3A_1490 = arith.constant 9 : i32
    %ge3A_1491 = vector.broadcast %ge3A_1490 : i32 to vector<16xi32>
    %ge3A_1492 = arith.cmpi sge, %iota3A, %ge3A_1491 : vector<16xi32>
    %mul3A_1493 = arith.mulf %get3A_1489, %get3A_1489 : vector<16xf32>
    %jit3A_1494 = arith.constant 0.000000e+00 : f32
    %broadcast_in_dim3A_1495 = vector.broadcast %jit3A_1494 : f32 to vector<16xf32>
    %select_n3A_1496 = arith.select %ge3A_1492, %mul3A_1493, %broadcast_in_dim3A_1495 : vector<16xi1>, vector<16xf32>
    %add3A_1497 = arith.addf %add3A_1485, %select_n3A_1496 : vector<16xf32>
    %get3A_1498 = arith.constant 13 : i32
    %get3A_1499 = arith.index_cast %get3A_1498 : i32 to index
    %get3A_1500 = arith.constant 983 : index
    %get3A_1501 = tpu.vector_load %arg6[%get3A_1499, %get3A_1500] {strides = array<i32>} : memref<32x999xf32, #tpu.memory_space<vmem>>, vector<16xf32>,
    %ge3A_1502 = arith.constant 9 : i32
    %ge3A_1503 = vector.broadcast %ge3A_1502 : i32 to vector<16xi32>
    %ge3A_1504 = arith.cmpi sge, %iota3A, %ge3A_1503 : vector<16xi32>
    %mul3A_1505 = arith.mulf %get3A_1501, %get3A_1501 : vector<16xf32>
    %jit3A_1506 = arith.constant 0.000000e+00 : f32
    %broadcast_in_dim3A_1507 = vector.broadcast %jit3A_1506 : f32 to vector<16xf32>
    %select_n3A_1508 = arith.select %ge3A_1504, %mul3A_1505, %broadcast_in_dim3A_1507 : vector<16xi1>, vector<16xf32>
    %add3A_1509 = arith.addf %add3A_1497, %select_n3A_1508 : vector<16xf32>
    %get3A_1510 = arith.constant 14 : i32
    %get3A_1511 = arith.index_cast %get3A_1510 : i32 to index
    %get3A_1512 = arith.constant 983 : index
    %get3A_1513 = tpu.vector_load %arg6[%get3A_1511, %get3A_1512] {strides = array<i32>} : memref<32x999xf32, #tpu.memory_space<vmem>>, vector<16xf32>,
    %ge3A_1514 = arith.constant 9 : i32
    %ge3A_1515 = vector.broadcast %ge3A_1514 : i32 to vector<16xi32>
    %ge3A_1516 = arith.cmpi sge, %iota3A, %ge3A_1515 : vector<16xi32>
    %mul3A_1517 = arith.mulf %get3A_1513, %get3A_1513 : vector<16xf32>
    %jit3A_1518 = arith.constant 0.000000e+00 : f32
    %broadcast_in_dim3A_1519 = vector.broadcast %jit3A_1518 : f32 to vector<16xf32>
    %select_n3A_1520 = arith.select %ge3A_1516, %mul3A_1517, %broadcast_in_dim3A_1519 : vector<16xi1>, vector<16xf32>
    %add3A_1521 = arith.addf %add3A_1509, %select_n3A_1520 : vector<16xf32>
    %get3A_1522 = arith.constant 15 : i32
    %get3A_1523 = arith.index_cast %get3A_1522 : i32 to index
    %get3A_1524 = arith.constant 983 : index
    %get3A_1525 = tpu.vector_load %arg6[%get3A_1523, %get3A_1524] {strides = array<i32>} : memref<32x999xf32, #tpu.memory_space<vmem>>, vector<16xf32>,
    %ge3A_1526 = arith.constant 9 : i32
    %ge3A_1527 = vector.broadcast %ge3A_1526 : i32 to vector<16xi32>
    %ge3A_1528 = arith.cmpi sge, %iota3A, %ge3A_1527 : vector<16xi32>
    %mul3A_1529 = arith.mulf %get3A_1525, %get3A_1525 : vector<16xf32>
    %jit3A_1530 = arith.constant 0.000000e+00 : f32
    %broadcast_in_dim3A_1531 = vector.broadcast %jit3A_1530 : f32 to vector<16xf32>
    %select_n3A_1532 = arith.select %ge3A_1528, %mul3A_1529, %broadcast_in_dim3A_1531 : vector<16xi1>, vector<16xf32>
    %add3A_1533 = arith.addf %add3A_1521, %select_n3A_1532 : vector<16xf32>
    %get3A_1534 = arith.constant 16 : i32
    %get3A_1535 = arith.index_cast %get3A_1534 : i32 to index
    %get3A_1536 = arith.constant 983 : index
    %get3A_1537 = tpu.vector_load %arg6[%get3A_1535, %get3A_1536] {strides = array<i32>} : memref<32x999xf32, #tpu.memory_space<vmem>>, vector<16xf32>,
    %ge3A_1538 = arith.constant 9 : i32
    %ge3A_1539 = vector.broadcast %ge3A_1538 : i32 to vector<16xi32>
    %ge3A_1540 = arith.cmpi sge, %iota3A, %ge3A_1539 : vector<16xi32>
    %mul3A_1541 = arith.mulf %get3A_1537, %get3A_1537 : vector<16xf32>
    %jit3A_1542 = arith.constant 0.000000e+00 : f32
    %broadcast_in_dim3A_1543 = vector.broadcast %jit3A_1542 : f32 to vector<16xf32>
    %select_n3A_1544 = arith.select %ge3A_1540, %mul3A_1541, %broadcast_in_dim3A_1543 : vector<16xi1>, vector<16xf32>
    %add3A_1545 = arith.addf %add3A_1533, %select_n3A_1544 : vector<16xf32>
    %get3A_1546 = arith.constant 17 : i32
    %get3A_1547 = arith.index_cast %get3A_1546 : i32 to index
    %get3A_1548 = arith.constant 983 : index
    %get3A_1549 = tpu.vector_load %arg6[%get3A_1547, %get3A_1548] {strides = array<i32>} : memref<32x999xf32, #tpu.memory_space<vmem>>, vector<16xf32>,
    %ge3A_1550 = arith.constant 9 : i32
    %ge3A_1551 = vector.broadcast %ge3A_1550 : i32 to vector<16xi32>
    %ge3A_1552 = arith.cmpi sge, %iota3A, %ge3A_1551 : vector<16xi32>
    %mul3A_1553 = arith.mulf %get3A_1549, %get3A_1549 : vector<16xf32>
    %jit3A_1554 = arith.constant 0.000000e+00 : f32
    %broadcast_in_dim3A_1555 = vector.broadcast %jit3A_1554 : f32 to vector<16xf32>
    %select_n3A_1556 = arith.select %ge3A_1552, %mul3A_1553, %broadcast_in_dim3A_1555 : vector<16xi1>, vector<16xf32>
    %add3A_1557 = arith.addf %add3A_1545, %select_n3A_1556 : vector<16xf32>
    %get3A_1558 = arith.constant 18 : i32
    %get3A_1559 = arith.index_cast %get3A_1558 : i32 to index
    %get3A_1560 = arith.constant 983 : index
    %get3A_1561 = tpu.vector_load %arg6[%get3A_1559, %get3A_1560] {strides = array<i32>} : memref<32x999xf32, #tpu.memory_space<vmem>>, vector<16xf32>,
    %ge3A_1562 = arith.constant 9 : i32
    %ge3A_1563 = vector.broadcast %ge3A_1562 : i32 to vector<16xi32>
    %ge3A_1564 = arith.cmpi sge, %iota3A, %ge3A_1563 : vector<16xi32>
    %mul3A_1565 = arith.mulf %get3A_1561, %get3A_1561 : vector<16xf32>
    %jit3A_1566 = arith.constant 0.000000e+00 : f32
    %broadcast_in_dim3A_1567 = vector.broadcast %jit3A_1566 : f32 to vector<16xf32>
    %select_n3A_1568 = arith.select %ge3A_1564, %mul3A_1565, %broadcast_in_dim3A_1567 : vector<16xi1>, vector<16xf32>
    %add3A_1569 = arith.addf %add3A_1557, %select_n3A_1568 : vector<16xf32>
    %get3A_1570 = arith.constant 19 : i32
    %get3A_1571 = arith.index_cast %get3A_1570 : i32 to index
    %get3A_1572 = arith.constant 983 : index
    %get3A_1573 = tpu.vector_load %arg6[%get3A_1571, %get3A_1572] {strides = array<i32>} : memref<32x999xf32, #tpu.memory_space<vmem>>, vector<16xf32>,
    %ge3A_1574 = arith.constant 9 : i32
    %ge3A_1575 = vector.broadcast %ge3A_1574 : i32 to vector<16xi32>
    %ge3A_1576 = arith.cmpi sge, %iota3A, %ge3A_1575 : vector<16xi32>
    %mul3A_1577 = arith.mulf %get3A_1573, %get3A_1573 : vector<16xf32>
    %jit3A_1578 = arith.constant 0.000000e+00 : f32
    %broadcast_in_dim3A_1579 = vector.broadcast %jit3A_1578 : f32 to vector<16xf32>
    %select_n3A_1580 = arith.select %ge3A_1576, %mul3A_1577, %broadcast_in_dim3A_1579 : vector<16xi1>, vector<16xf32>
    %add3A_1581 = arith.addf %add3A_1569, %select_n3A_1580 : vector<16xf32>
    %get3A_1582 = arith.constant 20 : i32
    %get3A_1583 = arith.index_cast %get3A_1582 : i32 to index
    %get3A_1584 = arith.constant 983 : index
    %get3A_1585 = tpu.vector_load %arg6[%get3A_1583, %get3A_1584] {strides = array<i32>} : memref<32x999xf32, #tpu.memory_space<vmem>>, vector<16xf32>,
    %ge3A_1586 = arith.constant 9 : i32
    %ge3A_1587 = vector.broadcast %ge3A_1586 : i32 to vector<16xi32>
    %ge3A_1588 = arith.cmpi sge, %iota3A, %ge3A_1587 : vector<16xi32>
    %mul3A_1589 = arith.mulf %get3A_1585, %get3A_1585 : vector<16xf32>
    %jit3A_1590 = arith.constant 0.000000e+00 : f32
    %broadcast_in_dim3A_1591 = vector.broadcast %jit3A_1590 : f32 to vector<16xf32>
    %select_n3A_1592 = arith.select %ge3A_1588, %mul3A_1589, %broadcast_in_dim3A_1591 : vector<16xi1>, vector<16xf32>
    %add3A_1593 = arith.addf %add3A_1581, %select_n3A_1592 : vector<16xf32>
    %get3A_1594 = arith.constant 21 : i32
    %get3A_1595 = arith.index_cast %get3A_1594 : i32 to index
    %get3A_1596 = arith.constant 983 : index
    %get3A_1597 = tpu.vector_load %arg6[%get3A_1595, %get3A_1596] {strides = array<i32>} : memref<32x999xf32, #tpu.memory_space<vmem>>, vector<16xf32>,
    %ge3A_1598 = arith.constant 9 : i32
    %ge3A_1599 = vector.broadcast %ge3A_1598 : i32 to vector<16xi32>
    %ge3A_1600 = arith.cmpi sge, %iota3A, %ge3A_1599 : vector<16xi32>
    %mul3A_1601 = arith.mulf %get3A_1597, %get3A_1597 : vector<16xf32>
    %jit3A_1602 = arith.constant 0.000000e+00 : f32
    %broadcast_in_dim3A_1603 = vector.broadcast %jit3A_1602 : f32 to vector<16xf32>
    %select_n3A_1604 = arith.select %ge3A_1600, %mul3A_1601, %broadcast_in_dim3A_1603 : vector<16xi1>, vector<16xf32>
    %add3A_1605 = arith.addf %add3A_1593, %select_n3A_1604 : vector<16xf32>
    %get3A_1606 = arith.constant 22 : i32
    %get3A_1607 = arith.index_cast %get3A_1606 : i32 to index
    %get3A_1608 = arith.constant 983 : index
    %get3A_1609 = tpu.vector_load %arg6[%get3A_1607, %get3A_1608] {strides = array<i32>} : memref<32x999xf32, #tpu.memory_space<vmem>>, vector<16xf32>,
    %ge3A_1610 = arith.constant 9 : i32
    %ge3A_1611 = vector.broadcast %ge3A_1610 : i32 to vector<16xi32>
    %ge3A_1612 = arith.cmpi sge, %iota3A, %ge3A_1611 : vector<16xi32>
    %mul3A_1613 = arith.mulf %get3A_1609, %get3A_1609 : vector<16xf32>
    %jit3A_1614 = arith.constant 0.000000e+00 : f32
    %broadcast_in_dim3A_1615 = vector.broadcast %jit3A_1614 : f32 to vector<16xf32>
    %select_n3A_1616 = arith.select %ge3A_1612, %mul3A_1613, %broadcast_in_dim3A_1615 : vector<16xi1>, vector<16xf32>
    %add3A_1617 = arith.addf %add3A_1605, %select_n3A_1616 : vector<16xf32>
    %get3A_1618 = arith.constant 23 : i32
    %get3A_1619 = arith.index_cast %get3A_1618 : i32 to index
    %get3A_1620 = arith.constant 983 : index
    %get3A_1621 = tpu.vector_load %arg6[%get3A_1619, %get3A_1620] {strides = array<i32>} : memref<32x999xf32, #tpu.memory_space<vmem>>, vector<16xf32>,
    %ge3A_1622 = arith.constant 9 : i32
    %ge3A_1623 = vector.broadcast %ge3A_1622 : i32 to vector<16xi32>
    %ge3A_1624 = arith.cmpi sge, %iota3A, %ge3A_1623 : vector<16xi32>
    %mul3A_1625 = arith.mulf %get3A_1621, %get3A_1621 : vector<16xf32>
    %jit3A_1626 = arith.constant 0.000000e+00 : f32
    %broadcast_in_dim3A_1627 = vector.broadcast %jit3A_1626 : f32 to vector<16xf32>
    %select_n3A_1628 = arith.select %ge3A_1624, %mul3A_1625, %broadcast_in_dim3A_1627 : vector<16xi1>, vector<16xf32>
    %add3A_1629 = arith.addf %add3A_1617, %select_n3A_1628 : vector<16xf32>
    %get3A_1630 = arith.constant 24 : i32
    %get3A_1631 = arith.index_cast %get3A_1630 : i32 to index
    %get3A_1632 = arith.constant 983 : index
    %get3A_1633 = tpu.vector_load %arg6[%get3A_1631, %get3A_1632] {strides = array<i32>} : memref<32x999xf32, #tpu.memory_space<vmem>>, vector<16xf32>,
    %ge3A_1634 = arith.constant 9 : i32
    %ge3A_1635 = vector.broadcast %ge3A_1634 : i32 to vector<16xi32>
    %ge3A_1636 = arith.cmpi sge, %iota3A, %ge3A_1635 : vector<16xi32>
    %mul3A_1637 = arith.mulf %get3A_1633, %get3A_1633 : vector<16xf32>
    %jit3A_1638 = arith.constant 0.000000e+00 : f32
    %broadcast_in_dim3A_1639 = vector.broadcast %jit3A_1638 : f32 to vector<16xf32>
    %select_n3A_1640 = arith.select %ge3A_1636, %mul3A_1637, %broadcast_in_dim3A_1639 : vector<16xi1>, vector<16xf32>
    %add3A_1641 = arith.addf %add3A_1629, %select_n3A_1640 : vector<16xf32>
    %get3A_1642 = arith.constant 25 : i32
    %get3A_1643 = arith.index_cast %get3A_1642 : i32 to index
    %get3A_1644 = arith.constant 983 : index
    %get3A_1645 = tpu.vector_load %arg6[%get3A_1643, %get3A_1644] {strides = array<i32>} : memref<32x999xf32, #tpu.memory_space<vmem>>, vector<16xf32>,
    %ge3A_1646 = arith.constant 9 : i32
    %ge3A_1647 = vector.broadcast %ge3A_1646 : i32 to vector<16xi32>
    %ge3A_1648 = arith.cmpi sge, %iota3A, %ge3A_1647 : vector<16xi32>
    %mul3A_1649 = arith.mulf %get3A_1645, %get3A_1645 : vector<16xf32>
    %jit3A_1650 = arith.constant 0.000000e+00 : f32
    %broadcast_in_dim3A_1651 = vector.broadcast %jit3A_1650 : f32 to vector<16xf32>
    %select_n3A_1652 = arith.select %ge3A_1648, %mul3A_1649, %broadcast_in_dim3A_1651 : vector<16xi1>, vector<16xf32>
    %add3A_1653 = arith.addf %add3A_1641, %select_n3A_1652 : vector<16xf32>
    %get3A_1654 = arith.constant 26 : i32
    %get3A_1655 = arith.index_cast %get3A_1654 : i32 to index
    %get3A_1656 = arith.constant 983 : index
    %get3A_1657 = tpu.vector_load %arg6[%get3A_1655, %get3A_1656] {strides = array<i32>} : memref<32x999xf32, #tpu.memory_space<vmem>>, vector<16xf32>,
    %ge3A_1658 = arith.constant 9 : i32
    %ge3A_1659 = vector.broadcast %ge3A_1658 : i32 to vector<16xi32>
    %ge3A_1660 = arith.cmpi sge, %iota3A, %ge3A_1659 : vector<16xi32>
    %mul3A_1661 = arith.mulf %get3A_1657, %get3A_1657 : vector<16xf32>
    %jit3A_1662 = arith.constant 0.000000e+00 : f32
    %broadcast_in_dim3A_1663 = vector.broadcast %jit3A_1662 : f32 to vector<16xf32>
    %select_n3A_1664 = arith.select %ge3A_1660, %mul3A_1661, %broadcast_in_dim3A_1663 : vector<16xi1>, vector<16xf32>
    %add3A_1665 = arith.addf %add3A_1653, %select_n3A_1664 : vector<16xf32>
    %get3A_1666 = arith.constant 27 : i32
    %get3A_1667 = arith.index_cast %get3A_1666 : i32 to index
    %get3A_1668 = arith.constant 983 : index
    %get3A_1669 = tpu.vector_load %arg6[%get3A_1667, %get3A_1668] {strides = array<i32>} : memref<32x999xf32, #tpu.memory_space<vmem>>, vector<16xf32>,
    %ge3A_1670 = arith.constant 9 : i32
    %ge3A_1671 = vector.broadcast %ge3A_1670 : i32 to vector<16xi32>
    %ge3A_1672 = arith.cmpi sge, %iota3A, %ge3A_1671 : vector<16xi32>
    %mul3A_1673 = arith.mulf %get3A_1669, %get3A_1669 : vector<16xf32>
    %jit3A_1674 = arith.constant 0.000000e+00 : f32
    %broadcast_in_dim3A_1675 = vector.broadcast %jit3A_1674 : f32 to vector<16xf32>
    %select_n3A_1676 = arith.select %ge3A_1672, %mul3A_1673, %broadcast_in_dim3A_1675 : vector<16xi1>, vector<16xf32>
    %add3A_1677 = arith.addf %add3A_1665, %select_n3A_1676 : vector<16xf32>
    %get3A_1678 = arith.constant 28 : i32
    %get3A_1679 = arith.index_cast %get3A_1678 : i32 to index
    %get3A_1680 = arith.constant 983 : index
    %get3A_1681 = tpu.vector_load %arg6[%get3A_1679, %get3A_1680] {strides = array<i32>} : memref<32x999xf32, #tpu.memory_space<vmem>>, vector<16xf32>,
    %ge3A_1682 = arith.constant 9 : i32
    %ge3A_1683 = vector.broadcast %ge3A_1682 : i32 to vector<16xi32>
    %ge3A_1684 = arith.cmpi sge, %iota3A, %ge3A_1683 : vector<16xi32>
    %mul3A_1685 = arith.mulf %get3A_1681, %get3A_1681 : vector<16xf32>
    %jit3A_1686 = arith.constant 0.000000e+00 : f32
    %broadcast_in_dim3A_1687 = vector.broadcast %jit3A_1686 : f32 to vector<16xf32>
    %select_n3A_1688 = arith.select %ge3A_1684, %mul3A_1685, %broadcast_in_dim3A_1687 : vector<16xi1>, vector<16xf32>
    %add3A_1689 = arith.addf %add3A_1677, %select_n3A_1688 : vector<16xf32>
    %get3A_1690 = arith.constant 29 : i32
    %get3A_1691 = arith.index_cast %get3A_1690 : i32 to index
    %get3A_1692 = arith.constant 983 : index
    %get3A_1693 = tpu.vector_load %arg6[%get3A_1691, %get3A_1692] {strides = array<i32>} : memref<32x999xf32, #tpu.memory_space<vmem>>, vector<16xf32>,
    %ge3A_1694 = arith.constant 9 : i32
    %ge3A_1695 = vector.broadcast %ge3A_1694 : i32 to vector<16xi32>
    %ge3A_1696 = arith.cmpi sge, %iota3A, %ge3A_1695 : vector<16xi32>
    %mul3A_1697 = arith.mulf %get3A_1693, %get3A_1693 : vector<16xf32>
    %jit3A_1698 = arith.constant 0.000000e+00 : f32
    %broadcast_in_dim3A_1699 = vector.broadcast %jit3A_1698 : f32 to vector<16xf32>
    %select_n3A_1700 = arith.select %ge3A_1696, %mul3A_1697, %broadcast_in_dim3A_1699 : vector<16xi1>, vector<16xf32>
    %add3A_1701 = arith.addf %add3A_1689, %select_n3A_1700 : vector<16xf32>
    %get3A_1702 = arith.constant 30 : i32
    %get3A_1703 = arith.index_cast %get3A_1702 : i32 to index
    %get3A_1704 = arith.constant 983 : index
    %get3A_1705 = tpu.vector_load %arg6[%get3A_1703, %get3A_1704] {strides = array<i32>} : memref<32x999xf32, #tpu.memory_space<vmem>>, vector<16xf32>,
    %ge3A_1706 = arith.constant 9 : i32
    %ge3A_1707 = vector.broadcast %ge3A_1706 : i32 to vector<16xi32>
    %ge3A_1708 = arith.cmpi sge, %iota3A, %ge3A_1707 : vector<16xi32>
    %mul3A_1709 = arith.mulf %get3A_1705, %get3A_1705 : vector<16xf32>
    %jit3A_1710 = arith.constant 0.000000e+00 : f32
    %broadcast_in_dim3A_1711 = vector.broadcast %jit3A_1710 : f32 to vector<16xf32>
    %select_n3A_1712 = arith.select %ge3A_1708, %mul3A_1709, %broadcast_in_dim3A_1711 : vector<16xi1>, vector<16xf32>
    %add3A_1713 = arith.addf %add3A_1701, %select_n3A_1712 : vector<16xf32>
    %get3A_1714 = arith.constant 31 : i32
    %get3A_1715 = arith.index_cast %get3A_1714 : i32 to index
    %get3A_1716 = arith.constant 983 : index
    %get3A_1717 = tpu.vector_load %arg6[%get3A_1715, %get3A_1716] {strides = array<i32>} : memref<32x999xf32, #tpu.memory_space<vmem>>, vector<16xf32>,
    %ge3A_1718 = arith.constant 9 : i32
    %ge3A_1719 = vector.broadcast %ge3A_1718 : i32 to vector<16xi32>
    %ge3A_1720 = arith.cmpi sge, %iota3A, %ge3A_1719 : vector<16xi32>
    %mul3A_1721 = arith.mulf %get3A_1717, %get3A_1717 : vector<16xf32>
    %jit3A_1722 = arith.constant 0.000000e+00 : f32
    %broadcast_in_dim3A_1723 = vector.broadcast %jit3A_1722 : f32 to vector<16xf32>
    %select_n3A_1724 = arith.select %ge3A_1720, %mul3A_1721, %broadcast_in_dim3A_1723 : vector<16xi1>, vector<16xf32>
    %add3A_1725 = arith.addf %add3A_1713, %select_n3A_1724 : vector<16xf32>
    %get3A_1726 = arith.constant 96 : index
    %get3A_1727 = tpu.vector_load %arg7[%get3A_1726] {strides = array<i32>} : memref<128xi32, #tpu.memory_space<vmem>>, vector<16xi32>,
    %add3A_1728 = arith.constant 0 : i32
    %add3A_1729 = vector.broadcast %add3A_1728 : i32 to vector<16xi32>
    %add3A_1730 = arith.addi %add3A_1729, %iota3A : vector<16xi32>
    %sub3A_1731 = arith.constant 1 : i32
    %sub3A_1732 = vector.broadcast %sub3A_1731 : i32 to vector<16xi32>
    %sub3A_1733 = arith.subi %get3A_1727, %sub3A_1732 : vector<16xi32>
    %max3A_1734 = arith.constant 0 : i32
    %max3A_1735 = vector.broadcast %max3A_1734 : i32 to vector<16xi32>
    %max3A_1736 = arith.maxsi %sub3A_1733, %max3A_1735 : vector<16xi32>
    %gather3A_1737 = tpu.vector_load_idx %arg6[%add3A_1730, %max3A_1736] : memref<32x999xf32, #tpu.memory_space<vmem>>[vector<16xi32>, vector<16xi32>], vector<16xf32>,
    %ge3A_1738 = arith.constant 1 : i32
    %ge3A_1739 = vector.broadcast %ge3A_1738 : i32 to vector<16xi32>
    %ge3A_1740 = arith.cmpi sge, %get3A_1727, %ge3A_1739 : vector<16xi32>
    %jit3A_1741 = arith.constant 0.000000e+00 : f32
    %broadcast_in_dim3A_1742 = vector.broadcast %jit3A_1741 : f32 to vector<16xf32>
    %select_n3A_1743 = arith.select %ge3A_1740, %gather3A_1737, %broadcast_in_dim3A_1742 : vector<16xi1>, vector<16xf32>
    %mul3A_1744 = arith.constant 2.000000e+00 : f32
    %mul3A_1745 = vector.broadcast %mul3A_1744 : f32 to vector<16xf32>
    %mul3A_1746 = arith.mulf %mul3A_1745, %select_n3A_1743 : vector<16xf32>
    %sub3A_1747 = arith.subf %add3A_1725, %mul3A_1746 : vector<16xf32>
    %get3A_1748 = arith.constant 112 : index
    %get3A_1749 = tpu.vector_load %arg7[%get3A_1748] {strides = array<i32>} : memref<128xi32, #tpu.memory_space<vmem>>, vector<16xi32>,
    %add3A_1750 = arith.constant 16 : i32
    %add3A_1751 = vector.broadcast %add3A_1750 : i32 to vector<16xi32>
    %add3A_1752 = arith.addi %add3A_1751, %iota3A : vector<16xi32>
    %sub3A_1753 = arith.constant 1 : i32
    %sub3A_1754 = vector.broadcast %sub3A_1753 : i32 to vector<16xi32>
    %sub3A_1755 = arith.subi %get3A_1749, %sub3A_1754 : vector<16xi32>
    %max3A_1756 = arith.constant 0 : i32
    %max3A_1757 = vector.broadcast %max3A_1756 : i32 to vector<16xi32>
    %max3A_1758 = arith.maxsi %sub3A_1755, %max3A_1757 : vector<16xi32>
    %gather3A_1759 = tpu.vector_load_idx %arg6[%add3A_1752, %max3A_1758] : memref<32x999xf32, #tpu.memory_space<vmem>>[vector<16xi32>, vector<16xi32>], vector<16xf32>,
    %ge3A_1760 = arith.constant 1 : i32
    %ge3A_1761 = vector.broadcast %ge3A_1760 : i32 to vector<16xi32>
    %ge3A_1762 = arith.cmpi sge, %get3A_1749, %ge3A_1761 : vector<16xi32>
    %jit3A_1763 = arith.constant 0.000000e+00 : f32
    %broadcast_in_dim3A_1764 = vector.broadcast %jit3A_1763 : f32 to vector<16xf32>
    %select_n3A_1765 = arith.select %ge3A_1762, %gather3A_1759, %broadcast_in_dim3A_1764 : vector<16xi1>, vector<16xf32>
    %mul3A_1766 = arith.constant 2.000000e+00 : f32
    %mul3A_1767 = vector.broadcast %mul3A_1766 : f32 to vector<16xf32>
    %mul3A_1768 = arith.mulf %mul3A_1767, %select_n3A_1765 : vector<16xf32>
    %sub3A_1769 = arith.subf %sub3A_1747, %mul3A_1768 : vector<16xf32>
    %swap3A = arith.constant 0 : index
    %swap3A_1770 = tpu.vector_load %arg8[%swap3A] {strides = array<i32>} : memref<16xf32, #tpu.memory_space<vmem>>, vector<16xf32>,
    tpu.vector_store %arg8[%swap3A], %sub3A_1769 {strides = array<i32>} : memref<16xf32, #tpu.memory_space<vmem>>, vector<16xf32>,
    "tpu.region"() ({
      %run_scoped3A = tpu.sem_alloc : memref<!tpu.dma_semaphore, #tpu.memory_space<semaphore_mem>>
      %dma_start3A_1771 = arith.constant 0 : i32
      %dma_start3A_1772 = tpu.memref_slice %arg4[%add3A, %dma_start3A_1771] : memref<32x16xf32, #tpu.memory_space<hbm>> -> memref<1x16xf32, #tpu.memory_space<hbm>>
      %dma_start3A_1773 = tpu.memref_squeeze %dma_start3A_1772 : memref<1x16xf32, #tpu.memory_space<hbm>> -> memref<16xf32, #tpu.memory_space<hbm>>
      %dma_start3A_1774 = arith.constant 0 : i32
      %dma_start3A_1775 = tpu.memref_slice %arg4[%add3A, %dma_start3A_1774] : memref<32x16xf32, #tpu.memory_space<hbm>> -> memref<1x16xf32, #tpu.memory_space<hbm>>
      %dma_start3A_1776 = tpu.memref_squeeze %dma_start3A_1775 : memref<1x16xf32, #tpu.memory_space<hbm>> -> memref<16xf32, #tpu.memory_space<hbm>>
      tpu.enqueue_dma source(%arg8 : memref<16xf32, #tpu.memory_space<vmem>>) target(%dma_start3A_1776 : memref<16xf32, #tpu.memory_space<hbm>>) target_semaphore(%run_scoped3A : memref<!tpu.dma_semaphore, #tpu.memory_space<semaphore_mem>>)
      %dma_wait3A_1777 = arith.constant 0 : i32
      %dma_wait3A_1778 = tpu.memref_slice %arg4[%add3A, %dma_wait3A_1777] : memref<32x16xf32, #tpu.memory_space<hbm>> -> memref<1x16xf32, #tpu.memory_space<hbm>>
      %dma_wait3A_1779 = tpu.memref_squeeze %dma_wait3A_1778 : memref<1x16xf32, #tpu.memory_space<hbm>> -> memref<16xf32, #tpu.memory_space<hbm>>
      %dma_wait3A_1780 = arith.constant 0 : i32
      %dma_wait3A_1781 = tpu.memref_slice %arg4[%add3A, %dma_wait3A_1780] : memref<32x16xf32, #tpu.memory_space<hbm>> -> memref<1x16xf32, #tpu.memory_space<hbm>>
      %dma_wait3A_1782 = tpu.memref_squeeze %dma_wait3A_1781 : memref<1x16xf32, #tpu.memory_space<hbm>> -> memref<16xf32, #tpu.memory_space<hbm>>
      tpu.wait_dma2 semaphore(%run_scoped3A : memref<!tpu.dma_semaphore, #tpu.memory_space<semaphore_mem>>) src(%arg8 : memref<16xf32, #tpu.memory_space<vmem>>) dst(%dma_wait3A_1782 : memref<16xf32, #tpu.memory_space<hbm>>)
      tpu.yield
    }) : () -> ()
    return
  }
}

module attributes {stable_mosaic.version = 14 : i64} {
  func.func @_tc_body(%arg0: i32, %arg1: memref<512x999xf32, #tpu.memory_space<vmem>>, %arg2: memref<512x999xf32, #tpu.memory_space<vmem>>, %arg3: memref<512x999xf32, #tpu.memory_space<vmem>>, %arg4: memref<512x999xf32, #tpu.memory_space<vmem>>, %arg5: memref<512x1xi32, #tpu.memory_space<vmem>>, %arg6: memref<512x1xi32, #tpu.memory_space<vmem>>, %arg7: memref<512x1xi32, #tpu.memory_space<vmem>>, %arg8: memref<512x1xi32, #tpu.memory_space<vmem>>, %arg9: memref<1x1xf32, #tpu.memory_space<smem>>) attributes {dimension_semantics = [#tpu.dimension_semantics<arbitrary>], iteration_bounds = array<i64: 6>, scalar_prefetch = 0 : i64, scratch_operands = 0 : i64, tpu.core_type = #tpu.core_type<tc>, window_params = [{transform_indices = @transform_0, window_bounds = array<i64: 512, 999>}, {transform_indices = @transform_1, window_bounds = array<i64: 512, 999>}, {transform_indices = @transform_2, window_bounds = array<i64: 512, 999>}, {transform_indices = @transform_3, window_bounds = array<i64: 512, 999>}, {transform_indices = @transform_4, window_bounds = array<i64: 512, 1>}, {transform_indices = @transform_5, window_bounds = array<i64: 512, 1>}, {transform_indices = @transform_6, window_bounds = array<i64: 512, 1>}, {transform_indices = @transform_7, window_bounds = array<i64: 512, 1>}, {transform_indices = @transform_8, window_bounds = array<i64: 1, 1>}]} {
    %iota3A = tpu.iota {dimensions = array<i32: 1>} : vector<512x999xi32>
    %get3A = arith.constant 0 : index
    %get3A_0 = arith.constant 0 : index
    %get3A_1 = vector.load %arg1[%get3A, %get3A_0] : memref<512x999xf32, #tpu.memory_space<vmem>>, vector<512x999xf32>
    %get3A_2 = arith.constant 0 : index
    %get3A_3 = arith.constant 0 : index
    %get3A_4 = vector.load %arg5[%get3A_2, %get3A_3] : memref<512x1xi32, #tpu.memory_space<vmem>>, vector<512x1xi32>
    %sub3A = arith.constant 1 : i32
    %sub3A_5 = vector.broadcast %sub3A : i32 to vector<512x1xi32>
    %sub3A_6 = arith.subi %get3A_4, %sub3A_5 : vector<512x1xi32>
    %eq3A = vector.broadcast %sub3A_6 : vector<512x1xi32> to vector<512x999xi32>
    %eq3A_7 = arith.cmpi eq, %iota3A, %eq3A : vector<512x999xi32>
    %mul3A = arith.mulf %get3A_1, %get3A_1 : vector<512x999xf32>
    %reduce_sum3A = vector.shape_cast %mul3A : vector<512x999xf32> to vector<1x512x999xf32>
    %reduce_sum3A_8 = arith.constant dense<0.000000e+00> : vector<1xf32>
    %reduce_sum3A_9 = vector.multi_reduction <add>, %reduce_sum3A, %reduce_sum3A_8 [1, 2] : vector<1x512x999xf32> to vector<1xf32>
    %reduce_sum3A_10 = vector.shape_cast %reduce_sum3A_9 : vector<1xf32> to vector<1x1x1xf32>
    %reduce_sum3A_11 = vector.extract %reduce_sum3A_10[0, 0, 0] : f32 from vector<1x1x1xf32>
    %jit3A = arith.constant 0.000000e+00 : f32
    %broadcast_in_dim3A = vector.broadcast %jit3A : f32 to vector<512x999xf32>
    %select_n3A = arith.select %eq3A_7, %get3A_1, %broadcast_in_dim3A : vector<512x999xi1>, vector<512x999xf32>
    %reduce_sum3A_12 = vector.shape_cast %select_n3A : vector<512x999xf32> to vector<1x512x999xf32>
    %reduce_sum3A_13 = arith.constant dense<0.000000e+00> : vector<1xf32>
    %reduce_sum3A_14 = vector.multi_reduction <add>, %reduce_sum3A_12, %reduce_sum3A_13 [1, 2] : vector<1x512x999xf32> to vector<1xf32>
    %reduce_sum3A_15 = vector.shape_cast %reduce_sum3A_14 : vector<1xf32> to vector<1x1x1xf32>
    %reduce_sum3A_16 = vector.extract %reduce_sum3A_15[0, 0, 0] : f32 from vector<1x1x1xf32>
    %mul3A_17 = arith.constant 2.000000e+00 : f32
    %mul3A_18 = arith.mulf %mul3A_17, %reduce_sum3A_16 : f32
    %sub3A_19 = arith.subf %reduce_sum3A_11, %mul3A_18 : f32
    %add3A = arith.constant 0.000000e+00 : f32
    %add3A_20 = arith.addf %add3A, %sub3A_19 : f32
    %get3A_21 = arith.constant 0 : index
    %get3A_22 = arith.constant 0 : index
    %get3A_23 = vector.load %arg2[%get3A_21, %get3A_22] : memref<512x999xf32, #tpu.memory_space<vmem>>, vector<512x999xf32>
    %get3A_24 = arith.constant 0 : index
    %get3A_25 = arith.constant 0 : index
    %get3A_26 = vector.load %arg6[%get3A_24, %get3A_25] : memref<512x1xi32, #tpu.memory_space<vmem>>, vector<512x1xi32>
    %sub3A_27 = arith.constant 1 : i32
    %sub3A_28 = vector.broadcast %sub3A_27 : i32 to vector<512x1xi32>
    %sub3A_29 = arith.subi %get3A_26, %sub3A_28 : vector<512x1xi32>
    %eq3A_30 = vector.broadcast %sub3A_29 : vector<512x1xi32> to vector<512x999xi32>
    %eq3A_31 = arith.cmpi eq, %iota3A, %eq3A_30 : vector<512x999xi32>
    %mul3A_32 = arith.mulf %get3A_23, %get3A_23 : vector<512x999xf32>
    %reduce_sum3A_33 = vector.shape_cast %mul3A_32 : vector<512x999xf32> to vector<1x512x999xf32>
    %reduce_sum3A_34 = arith.constant dense<0.000000e+00> : vector<1xf32>
    %reduce_sum3A_35 = vector.multi_reduction <add>, %reduce_sum3A_33, %reduce_sum3A_34 [1, 2] : vector<1x512x999xf32> to vector<1xf32>
    %reduce_sum3A_36 = vector.shape_cast %reduce_sum3A_35 : vector<1xf32> to vector<1x1x1xf32>
    %reduce_sum3A_37 = vector.extract %reduce_sum3A_36[0, 0, 0] : f32 from vector<1x1x1xf32>
    %jit3A_38 = arith.constant 0.000000e+00 : f32
    %broadcast_in_dim3A_39 = vector.broadcast %jit3A_38 : f32 to vector<512x999xf32>
    %select_n3A_40 = arith.select %eq3A_31, %get3A_23, %broadcast_in_dim3A_39 : vector<512x999xi1>, vector<512x999xf32>
    %reduce_sum3A_41 = vector.shape_cast %select_n3A_40 : vector<512x999xf32> to vector<1x512x999xf32>
    %reduce_sum3A_42 = arith.constant dense<0.000000e+00> : vector<1xf32>
    %reduce_sum3A_43 = vector.multi_reduction <add>, %reduce_sum3A_41, %reduce_sum3A_42 [1, 2] : vector<1x512x999xf32> to vector<1xf32>
    %reduce_sum3A_44 = vector.shape_cast %reduce_sum3A_43 : vector<1xf32> to vector<1x1x1xf32>
    %reduce_sum3A_45 = vector.extract %reduce_sum3A_44[0, 0, 0] : f32 from vector<1x1x1xf32>
    %mul3A_46 = arith.constant 2.000000e+00 : f32
    %mul3A_47 = arith.mulf %mul3A_46, %reduce_sum3A_45 : f32
    %sub3A_48 = arith.subf %reduce_sum3A_37, %mul3A_47 : f32
    %add3A_49 = arith.addf %add3A_20, %sub3A_48 : f32
    %get3A_50 = arith.constant 0 : index
    %get3A_51 = arith.constant 0 : index
    %get3A_52 = vector.load %arg3[%get3A_50, %get3A_51] : memref<512x999xf32, #tpu.memory_space<vmem>>, vector<512x999xf32>
    %get3A_53 = arith.constant 0 : index
    %get3A_54 = arith.constant 0 : index
    %get3A_55 = vector.load %arg7[%get3A_53, %get3A_54] : memref<512x1xi32, #tpu.memory_space<vmem>>, vector<512x1xi32>
    %sub3A_56 = arith.constant 1 : i32
    %sub3A_57 = vector.broadcast %sub3A_56 : i32 to vector<512x1xi32>
    %sub3A_58 = arith.subi %get3A_55, %sub3A_57 : vector<512x1xi32>
    %eq3A_59 = vector.broadcast %sub3A_58 : vector<512x1xi32> to vector<512x999xi32>
    %eq3A_60 = arith.cmpi eq, %iota3A, %eq3A_59 : vector<512x999xi32>
    %mul3A_61 = arith.mulf %get3A_52, %get3A_52 : vector<512x999xf32>
    %reduce_sum3A_62 = vector.shape_cast %mul3A_61 : vector<512x999xf32> to vector<1x512x999xf32>
    %reduce_sum3A_63 = arith.constant dense<0.000000e+00> : vector<1xf32>
    %reduce_sum3A_64 = vector.multi_reduction <add>, %reduce_sum3A_62, %reduce_sum3A_63 [1, 2] : vector<1x512x999xf32> to vector<1xf32>
    %reduce_sum3A_65 = vector.shape_cast %reduce_sum3A_64 : vector<1xf32> to vector<1x1x1xf32>
    %reduce_sum3A_66 = vector.extract %reduce_sum3A_65[0, 0, 0] : f32 from vector<1x1x1xf32>
    %jit3A_67 = arith.constant 0.000000e+00 : f32
    %broadcast_in_dim3A_68 = vector.broadcast %jit3A_67 : f32 to vector<512x999xf32>
    %select_n3A_69 = arith.select %eq3A_60, %get3A_52, %broadcast_in_dim3A_68 : vector<512x999xi1>, vector<512x999xf32>
    %reduce_sum3A_70 = vector.shape_cast %select_n3A_69 : vector<512x999xf32> to vector<1x512x999xf32>
    %reduce_sum3A_71 = arith.constant dense<0.000000e+00> : vector<1xf32>
    %reduce_sum3A_72 = vector.multi_reduction <add>, %reduce_sum3A_70, %reduce_sum3A_71 [1, 2] : vector<1x512x999xf32> to vector<1xf32>
    %reduce_sum3A_73 = vector.shape_cast %reduce_sum3A_72 : vector<1xf32> to vector<1x1x1xf32>
    %reduce_sum3A_74 = vector.extract %reduce_sum3A_73[0, 0, 0] : f32 from vector<1x1x1xf32>
    %mul3A_75 = arith.constant 2.000000e+00 : f32
    %mul3A_76 = arith.mulf %mul3A_75, %reduce_sum3A_74 : f32
    %sub3A_77 = arith.subf %reduce_sum3A_66, %mul3A_76 : f32
    %add3A_78 = arith.addf %add3A_49, %sub3A_77 : f32
    %get3A_79 = arith.constant 0 : index
    %get3A_80 = arith.constant 0 : index
    %get3A_81 = vector.load %arg4[%get3A_79, %get3A_80] : memref<512x999xf32, #tpu.memory_space<vmem>>, vector<512x999xf32>
    %get3A_82 = arith.constant 0 : index
    %get3A_83 = arith.constant 0 : index
    %get3A_84 = vector.load %arg8[%get3A_82, %get3A_83] : memref<512x1xi32, #tpu.memory_space<vmem>>, vector<512x1xi32>
    %sub3A_85 = arith.constant 1 : i32
    %sub3A_86 = vector.broadcast %sub3A_85 : i32 to vector<512x1xi32>
    %sub3A_87 = arith.subi %get3A_84, %sub3A_86 : vector<512x1xi32>
    %eq3A_88 = vector.broadcast %sub3A_87 : vector<512x1xi32> to vector<512x999xi32>
    %eq3A_89 = arith.cmpi eq, %iota3A, %eq3A_88 : vector<512x999xi32>
    %mul3A_90 = arith.mulf %get3A_81, %get3A_81 : vector<512x999xf32>
    %reduce_sum3A_91 = vector.shape_cast %mul3A_90 : vector<512x999xf32> to vector<1x512x999xf32>
    %reduce_sum3A_92 = arith.constant dense<0.000000e+00> : vector<1xf32>
    %reduce_sum3A_93 = vector.multi_reduction <add>, %reduce_sum3A_91, %reduce_sum3A_92 [1, 2] : vector<1x512x999xf32> to vector<1xf32>
    %reduce_sum3A_94 = vector.shape_cast %reduce_sum3A_93 : vector<1xf32> to vector<1x1x1xf32>
    %reduce_sum3A_95 = vector.extract %reduce_sum3A_94[0, 0, 0] : f32 from vector<1x1x1xf32>
    %jit3A_96 = arith.constant 0.000000e+00 : f32
    %broadcast_in_dim3A_97 = vector.broadcast %jit3A_96 : f32 to vector<512x999xf32>
    %select_n3A_98 = arith.select %eq3A_89, %get3A_81, %broadcast_in_dim3A_97 : vector<512x999xi1>, vector<512x999xf32>
    %reduce_sum3A_99 = vector.shape_cast %select_n3A_98 : vector<512x999xf32> to vector<1x512x999xf32>
    %reduce_sum3A_100 = arith.constant dense<0.000000e+00> : vector<1xf32>
    %reduce_sum3A_101 = vector.multi_reduction <add>, %reduce_sum3A_99, %reduce_sum3A_100 [1, 2] : vector<1x512x999xf32> to vector<1xf32>
    %reduce_sum3A_102 = vector.shape_cast %reduce_sum3A_101 : vector<1xf32> to vector<1x1x1xf32>
    %reduce_sum3A_103 = vector.extract %reduce_sum3A_102[0, 0, 0] : f32 from vector<1x1x1xf32>
    %mul3A_104 = arith.constant 2.000000e+00 : f32
    %mul3A_105 = arith.mulf %mul3A_104, %reduce_sum3A_103 : f32
    %sub3A_106 = arith.subf %reduce_sum3A_95, %mul3A_105 : f32
    %add3A_107 = arith.addf %add3A_78, %sub3A_106 : f32
    %eq3A_108 = arith.constant 0 : i32
    %eq3A_109 = arith.cmpi eq, %arg0, %eq3A_108 : i32
    %convert_element_type3A = arith.extui %eq3A_109 : i1 to i32
    %cond3A = arith.constant 0 : i32
    %cond3A_110 = arith.cmpi ne, %convert_element_type3A, %cond3A : i32
    scf.if %cond3A_110 {
      %swap3A_117 = arith.constant 0.000000e+00 : f32
      %swap3A_118 = arith.constant 0 : index
      %swap3A_119 = arith.constant 0 : index
      %swap3A_120 = memref.load %arg9[%swap3A_118, %swap3A_119] : memref<1x1xf32, #tpu.memory_space<smem>>
      memref.store %swap3A_117, %arg9[%swap3A_118, %swap3A_119] : memref<1x1xf32, #tpu.memory_space<smem>>
    } else {
    }
    %get3A_111 = arith.constant 0 : index
    %get3A_112 = arith.constant 0 : index
    %get3A_113 = memref.load %arg9[%get3A_111, %get3A_112] : memref<1x1xf32, #tpu.memory_space<smem>>
    %add3A_114 = arith.addf %get3A_113, %add3A_107 : f32
    %swap3A = arith.constant 0 : index
    %swap3A_115 = arith.constant 0 : index
    %swap3A_116 = memref.load %arg9[%swap3A, %swap3A_115] : memref<1x1xf32, #tpu.memory_space<smem>>
    memref.store %add3A_114, %arg9[%swap3A, %swap3A_115] : memref<1x1xf32, #tpu.memory_space<smem>>
    return
  }
  func.func @transform_0(%arg0: i32) -> (i32, i32) {
    %add3A = arith.constant 0 : i32
    %add3A_0 = arith.addi %arg0, %add3A : i32
    %c0_i32 = arith.constant 0 : i32
    %c0_i32_1 = arith.constant 0 : i32
    return %add3A_0, %c0_i32 : i32, i32
  }
  func.func @transform_1(%arg0: i32) -> (i32, i32) {
    %add3A = arith.constant 6 : i32
    %add3A_0 = arith.addi %arg0, %add3A : i32
    %c0_i32 = arith.constant 0 : i32
    %c0_i32_1 = arith.constant 0 : i32
    return %add3A_0, %c0_i32 : i32, i32
  }
  func.func @transform_2(%arg0: i32) -> (i32, i32) {
    %add3A = arith.constant 12 : i32
    %add3A_0 = arith.addi %arg0, %add3A : i32
    %c0_i32 = arith.constant 0 : i32
    %c0_i32_1 = arith.constant 0 : i32
    return %add3A_0, %c0_i32 : i32, i32
  }
  func.func @transform_3(%arg0: i32) -> (i32, i32) {
    %add3A = arith.constant 18 : i32
    %add3A_0 = arith.addi %arg0, %add3A : i32
    %c0_i32 = arith.constant 0 : i32
    %c0_i32_1 = arith.constant 0 : i32
    return %add3A_0, %c0_i32 : i32, i32
  }
  func.func @transform_4(%arg0: i32) -> (i32, i32) {
    %add3A = arith.constant 0 : i32
    %add3A_0 = arith.addi %arg0, %add3A : i32
    %c0_i32 = arith.constant 0 : i32
    %c0_i32_1 = arith.constant 0 : i32
    return %add3A_0, %c0_i32 : i32, i32
  }
  func.func @transform_5(%arg0: i32) -> (i32, i32) {
    %add3A = arith.constant 6 : i32
    %add3A_0 = arith.addi %arg0, %add3A : i32
    %c0_i32 = arith.constant 0 : i32
    %c0_i32_1 = arith.constant 0 : i32
    return %add3A_0, %c0_i32 : i32, i32
  }
  func.func @transform_6(%arg0: i32) -> (i32, i32) {
    %add3A = arith.constant 12 : i32
    %add3A_0 = arith.addi %arg0, %add3A : i32
    %c0_i32 = arith.constant 0 : i32
    %c0_i32_1 = arith.constant 0 : i32
    return %add3A_0, %c0_i32 : i32, i32
  }
  func.func @transform_7(%arg0: i32) -> (i32, i32) {
    %add3A = arith.constant 18 : i32
    %add3A_0 = arith.addi %arg0, %add3A : i32
    %c0_i32 = arith.constant 0 : i32
    %c0_i32_1 = arith.constant 0 : i32
    return %add3A_0, %c0_i32 : i32, i32
  }
  func.func @transform_8(%arg0: i32) -> (i32, i32) {
    %c0_i32 = arith.constant 0 : i32
    %c0_i32_0 = arith.constant 0 : i32
    %c0_i32_1 = arith.constant 0 : i32
    return %c0_i32, %c0_i32_0 : i32, i32
  }
}

</mosaic_0001>

<sc_bundles>
// kernel: kernel.4.cloned.1.call-start
scs
__scs_entry_jumppad:
0x0: {  	(pc) =	sbr.rel $0x88, $3  }
0x1: {  	(tag) =	ssettag $0x0;
	lr =	simm.s32 $0x1  }
0x2: {  	[smem:$0x3F9F] =	sst lr;
	_ =	strace $0xD0000000  }
0x3: {  	_ = 	snop  }
0x4: {  	_ = 	snop  }
0x5: {  	_ = 	snop  }
0x6: {  	_ = 	snop  }
0x7: {  	_ = 	snop  }
__scs_overlays_trampoline_lowered:
0x8: {  	[smem:$0x3FAE] =	sst s0  }
0x9: {  	[smem:$0x3FAF] =	sst s1  }
0xa: {  	[smem:$0x3FB0] =	sst s2  }
0xb: {  	[smem:$0x3FB1] =	sst s3  }
0xc: {  	[smem:$0x3FB2] =	sst s4  }
0xd: {  	[smem:$0x3FB3] =	sst s5  }
0xe: {  	[smem:$0x3FB4] =	sst s6  }
0xf: {  	[smem:$0x3FB5] =	sst s7  }
0x10: {  	[smem:$0x3FB6] =	sst s8  }
0x11: {  	[smem:$0x3FB7] =	sst s9;
	s0 =	simm.s32 @!p0 $0x0  }
0x12: {  	s1 =	sld [smem:$0x3F9D];
	s0 =	simm.s32 @p0 $0x1  }
0x13: {  	[smem:$0x3FB8] =	sst s0;
	s0 =	simm.s32 @!p1 $0x0  }
0x14: {  	s2 =	sld [smem:$0x3F9C];
	s0 =	simm.s32 @p1 $0x1  }
0x15: {  	[smem:$0x3FB9] =	sst s0;
	s0 =	simm.s32 @!p2 $0x0  }
0x16: {  	s3 =	sld [smem:$0x3FDB];
	s0 =	simm.s32 @p2 $0x1  }
0x17: {  	s4 =	simm.s32 $0x1BF5;
	[smem:$0x3FBB] =	sst s0  }
0x18: {  	s0 =	sld [smem:$0x3F9E];
	_ =	swait.ge [sflag:s4], $0x0  }
0x19: {  	s7 =	sld [smem:$0x3F9F]  }
0x1a: {  	s8 =	sadd.s32 $0xFFFFE003, lr  }
0x1b: {  	s9 =	sadd.s32 $0xFFFFFEF7, lr;
	s5 =	simm.s32 $0xFFFFFFFF;
	p2 =	slt.u32 s8, $0xFFFFF086  }
0x1c: {  	p1 =	slt.u32 s9, $0xF7A;
	s5 =	simm.s32 @!p2 $0x0  }
0x1d: {  	s5 =	simm.s32 @p1 $0x1;
	p0 =	seq.s32 s7, s2  }
0x1e: {  	s7 =	smul.u32 @!p0 $0xF7A, s2;
	p2 =	seq.s32 @!p0 s5, $0x0  }
0x1f: {  	s9 =	smul.u32 $0xF7A, s1;
	s8 =	simm.s32 @!p0 $0x1BF5;
	p2 =	por !p2, p0  }
0x20: {  	[sflag:s8] =	ssyncset.s32 @!p0 $0xFFFFF086;
	s6 =	sadd.s32 @!p0 s3, s7;
	s7 =	simm.s32 @!p0 $0x108  }
0x21: {  	s3 =	sadd.s32 s3, s9;
	s6 =	sadd.s32 @!p0 $0x88, s6;
	s7 =	simm.s32 @p2 $0x1082  }
0x22: {  	[simem:s7], [sflag:s8] =	dma.local @!p0 [hbm:s6], $0xF7A  }
0x23: {  	s9 =	sor.u32 $0xD0000000, s2;
	s6 =	simm.s32 $0x108;
	_ =	swait.ge @!p0 [sflag:s8], $0x0  }
0x24: {  	s3 =	sadd.s32 $0x88, s3;
	s6 =	simm.s32 @!p1 $0x1082;
	[sflag:s4] =	ssyncset.s32 $0xFFFFF086  }
0x25: {  	[simem:s6], [sflag:s4] =	dma.local [hbm:s3], $0xF7A  }
0x26: {  	[smem:$0x3F9F] =	sst s1;
	(tag) =	ssettag s2;
	_ =	strace s9  }
0x27: {  	s1 =	sld [smem:$0x3FAF]  }
0x28: {  	s2 =	sld [smem:$0x3FB0]  }
0x29: {  	s4 =	sld [smem:$0x3FB2]  }
0x2a: {  	p0 =	seq.s32 s5, $0x0;
	s5 =	sld [smem:$0x3FB3]  }
0x2b: {  	s6 =	sld [smem:$0x3FB4]  }
0x2c: {  	s7 =	sld [smem:$0x3FB5]  }
0x2d: {  	s3 =	simm.s32 $0x108;
	s8 =	sld [smem:$0x3FB6]  }
0x2e: {  	s3 =	simm.s32 @!p0 $0x1082;
	s9 =	sld [smem:$0x3FB7]  }
0x2f: {  	lr =	sadd.s32 s0, s3;
	s0 =	sld [smem:$0x3FAE]  }
0x30: {  	s3 =	sld [smem:$0x3FB1]  }
0x31: {  	[smem:$0x3FBA] =	sst s10  }
0x32: {  	s10 =	sld [smem:$0x3FB8];
	_ =	sdelay $0x3  }
0x33: {  	p0 =	seq.s32 s10, $0x1;
	s10 =	sld [smem:$0x3FBA];
	_ =	sdelay $0x3  }
0x34: {  	[smem:$0x3FBA] =	sst s10  }
0x35: {  	s10 =	sld [smem:$0x3FB9];
	_ =	sdelay $0x3  }
0x36: {  	p1 =	seq.s32 s10, $0x1;
	s10 =	sld [smem:$0x3FBA];
	_ =	sdelay $0x3  }
0x37: {  	[smem:$0x3FBA] =	sst s10  }
0x38: {  	s10 =	sld [smem:$0x3FBB]  }
0x39: {  	_ = 	snop;
	(pc) =	sbr.ind lr, $3  }
0x3a: {  	_ = 	snop  }
0x3b: {  	_ = 	snop  }
0x3c: {  	p2 =	seq.s32 s10, $0x1;
	s10 =	sld [smem:$0x3FBA]  }
0x3d: {  	_ =	shalt  }
0x3e: {  	_ =	shalt  }
0x3f: {  	_ =	shalt  }
0x40: {  	_ =	shalt  }
0x41: {  	_ =	shalt  }
0x42: {  	_ =	shalt  }
0x43: {  	_ =	shalt  }
0x44: {  	_ =	shalt  }
0x45: {  	_ =	shalt  }
0x46: {  	_ =	shalt  }
0x47: {  	_ =	shalt  }
0x48: {  	_ =	shalt  }
0x49: {  	_ =	shalt  }
0x4a: {  	_ =	shalt  }
0x4b: {  	_ =	shalt  }
0x4c: {  	_ =	shalt  }
0x4d: {  	_ =	shalt  }
0x4e: {  	_ =	shalt  }
0x4f: {  	_ =	shalt  }
0x50: {  	_ =	shalt  }
0x51: {  	_ =	shalt  }
0x52: {  	_ =	shalt  }
0x53: {  	_ =	shalt  }
0x54: {  	_ =	shalt  }
0x55: {  	_ =	shalt  }
0x56: {  	_ =	shalt  }
0x57: {  	_ =	shalt  }
0x58: {  	_ =	shalt  }
0x59: {  	_ =	shalt  }
0x5a: {  	_ =	shalt  }
0x5b: {  	_ =	shalt  }
0x5c: {  	_ =	shalt  }
0x5d: {  	_ =	shalt  }
0x5e: {  	_ =	shalt  }
0x5f: {  	_ =	shalt  }
0x60: {  	_ =	shalt  }
0x61: {  	_ =	shalt  }
0x62: {  	_ =	shalt  }
0x63: {  	_ =	shalt  }
0x64: {  	_ =	shalt  }
0x65: {  	_ =	shalt  }
0x66: {  	_ =	shalt  }
0x67: {  	_ =	shalt  }
0x68: {  	_ =	shalt  }
0x69: {  	_ =	shalt  }
0x6a: {  	_ =	shalt  }
0x6b: {  	_ =	shalt  }
0x6c: {  	_ =	shalt  }
0x6d: {  	_ =	shalt  }
0x6e: {  	_ =	shalt  }
0x6f: {  	_ =	shalt  }
0x70: {  	_ =	shalt  }
0x71: {  	_ =	shalt  }
0x72: {  	_ =	shalt  }
0x73: {  	_ =	shalt  }
0x74: {  	_ =	shalt  }
0x75: {  	_ =	shalt  }
0x76: {  	_ =	shalt  }
0x77: {  	_ =	shalt  }
0x78: {  	_ =	shalt  }
0x79: {  	_ =	shalt  }
0x7a: {  	_ =	shalt  }
0x7b: {  	_ =	shalt  }
0x7c: {  	_ =	shalt  }
0x7d: {  	_ =	shalt  }
0x7e: {  	_ =	shalt  }
0x7f: {  	_ =	shalt  }
0x80: {  	_ =	shalt  }
0x81: {  	_ =	shalt  }
0x82: {  	_ =	shalt  }
0x83: {  	_ =	shalt  }
0x84: {  	_ =	shalt  }
0x85: {  	_ =	shalt  }
0x86: {  	_ =	shalt  }
0x87: {  	_ =	shalt  }
.Lfunc_end0:
.L_simem_size_0:
called_computation_lowered:
.L_overlay_start_0:
0x88: {  	s2 =	sld [smem:$0x3FD9]  }
0x89: {  	s3 =	sld [smem:$0x3FFE];
	_ =	sdelay $0x1  }
0x8a: {  	s1 =	srdreg.scid  }
0x8b: {  	s0 =	sand.u32 $0x1, s1  }
0x8c: {  	s16 =	sshll.u32 s0, $0xA;
	s2 =	sadd.s32 s3, s2  }
0x8d: {  	s2 =	sadd.s32 s2, s16  }
0x8e: {  	[smem:$0x3FC6] =	sst s2  }
0x8f: {  	_ = 	snop  }
0x90: {  	(tm) =	ssettm $0x1  }
0x91: {  	s17 =	sld [smem:$0x3FFB];
	_ =	sdelay $0x3  }
0x92: {  	_ =	strace s17  }
0x93: {  	s2 =	sld [smem:$0x3FFC];
	_ =	sdelay $0x3  }
0x94: {  	_ =	strace s2  }
0x95: {  	s2 =	sld [smem:$0x3FFD];
	_ =	sdelay $0x3  }
0x96: {  	_ =	strace s2  }
0x97: {  	_ =	strace $0x8FFFFFFF  }
0x98: {  	s18 =	sld [smem:$0x3FDB];
	_ =	sdelay $0x1  }
0x99: {  	s19 =	simm.s32 $_scs_section_size  }
0x9a: {  	s4 =	simm.s32 $_size__tile_overlayer_lowered;
	s5 =	simm.s32 $_tile_overlayer_lowered  }
0x9b: {  	s22 =	simm.s32 $0x1BFF;
	s21 =	sshll.u32 s5, $0x1;
	s2 =	sadd.s32 s19, s18  }
0x9c: {  	s6 =	simm.s32 $0x0;
	s20 =	sshll.u32 s4, $0x1;
	s4 =	sadd.s32 s21, s2  }
0x9d: {  	[timem:s6], [sflag:s22] =	dma.local [hbm:s4], s20  }
0x9e: {  	_ =	swait.ge [sflag:s22], s20  }
0x9f: {  	s3 =	ssub.s32 $0x0, s20;
	[sflag:s22] =	ssyncset.done $0x0  }
0xa0: {  	[sflag:s22] =	ssyncadd.s32 s3;
	_ =	sdelay $0x1  }
0xa1: {  	s23 =	simm.s32 $0x1B8B  }
0xa2: {  	_ =	swait.ge [sflag:s23], $0x1  }
0xa3: {  	[sflag:s23] =	ssyncset.done $0x0  }
0xa4: {  	s25 =	simm.s32 $0x1B8E;
	s24 =	sld [smem:$0x3FFE];
	[sflag:s23] =	ssyncadd.s32 $0xFFFFFFFF  }
0xa5: {  	s26 =	simm.s32 $execute0_lowered;
	[smem:$0x3FD2] =	sst s25  }
0xa6: {  	s4 =	sshll.u32 s26, $0x1;
	_ =	strace $0x80000046;
	[dreg:$0x1] =	wrdreg $0xFFFFFFFF  }
0xa7: {  	s28 =	simm.s32 $_size_execute0_lowered;
	s2 =	sadd.s32 s2, s4;
	[dreg:$0x0] =	wrdreg $0x0  }
0xa8: {  	s4 =	sshll.u32 s28, $0x1;
	[dreg:$0x2] =	wrdreg s2  }
0xa9: {  	[dreg:$0x3] =	wrdreg s4  }
0xaa: {  	[dreg:$0x4] =	wrdreg $0xC0  }
0xab: {  	_ =	task [dreg:s6], $0x5FFFF  }
0xac: {  	[dreg:$0x1] =	wrdreg $0xFFFFFFFF  }
0xad: {  	[dreg:$0x0] =	wrdreg $0x60  }
0xae: {  	[dreg:$0x2] =	wrdreg s24  }
0xaf: {  	[dreg:$0x3] =	wrdreg $0x9  }
0xb0: {  	_ =	task.clear_ibuf [dreg:s6], $0x4FFFF;
	_ =	strace $0x90000046  }
0xb1: {  	s29 =	simm.s32 $0x9;
	_ =	strace $0x80000048  }
0xb2: {  	_ =	swait.ge [sflag:s29], $0x1  }
0xb3: {  	[sflag:s29] =	ssyncadd.s32 $0xFFFFFFFF  }
0xb4: {  	_ =	strace $0x90000048  }
0xb5: {  	_ =	sfence  }
0xb6: {  	s30 =	sld [smem:$0x0];
	_ =	sdelay $0x2  }
0xb7: {  	s31 =	sshll.u32 s1, $0xD;
	s1 =	sshrl.u32 s1, $0x2  }
0xb8: {  	s3 =	sand.u32 $0x4000, s31;
	s1 =	sadd.s32 s1, s30  }
0xb9: {  	s0 =	sor.u32 s3, s0;
	s1 =	sshll.u32 s1, $0x11  }
0xba: {  	s0 =	sor.u32 s1, s0  }
0xbb: {  	s0 =	sadd.s32 $0x8F2B, s0  }
0xbc: {  	[sflag:s0] =	ssyncadd.remote.s32 $0x1  }
0xbd: {  	_ =	sfence.sel $0xFFFF  }
0xbe: {  	[dreg:$0x0] =	wrdreg $0xFFFFFFFF;
	(pc) =	sbr.abs _section_cstart, $3  }
0xbf: {  	[dreg:$0x1] =	wrdreg $0xFFFFFFFF  }
0xc0: {  	_ =	task.clear_ibuf [dreg:s6], $0x2FFFF;
	_ =	strace $0x9FFFFFFF  }
0xc1: {  	(tm) =	ssettm $0x7FFFFFFF  }
tec
execute0_lowered:
.L_overlay_start_1:
0x0: {  	(tag) =	ssettag $0x1  }
0x1: {  	v0 =	vimm.s32 $0x2380;
	vm0 =	vcmask $0x300;
	v1 =	vimm.s32 $0x6380  }
0x2: {  	vm1 =	vcmask $0x704;
	v0 =	vsel vm0, $0x0, v0;
	v1 =	vsel vm0, $0x4000, v1  }
0x3: {  	s3 =	rddreg [dreg:$0x0];
	vm0 =	vcmask $0xB08;
	v0 =	vsel vm1, $0x80, v0;
	v1 =	vsel vm1, $0x4080, v1  }
0x4: {  	s0 =	rddreg [dreg:$0x1];
	vm1 =	vcmask $0xF0C;
	v0 =	vsel vm0, $0x100, v0;
	v1 =	vsel vm0, $0x4100, v1  }
0x5: {  	s4 =	srdreg.scid;
	s1 =	stileid.u32;
	vm0 =	vcmask $0x1310;
	v0 =	vsel vm1, $0x180, v0;
	v1 =	vsel vm1, $0x4180, v1  }
0x6: {  	s2 =	simm.s32 $0x0;
	s11 =	simm.s32 $0x3;
	s12 =	simm.s32 $0x8000;
	vm1 =	vcmask $0x1714;
	v0 =	vsel vm0, $0x200, v0;
	v1 =	vsel vm0, $0x4200, v1  }
0x7: {  	s13 =	simm.s32 $0x1;
	s14 =	simm.s32 $0x2;
	s15 =	simm.s32 $0x10080;
	vm0 =	vcmask $0x1B18;
	v0 =	vsel vm1, $0x280, v0;
	v1 =	vsel vm1, $0x4280, v1  }
0x8: {  	s16 =	simm.s32 $0x0;
	s4 =	sand.u32 $0x1, s4;
	s5 =	sshll.u32 s1, $0x1;
	vm1 =	vcmask $0x1F1C;
	v0 =	vsel vm0, $0x300, v0;
	v1 =	vsel vm0, $0x4300, v1  }
0x9: {  	[smem:$0x7FF] =	sst s2;
	s7 =	sadd.s32 $0x200, s3;
	s5 =	sor.u32 s4, s5;
	vm0 =	vcmask $0x2320;
	v0 =	vsel vm1, $0x380, v0;
	v1 =	vsel vm1, $0x4380, v1  }
0xa: {  	_ =	strace $0x80000047;
	s4 =	ssub.s32 $0x2, s4;
	s6 =	sshll.u32 s5, $0x7;
	vm1 =	vcmask $0x2724;
	v0 =	vsel vm0, $0x2000, v0;
	v1 =	vsel vm0, $0x6000, v1  }
0xb: {  	s9 =	sshll.u32 s5, $0x4;
	s30 =	sshrl.u32 s4, $0x1;
	s6 =	sor.u32 $0x3000, s6;
	vm0 =	vcmask $0x2B28;
	v0 =	vsel vm1, $0x2080, v0;
	v1 =	vsel vm1, $0x6080, v1  }
0xc: {  	s5 =	sshll.u32 s5, $0xE;
	s9 =	sadd.s32 s9, s3;
	s8 =	sshrl.u32 s6, $0x3;
	vm1 =	vcmask $0x2F2C;
	v0 =	vsel vm0, $0x2100, v0;
	v1 =	vsel vm0, $0x6100, v1  }
0xd: {  	s10 =	ssub.s32 s4, s30;
	s31 =	sshll.u32 s6, $0x7;
	s8 =	sadd.s32 s8, s3;
	vm0 =	vcmask $0x3330;
	v0 =	vsel vm1, $0x2180, v0;
	v1 =	vsel vm1, $0x6180, v1  }
0xe: {  	s4 =	sadd.s32 s7, s31;
	s7 =	sadd.s32 s5, s7;
	s3 =	sadd.s32 $0x200200, s8;
	vm1 =	vcmask $0x3734;
	v0 =	vsel vm0, $0x2200, v0;
	v1 =	vsel vm0, $0x6200, v1  }
0xf: {  	s5 =	sadd.s32 $0x181000, s7;
	s6 =	sadd.s32 $0x182000, s7;
	s7 =	sadd.s32 $0x183000, s7;
	vm0 =	vcmask $0x3B38;
	v0 =	vsel vm1, $0x2280, v0;
	v1 =	vsel vm1, $0x6280, v1  }
0x10: {  	s8 =	sadd.s32 $0x200A00, s9;
	s9 =	smax.u32 s10, $0x1;
	s10 =	simm.s32 $0x10000;
	v0 =	vsel vm0, $0x2300, v0;
	v1 =	vsel vm0, $0x6300, v1;
	vm0 =	vmmov $0x1ff  }
.LBB2_1:
0x11: {  	[tilespmem:s10], [sflag:$0x3] =	stream.linear.gather [hbm4b:s3+s2], $0x80, $0x38;
	[tilespmem:$0x10100] =	vst v63  }
0x12: {  	_ =	swait.ge [sflag:s11], $0x80  }
0x13: {  	[sflag:s11] =	ssyncset.done $0x0  }
0x14: {  	[sflag:s11] =	ssyncadd.s32 $0xFFFFFF80  }
0x15: {  	[tilespmem:s2], [sflag:$0x1] =	stream.linear.gather [hbm4b:s4+s2], $0x8000, $0x38;
	[tilespmem:$0x10100] =	vst v63  }
0x16: {  	_ = 	snop  }
0x17: {  	[tilespmem:s12], [sflag:$0x2] =	stream.linear.gather [hbm4b:s5+s2], $0x8000, $0x38;
	[tilespmem:$0x10100] =	vst v63  }
0x18: {  	_ =	swait.ge [sflag:s13], $0x8000  }
0x19: {  	s17 =	sand.u32 $0x70, s2;
	s18 =	sand.u32 $0x1C00, s2;
	[sflag:s13] =	ssyncset.done $0x0  }
0x1a: {  	s20 =	sor.u32 s17, s18;
	[sflag:s13] =	ssyncadd.s32 $0xFFFF8000  }
0x1b: {  	v2 =	vld [tilespmem:s20+$0x0];
	_ =	sdelay $0x1  }
0x1c: {  	v3 =	vld [tilespmem:s20+$0x80];
	_ =	sdelay $0x1  }
0x1d: {  	v4 =	vld [tilespmem:s20+$0x100]  }
0x1e: {  	v2 =	vmul.f32 v2, v2  }
0x1f: {  	v5 =	vimm.f32 $0.0e+00;
	v6 =	vld [tilespmem:s20+$0x180]  }
0x20: {  	v3 =	vmul.f32 v3, v3;
	v2 =	vadd.f32 v2, v5  }
0x21: {  	v5 =	vld [tilespmem:s20+$0x200]  }
0x22: {  	v2 =	vadd.f32 v3, v2;
	v3 =	vmul.f32 v4, v4  }
0x23: {  	v4 =	vld [tilespmem:s20+$0x280]  }
0x24: {  	v2 =	vadd.f32 v3, v2;
	v3 =	vmul.f32 v6, v6  }
0x25: {  	s31 =	sor.u32 s2, s2;
	v6 =	vld [tilespmem:s20+$0x300]  }
0x26: {  	s17 =	sor.u32 $0x380, s31;
	v2 =	vadd.f32 v3, v2;
	v3 =	vmul.f32 v5, v5  }
0x27: {  	v5 =	vld [tilespmem:s17+$0x0]  }
0x28: {  	v2 =	vadd.f32 v3, v2;
	v3 =	vmul.f32 v4, v4  }
0x29: {  	v4 =	vld [tilespmem:s20+$0x2000]  }
0x2a: {  	v2 =	vadd.f32 v3, v2;
	v3 =	vmul.f32 v6, v6  }
0x2b: {  	v6 =	vld [tilespmem:s20+$0x2080]  }
0x2c: {  	v2 =	vadd.f32 v3, v2;
	v3 =	vmul.f32 v5, v5  }
0x2d: {  	v5 =	vld [tilespmem:s20+$0x2100]  }
0x2e: {  	v2 =	vadd.f32 v3, v2;
	v3 =	vmul.f32 v4, v4  }
0x2f: {  	v4 =	vld [tilespmem:s20+$0x2180]  }
0x30: {  	v2 =	vadd.f32 v3, v2;
	v3 =	vmul.f32 v6, v6  }
0x31: {  	v6 =	vld [tilespmem:s20+$0x2200]  }
0x32: {  	v2 =	vadd.f32 v3, v2;
	v3 =	vmul.f32 v5, v5  }
0x33: {  	v5 =	vld [tilespmem:s20+$0x2280]  }
0x34: {  	v2 =	vadd.f32 v3, v2;
	v3 =	vmul.f32 v4, v4  }
0x35: {  	v4 =	vld [tilespmem:s20+$0x2300]  }
0x36: {  	v2 =	vadd.f32 v3, v2;
	v3 =	vmul.f32 v6, v6  }
0x37: {  	v6 =	vld [tilespmem:s20+$0x2380]  }
0x38: {  	v2 =	vadd.f32 v3, v2;
	v3 =	vmul.f32 v5, v5  }
0x39: {  	v5 =	vld [tilespmem:s20+$0x4000]  }
0x3a: {  	v2 =	vadd.f32 v3, v2;
	v3 =	vmul.f32 v4, v4  }
0x3b: {  	v4 =	vld [tilespmem:s20+$0x4080]  }
0x3c: {  	v2 =	vadd.f32 v3, v2;
	v3 =	vmul.f32 v6, v6  }
0x3d: {  	v6 =	vld [tilespmem:s20+$0x4100]  }
0x3e: {  	v2 =	vadd.f32 v3, v2;
	v3 =	vmul.f32 v5, v5  }
0x3f: {  	v5 =	vld [tilespmem:s20+$0x4180]  }
0x40: {  	v2 =	vadd.f32 v3, v2;
	v3 =	vmul.f32 v4, v4  }
0x41: {  	v4 =	vld [tilespmem:s20+$0x4200]  }
0x42: {  	v2 =	vadd.f32 v3, v2;
	v3 =	vmul.f32 v6, v6  }
0x43: {  	v6 =	vld [tilespmem:s20+$0x4280]  }
0x44: {  	v2 =	vadd.f32 v3, v2;
	v3 =	vmul.f32 v5, v5  }
0x45: {  	v5 =	vld [tilespmem:s20+$0x4300]  }
0x46: {  	v2 =	vadd.f32 v3, v2;
	v3 =	vmul.f32 v4, v4  }
0x47: {  	v4 =	vld [tilespmem:s20+$0x4380]  }
0x48: {  	v2 =	vadd.f32 v3, v2;
	v3 =	vmul.f32 v6, v6  }
0x49: {  	v6 =	vld [tilespmem:s20+$0x6000]  }
0x4a: {  	v2 =	vadd.f32 v3, v2;
	v3 =	vmul.f32 v5, v5  }
0x4b: {  	v5 =	vld [tilespmem:s20+$0x6080]  }
0x4c: {  	v2 =	vadd.f32 v3, v2;
	v3 =	vmul.f32 v4, v4  }
0x4d: {  	v4 =	vld [tilespmem:s20+$0x6100]  }
0x4e: {  	v2 =	vadd.f32 v3, v2;
	v3 =	vmul.f32 v6, v6  }
0x4f: {  	v6 =	vld [tilespmem:s20+$0x6180]  }
0x50: {  	v2 =	vadd.f32 v3, v2;
	v3 =	vmul.f32 v5, v5  }
0x51: {  	v7 =	vld [tilespmem:s20+$0x6200]  }
0x52: {  	v4 =	vmul.f32 v4, v4;
	v3 =	vadd.f32 v3, v2  }
0x53: {  	v2 =	vld [tilespmem:s20+$0x6280]  }
0x54: {  	v5 =	vmul.f32 v6, v6;
	v4 =	vadd.f32 v4, v3  }
0x55: {  	v3 =	vld [tilespmem:s20+$0x6300]  }
0x56: {  	s18 =	simm.s32 $0x80;
	s17 =	simm.s32 $0x10;
	v6 =	vmul.f32 v7, v7;
	v5 =	vadd.f32 v5, v4  }
0x57: {  	s19 =	simm.s32 $0x20;
	s22 =	sand.u32 $0x1C00, s18;
	s21 =	sand.u32 $0x70, s17;
	v4 =	vld [tilespmem:s20+$0x6380]  }
.LBB2_2:
0x58: {  	p0 =	sne.s32 s19, $0x3D0;
	s20 =	sor.u32 s21, s22;
	v5 =	vadd.f32 v6, v5;
	v2 =	vmul.f32 v2, v2  }
0x59: {  	v6 =	vld [tilespmem:s20+$0x0]  }
0x5a: {  	v2 =	vadd.f32 v2, v5;
	v3 =	vmul.f32 v3, v3  }
0x5b: {  	v5 =	vld [tilespmem:s20+$0x80]  }
0x5c: {  	v2 =	vadd.f32 v3, v2;
	v3 =	vmul.f32 v4, v4  }
0x5d: {  	v4 =	vld [tilespmem:s20+$0x100]  }
0x5e: {  	v6 =	vmul.f32 v6, v6;
	v2 =	vadd.f32 v3, v2  }
0x5f: {  	v3 =	vld [tilespmem:s20+$0x180]  }
0x60: {  	v2 =	vadd.f32 v6, v2;
	v5 =	vmul.f32 v5, v5  }
0x61: {  	v6 =	vld [tilespmem:s20+$0x200]  }
0x62: {  	v2 =	vadd.f32 v5, v2;
	v4 =	vmul.f32 v4, v4  }
0x63: {  	v5 =	vld [tilespmem:s20+$0x280]  }
0x64: {  	v2 =	vadd.f32 v4, v2;
	v3 =	vmul.f32 v3, v3  }
0x65: {  	s21 =	sor.u32 s18, s17;
	s17 =	smov.u32 s19;
	v4 =	vld [tilespmem:s20+$0x300]  }
0x66: {  	s21 =	sor.u32 $0x380, s21;
	v2 =	vadd.f32 v3, v2;
	v3 =	vmul.f32 v6, v6  }
0x67: {  	v6 =	vld [tilespmem:s21+$0x0]  }
0x68: {  	v2 =	vadd.f32 v3, v2;
	v3 =	vmul.f32 v5, v5  }
0x69: {  	v5 =	vld [tilespmem:s20+$0x2000]  }
0x6a: {  	v2 =	vadd.f32 v3, v2;
	v3 =	vmul.f32 v4, v4  }
0x6b: {  	v4 =	vld [tilespmem:s20+$0x2080]  }
0x6c: {  	v2 =	vadd.f32 v3, v2;
	v3 =	vmul.f32 v6, v6  }
0x6d: {  	v6 =	vld [tilespmem:s20+$0x2100]  }
0x6e: {  	v2 =	vadd.f32 v3, v2;
	v3 =	vmul.f32 v5, v5  }
0x6f: {  	v5 =	vld [tilespmem:s20+$0x2180]  }
0x70: {  	v2 =	vadd.f32 v3, v2;
	v3 =	vmul.f32 v4, v4  }
0x71: {  	v4 =	vld [tilespmem:s20+$0x2200]  }
0x72: {  	v2 =	vadd.f32 v3, v2;
	v3 =	vmul.f32 v6, v6  }
0x73: {  	v6 =	vld [tilespmem:s20+$0x2280]  }
0x74: {  	v2 =	vadd.f32 v3, v2;
	v3 =	vmul.f32 v5, v5  }
0x75: {  	v5 =	vld [tilespmem:s20+$0x2300]  }
0x76: {  	v2 =	vadd.f32 v3, v2;
	v3 =	vmul.f32 v4, v4  }
0x77: {  	v4 =	vld [tilespmem:s20+$0x2380]  }
0x78: {  	v2 =	vadd.f32 v3, v2;
	v3 =	vmul.f32 v6, v6  }
0x79: {  	v6 =	vld [tilespmem:s20+$0x4000]  }
0x7a: {  	v2 =	vadd.f32 v3, v2;
	v3 =	vmul.f32 v5, v5  }
0x7b: {  	v5 =	vld [tilespmem:s20+$0x4080]  }
0x7c: {  	v2 =	vadd.f32 v3, v2;
	v3 =	vmul.f32 v4, v4  }
0x7d: {  	v4 =	vld [tilespmem:s20+$0x4100]  }
0x7e: {  	v2 =	vadd.f32 v3, v2;
	v3 =	vmul.f32 v6, v6  }
0x7f: {  	v6 =	vld [tilespmem:s20+$0x4180]  }
0x80: {  	v2 =	vadd.f32 v3, v2;
	v3 =	vmul.f32 v5, v5  }
0x81: {  	v5 =	vld [tilespmem:s20+$0x4200]  }
0x82: {  	v2 =	vadd.f32 v3, v2;
	v3 =	vmul.f32 v4, v4  }
0x83: {  	v4 =	vld [tilespmem:s20+$0x4280]  }
0x84: {  	v2 =	vadd.f32 v3, v2;
	v3 =	vmul.f32 v6, v6  }
0x85: {  	v6 =	vld [tilespmem:s20+$0x4300]  }
0x86: {  	v2 =	vadd.f32 v3, v2;
	v3 =	vmul.f32 v5, v5  }
0x87: {  	v5 =	vld [tilespmem:s20+$0x4380]  }
0x88: {  	v2 =	vadd.f32 v3, v2;
	v3 =	vmul.f32 v4, v4  }
0x89: {  	v4 =	vld [tilespmem:s20+$0x6000]  }
0x8a: {  	v2 =	vadd.f32 v3, v2;
	v3 =	vmul.f32 v6, v6  }
0x8b: {  	v6 =	vld [tilespmem:s20+$0x6080]  }
0x8c: {  	v2 =	vadd.f32 v3, v2;
	v3 =	vmul.f32 v5, v5  }
0x8d: {  	v5 =	vld [tilespmem:s20+$0x6100]  }
0x8e: {  	v2 =	vadd.f32 v3, v2;
	v3 =	vmul.f32 v4, v4  }
0x8f: {  	v4 =	vld [tilespmem:s20+$0x6180]  }
0x90: {  	v2 =	vadd.f32 v3, v2;
	v3 =	vmul.f32 v6, v6  }
0x91: {  	v6 =	vld [tilespmem:s20+$0x6200]  }
0x92: {  	v3 =	vadd.f32 v3, v2;
	v5 =	vmul.f32 v5, v5  }
.Ltmp0:
0x93: {  	v2 =	vld [tilespmem:s20+$0x6280];
	(pc) =	sbr.rel @p0 .LBB2_2-.Ltmp0, $4  }
0x94: {  	v5 =	vadd.f32 v5, v3;
	v4 =	vmul.f32 v4, v4  }
0x95: {  	v3 =	vld [tilespmem:s20+$0x6300]  }
0x96: {  	s18 =	sadd.s32 $0x80, s18;
	v5 =	vadd.f32 v4, v5;
	v6 =	vmul.f32 v6, v6  }
0x97: {  	s19 =	sadd.s32 $0x10, s19;
	s22 =	sand.u32 $0x1C00, s18;
	s21 =	sand.u32 $0x70, s17;
	v4 =	vld [tilespmem:s20+$0x6380]  }
0x98: {  	s19 =	sor.u32 s21, s22;
	v5 =	vadd.f32 v6, v5;
	v2 =	vmul.f32 v2, v2  }
0x99: {  	v6 =	vld [tilespmem:s19+$0x0]  }
0x9a: {  	v2 =	vadd.f32 v2, v5;
	v3 =	vmul.f32 v3, v3  }
0x9b: {  	v5 =	vld [tilespmem:s19+$0x80]  }
0x9c: {  	v2 =	vadd.f32 v3, v2;
	v3 =	vmul.f32 v4, v4  }
0x9d: {  	v4 =	vld [tilespmem:s19+$0x100]  }
0x9e: {  	v6 =	vmul.f32 v6, v6;
	v2 =	vadd.f32 v3, v2  }
0x9f: {  	v3 =	vld [tilespmem:s19+$0x180]  }
0xa0: {  	v5 =	vmul.f32 v5, v5;
	v2 =	vadd.f32 v6, v2  }
0xa1: {  	v6 =	vld [tilespmem:s19+$0x200]  }
0xa2: {  	v4 =	vmul.f32 v4, v4;
	v2 =	vadd.f32 v5, v2  }
0xa3: {  	v5 =	vld [tilespmem:s19+$0x280]  }
0xa4: {  	v3 =	vmul.f32 v3, v3;
	v2 =	vadd.f32 v4, v2  }
0xa5: {  	s17 =	sor.u32 s18, s17;
	v4 =	vld [tilespmem:s19+$0x300]  }
0xa6: {  	s17 =	sor.u32 $0x380, s17;
	v2 =	vadd.f32 v3, v2;
	v3 =	vmul.f32 v6, v6  }
0xa7: {  	v6 =	vld [tilespmem:s17+$0x0]  }
0xa8: {  	v2 =	vadd.f32 v3, v2;
	v3 =	vmul.f32 v5, v5  }
0xa9: {  	v5 =	vld [tilespmem:s19+$0x2000]  }
0xaa: {  	v2 =	vadd.f32 v3, v2;
	v3 =	vmul.f32 v4, v4  }
0xab: {  	v4 =	vld [tilespmem:s19+$0x2080]  }
0xac: {  	v2 =	vadd.f32 v3, v2;
	v3 =	vmul.f32 v6, v6  }
0xad: {  	v6 =	vld [tilespmem:s19+$0x2100]  }
0xae: {  	v2 =	vadd.f32 v3, v2;
	v3 =	vmul.f32 v5, v5  }
0xaf: {  	v5 =	vld [tilespmem:s19+$0x2180]  }
0xb0: {  	v2 =	vadd.f32 v3, v2;
	v3 =	vmul.f32 v4, v4  }
0xb1: {  	v4 =	vld [tilespmem:s19+$0x2200]  }
0xb2: {  	v2 =	vadd.f32 v3, v2;
	v3 =	vmul.f32 v6, v6  }
0xb3: {  	v6 =	vld [tilespmem:s19+$0x2280]  }
0xb4: {  	v2 =	vadd.f32 v3, v2;
	v3 =	vmul.f32 v5, v5  }
0xb5: {  	v5 =	vld [tilespmem:s19+$0x2300]  }
0xb6: {  	v2 =	vadd.f32 v3, v2;
	v3 =	vmul.f32 v4, v4  }
0xb7: {  	v4 =	vld [tilespmem:s19+$0x2380]  }
0xb8: {  	v2 =	vadd.f32 v3, v2;
	v3 =	vmul.f32 v6, v6  }
0xb9: {  	v6 =	vld [tilespmem:s19+$0x4000]  }
0xba: {  	v2 =	vadd.f32 v3, v2;
	v3 =	vmul.f32 v5, v5  }
0xbb: {  	v5 =	vld [tilespmem:s19+$0x4080]  }
0xbc: {  	v2 =	vadd.f32 v3, v2;
	v3 =	vmul.f32 v4, v4  }
0xbd: {  	v4 =	vld [tilespmem:s19+$0x4100]  }
0xbe: {  	v2 =	vadd.f32 v3, v2;
	v3 =	vmul.f32 v6, v6  }
0xbf: {  	v6 =	vld [tilespmem:s19+$0x4180]  }
0xc0: {  	v2 =	vadd.f32 v3, v2;
	v3 =	vmul.f32 v5, v5  }
0xc1: {  	v5 =	vld [tilespmem:s19+$0x4200]  }
0xc2: {  	v2 =	vadd.f32 v3, v2;
	v3 =	vmul.f32 v4, v4  }
0xc3: {  	v4 =	vld [tilespmem:s19+$0x4280]  }
0xc4: {  	v2 =	vadd.f32 v3, v2;
	v3 =	vmul.f32 v6, v6  }
0xc5: {  	v6 =	vld [tilespmem:s19+$0x4300]  }
0xc6: {  	v2 =	vadd.f32 v3, v2;
	v3 =	vmul.f32 v5, v5  }
0xc7: {  	v5 =	vld [tilespmem:s19+$0x4380]  }
0xc8: {  	v2 =	vadd.f32 v3, v2;
	v3 =	vmul.f32 v4, v4  }
0xc9: {  	v4 =	vld [tilespmem:s19+$0x6000]  }
0xca: {  	v2 =	vadd.f32 v3, v2;
	v3 =	vmul.f32 v6, v6  }
0xcb: {  	v6 =	vld [tilespmem:s19+$0x6080]  }
0xcc: {  	v2 =	vadd.f32 v3, v2;
	v3 =	vmul.f32 v5, v5  }
0xcd: {  	v5 =	vld [tilespmem:s19+$0x6100]  }
0xce: {  	v2 =	vadd.f32 v3, v2;
	v3 =	vmul.f32 v4, v4  }
0xcf: {  	v4 =	vld [tilespmem:s19+$0x6180]  }
0xd0: {  	v2 =	vadd.f32 v3, v2;
	v3 =	vmul.f32 v6, v6  }
0xd1: {  	v6 =	vld [tilespmem:s19+$0x6200]  }
0xd2: {  	v2 =	vadd.f32 v3, v2;
	v3 =	vmul.f32 v5, v5  }
0xd3: {  	v5 =	vld [tilespmem:s19+$0x6280]  }
0xd4: {  	v2 =	vadd.f32 v3, v2;
	v3 =	vmul.f32 v4, v4  }
0xd5: {  	v4 =	vld [tilespmem:s19+$0x6300]  }
0xd6: {  	v2 =	vadd.f32 v3, v2;
	v3 =	vmul.f32 v6, v6  }
0xd7: {  	v6 =	vld [tilespmem:s19+$0x6380]  }
0xd8: {  	v2 =	vadd.f32 v3, v2;
	v3 =	vmul.f32 v5, v5;
	v5 =	vld [tilespmem:$0x1C57];
	_ =	sdelay $0x1  }
0xd9: {  	v2 =	vadd.f32 v3, v2;
	v3 =	vmul.f32 v4, v4;
	v4 =	vld [tilespmem:$0x1CD7];
	_ =	sdelay $0x1  }
0xda: {  	v2 =	vadd.f32 v3, v2;
	v3 =	vmul.f32 v6, v6;
	v6 =	vld [tilespmem:$0x1D57]  }
0xdb: {  	v5 =	vmul.f32 v5, v5  }
0xdc: {  	v2 =	vadd.f32 v3, v2;
	v3 =	vld [tilespmem:$0x1DD7]  }
0xdd: {  	v5 =	vsel vm0, $0x0, v5;
	v4 =	vmul.f32 v4, v4  }
0xde: {  	v2 =	vadd.f32 v5, v2;
	v5 =	vld [tilespmem:$0x1E57]  }
0xdf: {  	v4 =	vsel vm0, $0x0, v4;
	v6 =	vmul.f32 v6, v6  }
0xe0: {  	v2 =	vadd.f32 v4, v2;
	v4 =	vld [tilespmem:$0x1ED7]  }
0xe1: {  	v6 =	vsel vm0, $0x0, v6;
	v3 =	vmul.f32 v3, v3  }
0xe2: {  	v2 =	vadd.f32 v6, v2;
	v6 =	vld [tilespmem:$0x1F57]  }
0xe3: {  	v3 =	vsel vm0, $0x0, v3;
	v5 =	vmul.f32 v5, v5  }
0xe4: {  	v2 =	vadd.f32 v3, v2;
	v3 =	vld [tilespmem:$0x1FD7]  }
0xe5: {  	v5 =	vsel vm0, $0x0, v5;
	v4 =	vmul.f32 v4, v4  }
0xe6: {  	v2 =	vadd.f32 v5, v2;
	v5 =	vld [tilespmem:$0x3C57]  }
0xe7: {  	v4 =	vsel vm0, $0x0, v4;
	v6 =	vmul.f32 v6, v6  }
0xe8: {  	v2 =	vadd.f32 v4, v2;
	v4 =	vld [tilespmem:$0x3CD7]  }
0xe9: {  	v6 =	vsel vm0, $0x0, v6;
	v3 =	vmul.f32 v3, v3  }
0xea: {  	v2 =	vadd.f32 v6, v2;
	v6 =	vld [tilespmem:$0x3D57]  }
0xeb: {  	v3 =	vsel vm0, $0x0, v3;
	v5 =	vmul.f32 v5, v5  }
0xec: {  	v2 =	vadd.f32 v3, v2;
	v3 =	vld [tilespmem:$0x3DD7]  }
0xed: {  	v5 =	vsel vm0, $0x0, v5;
	v4 =	vmul.f32 v4, v4  }
0xee: {  	v2 =	vadd.f32 v5, v2;
	v5 =	vld [tilespmem:$0x3E57]  }
0xef: {  	v4 =	vsel vm0, $0x0, v4;
	v6 =	vmul.f32 v6, v6  }
0xf0: {  	v2 =	vadd.f32 v4, v2;
	v4 =	vld [tilespmem:$0x3ED7]  }
0xf1: {  	v6 =	vsel vm0, $0x0, v6;
	v3 =	vmul.f32 v3, v3  }
0xf2: {  	v2 =	vadd.f32 v6, v2;
	v6 =	vld [tilespmem:$0x3F57]  }
0xf3: {  	v3 =	vsel vm0, $0x0, v3;
	v5 =	vmul.f32 v5, v5  }
0xf4: {  	v2 =	vadd.f32 v3, v2;
	v3 =	vld [tilespmem:$0x3FD7]  }
0xf5: {  	v5 =	vsel vm0, $0x0, v5;
	v4 =	vmul.f32 v4, v4  }
0xf6: {  	v2 =	vadd.f32 v5, v2;
	v5 =	vld [tilespmem:$0x5C57]  }
0xf7: {  	v4 =	vsel vm0, $0x0, v4;
	v6 =	vmul.f32 v6, v6  }
0xf8: {  	v2 =	vadd.f32 v4, v2;
	v4 =	vld [tilespmem:$0x5CD7]  }
0xf9: {  	v6 =	vsel vm0, $0x0, v6;
	v3 =	vmul.f32 v3, v3  }
0xfa: {  	v2 =	vadd.f32 v6, v2;
	v6 =	vld [tilespmem:$0x5D57]  }
0xfb: {  	v3 =	vsel vm0, $0x0, v3;
	v5 =	vmul.f32 v5, v5  }
0xfc: {  	v2 =	vadd.f32 v3, v2;
	v3 =	vld [tilespmem:$0x5DD7]  }
0xfd: {  	v5 =	vsel vm0, $0x0, v5;
	v4 =	vmul.f32 v4, v4  }
0xfe: {  	v2 =	vadd.f32 v5, v2;
	v5 =	vld [tilespmem:$0x5E57]  }
0xff: {  	v4 =	vsel vm0, $0x0, v4;
	v6 =	vmul.f32 v6, v6  }
0x100: {  	v2 =	vadd.f32 v4, v2;
	v4 =	vld [tilespmem:$0x5ED7]  }
0x101: {  	v7 =	vld [tilespmem:$0x10000];
	v6 =	vsel vm0, $0x0, v6;
	v3 =	vmul.f32 v3, v3  }
0x102: {  	v2 =	vadd.f32 v6, v2;
	v6 =	vld [tilespmem:$0x5F57]  }
0x103: {  	v8 =	vld [tilespmem:$0x10010];
	v3 =	vsel vm0, $0x0, v3;
	v5 =	vmul.f32 v5, v5  }
0x104: {  	v2 =	vadd.f32 v3, v2;
	v3 =	vld [tilespmem:$0x5FD7]  }
0x105: {  	v5 =	vsel vm0, $0x0, v5;
	v4 =	vmul.f32 v4, v4  }
0x106: {  	v2 =	vadd.f32 v5, v2;
	v5 =	vld [tilespmem:$0x7C57]  }
0x107: {  	v4 =	vsel vm0, $0x0, v4;
	v6 =	vmul.f32 v6, v6  }
0x108: {  	v9 =	vadd.s32 $0xFFFFFFFF, v7;
	v11 =	vadd.s32 $0xFFFFFFFF, v8;
	v2 =	vadd.f32 v4, v2;
	v4 =	vld [tilespmem:$0x7CD7]  }
0x109: {  	vm1 =	vgt.s32 v9, $0x0;
	v6 =	vsel vm0, $0x0, v6;
	v3 =	vmul.f32 v3, v3  }
0x10a: {  	v9 =	vnsel vm1, $0x0, v9;
	vm1 =	vgt.s32 v11, $0x0;
	v2 =	vadd.f32 v6, v2;
	v6 =	vld [tilespmem:$0x7D57]  }
0x10b: {  	v10 =	vshll.u32 v9, $0x3;
	v3 =	vsel vm0, $0x0, v3;
	v5 =	vmul.f32 v5, v5  }
0x10c: {  	v9 =	vand.u32 $0x7F, v9;
	v63 =	vnsel vm1, $0x0, v11;
	v2 =	vadd.f32 v3, v2;
	v3 =	vld [tilespmem:$0x7DD7]  }
0x10d: {  	v10 =	vand.u32 $0xFFFFFC00, v10;
	v5 =	vsel vm0, $0x0, v5;
	v4 =	vmul.f32 v4, v4  }
0x10e: {  	v11 =	vand.u32 $0x7F, v63;
	v9 =	vor.u32 v9, v10;
	v2 =	vadd.f32 v5, v2;
	v5 =	vld [tilespmem:$0x7E57]  }
0x10f: {  	v10 =	vshll.u32 v63, $0x3;
	v4 =	vsel vm0, $0x0, v4;
	v6 =	vmul.f32 v6, v6  }
0x110: {  	v10 =	vand.u32 $0xFFFFFC00, v10;
	v9 =	vadd.s32 v0, v9;
	v2 =	vadd.f32 v4, v2;
	v4 =	vld [tilespmem:$0x7ED7]  }
0x111: {  	v10 =	vor.u32 v11, v10;
	v6 =	vsel vm0, $0x0, v6;
	v3 =	vmul.f32 v3, v3  }
0x112: {  	v10 =	vadd.s32 v1, v10;
	v2 =	vadd.f32 v6, v2;
	v6 =	vld [tilespmem:$0x7F57]  }
0x113: {  	v3 =	vsel vm0, $0x0, v3;
	v5 =	vmul.f32 v5, v5  }
0x114: {  	v2 =	vadd.f32 v3, v2;
	v3 =	vld [tilespmem:$0x7FD7]  }
0x115: {  	s29 =	simm.s32 $0x0;
	v5 =	vsel vm0, $0x0, v5;
	v4 =	vmul.f32 v4, v4  }
0x116: {  	v9 =	vld.idx.msk [tilespmem:v9+s29+$0x0], $0xffff;
	v2 =	vadd.f32 v5, v2  }
0x117: {  	v5 =	vld.idx.msk [tilespmem:v10+s29+$0x0], $0xffff;
	[tilespmem:s29], [sflag:$0x1] =	stream.linear.gather [hbm4b:s6+s29], $0x8000, $0x38;
	v4 =	vsel vm0, $0x0, v4;
	v6 =	vmul.f32 v6, v6  }
0x118: {  	_ =	swait.ge [sflag:s14], $0x8000;
	v2 =	vadd.f32 v4, v2  }
0x119: {  	s30 =	sand.u32 $0x70, s29;
	s31 =	sand.u32 $0x1C00, s29;
	[sflag:s14] =	ssyncset.done $0x0;
	v4 =	vsel vm0, $0x0, v6;
	v3 =	vmul.f32 v3, v3  }
0x11a: {  	s20 =	sor.u32 s30, s31;
	[sflag:s14] =	ssyncadd.s32 $0xFFFF8000;
	v2 =	vadd.f32 v4, v2  }
0x11b: {  	v4 =	vadd.f32 v9, v9;
	v6 =	vld [tilespmem:s20+$0x8000];
	v3 =	vsel vm0, $0x0, v3  }
0x11c: {  	vm1 =	vgt.s32 v7, $0x0;
	v2 =	vadd.f32 v3, v2  }
0x11d: {  	v3 =	vnsel vm1, $0x0, v4;
	v4 =	vadd.f32 v5, v5;
	v5 =	vld [tilespmem:s20+$0x8080]  }
0x11e: {  	vm1 =	vgt.s32 v8, $0x0;
	v2 =	vsub.f32 v2, v3  }
0x11f: {  	v3 =	vnsel vm1, $0x0, v4;
	v4 =	vld [tilespmem:s20+$0x8100]  }
0x120: {  	v2 =	vsub.f32 v2, v3;
	v3 =	vmul.f32 v6, v6  }
0x121: {  	v6 =	vld [tilespmem:s20+$0x8180]  }
0x122: {  	v2 =	vadd.f32 v3, v2;
	v3 =	vmul.f32 v5, v5  }
0x123: {  	v5 =	vld [tilespmem:s20+$0x8200]  }
0x124: {  	v2 =	vadd.f32 v3, v2;
	v3 =	vmul.f32 v4, v4  }
0x125: {  	v4 =	vld [tilespmem:s20+$0x8280]  }
0x126: {  	v2 =	vadd.f32 v3, v2;
	v3 =	vmul.f32 v6, v6  }
0x127: {  	s17 =	sor.u32 s29, s29;
	v6 =	vld [tilespmem:s20+$0x8300]  }
0x128: {  	s17 =	sor.u32 $0x380, s17;
	v2 =	vadd.f32 v3, v2;
	v3 =	vmul.f32 v5, v5  }
0x129: {  	v5 =	vld [tilespmem:s17+$0x8000]  }
0x12a: {  	v2 =	vadd.f32 v3, v2;
	v3 =	vmul.f32 v4, v4  }
0x12b: {  	v4 =	vld [tilespmem:s20+$0xA000]  }
0x12c: {  	v2 =	vadd.f32 v3, v2;
	v3 =	vmul.f32 v6, v6  }
0x12d: {  	v6 =	vld [tilespmem:s20+$0xA080]  }
0x12e: {  	v2 =	vadd.f32 v3, v2;
	v3 =	vmul.f32 v5, v5  }
0x12f: {  	v5 =	vld [tilespmem:s20+$0xA100]  }
0x130: {  	v2 =	vadd.f32 v3, v2;
	v3 =	vmul.f32 v4, v4  }
0x131: {  	v4 =	vld [tilespmem:s20+$0xA180]  }
0x132: {  	v2 =	vadd.f32 v3, v2;
	v3 =	vmul.f32 v6, v6  }
0x133: {  	v6 =	vld [tilespmem:s20+$0xA200]  }
0x134: {  	v2 =	vadd.f32 v3, v2;
	v3 =	vmul.f32 v5, v5  }
0x135: {  	v5 =	vld [tilespmem:s20+$0xA280]  }
0x136: {  	v2 =	vadd.f32 v3, v2;
	v3 =	vmul.f32 v4, v4  }
0x137: {  	v4 =	vld [tilespmem:s20+$0xA300]  }
0x138: {  	v2 =	vadd.f32 v3, v2;
	v3 =	vmul.f32 v6, v6  }
0x139: {  	v6 =	vld [tilespmem:s20+$0xA380]  }
0x13a: {  	v2 =	vadd.f32 v3, v2;
	v3 =	vmul.f32 v5, v5  }
0x13b: {  	v5 =	vld [tilespmem:s20+$0xC000]  }
0x13c: {  	v2 =	vadd.f32 v3, v2;
	v3 =	vmul.f32 v4, v4  }
0x13d: {  	v4 =	vld [tilespmem:s20+$0xC080]  }
0x13e: {  	v2 =	vadd.f32 v3, v2;
	v3 =	vmul.f32 v6, v6  }
0x13f: {  	v6 =	vld [tilespmem:s20+$0xC100]  }
0x140: {  	v2 =	vadd.f32 v3, v2;
	v3 =	vmul.f32 v5, v5  }
0x141: {  	v5 =	vld [tilespmem:s20+$0xC180]  }
0x142: {  	v2 =	vadd.f32 v3, v2;
	v3 =	vmul.f32 v4, v4  }
0x143: {  	v4 =	vld [tilespmem:s20+$0xC200]  }
0x144: {  	v2 =	vadd.f32 v3, v2;
	v3 =	vmul.f32 v6, v6  }
0x145: {  	v6 =	vld [tilespmem:s20+$0xC280]  }
0x146: {  	v2 =	vadd.f32 v3, v2;
	v3 =	vmul.f32 v5, v5  }
0x147: {  	v5 =	vld [tilespmem:s20+$0xC300]  }
0x148: {  	v2 =	vadd.f32 v3, v2;
	v3 =	vmul.f32 v4, v4  }
0x149: {  	v4 =	vld [tilespmem:s20+$0xC380]  }
0x14a: {  	v2 =	vadd.f32 v3, v2;
	v3 =	vmul.f32 v6, v6  }
0x14b: {  	v6 =	vld [tilespmem:s20+$0xE000]  }
0x14c: {  	v2 =	vadd.f32 v3, v2;
	v3 =	vmul.f32 v5, v5  }
0x14d: {  	v5 =	vld [tilespmem:s20+$0xE080]  }
0x14e: {  	v2 =	vadd.f32 v3, v2;
	v3 =	vmul.f32 v4, v4  }
0x14f: {  	v4 =	vld [tilespmem:s20+$0xE100]  }
0x150: {  	v2 =	vadd.f32 v3, v2;
	v3 =	vmul.f32 v6, v6  }
0x151: {  	v6 =	vld [tilespmem:s20+$0xE180]  }
0x152: {  	v2 =	vadd.f32 v3, v2;
	v3 =	vmul.f32 v5, v5  }
0x153: {  	v7 =	vld [tilespmem:s20+$0xE200]  }
0x154: {  	v4 =	vmul.f32 v4, v4;
	v3 =	vadd.f32 v3, v2  }
0x155: {  	v2 =	vld [tilespmem:s20+$0xE280]  }
0x156: {  	v5 =	vmul.f32 v6, v6;
	v4 =	vadd.f32 v4, v3  }
0x157: {  	v3 =	vld [tilespmem:s20+$0xE300]  }
0x158: {  	s18 =	simm.s32 $0x80;
	s17 =	simm.s32 $0x10;
	v6 =	vmul.f32 v7, v7;
	v5 =	vadd.f32 v5, v4  }
0x159: {  	s22 =	sand.u32 $0x1C00, s18;
	s19 =	simm.s32 $0x20;
	s21 =	sand.u32 $0x70, s17;
	v4 =	vld [tilespmem:s20+$0xE380]  }
.LBB2_4:
0x15a: {  	p0 =	sne.s32 s19, $0x3D0;
	s20 =	sor.u32 s21, s22;
	v5 =	vadd.f32 v6, v5;
	v2 =	vmul.f32 v2, v2  }
0x15b: {  	v6 =	vld [tilespmem:s20+$0x8000]  }
0x15c: {  	v2 =	vadd.f32 v2, v5;
	v3 =	vmul.f32 v3, v3  }
0x15d: {  	v5 =	vld [tilespmem:s20+$0x8080]  }
0x15e: {  	v2 =	vadd.f32 v3, v2;
	v3 =	vmul.f32 v4, v4  }
0x15f: {  	v4 =	vld [tilespmem:s20+$0x8100]  }
0x160: {  	v6 =	vmul.f32 v6, v6;
	v2 =	vadd.f32 v3, v2  }
0x161: {  	v3 =	vld [tilespmem:s20+$0x8180]  }
0x162: {  	v2 =	vadd.f32 v6, v2;
	v5 =	vmul.f32 v5, v5  }
0x163: {  	v6 =	vld [tilespmem:s20+$0x8200]  }
0x164: {  	v2 =	vadd.f32 v5, v2;
	v4 =	vmul.f32 v4, v4  }
0x165: {  	v5 =	vld [tilespmem:s20+$0x8280]  }
0x166: {  	v2 =	vadd.f32 v4, v2;
	v3 =	vmul.f32 v3, v3  }
0x167: {  	s21 =	sor.u32 s18, s17;
	s17 =	smov.u32 s19;
	v4 =	vld [tilespmem:s20+$0x8300]  }
0x168: {  	s21 =	sor.u32 $0x380, s21;
	v2 =	vadd.f32 v3, v2;
	v3 =	vmul.f32 v6, v6  }
0x169: {  	v6 =	vld [tilespmem:s21+$0x8000]  }
0x16a: {  	v2 =	vadd.f32 v3, v2;
	v3 =	vmul.f32 v5, v5  }
0x16b: {  	v5 =	vld [tilespmem:s20+$0xA000]  }
0x16c: {  	v2 =	vadd.f32 v3, v2;
	v3 =	vmul.f32 v4, v4  }
0x16d: {  	v4 =	vld [tilespmem:s20+$0xA080]  }
0x16e: {  	v2 =	vadd.f32 v3, v2;
	v3 =	vmul.f32 v6, v6  }
0x16f: {  	v6 =	vld [tilespmem:s20+$0xA100]  }
0x170: {  	v2 =	vadd.f32 v3, v2;
	v3 =	vmul.f32 v5, v5  }
0x171: {  	v5 =	vld [tilespmem:s20+$0xA180]  }
0x172: {  	v2 =	vadd.f32 v3, v2;
	v3 =	vmul.f32 v4, v4  }
0x173: {  	v4 =	vld [tilespmem:s20+$0xA200]  }
0x174: {  	v2 =	vadd.f32 v3, v2;
	v3 =	vmul.f32 v6, v6  }
0x175: {  	v6 =	vld [tilespmem:s20+$0xA280]  }
0x176: {  	v2 =	vadd.f32 v3, v2;
	v3 =	vmul.f32 v5, v5  }
0x177: {  	v5 =	vld [tilespmem:s20+$0xA300]  }
0x178: {  	v2 =	vadd.f32 v3, v2;
	v3 =	vmul.f32 v4, v4  }
0x179: {  	v4 =	vld [tilespmem:s20+$0xA380]  }
0x17a: {  	v2 =	vadd.f32 v3, v2;
	v3 =	vmul.f32 v6, v6  }
0x17b: {  	v6 =	vld [tilespmem:s20+$0xC000]  }
0x17c: {  	v2 =	vadd.f32 v3, v2;
	v3 =	vmul.f32 v5, v5  }
0x17d: {  	v5 =	vld [tilespmem:s20+$0xC080]  }
0x17e: {  	v2 =	vadd.f32 v3, v2;
	v3 =	vmul.f32 v4, v4  }
0x17f: {  	v4 =	vld [tilespmem:s20+$0xC100]  }
0x180: {  	v2 =	vadd.f32 v3, v2;
	v3 =	vmul.f32 v6, v6  }
0x181: {  	v6 =	vld [tilespmem:s20+$0xC180]  }
0x182: {  	v2 =	vadd.f32 v3, v2;
	v3 =	vmul.f32 v5, v5  }
0x183: {  	v5 =	vld [tilespmem:s20+$0xC200]  }
0x184: {  	v2 =	vadd.f32 v3, v2;
	v3 =	vmul.f32 v4, v4  }
0x185: {  	v4 =	vld [tilespmem:s20+$0xC280]  }
0x186: {  	v2 =	vadd.f32 v3, v2;
	v3 =	vmul.f32 v6, v6  }
0x187: {  	v6 =	vld [tilespmem:s20+$0xC300]  }
0x188: {  	v2 =	vadd.f32 v3, v2;
	v3 =	vmul.f32 v5, v5  }
0x189: {  	v5 =	vld [tilespmem:s20+$0xC380]  }
0x18a: {  	v2 =	vadd.f32 v3, v2;
	v3 =	vmul.f32 v4, v4  }
0x18b: {  	v4 =	vld [tilespmem:s20+$0xE000]  }
0x18c: {  	v2 =	vadd.f32 v3, v2;
	v3 =	vmul.f32 v6, v6  }
0x18d: {  	v6 =	vld [tilespmem:s20+$0xE080]  }
0x18e: {  	v2 =	vadd.f32 v3, v2;
	v3 =	vmul.f32 v5, v5  }
0x18f: {  	v5 =	vld [tilespmem:s20+$0xE100]  }
0x190: {  	v2 =	vadd.f32 v3, v2;
	v3 =	vmul.f32 v4, v4  }
0x191: {  	v4 =	vld [tilespmem:s20+$0xE180]  }
0x192: {  	v2 =	vadd.f32 v3, v2;
	v3 =	vmul.f32 v6, v6  }
0x193: {  	v6 =	vld [tilespmem:s20+$0xE200]  }
0x194: {  	v3 =	vadd.f32 v3, v2;
	v5 =	vmul.f32 v5, v5  }
.Ltmp1:
0x195: {  	v2 =	vld [tilespmem:s20+$0xE280];
	(pc) =	sbr.rel @p0 .LBB2_4-.Ltmp1, $4  }
0x196: {  	v5 =	vadd.f32 v5, v3;
	v4 =	vmul.f32 v4, v4  }
0x197: {  	v3 =	vld [tilespmem:s20+$0xE300]  }
0x198: {  	s18 =	sadd.s32 $0x80, s18;
	v5 =	vadd.f32 v4, v5;
	v6 =	vmul.f32 v6, v6  }
0x199: {  	s19 =	sadd.s32 $0x10, s19;
	s22 =	sand.u32 $0x1C00, s18;
	s21 =	sand.u32 $0x70, s17;
	v4 =	vld [tilespmem:s20+$0xE380]  }
0x19a: {  	s19 =	sor.u32 s21, s22;
	v5 =	vadd.f32 v6, v5;
	v2 =	vmul.f32 v2, v2  }
0x19b: {  	v6 =	vld [tilespmem:s19+$0x8000]  }
0x19c: {  	v2 =	vadd.f32 v2, v5;
	v3 =	vmul.f32 v3, v3  }
0x19d: {  	v5 =	vld [tilespmem:s19+$0x8080]  }
0x19e: {  	v2 =	vadd.f32 v3, v2;
	v3 =	vmul.f32 v4, v4  }
0x19f: {  	v4 =	vld [tilespmem:s19+$0x8100]  }
0x1a0: {  	v6 =	vmul.f32 v6, v6;
	v2 =	vadd.f32 v3, v2  }
0x1a1: {  	v3 =	vld [tilespmem:s19+$0x8180]  }
0x1a2: {  	v5 =	vmul.f32 v5, v5;
	v2 =	vadd.f32 v6, v2  }
0x1a3: {  	v6 =	vld [tilespmem:s19+$0x8200]  }
0x1a4: {  	v4 =	vmul.f32 v4, v4;
	v2 =	vadd.f32 v5, v2  }
0x1a5: {  	v5 =	vld [tilespmem:s19+$0x8280]  }
0x1a6: {  	v3 =	vmul.f32 v3, v3;
	v2 =	vadd.f32 v4, v2  }
0x1a7: {  	s17 =	sor.u32 s18, s17;
	v4 =	vld [tilespmem:s19+$0x8300]  }
0x1a8: {  	s17 =	sor.u32 $0x380, s17;
	v2 =	vadd.f32 v3, v2;
	v3 =	vmul.f32 v6, v6  }
0x1a9: {  	v6 =	vld [tilespmem:s17+$0x8000]  }
0x1aa: {  	v2 =	vadd.f32 v3, v2;
	v3 =	vmul.f32 v5, v5  }
0x1ab: {  	v5 =	vld [tilespmem:s19+$0xA000]  }
0x1ac: {  	v2 =	vadd.f32 v3, v2;
	v3 =	vmul.f32 v4, v4  }
0x1ad: {  	v4 =	vld [tilespmem:s19+$0xA080]  }
0x1ae: {  	v2 =	vadd.f32 v3, v2;
	v3 =	vmul.f32 v6, v6  }
0x1af: {  	v6 =	vld [tilespmem:s19+$0xA100]  }
0x1b0: {  	v2 =	vadd.f32 v3, v2;
	v3 =	vmul.f32 v5, v5  }
0x1b1: {  	v5 =	vld [tilespmem:s19+$0xA180]  }
0x1b2: {  	v2 =	vadd.f32 v3, v2;
	v3 =	vmul.f32 v4, v4  }
0x1b3: {  	v4 =	vld [tilespmem:s19+$0xA200]  }
0x1b4: {  	v2 =	vadd.f32 v3, v2;
	v3 =	vmul.f32 v6, v6  }
0x1b5: {  	v6 =	vld [tilespmem:s19+$0xA280]  }
0x1b6: {  	v2 =	vadd.f32 v3, v2;
	v3 =	vmul.f32 v5, v5  }
0x1b7: {  	v5 =	vld [tilespmem:s19+$0xA300]  }
0x1b8: {  	v2 =	vadd.f32 v3, v2;
	v3 =	vmul.f32 v4, v4  }
0x1b9: {  	v4 =	vld [tilespmem:s19+$0xA380]  }
0x1ba: {  	v2 =	vadd.f32 v3, v2;
	v3 =	vmul.f32 v6, v6  }
0x1bb: {  	v6 =	vld [tilespmem:s19+$0xC000]  }
0x1bc: {  	v2 =	vadd.f32 v3, v2;
	v3 =	vmul.f32 v5, v5  }
0x1bd: {  	v5 =	vld [tilespmem:s19+$0xC080]  }
0x1be: {  	v2 =	vadd.f32 v3, v2;
	v3 =	vmul.f32 v4, v4  }
0x1bf: {  	v4 =	vld [tilespmem:s19+$0xC100]  }
0x1c0: {  	v2 =	vadd.f32 v3, v2;
	v3 =	vmul.f32 v6, v6  }
0x1c1: {  	v6 =	vld [tilespmem:s19+$0xC180]  }
0x1c2: {  	v2 =	vadd.f32 v3, v2;
	v3 =	vmul.f32 v5, v5  }
0x1c3: {  	v5 =	vld [tilespmem:s19+$0xC200]  }
0x1c4: {  	v2 =	vadd.f32 v3, v2;
	v3 =	vmul.f32 v4, v4  }
0x1c5: {  	v4 =	vld [tilespmem:s19+$0xC280]  }
0x1c6: {  	v2 =	vadd.f32 v3, v2;
	v3 =	vmul.f32 v6, v6  }
0x1c7: {  	v6 =	vld [tilespmem:s19+$0xC300]  }
0x1c8: {  	v2 =	vadd.f32 v3, v2;
	v3 =	vmul.f32 v5, v5  }
0x1c9: {  	v5 =	vld [tilespmem:s19+$0xC380]  }
0x1ca: {  	v2 =	vadd.f32 v3, v2;
	v3 =	vmul.f32 v4, v4  }
0x1cb: {  	v4 =	vld [tilespmem:s19+$0xE000]  }
0x1cc: {  	v2 =	vadd.f32 v3, v2;
	v3 =	vmul.f32 v6, v6  }
0x1cd: {  	v6 =	vld [tilespmem:s19+$0xE080]  }
0x1ce: {  	v2 =	vadd.f32 v3, v2;
	v3 =	vmul.f32 v5, v5  }
0x1cf: {  	v5 =	vld [tilespmem:s19+$0xE100]  }
0x1d0: {  	v2 =	vadd.f32 v3, v2;
	v3 =	vmul.f32 v4, v4  }
0x1d1: {  	v4 =	vld [tilespmem:s19+$0xE180]  }
0x1d2: {  	v2 =	vadd.f32 v3, v2;
	v3 =	vmul.f32 v6, v6  }
0x1d3: {  	v6 =	vld [tilespmem:s19+$0xE200]  }
0x1d4: {  	v2 =	vadd.f32 v3, v2;
	v3 =	vmul.f32 v5, v5  }
0x1d5: {  	v5 =	vld [tilespmem:s19+$0xE280]  }
0x1d6: {  	v2 =	vadd.f32 v3, v2;
	v3 =	vmul.f32 v4, v4  }
0x1d7: {  	v4 =	vld [tilespmem:s19+$0xE300]  }
0x1d8: {  	v2 =	vadd.f32 v3, v2;
	v3 =	vmul.f32 v6, v6  }
0x1d9: {  	v6 =	vld [tilespmem:s19+$0xE380]  }
0x1da: {  	v2 =	vadd.f32 v3, v2;
	v3 =	vmul.f32 v5, v5;
	v5 =	vld [tilespmem:$0x9C57];
	_ =	sdelay $0x1  }
0x1db: {  	v2 =	vadd.f32 v3, v2;
	v3 =	vmul.f32 v4, v4;
	v4 =	vld [tilespmem:$0x9CD7];
	_ =	sdelay $0x1  }
0x1dc: {  	v2 =	vadd.f32 v3, v2;
	v3 =	vmul.f32 v6, v6;
	v6 =	vld [tilespmem:$0x9D57]  }
0x1dd: {  	v5 =	vmul.f32 v5, v5  }
0x1de: {  	v2 =	vadd.f32 v3, v2;
	v3 =	vld [tilespmem:$0x9DD7]  }
0x1df: {  	v5 =	vsel vm0, $0x0, v5;
	v4 =	vmul.f32 v4, v4  }
0x1e0: {  	v2 =	vadd.f32 v5, v2;
	v5 =	vld [tilespmem:$0x9E57]  }
0x1e1: {  	v4 =	vsel vm0, $0x0, v4;
	v6 =	vmul.f32 v6, v6  }
0x1e2: {  	v2 =	vadd.f32 v4, v2;
	v4 =	vld [tilespmem:$0x9ED7]  }
0x1e3: {  	v6 =	vsel vm0, $0x0, v6;
	v3 =	vmul.f32 v3, v3  }
0x1e4: {  	v2 =	vadd.f32 v6, v2;
	v6 =	vld [tilespmem:$0x9F57]  }
0x1e5: {  	v3 =	vsel vm0, $0x0, v3;
	v5 =	vmul.f32 v5, v5  }
0x1e6: {  	v2 =	vadd.f32 v3, v2;
	v3 =	vld [tilespmem:$0x9FD7]  }
0x1e7: {  	v5 =	vsel vm0, $0x0, v5;
	v4 =	vmul.f32 v4, v4  }
0x1e8: {  	v2 =	vadd.f32 v5, v2;
	v5 =	vld [tilespmem:$0xBC57]  }
0x1e9: {  	v4 =	vsel vm0, $0x0, v4;
	v6 =	vmul.f32 v6, v6  }
0x1ea: {  	v2 =	vadd.f32 v4, v2;
	v4 =	vld [tilespmem:$0xBCD7]  }
0x1eb: {  	v6 =	vsel vm0, $0x0, v6;
	v3 =	vmul.f32 v3, v3  }
0x1ec: {  	v2 =	vadd.f32 v6, v2;
	v6 =	vld [tilespmem:$0xBD57]  }
0x1ed: {  	v3 =	vsel vm0, $0x0, v3;
	v5 =	vmul.f32 v5, v5  }
0x1ee: {  	v2 =	vadd.f32 v3, v2;
	v3 =	vld [tilespmem:$0xBDD7]  }
0x1ef: {  	v5 =	vsel vm0, $0x0, v5;
	v4 =	vmul.f32 v4, v4  }
0x1f0: {  	v2 =	vadd.f32 v5, v2;
	v5 =	vld [tilespmem:$0xBE57]  }
0x1f1: {  	v4 =	vsel vm0, $0x0, v4;
	v6 =	vmul.f32 v6, v6  }
0x1f2: {  	v2 =	vadd.f32 v4, v2;
	v4 =	vld [tilespmem:$0xBED7]  }
0x1f3: {  	v6 =	vsel vm0, $0x0, v6;
	v3 =	vmul.f32 v3, v3  }
0x1f4: {  	v2 =	vadd.f32 v6, v2;
	v6 =	vld [tilespmem:$0xBF57]  }
0x1f5: {  	v3 =	vsel vm0, $0x0, v3;
	v5 =	vmul.f32 v5, v5  }
0x1f6: {  	v2 =	vadd.f32 v3, v2;
	v3 =	vld [tilespmem:$0xBFD7]  }
0x1f7: {  	v5 =	vsel vm0, $0x0, v5;
	v4 =	vmul.f32 v4, v4  }
0x1f8: {  	v2 =	vadd.f32 v5, v2;
	v5 =	vld [tilespmem:$0xDC57]  }
0x1f9: {  	v4 =	vsel vm0, $0x0, v4;
	v6 =	vmul.f32 v6, v6  }
0x1fa: {  	v2 =	vadd.f32 v4, v2;
	v4 =	vld [tilespmem:$0xDCD7]  }
0x1fb: {  	v6 =	vsel vm0, $0x0, v6;
	v3 =	vmul.f32 v3, v3  }
0x1fc: {  	v2 =	vadd.f32 v6, v2;
	v6 =	vld [tilespmem:$0xDD57]  }
0x1fd: {  	v3 =	vsel vm0, $0x0, v3;
	v5 =	vmul.f32 v5, v5  }
0x1fe: {  	v2 =	vadd.f32 v3, v2;
	v3 =	vld [tilespmem:$0xDDD7]  }
0x1ff: {  	v5 =	vsel vm0, $0x0, v5;
	v4 =	vmul.f32 v4, v4  }
0x200: {  	v2 =	vadd.f32 v5, v2;
	v5 =	vld [tilespmem:$0xDE57]  }
0x201: {  	v4 =	vsel vm0, $0x0, v4;
	v6 =	vmul.f32 v6, v6  }
0x202: {  	v2 =	vadd.f32 v4, v2;
	v4 =	vld [tilespmem:$0xDED7]  }
0x203: {  	v7 =	vld [tilespmem:$0x10020];
	v6 =	vsel vm0, $0x0, v6;
	v3 =	vmul.f32 v3, v3  }
0x204: {  	v2 =	vadd.f32 v6, v2;
	v6 =	vld [tilespmem:$0xDF57]  }
0x205: {  	v8 =	vld [tilespmem:$0x10030];
	v3 =	vsel vm0, $0x0, v3;
	v5 =	vmul.f32 v5, v5  }
0x206: {  	v2 =	vadd.f32 v3, v2;
	v3 =	vld [tilespmem:$0xDFD7]  }
0x207: {  	v5 =	vsel vm0, $0x0, v5;
	v4 =	vmul.f32 v4, v4  }
0x208: {  	v2 =	vadd.f32 v5, v2;
	v5 =	vld [tilespmem:$0xFC57]  }
0x209: {  	v4 =	vsel vm0, $0x0, v4;
	v6 =	vmul.f32 v6, v6  }
0x20a: {  	v9 =	vadd.s32 $0xFFFFFFFF, v7;
	v11 =	vadd.s32 $0xFFFFFFFF, v8;
	v2 =	vadd.f32 v4, v2;
	v4 =	vld [tilespmem:$0xFCD7]  }
0x20b: {  	vm1 =	vgt.s32 v9, $0x0;
	v6 =	vsel vm0, $0x0, v6;
	v3 =	vmul.f32 v3, v3  }
0x20c: {  	v9 =	vnsel vm1, $0x0, v9;
	vm1 =	vgt.s32 v11, $0x0;
	v2 =	vadd.f32 v6, v2;
	v6 =	vld [tilespmem:$0xFD57]  }
0x20d: {  	v10 =	vshll.u32 v9, $0x3;
	v3 =	vsel vm0, $0x0, v3;
	v5 =	vmul.f32 v5, v5  }
0x20e: {  	v9 =	vand.u32 $0x7F, v9;
	v63 =	vnsel vm1, $0x0, v11;
	v2 =	vadd.f32 v3, v2;
	v3 =	vld [tilespmem:$0xFDD7]  }
0x20f: {  	v10 =	vand.u32 $0xFFFFFC00, v10;
	v5 =	vsel vm0, $0x0, v5;
	v4 =	vmul.f32 v4, v4  }
0x210: {  	v11 =	vand.u32 $0x7F, v63;
	v9 =	vor.u32 v9, v10;
	v2 =	vadd.f32 v5, v2;
	v5 =	vld [tilespmem:$0xFE57]  }
0x211: {  	v10 =	vshll.u32 v63, $0x3;
	v4 =	vsel vm0, $0x0, v4;
	v6 =	vmul.f32 v6, v6  }
0x212: {  	v10 =	vand.u32 $0xFFFFFC00, v10;
	v9 =	vadd.s32 v0, v9;
	v2 =	vadd.f32 v4, v2;
	v4 =	vld [tilespmem:$0xFED7]  }
0x213: {  	v10 =	vor.u32 v11, v10;
	v6 =	vsel vm0, $0x0, v6;
	v3 =	vmul.f32 v3, v3  }
0x214: {  	v10 =	vadd.s32 v1, v10;
	v2 =	vadd.f32 v6, v2;
	v6 =	vld [tilespmem:$0xFF57]  }
0x215: {  	v3 =	vsel vm0, $0x0, v3;
	v5 =	vmul.f32 v5, v5  }
0x216: {  	v2 =	vadd.f32 v3, v2;
	v3 =	vld [tilespmem:$0xFFD7]  }
0x217: {  	v5 =	vsel vm0, $0x0, v5;
	v4 =	vmul.f32 v4, v4  }
0x218: {  	s29 =	simm.s32 $0x0;
	v9 =	vld.idx.msk [tilespmem:v9+s12+$0x0], $0xffff;
	v2 =	vadd.f32 v5, v2  }
0x219: {  	v5 =	vld.idx.msk [tilespmem:v10+s12+$0x0], $0xffff;
	[tilespmem:s12], [sflag:$0x2] =	stream.linear.gather [hbm4b:s7+s29], $0x8000, $0x38;
	v4 =	vsel vm0, $0x0, v4;
	v6 =	vmul.f32 v6, v6  }
0x21a: {  	_ =	swait.ge [sflag:s13], $0x8000;
	v2 =	vadd.f32 v4, v2  }
0x21b: {  	s30 =	sand.u32 $0x70, s29;
	s31 =	sand.u32 $0x1C00, s29;
	[sflag:s13] =	ssyncset.done $0x0;
	v4 =	vsel vm0, $0x0, v6;
	v3 =	vmul.f32 v3, v3  }
0x21c: {  	s20 =	sor.u32 s30, s31;
	[sflag:s13] =	ssyncadd.s32 $0xFFFF8000;
	v2 =	vadd.f32 v4, v2  }
0x21d: {  	v4 =	vadd.f32 v9, v9;
	v6 =	vld [tilespmem:s20+$0x0];
	v3 =	vsel vm0, $0x0, v3  }
0x21e: {  	vm1 =	vgt.s32 v7, $0x0;
	v2 =	vadd.f32 v3, v2  }
0x21f: {  	v3 =	vnsel vm1, $0x0, v4;
	v4 =	vadd.f32 v5, v5;
	v5 =	vld [tilespmem:s20+$0x80]  }
0x220: {  	vm1 =	vgt.s32 v8, $0x0;
	v2 =	vsub.f32 v2, v3  }
0x221: {  	v3 =	vnsel vm1, $0x0, v4;
	v4 =	vld [tilespmem:s20+$0x100]  }
0x222: {  	v2 =	vsub.f32 v2, v3;
	v3 =	vmul.f32 v6, v6  }
0x223: {  	v6 =	vld [tilespmem:s20+$0x180]  }
0x224: {  	v2 =	vadd.f32 v3, v2;
	v3 =	vmul.f32 v5, v5  }
0x225: {  	v5 =	vld [tilespmem:s20+$0x200]  }
0x226: {  	v2 =	vadd.f32 v3, v2;
	v3 =	vmul.f32 v4, v4  }
0x227: {  	v4 =	vld [tilespmem:s20+$0x280]  }
0x228: {  	v2 =	vadd.f32 v3, v2;
	v3 =	vmul.f32 v6, v6  }
0x229: {  	s17 =	sor.u32 s29, s29;
	v6 =	vld [tilespmem:s20+$0x300]  }
0x22a: {  	s17 =	sor.u32 $0x380, s17;
	v2 =	vadd.f32 v3, v2;
	v3 =	vmul.f32 v5, v5  }
0x22b: {  	v5 =	vld [tilespmem:s17+$0x0]  }
0x22c: {  	v2 =	vadd.f32 v3, v2;
	v3 =	vmul.f32 v4, v4  }
0x22d: {  	v4 =	vld [tilespmem:s20+$0x2000]  }
0x22e: {  	v2 =	vadd.f32 v3, v2;
	v3 =	vmul.f32 v6, v6  }
0x22f: {  	v6 =	vld [tilespmem:s20+$0x2080]  }
0x230: {  	v2 =	vadd.f32 v3, v2;
	v3 =	vmul.f32 v5, v5  }
0x231: {  	v5 =	vld [tilespmem:s20+$0x2100]  }
0x232: {  	v2 =	vadd.f32 v3, v2;
	v3 =	vmul.f32 v4, v4  }
0x233: {  	v4 =	vld [tilespmem:s20+$0x2180]  }
0x234: {  	v2 =	vadd.f32 v3, v2;
	v3 =	vmul.f32 v6, v6  }
0x235: {  	v6 =	vld [tilespmem:s20+$0x2200]  }
0x236: {  	v2 =	vadd.f32 v3, v2;
	v3 =	vmul.f32 v5, v5  }
0x237: {  	v5 =	vld [tilespmem:s20+$0x2280]  }
0x238: {  	v2 =	vadd.f32 v3, v2;
	v3 =	vmul.f32 v4, v4  }
0x239: {  	v4 =	vld [tilespmem:s20+$0x2300]  }
0x23a: {  	v2 =	vadd.f32 v3, v2;
	v3 =	vmul.f32 v6, v6  }
0x23b: {  	v6 =	vld [tilespmem:s20+$0x2380]  }
0x23c: {  	v2 =	vadd.f32 v3, v2;
	v3 =	vmul.f32 v5, v5  }
0x23d: {  	v5 =	vld [tilespmem:s20+$0x4000]  }
0x23e: {  	v2 =	vadd.f32 v3, v2;
	v3 =	vmul.f32 v4, v4  }
0x23f: {  	v4 =	vld [tilespmem:s20+$0x4080]  }
0x240: {  	v2 =	vadd.f32 v3, v2;
	v3 =	vmul.f32 v6, v6  }
0x241: {  	v6 =	vld [tilespmem:s20+$0x4100]  }
0x242: {  	v2 =	vadd.f32 v3, v2;
	v3 =	vmul.f32 v5, v5  }
0x243: {  	v5 =	vld [tilespmem:s20+$0x4180]  }
0x244: {  	v2 =	vadd.f32 v3, v2;
	v3 =	vmul.f32 v4, v4  }
0x245: {  	v4 =	vld [tilespmem:s20+$0x4200]  }
0x246: {  	v2 =	vadd.f32 v3, v2;
	v3 =	vmul.f32 v6, v6  }
0x247: {  	v6 =	vld [tilespmem:s20+$0x4280]  }
0x248: {  	v2 =	vadd.f32 v3, v2;
	v3 =	vmul.f32 v5, v5  }
0x249: {  	v5 =	vld [tilespmem:s20+$0x4300]  }
0x24a: {  	v2 =	vadd.f32 v3, v2;
	v3 =	vmul.f32 v4, v4  }
0x24b: {  	v4 =	vld [tilespmem:s20+$0x4380]  }
0x24c: {  	v2 =	vadd.f32 v3, v2;
	v3 =	vmul.f32 v6, v6  }
0x24d: {  	v6 =	vld [tilespmem:s20+$0x6000]  }
0x24e: {  	v2 =	vadd.f32 v3, v2;
	v3 =	vmul.f32 v5, v5  }
0x24f: {  	v5 =	vld [tilespmem:s20+$0x6080]  }
0x250: {  	v2 =	vadd.f32 v3, v2;
	v3 =	vmul.f32 v4, v4  }
0x251: {  	v4 =	vld [tilespmem:s20+$0x6100]  }
0x252: {  	v2 =	vadd.f32 v3, v2;
	v3 =	vmul.f32 v6, v6  }
0x253: {  	v6 =	vld [tilespmem:s20+$0x6180]  }
0x254: {  	v2 =	vadd.f32 v3, v2;
	v3 =	vmul.f32 v5, v5  }
0x255: {  	v7 =	vld [tilespmem:s20+$0x6200]  }
0x256: {  	v4 =	vmul.f32 v4, v4;
	v3 =	vadd.f32 v3, v2  }
0x257: {  	v2 =	vld [tilespmem:s20+$0x6280]  }
0x258: {  	v5 =	vmul.f32 v6, v6;
	v4 =	vadd.f32 v4, v3  }
0x259: {  	v3 =	vld [tilespmem:s20+$0x6300]  }
0x25a: {  	s18 =	simm.s32 $0x80;
	s17 =	simm.s32 $0x10;
	v6 =	vmul.f32 v7, v7;
	v5 =	vadd.f32 v5, v4  }
0x25b: {  	s22 =	sand.u32 $0x1C00, s18;
	s19 =	simm.s32 $0x20;
	s21 =	sand.u32 $0x70, s17;
	v4 =	vld [tilespmem:s20+$0x6380]  }
.LBB2_6:
0x25c: {  	p0 =	sne.s32 s19, $0x3D0;
	s20 =	sor.u32 s21, s22;
	v5 =	vadd.f32 v6, v5;
	v2 =	vmul.f32 v2, v2  }
0x25d: {  	v6 =	vld [tilespmem:s20+$0x0]  }
0x25e: {  	v2 =	vadd.f32 v2, v5;
	v3 =	vmul.f32 v3, v3  }
0x25f: {  	v5 =	vld [tilespmem:s20+$0x80]  }
0x260: {  	v2 =	vadd.f32 v3, v2;
	v3 =	vmul.f32 v4, v4  }
0x261: {  	v4 =	vld [tilespmem:s20+$0x100]  }
0x262: {  	v6 =	vmul.f32 v6, v6;
	v2 =	vadd.f32 v3, v2  }
0x263: {  	v3 =	vld [tilespmem:s20+$0x180]  }
0x264: {  	v2 =	vadd.f32 v6, v2;
	v5 =	vmul.f32 v5, v5  }
0x265: {  	v6 =	vld [tilespmem:s20+$0x200]  }
0x266: {  	v2 =	vadd.f32 v5, v2;
	v4 =	vmul.f32 v4, v4  }
0x267: {  	v5 =	vld [tilespmem:s20+$0x280]  }
0x268: {  	v2 =	vadd.f32 v4, v2;
	v3 =	vmul.f32 v3, v3  }
0x269: {  	s21 =	sor.u32 s18, s17;
	s17 =	smov.u32 s19;
	v4 =	vld [tilespmem:s20+$0x300]  }
0x26a: {  	s21 =	sor.u32 $0x380, s21;
	v2 =	vadd.f32 v3, v2;
	v3 =	vmul.f32 v6, v6  }
0x26b: {  	v6 =	vld [tilespmem:s21+$0x0]  }
0x26c: {  	v2 =	vadd.f32 v3, v2;
	v3 =	vmul.f32 v5, v5  }
0x26d: {  	v5 =	vld [tilespmem:s20+$0x2000]  }
0x26e: {  	v2 =	vadd.f32 v3, v2;
	v3 =	vmul.f32 v4, v4  }
0x26f: {  	v4 =	vld [tilespmem:s20+$0x2080]  }
0x270: {  	v2 =	vadd.f32 v3, v2;
	v3 =	vmul.f32 v6, v6  }
0x271: {  	v6 =	vld [tilespmem:s20+$0x2100]  }
0x272: {  	v2 =	vadd.f32 v3, v2;
	v3 =	vmul.f32 v5, v5  }
0x273: {  	v5 =	vld [tilespmem:s20+$0x2180]  }
0x274: {  	v2 =	vadd.f32 v3, v2;
	v3 =	vmul.f32 v4, v4  }
0x275: {  	v4 =	vld [tilespmem:s20+$0x2200]  }
0x276: {  	v2 =	vadd.f32 v3, v2;
	v3 =	vmul.f32 v6, v6  }
0x277: {  	v6 =	vld [tilespmem:s20+$0x2280]  }
0x278: {  	v2 =	vadd.f32 v3, v2;
	v3 =	vmul.f32 v5, v5  }
0x279: {  	v5 =	vld [tilespmem:s20+$0x2300]  }
0x27a: {  	v2 =	vadd.f32 v3, v2;
	v3 =	vmul.f32 v4, v4  }
0x27b: {  	v4 =	vld [tilespmem:s20+$0x2380]  }
0x27c: {  	v2 =	vadd.f32 v3, v2;
	v3 =	vmul.f32 v6, v6  }
0x27d: {  	v6 =	vld [tilespmem:s20+$0x4000]  }
0x27e: {  	v2 =	vadd.f32 v3, v2;
	v3 =	vmul.f32 v5, v5  }
0x27f: {  	v5 =	vld [tilespmem:s20+$0x4080]  }
0x280: {  	v2 =	vadd.f32 v3, v2;
	v3 =	vmul.f32 v4, v4  }
0x281: {  	v4 =	vld [tilespmem:s20+$0x4100]  }
0x282: {  	v2 =	vadd.f32 v3, v2;
	v3 =	vmul.f32 v6, v6  }
0x283: {  	v6 =	vld [tilespmem:s20+$0x4180]  }
0x284: {  	v2 =	vadd.f32 v3, v2;
	v3 =	vmul.f32 v5, v5  }
0x285: {  	v5 =	vld [tilespmem:s20+$0x4200]  }
0x286: {  	v2 =	vadd.f32 v3, v2;
	v3 =	vmul.f32 v4, v4  }
0x287: {  	v4 =	vld [tilespmem:s20+$0x4280]  }
0x288: {  	v2 =	vadd.f32 v3, v2;
	v3 =	vmul.f32 v6, v6  }
0x289: {  	v6 =	vld [tilespmem:s20+$0x4300]  }
0x28a: {  	v2 =	vadd.f32 v3, v2;
	v3 =	vmul.f32 v5, v5  }
0x28b: {  	v5 =	vld [tilespmem:s20+$0x4380]  }
0x28c: {  	v2 =	vadd.f32 v3, v2;
	v3 =	vmul.f32 v4, v4  }
0x28d: {  	v4 =	vld [tilespmem:s20+$0x6000]  }
0x28e: {  	v2 =	vadd.f32 v3, v2;
	v3 =	vmul.f32 v6, v6  }
0x28f: {  	v6 =	vld [tilespmem:s20+$0x6080]  }
0x290: {  	v2 =	vadd.f32 v3, v2;
	v3 =	vmul.f32 v5, v5  }
0x291: {  	v5 =	vld [tilespmem:s20+$0x6100]  }
0x292: {  	v2 =	vadd.f32 v3, v2;
	v3 =	vmul.f32 v4, v4  }
0x293: {  	v4 =	vld [tilespmem:s20+$0x6180]  }
0x294: {  	v2 =	vadd.f32 v3, v2;
	v3 =	vmul.f32 v6, v6  }
0x295: {  	v6 =	vld [tilespmem:s20+$0x6200]  }
0x296: {  	v3 =	vadd.f32 v3, v2;
	v5 =	vmul.f32 v5, v5  }
.Ltmp2:
0x297: {  	v2 =	vld [tilespmem:s20+$0x6280];
	(pc) =	sbr.rel @p0 .LBB2_6-.Ltmp2, $4  }
0x298: {  	v5 =	vadd.f32 v5, v3;
	v4 =	vmul.f32 v4, v4  }
0x299: {  	v3 =	vld [tilespmem:s20+$0x6300]  }
0x29a: {  	s18 =	sadd.s32 $0x80, s18;
	v5 =	vadd.f32 v4, v5;
	v6 =	vmul.f32 v6, v6  }
0x29b: {  	s19 =	sadd.s32 $0x10, s19;
	s22 =	sand.u32 $0x1C00, s18;
	s21 =	sand.u32 $0x70, s17;
	v4 =	vld [tilespmem:s20+$0x6380]  }
0x29c: {  	s19 =	sor.u32 s21, s22;
	v5 =	vadd.f32 v6, v5;
	v2 =	vmul.f32 v2, v2  }
0x29d: {  	v6 =	vld [tilespmem:s19+$0x0]  }
0x29e: {  	v2 =	vadd.f32 v2, v5;
	v3 =	vmul.f32 v3, v3  }
0x29f: {  	v5 =	vld [tilespmem:s19+$0x80]  }
0x2a0: {  	v2 =	vadd.f32 v3, v2;
	v3 =	vmul.f32 v4, v4  }
0x2a1: {  	v4 =	vld [tilespmem:s19+$0x100]  }
0x2a2: {  	v6 =	vmul.f32 v6, v6;
	v2 =	vadd.f32 v3, v2  }
0x2a3: {  	v3 =	vld [tilespmem:s19+$0x180]  }
0x2a4: {  	v5 =	vmul.f32 v5, v5;
	v2 =	vadd.f32 v6, v2  }
0x2a5: {  	v6 =	vld [tilespmem:s19+$0x200]  }
0x2a6: {  	v4 =	vmul.f32 v4, v4;
	v2 =	vadd.f32 v5, v2  }
0x2a7: {  	v5 =	vld [tilespmem:s19+$0x280]  }
0x2a8: {  	v3 =	vmul.f32 v3, v3;
	v2 =	vadd.f32 v4, v2  }
0x2a9: {  	s17 =	sor.u32 s18, s17;
	v4 =	vld [tilespmem:s19+$0x300]  }
0x2aa: {  	s17 =	sor.u32 $0x380, s17;
	v2 =	vadd.f32 v3, v2;
	v3 =	vmul.f32 v6, v6  }
0x2ab: {  	v6 =	vld [tilespmem:s17+$0x0]  }
0x2ac: {  	v2 =	vadd.f32 v3, v2;
	v3 =	vmul.f32 v5, v5  }
0x2ad: {  	v5 =	vld [tilespmem:s19+$0x2000]  }
0x2ae: {  	v2 =	vadd.f32 v3, v2;
	v3 =	vmul.f32 v4, v4  }
0x2af: {  	v4 =	vld [tilespmem:s19+$0x2080]  }
0x2b0: {  	v2 =	vadd.f32 v3, v2;
	v3 =	vmul.f32 v6, v6  }
0x2b1: {  	v6 =	vld [tilespmem:s19+$0x2100]  }
0x2b2: {  	v2 =	vadd.f32 v3, v2;
	v3 =	vmul.f32 v5, v5  }
0x2b3: {  	v5 =	vld [tilespmem:s19+$0x2180]  }
0x2b4: {  	v2 =	vadd.f32 v3, v2;
	v3 =	vmul.f32 v4, v4  }
0x2b5: {  	v4 =	vld [tilespmem:s19+$0x2200]  }
0x2b6: {  	v2 =	vadd.f32 v3, v2;
	v3 =	vmul.f32 v6, v6  }
0x2b7: {  	v6 =	vld [tilespmem:s19+$0x2280]  }
0x2b8: {  	v2 =	vadd.f32 v3, v2;
	v3 =	vmul.f32 v5, v5  }
0x2b9: {  	v5 =	vld [tilespmem:s19+$0x2300]  }
0x2ba: {  	v2 =	vadd.f32 v3, v2;
	v3 =	vmul.f32 v4, v4  }
0x2bb: {  	v4 =	vld [tilespmem:s19+$0x2380]  }
0x2bc: {  	v2 =	vadd.f32 v3, v2;
	v3 =	vmul.f32 v6, v6  }
0x2bd: {  	v6 =	vld [tilespmem:s19+$0x4000]  }
0x2be: {  	v2 =	vadd.f32 v3, v2;
	v3 =	vmul.f32 v5, v5  }
0x2bf: {  	v5 =	vld [tilespmem:s19+$0x4080]  }
0x2c0: {  	v2 =	vadd.f32 v3, v2;
	v3 =	vmul.f32 v4, v4  }
0x2c1: {  	v4 =	vld [tilespmem:s19+$0x4100]  }
0x2c2: {  	v2 =	vadd.f32 v3, v2;
	v3 =	vmul.f32 v6, v6  }
0x2c3: {  	v6 =	vld [tilespmem:s19+$0x4180]  }
0x2c4: {  	v2 =	vadd.f32 v3, v2;
	v3 =	vmul.f32 v5, v5  }
0x2c5: {  	v5 =	vld [tilespmem:s19+$0x4200]  }
0x2c6: {  	v2 =	vadd.f32 v3, v2;
	v3 =	vmul.f32 v4, v4  }
0x2c7: {  	v4 =	vld [tilespmem:s19+$0x4280]  }
0x2c8: {  	v2 =	vadd.f32 v3, v2;
	v3 =	vmul.f32 v6, v6  }
0x2c9: {  	v6 =	vld [tilespmem:s19+$0x4300]  }
0x2ca: {  	v2 =	vadd.f32 v3, v2;
	v3 =	vmul.f32 v5, v5  }
0x2cb: {  	v5 =	vld [tilespmem:s19+$0x4380]  }
0x2cc: {  	v2 =	vadd.f32 v3, v2;
	v3 =	vmul.f32 v4, v4  }
0x2cd: {  	v4 =	vld [tilespmem:s19+$0x6000]  }
0x2ce: {  	v2 =	vadd.f32 v3, v2;
	v3 =	vmul.f32 v6, v6  }
0x2cf: {  	v6 =	vld [tilespmem:s19+$0x6080]  }
0x2d0: {  	v2 =	vadd.f32 v3, v2;
	v3 =	vmul.f32 v5, v5  }
0x2d1: {  	v5 =	vld [tilespmem:s19+$0x6100]  }
0x2d2: {  	v2 =	vadd.f32 v3, v2;
	v3 =	vmul.f32 v4, v4  }
0x2d3: {  	v4 =	vld [tilespmem:s19+$0x6180]  }
0x2d4: {  	v2 =	vadd.f32 v3, v2;
	v3 =	vmul.f32 v6, v6  }
0x2d5: {  	v6 =	vld [tilespmem:s19+$0x6200]  }
0x2d6: {  	v2 =	vadd.f32 v3, v2;
	v3 =	vmul.f32 v5, v5  }
0x2d7: {  	v5 =	vld [tilespmem:s19+$0x6280]  }
0x2d8: {  	v2 =	vadd.f32 v3, v2;
	v3 =	vmul.f32 v4, v4  }
0x2d9: {  	v4 =	vld [tilespmem:s19+$0x6300]  }
0x2da: {  	v2 =	vadd.f32 v3, v2;
	v3 =	vmul.f32 v6, v6  }
0x2db: {  	v6 =	vld [tilespmem:s19+$0x6380]  }
0x2dc: {  	v2 =	vadd.f32 v3, v2;
	v3 =	vmul.f32 v5, v5;
	v5 =	vld [tilespmem:$0x1C57];
	_ =	sdelay $0x1  }
0x2dd: {  	v2 =	vadd.f32 v3, v2;
	v3 =	vmul.f32 v4, v4;
	v4 =	vld [tilespmem:$0x1CD7];
	_ =	sdelay $0x1  }
0x2de: {  	v2 =	vadd.f32 v3, v2;
	v3 =	vmul.f32 v6, v6;
	v6 =	vld [tilespmem:$0x1D57]  }
0x2df: {  	v5 =	vmul.f32 v5, v5  }
0x2e0: {  	v2 =	vadd.f32 v3, v2;
	v3 =	vld [tilespmem:$0x1DD7]  }
0x2e1: {  	v5 =	vsel vm0, $0x0, v5;
	v4 =	vmul.f32 v4, v4  }
0x2e2: {  	v2 =	vadd.f32 v5, v2;
	v5 =	vld [tilespmem:$0x1E57]  }
0x2e3: {  	v4 =	vsel vm0, $0x0, v4;
	v6 =	vmul.f32 v6, v6  }
0x2e4: {  	v2 =	vadd.f32 v4, v2;
	v4 =	vld [tilespmem:$0x1ED7]  }
0x2e5: {  	v6 =	vsel vm0, $0x0, v6;
	v3 =	vmul.f32 v3, v3  }
0x2e6: {  	v2 =	vadd.f32 v6, v2;
	v6 =	vld [tilespmem:$0x1F57]  }
0x2e7: {  	v3 =	vsel vm0, $0x0, v3;
	v5 =	vmul.f32 v5, v5  }
0x2e8: {  	v2 =	vadd.f32 v3, v2;
	v3 =	vld [tilespmem:$0x1FD7]  }
0x2e9: {  	v5 =	vsel vm0, $0x0, v5;
	v4 =	vmul.f32 v4, v4  }
0x2ea: {  	v2 =	vadd.f32 v5, v2;
	v5 =	vld [tilespmem:$0x3C57]  }
0x2eb: {  	v4 =	vsel vm0, $0x0, v4;
	v6 =	vmul.f32 v6, v6  }
0x2ec: {  	v2 =	vadd.f32 v4, v2;
	v4 =	vld [tilespmem:$0x3CD7]  }
0x2ed: {  	v6 =	vsel vm0, $0x0, v6;
	v3 =	vmul.f32 v3, v3  }
0x2ee: {  	v2 =	vadd.f32 v6, v2;
	v6 =	vld [tilespmem:$0x3D57]  }
0x2ef: {  	v3 =	vsel vm0, $0x0, v3;
	v5 =	vmul.f32 v5, v5  }
0x2f0: {  	v2 =	vadd.f32 v3, v2;
	v3 =	vld [tilespmem:$0x3DD7]  }
0x2f1: {  	v5 =	vsel vm0, $0x0, v5;
	v4 =	vmul.f32 v4, v4  }
0x2f2: {  	v2 =	vadd.f32 v5, v2;
	v5 =	vld [tilespmem:$0x3E57]  }
0x2f3: {  	v4 =	vsel vm0, $0x0, v4;
	v6 =	vmul.f32 v6, v6  }
0x2f4: {  	v2 =	vadd.f32 v4, v2;
	v4 =	vld [tilespmem:$0x3ED7]  }
0x2f5: {  	v6 =	vsel vm0, $0x0, v6;
	v3 =	vmul.f32 v3, v3  }
0x2f6: {  	v2 =	vadd.f32 v6, v2;
	v6 =	vld [tilespmem:$0x3F57]  }
0x2f7: {  	v3 =	vsel vm0, $0x0, v3;
	v5 =	vmul.f32 v5, v5  }
0x2f8: {  	v2 =	vadd.f32 v3, v2;
	v3 =	vld [tilespmem:$0x3FD7]  }
0x2f9: {  	v5 =	vsel vm0, $0x0, v5;
	v4 =	vmul.f32 v4, v4  }
0x2fa: {  	v2 =	vadd.f32 v5, v2;
	v5 =	vld [tilespmem:$0x5C57]  }
0x2fb: {  	v4 =	vsel vm0, $0x0, v4;
	v6 =	vmul.f32 v6, v6  }
0x2fc: {  	v2 =	vadd.f32 v4, v2;
	v4 =	vld [tilespmem:$0x5CD7]  }
0x2fd: {  	v6 =	vsel vm0, $0x0, v6;
	v3 =	vmul.f32 v3, v3  }
0x2fe: {  	v2 =	vadd.f32 v6, v2;
	v6 =	vld [tilespmem:$0x5D57]  }
0x2ff: {  	v3 =	vsel vm0, $0x0, v3;
	v5 =	vmul.f32 v5, v5  }
0x300: {  	v2 =	vadd.f32 v3, v2;
	v3 =	vld [tilespmem:$0x5DD7]  }
0x301: {  	v5 =	vsel vm0, $0x0, v5;
	v4 =	vmul.f32 v4, v4  }
0x302: {  	v2 =	vadd.f32 v5, v2;
	v5 =	vld [tilespmem:$0x5E57]  }
0x303: {  	v4 =	vsel vm0, $0x0, v4;
	v6 =	vmul.f32 v6, v6  }
0x304: {  	v2 =	vadd.f32 v4, v2;
	v4 =	vld [tilespmem:$0x5ED7]  }
0x305: {  	v6 =	vsel vm0, $0x0, v6;
	v3 =	vmul.f32 v3, v3  }
0x306: {  	v2 =	vadd.f32 v6, v2;
	v6 =	vld [tilespmem:$0x5F57]  }
0x307: {  	v3 =	vsel vm0, $0x0, v3;
	v5 =	vmul.f32 v5, v5  }
0x308: {  	v2 =	vadd.f32 v3, v2;
	v3 =	vld [tilespmem:$0x5FD7]  }
0x309: {  	v7 =	vld [tilespmem:$0x7C57];
	v5 =	vsel vm0, $0x0, v5;
	v4 =	vmul.f32 v4, v4  }
0x30a: {  	v2 =	vadd.f32 v5, v2;
	v5 =	vld [tilespmem:$0x7CD7]  }
0x30b: {  	v8 =	vld [tilespmem:$0x10040];
	v4 =	vsel vm0, $0x0, v4;
	v6 =	vmul.f32 v6, v6  }
0x30c: {  	v2 =	vadd.f32 v4, v2  }
0x30d: {  	v4 =	vld [tilespmem:$0x10050];
	v6 =	vsel vm0, $0x0, v6;
	v3 =	vmul.f32 v3, v3  }
0x30e: {  	v2 =	vadd.f32 v6, v2;
	v6 =	vmul.f32 v7, v7;
	v7 =	vld [tilespmem:$0x7D57]  }
0x30f: {  	v3 =	vsel vm0, $0x0, v3;
	v5 =	vmul.f32 v5, v5  }
0x310: {  	v2 =	vadd.f32 v3, v2;
	v3 =	vsel vm0, $0x0, v6;
	v6 =	vadd.s32 $0xFFFFFFFF, v8  }
0x311: {  	vm1 =	vgt.s32 v6, $0x0  }
0x312: {  	v9 =	vadd.s32 $0xFFFFFFFF, v4;
	v5 =	vsel vm0, $0x0, v5;
	v2 =	vadd.f32 v3, v2;
	v3 =	vld [tilespmem:$0x7DD7]  }
0x313: {  	v6 =	vnsel vm1, $0x0, v6;
	vm1 =	vgt.s32 v9, $0x0;
	v7 =	vmul.f32 v7, v7  }
0x314: {  	v10 =	vld [tilespmem:$0x7E57];
	v9 =	vnsel vm1, $0x0, v9;
	v11 =	vand.u32 $0x7F, v6;
	v6 =	vshll.u32 v6, $0x3  }
0x315: {  	v12 =	vshll.u32 v9, $0x3;
	v6 =	vand.u32 $0xFFFFFC00, v6;
	v9 =	vand.u32 $0x7F, v9  }
0x316: {  	v63 =	vld [tilespmem:$0x7ED7];
	v2 =	vadd.f32 v5, v2;
	v12 =	vand.u32 $0xFFFFFC00, v12;
	v5 =	vor.u32 v11, v6  }
0x317: {  	v7 =	vsel vm0, $0x0, v7;
	v5 =	vadd.s32 v0, v5;
	v3 =	vmul.f32 v3, v3  }
0x318: {  	v6 =	vor.u32 v9, v12;
	v2 =	vadd.f32 v7, v2;
	v7 =	vld [tilespmem:$0x7F57]  }
0x319: {  	v10 =	vmul.f32 v10, v10;
	v6 =	vadd.s32 v1, v6;
	v3 =	vsel vm0, $0x0, v3  }
0x31a: {  	v2 =	vadd.f32 v3, v2;
	v3 =	vld [tilespmem:$0x7FD7]  }
0x31b: {  	s29 =	simm.s32 $0x0;
	v10 =	vsel vm0, $0x0, v10;
	v9 =	vmul.f32 v63, v63  }
0x31c: {  	v5 =	vld.idx.msk [tilespmem:v5+s29+$0x0], $0xffff;
	v2 =	vadd.f32 v10, v2  }
0x31d: {  	v9 =	vsel vm0, $0x0, v9;
	v7 =	vmul.f32 v7, v7  }
0x31e: {  	v6 =	vld.idx.msk [tilespmem:v6+s29+$0x0], $0xffff;
	_ =	swait.ge [sflag:s14], $0x8000;
	v2 =	vadd.f32 v9, v2  }
0x31f: {  	s30 =	sand.u32 $0x70, s29;
	s31 =	sand.u32 $0x1C00, s29;
	v7 =	vsel vm0, $0x0, v7;
	[sflag:s14] =	ssyncset.done $0x0;
	v3 =	vmul.f32 v3, v3  }
0x320: {  	s20 =	sor.u32 s30, s31;
	[sflag:s14] =	ssyncadd.s32 $0xFFFF8000;
	v2 =	vadd.f32 v7, v2  }
0x321: {  	v5 =	vadd.f32 v5, v5;
	v7 =	vld [tilespmem:s20+$0x8000];
	v3 =	vsel vm0, $0x0, v3  }
0x322: {  	vm1 =	vgt.s32 v8, $0x0;
	v2 =	vadd.f32 v3, v2  }
0x323: {  	v3 =	vnsel vm1, $0x0, v5;
	v5 =	vadd.f32 v6, v6;
	v6 =	vld [tilespmem:s20+$0x8080]  }
0x324: {  	vm1 =	vgt.s32 v4, $0x0;
	v2 =	vsub.f32 v2, v3  }
0x325: {  	v4 =	vld [tilespmem:s20+$0x8100];
	v3 =	vnsel vm1, $0x0, v5  }
0x326: {  	v2 =	vsub.f32 v2, v3;
	v3 =	vmul.f32 v7, v7  }
0x327: {  	v5 =	vld [tilespmem:s20+$0x8180]  }
0x328: {  	v2 =	vadd.f32 v3, v2;
	v3 =	vmul.f32 v6, v6  }
0x329: {  	v6 =	vld [tilespmem:s20+$0x8200]  }
0x32a: {  	v2 =	vadd.f32 v3, v2;
	v3 =	vmul.f32 v4, v4  }
0x32b: {  	v4 =	vld [tilespmem:s20+$0x8280]  }
0x32c: {  	v2 =	vadd.f32 v3, v2;
	v3 =	vmul.f32 v5, v5  }
0x32d: {  	s17 =	sor.u32 s29, s29;
	v5 =	vld [tilespmem:s20+$0x8300]  }
0x32e: {  	s17 =	sor.u32 $0x380, s17;
	v2 =	vadd.f32 v3, v2;
	v3 =	vmul.f32 v6, v6  }
0x32f: {  	v6 =	vld [tilespmem:s17+$0x8000]  }
0x330: {  	v2 =	vadd.f32 v3, v2;
	v3 =	vmul.f32 v4, v4  }
0x331: {  	v4 =	vld [tilespmem:s20+$0xA000]  }
0x332: {  	v2 =	vadd.f32 v3, v2;
	v3 =	vmul.f32 v5, v5  }
0x333: {  	v5 =	vld [tilespmem:s20+$0xA080]  }
0x334: {  	v2 =	vadd.f32 v3, v2;
	v3 =	vmul.f32 v6, v6  }
0x335: {  	v6 =	vld [tilespmem:s20+$0xA100]  }
0x336: {  	v2 =	vadd.f32 v3, v2;
	v3 =	vmul.f32 v4, v4  }
0x337: {  	v4 =	vld [tilespmem:s20+$0xA180]  }
0x338: {  	v2 =	vadd.f32 v3, v2;
	v3 =	vmul.f32 v5, v5  }
0x339: {  	v5 =	vld [tilespmem:s20+$0xA200]  }
0x33a: {  	v2 =	vadd.f32 v3, v2;
	v3 =	vmul.f32 v6, v6  }
0x33b: {  	v6 =	vld [tilespmem:s20+$0xA280]  }
0x33c: {  	v2 =	vadd.f32 v3, v2;
	v3 =	vmul.f32 v4, v4  }
0x33d: {  	v4 =	vld [tilespmem:s20+$0xA300]  }
0x33e: {  	v2 =	vadd.f32 v3, v2;
	v3 =	vmul.f32 v5, v5  }
0x33f: {  	v5 =	vld [tilespmem:s20+$0xA380]  }
0x340: {  	v2 =	vadd.f32 v3, v2;
	v3 =	vmul.f32 v6, v6  }
0x341: {  	v6 =	vld [tilespmem:s20+$0xC000]  }
0x342: {  	v2 =	vadd.f32 v3, v2;
	v3 =	vmul.f32 v4, v4  }
0x343: {  	v4 =	vld [tilespmem:s20+$0xC080]  }
0x344: {  	v2 =	vadd.f32 v3, v2;
	v3 =	vmul.f32 v5, v5  }
0x345: {  	v5 =	vld [tilespmem:s20+$0xC100]  }
0x346: {  	v2 =	vadd.f32 v3, v2;
	v3 =	vmul.f32 v6, v6  }
0x347: {  	v6 =	vld [tilespmem:s20+$0xC180]  }
0x348: {  	v2 =	vadd.f32 v3, v2;
	v3 =	vmul.f32 v4, v4  }
0x349: {  	v4 =	vld [tilespmem:s20+$0xC200]  }
0x34a: {  	v2 =	vadd.f32 v3, v2;
	v3 =	vmul.f32 v5, v5  }
0x34b: {  	v5 =	vld [tilespmem:s20+$0xC280]  }
0x34c: {  	v2 =	vadd.f32 v3, v2;
	v3 =	vmul.f32 v6, v6  }
0x34d: {  	v6 =	vld [tilespmem:s20+$0xC300]  }
0x34e: {  	v2 =	vadd.f32 v3, v2;
	v3 =	vmul.f32 v4, v4  }
0x34f: {  	v4 =	vld [tilespmem:s20+$0xC380]  }
0x350: {  	v2 =	vadd.f32 v3, v2;
	v3 =	vmul.f32 v5, v5  }
0x351: {  	v5 =	vld [tilespmem:s20+$0xE000]  }
0x352: {  	v2 =	vadd.f32 v3, v2;
	v3 =	vmul.f32 v6, v6  }
0x353: {  	v6 =	vld [tilespmem:s20+$0xE080]  }
0x354: {  	v2 =	vadd.f32 v3, v2;
	v3 =	vmul.f32 v4, v4  }
0x355: {  	v4 =	vld [tilespmem:s20+$0xE100]  }
0x356: {  	v2 =	vadd.f32 v3, v2;
	v3 =	vmul.f32 v5, v5  }
0x357: {  	v5 =	vld [tilespmem:s20+$0xE180]  }
0x358: {  	v2 =	vadd.f32 v3, v2;
	v3 =	vmul.f32 v6, v6  }
0x359: {  	v6 =	vld [tilespmem:s20+$0xE200]  }
0x35a: {  	v4 =	vmul.f32 v4, v4;
	v3 =	vadd.f32 v3, v2  }
0x35b: {  	v2 =	vld [tilespmem:s20+$0xE280]  }
0x35c: {  	v5 =	vmul.f32 v5, v5;
	v4 =	vadd.f32 v4, v3  }
0x35d: {  	v3 =	vld [tilespmem:s20+$0xE300]  }
0x35e: {  	s18 =	simm.s32 $0x80;
	s17 =	simm.s32 $0x10;
	v6 =	vmul.f32 v6, v6;
	v5 =	vadd.f32 v5, v4  }
0x35f: {  	s22 =	sand.u32 $0x1C00, s18;
	s19 =	simm.s32 $0x20;
	s21 =	sand.u32 $0x70, s17;
	v4 =	vld [tilespmem:s20+$0xE380]  }
.LBB2_8:
0x360: {  	p0 =	sne.s32 s19, $0x3D0;
	s20 =	sor.u32 s21, s22;
	v5 =	vadd.f32 v6, v5;
	v2 =	vmul.f32 v2, v2  }
0x361: {  	v6 =	vld [tilespmem:s20+$0x8000]  }
0x362: {  	v2 =	vadd.f32 v2, v5;
	v3 =	vmul.f32 v3, v3  }
0x363: {  	v5 =	vld [tilespmem:s20+$0x8080]  }
0x364: {  	v2 =	vadd.f32 v3, v2;
	v3 =	vmul.f32 v4, v4  }
0x365: {  	v4 =	vld [tilespmem:s20+$0x8100]  }
0x366: {  	v6 =	vmul.f32 v6, v6;
	v2 =	vadd.f32 v3, v2  }
0x367: {  	v3 =	vld [tilespmem:s20+$0x8180]  }
0x368: {  	v2 =	vadd.f32 v6, v2;
	v5 =	vmul.f32 v5, v5  }
0x369: {  	v6 =	vld [tilespmem:s20+$0x8200]  }
0x36a: {  	v2 =	vadd.f32 v5, v2;
	v4 =	vmul.f32 v4, v4  }
0x36b: {  	v5 =	vld [tilespmem:s20+$0x8280]  }
0x36c: {  	v2 =	vadd.f32 v4, v2;
	v3 =	vmul.f32 v3, v3  }
0x36d: {  	s21 =	sor.u32 s18, s17;
	s17 =	smov.u32 s19;
	v4 =	vld [tilespmem:s20+$0x8300]  }
0x36e: {  	s21 =	sor.u32 $0x380, s21;
	v2 =	vadd.f32 v3, v2;
	v3 =	vmul.f32 v6, v6  }
0x36f: {  	v6 =	vld [tilespmem:s21+$0x8000]  }
0x370: {  	v2 =	vadd.f32 v3, v2;
	v3 =	vmul.f32 v5, v5  }
0x371: {  	v5 =	vld [tilespmem:s20+$0xA000]  }
0x372: {  	v2 =	vadd.f32 v3, v2;
	v3 =	vmul.f32 v4, v4  }
0x373: {  	v4 =	vld [tilespmem:s20+$0xA080]  }
0x374: {  	v2 =	vadd.f32 v3, v2;
	v3 =	vmul.f32 v6, v6  }
0x375: {  	v6 =	vld [tilespmem:s20+$0xA100]  }
0x376: {  	v2 =	vadd.f32 v3, v2;
	v3 =	vmul.f32 v5, v5  }
0x377: {  	v5 =	vld [tilespmem:s20+$0xA180]  }
0x378: {  	v2 =	vadd.f32 v3, v2;
	v3 =	vmul.f32 v4, v4  }
0x379: {  	v4 =	vld [tilespmem:s20+$0xA200]  }
0x37a: {  	v2 =	vadd.f32 v3, v2;
	v3 =	vmul.f32 v6, v6  }
0x37b: {  	v6 =	vld [tilespmem:s20+$0xA280]  }
0x37c: {  	v2 =	vadd.f32 v3, v2;
	v3 =	vmul.f32 v5, v5  }
0x37d: {  	v5 =	vld [tilespmem:s20+$0xA300]  }
0x37e: {  	v2 =	vadd.f32 v3, v2;
	v3 =	vmul.f32 v4, v4  }
0x37f: {  	v4 =	vld [tilespmem:s20+$0xA380]  }
0x380: {  	v2 =	vadd.f32 v3, v2;
	v3 =	vmul.f32 v6, v6  }
0x381: {  	v6 =	vld [tilespmem:s20+$0xC000]  }
0x382: {  	v2 =	vadd.f32 v3, v2;
	v3 =	vmul.f32 v5, v5  }
0x383: {  	v5 =	vld [tilespmem:s20+$0xC080]  }
0x384: {  	v2 =	vadd.f32 v3, v2;
	v3 =	vmul.f32 v4, v4  }
0x385: {  	v4 =	vld [tilespmem:s20+$0xC100]  }
0x386: {  	v2 =	vadd.f32 v3, v2;
	v3 =	vmul.f32 v6, v6  }
0x387: {  	v6 =	vld [tilespmem:s20+$0xC180]  }
0x388: {  	v2 =	vadd.f32 v3, v2;
	v3 =	vmul.f32 v5, v5  }
0x389: {  	v5 =	vld [tilespmem:s20+$0xC200]  }
0x38a: {  	v2 =	vadd.f32 v3, v2;
	v3 =	vmul.f32 v4, v4  }
0x38b: {  	v4 =	vld [tilespmem:s20+$0xC280]  }
0x38c: {  	v2 =	vadd.f32 v3, v2;
	v3 =	vmul.f32 v6, v6  }
0x38d: {  	v6 =	vld [tilespmem:s20+$0xC300]  }
0x38e: {  	v2 =	vadd.f32 v3, v2;
	v3 =	vmul.f32 v5, v5  }
0x38f: {  	v5 =	vld [tilespmem:s20+$0xC380]  }
0x390: {  	v2 =	vadd.f32 v3, v2;
	v3 =	vmul.f32 v4, v4  }
0x391: {  	v4 =	vld [tilespmem:s20+$0xE000]  }
0x392: {  	v2 =	vadd.f32 v3, v2;
	v3 =	vmul.f32 v6, v6  }
0x393: {  	v6 =	vld [tilespmem:s20+$0xE080]  }
0x394: {  	v2 =	vadd.f32 v3, v2;
	v3 =	vmul.f32 v5, v5  }
0x395: {  	v5 =	vld [tilespmem:s20+$0xE100]  }
0x396: {  	v2 =	vadd.f32 v3, v2;
	v3 =	vmul.f32 v4, v4  }
0x397: {  	v4 =	vld [tilespmem:s20+$0xE180]  }
0x398: {  	v2 =	vadd.f32 v3, v2;
	v3 =	vmul.f32 v6, v6  }
0x399: {  	v6 =	vld [tilespmem:s20+$0xE200]  }
0x39a: {  	v3 =	vadd.f32 v3, v2;
	v5 =	vmul.f32 v5, v5  }
.Ltmp3:
0x39b: {  	v2 =	vld [tilespmem:s20+$0xE280];
	(pc) =	sbr.rel @p0 .LBB2_8-.Ltmp3, $4  }
0x39c: {  	v5 =	vadd.f32 v5, v3;
	v4 =	vmul.f32 v4, v4  }
0x39d: {  	v3 =	vld [tilespmem:s20+$0xE300]  }
0x39e: {  	s18 =	sadd.s32 $0x80, s18;
	v5 =	vadd.f32 v4, v5;
	v6 =	vmul.f32 v6, v6  }
0x39f: {  	s19 =	sadd.s32 $0x10, s19;
	s22 =	sand.u32 $0x1C00, s18;
	s21 =	sand.u32 $0x70, s17;
	v4 =	vld [tilespmem:s20+$0xE380]  }
0x3a0: {  	s19 =	sor.u32 s21, s22;
	v5 =	vadd.f32 v6, v5;
	v2 =	vmul.f32 v2, v2  }
0x3a1: {  	v59 =	vld [tilespmem:s19+$0x8000]  }
0x3a2: {  	v2 =	vadd.f32 v2, v5;
	v3 =	vmul.f32 v3, v3  }
0x3a3: {  	v60 =	vld [tilespmem:s19+$0x8080]  }
0x3a4: {  	v2 =	vadd.f32 v3, v2;
	v3 =	vmul.f32 v4, v4  }
0x3a5: {  	v61 =	vld [tilespmem:s19+$0x8100]  }
0x3a6: {  	v6 =	vmul.f32 v59, v59;
	v2 =	vadd.f32 v3, v2  }
0x3a7: {  	v3 =	vld [tilespmem:s19+$0x8180]  }
0x3a8: {  	v5 =	vmul.f32 v60, v60;
	v2 =	vadd.f32 v6, v2  }
0x3a9: {  	v62 =	vld [tilespmem:s19+$0x8200]  }
0x3aa: {  	v4 =	vmul.f32 v61, v61;
	v2 =	vadd.f32 v5, v2  }
0x3ab: {  	v63 =	vld [tilespmem:s19+$0x8280]  }
0x3ac: {  	v3 =	vmul.f32 v3, v3;
	v2 =	vadd.f32 v4, v2  }
0x3ad: {  	s17 =	sor.u32 s18, s17;
	v9 =	vld [tilespmem:s19+$0x8300]  }
0x3ae: {  	s17 =	sor.u32 $0x380, s17;
	v2 =	vadd.f32 v3, v2;
	v3 =	vmul.f32 v62, v62  }
0x3af: {  	v10 =	vld [tilespmem:s17+$0x8000]  }
0x3b0: {  	v2 =	vadd.f32 v3, v2;
	v3 =	vmul.f32 v63, v63  }
0x3b1: {  	v11 =	vld [tilespmem:s19+$0xA000]  }
0x3b2: {  	v2 =	vadd.f32 v3, v2;
	v3 =	vmul.f32 v9, v9  }
0x3b3: {  	v12 =	vld [tilespmem:s19+$0xA080]  }
0x3b4: {  	v2 =	vadd.f32 v3, v2;
	v3 =	vmul.f32 v10, v10  }
0x3b5: {  	v13 =	vld [tilespmem:s19+$0xA100]  }
0x3b6: {  	v2 =	vadd.f32 v3, v2;
	v3 =	vmul.f32 v11, v11  }
0x3b7: {  	v14 =	vld [tilespmem:s19+$0xA180]  }
0x3b8: {  	v2 =	vadd.f32 v3, v2;
	v3 =	vmul.f32 v12, v12  }
0x3b9: {  	v15 =	vld [tilespmem:s19+$0xA200]  }
0x3ba: {  	v2 =	vadd.f32 v3, v2;
	v3 =	vmul.f32 v13, v13  }
0x3bb: {  	v16 =	vld [tilespmem:s19+$0xA280]  }
0x3bc: {  	v2 =	vadd.f32 v3, v2;
	v3 =	vmul.f32 v14, v14  }
0x3bd: {  	v17 =	vld [tilespmem:s19+$0xA300]  }
0x3be: {  	v2 =	vadd.f32 v3, v2;
	v3 =	vmul.f32 v15, v15  }
0x3bf: {  	v18 =	vld [tilespmem:s19+$0xA380]  }
0x3c0: {  	v2 =	vadd.f32 v3, v2;
	v3 =	vmul.f32 v16, v16  }
0x3c1: {  	v19 =	vld [tilespmem:s19+$0xC000]  }
0x3c2: {  	v2 =	vadd.f32 v3, v2;
	v3 =	vmul.f32 v17, v17  }
0x3c3: {  	v20 =	vld [tilespmem:s19+$0xC080]  }
0x3c4: {  	v2 =	vadd.f32 v3, v2;
	v3 =	vmul.f32 v18, v18  }
0x3c5: {  	v21 =	vld [tilespmem:s19+$0xC100]  }
0x3c6: {  	v2 =	vadd.f32 v3, v2;
	v3 =	vmul.f32 v19, v19  }
0x3c7: {  	v22 =	vld [tilespmem:s19+$0xC180]  }
0x3c8: {  	v2 =	vadd.f32 v3, v2;
	v3 =	vmul.f32 v20, v20  }
0x3c9: {  	v23 =	vld [tilespmem:s19+$0xC200]  }
0x3ca: {  	v2 =	vadd.f32 v3, v2;
	v3 =	vmul.f32 v21, v21  }
0x3cb: {  	v24 =	vld [tilespmem:s19+$0xC280]  }
0x3cc: {  	v2 =	vadd.f32 v3, v2;
	v3 =	vmul.f32 v22, v22  }
0x3cd: {  	v25 =	vld [tilespmem:s19+$0xC300]  }
0x3ce: {  	v2 =	vadd.f32 v3, v2;
	v3 =	vmul.f32 v23, v23  }
0x3cf: {  	v26 =	vld [tilespmem:s19+$0xC380]  }
0x3d0: {  	v2 =	vadd.f32 v3, v2;
	v3 =	vmul.f32 v24, v24  }
0x3d1: {  	v27 =	vld [tilespmem:s19+$0xE000]  }
0x3d2: {  	v2 =	vadd.f32 v3, v2;
	v3 =	vmul.f32 v25, v25  }
0x3d3: {  	v28 =	vld [tilespmem:s19+$0xE080]  }
0x3d4: {  	v2 =	vadd.f32 v3, v2;
	v3 =	vmul.f32 v26, v26  }
0x3d5: {  	v29 =	vld [tilespmem:s19+$0xE100]  }
0x3d6: {  	v2 =	vadd.f32 v3, v2;
	v3 =	vmul.f32 v27, v27  }
0x3d7: {  	v30 =	vld [tilespmem:s19+$0xE180]  }
0x3d8: {  	v2 =	vadd.f32 v3, v2;
	v3 =	vmul.f32 v28, v28  }
0x3d9: {  	v31 =	vld [tilespmem:s19+$0xE200]  }
0x3da: {  	v2 =	vadd.f32 v3, v2;
	v3 =	vmul.f32 v29, v29  }
0x3db: {  	v32 =	vld [tilespmem:s19+$0xE280]  }
0x3dc: {  	v2 =	vadd.f32 v3, v2;
	v3 =	vmul.f32 v30, v30  }
0x3dd: {  	v33 =	vld [tilespmem:s19+$0xE300]  }
0x3de: {  	v2 =	vadd.f32 v3, v2;
	v3 =	vmul.f32 v31, v31  }
0x3df: {  	v34 =	vld [tilespmem:s19+$0xE380]  }
0x3e0: {  	v35 =	vld [tilespmem:$0x9C57];
	v2 =	vadd.f32 v3, v2;
	v3 =	vmul.f32 v32, v32;
	_ =	sdelay $0x1  }
0x3e1: {  	v36 =	vld [tilespmem:$0x9CD7];
	v2 =	vadd.f32 v3, v2;
	v3 =	vmul.f32 v33, v33;
	_ =	sdelay $0x1  }
0x3e2: {  	v37 =	vld [tilespmem:$0x9D57];
	v2 =	vadd.f32 v3, v2;
	v3 =	vmul.f32 v34, v34  }
0x3e3: {  	v5 =	vmul.f32 v35, v35  }
0x3e4: {  	v2 =	vadd.f32 v3, v2;
	v3 =	vld [tilespmem:$0x9DD7]  }
0x3e5: {  	v5 =	vsel vm0, $0x0, v5;
	v4 =	vmul.f32 v36, v36  }
0x3e6: {  	v38 =	vld [tilespmem:$0x9E57];
	v2 =	vadd.f32 v5, v2  }
0x3e7: {  	v6 =	vmul.f32 v37, v37;
	v4 =	vsel vm0, $0x0, v4  }
0x3e8: {  	v39 =	vld [tilespmem:$0x9ED7];
	v2 =	vadd.f32 v4, v2  }
0x3e9: {  	v6 =	vsel vm0, $0x0, v6;
	v3 =	vmul.f32 v3, v3  }
0x3ea: {  	v40 =	vld [tilespmem:$0x9F57];
	v2 =	vadd.f32 v6, v2  }
0x3eb: {  	v5 =	vmul.f32 v38, v38;
	v3 =	vsel vm0, $0x0, v3  }
0x3ec: {  	v2 =	vadd.f32 v3, v2;
	v3 =	vld [tilespmem:$0x9FD7]  }
0x3ed: {  	v5 =	vsel vm0, $0x0, v5;
	v4 =	vmul.f32 v39, v39  }
0x3ee: {  	v41 =	vld [tilespmem:$0xBC57];
	v2 =	vadd.f32 v5, v2  }
0x3ef: {  	v4 =	vsel vm0, $0x0, v4;
	v6 =	vmul.f32 v40, v40  }
0x3f0: {  	v42 =	vld [tilespmem:$0xBCD7];
	v2 =	vadd.f32 v4, v2  }
0x3f1: {  	v6 =	vsel vm0, $0x0, v6;
	v3 =	vmul.f32 v3, v3  }
0x3f2: {  	v43 =	vld [tilespmem:$0xBD57];
	v2 =	vadd.f32 v6, v2  }
0x3f3: {  	v5 =	vmul.f32 v41, v41;
	v3 =	vsel vm0, $0x0, v3  }
0x3f4: {  	v2 =	vadd.f32 v3, v2;
	v3 =	vld [tilespmem:$0xBDD7]  }
0x3f5: {  	v5 =	vsel vm0, $0x0, v5;
	v4 =	vmul.f32 v42, v42  }
0x3f6: {  	v44 =	vld [tilespmem:$0xBE57];
	v2 =	vadd.f32 v5, v2  }
0x3f7: {  	v4 =	vsel vm0, $0x0, v4;
	v6 =	vmul.f32 v43, v43  }
0x3f8: {  	v45 =	vld [tilespmem:$0xBED7];
	v2 =	vadd.f32 v4, v2  }
0x3f9: {  	v6 =	vsel vm0, $0x0, v6;
	v3 =	vmul.f32 v3, v3  }
0x3fa: {  	v46 =	vld [tilespmem:$0xBF57];
	v2 =	vadd.f32 v6, v2  }
0x3fb: {  	v5 =	vmul.f32 v44, v44;
	v3 =	vsel vm0, $0x0, v3  }
0x3fc: {  	v2 =	vadd.f32 v3, v2;
	v3 =	vld [tilespmem:$0xBFD7]  }
0x3fd: {  	v5 =	vsel vm0, $0x0, v5;
	v4 =	vmul.f32 v45, v45  }
0x3fe: {  	v47 =	vld [tilespmem:$0xDC57];
	v2 =	vadd.f32 v5, v2  }
0x3ff: {  	v4 =	vsel vm0, $0x0, v4;
	v6 =	vmul.f32 v46, v46  }
0x400: {  	v48 =	vld [tilespmem:$0xDCD7];
	v2 =	vadd.f32 v4, v2  }
0x401: {  	v6 =	vsel vm0, $0x0, v6;
	v3 =	vmul.f32 v3, v3  }
0x402: {  	v49 =	vld [tilespmem:$0xDD57];
	v2 =	vadd.f32 v6, v2  }
0x403: {  	v5 =	vmul.f32 v47, v47;
	v3 =	vsel vm0, $0x0, v3  }
0x404: {  	v2 =	vadd.f32 v3, v2;
	v3 =	vld [tilespmem:$0xDDD7]  }
0x405: {  	v5 =	vsel vm0, $0x0, v5;
	v4 =	vmul.f32 v48, v48  }
0x406: {  	v50 =	vld [tilespmem:$0xDE57];
	v2 =	vadd.f32 v5, v2  }
0x407: {  	v4 =	vsel vm0, $0x0, v4;
	v6 =	vmul.f32 v49, v49  }
0x408: {  	v51 =	vld [tilespmem:$0xDED7];
	v2 =	vadd.f32 v4, v2  }
0x409: {  	v6 =	vsel vm0, $0x0, v6;
	v3 =	vmul.f32 v3, v3  }
0x40a: {  	v52 =	vld [tilespmem:$0xDF57];
	v2 =	vadd.f32 v6, v2  }
0x40b: {  	v5 =	vmul.f32 v50, v50;
	v3 =	vsel vm0, $0x0, v3  }
0x40c: {  	v2 =	vadd.f32 v3, v2;
	v3 =	vld [tilespmem:$0xDFD7]  }
0x40d: {  	v53 =	vld [tilespmem:$0xFC57];
	v5 =	vsel vm0, $0x0, v5;
	v4 =	vmul.f32 v51, v51  }
0x40e: {  	v7 =	vld [tilespmem:$0x10060];
	v2 =	vadd.f32 v5, v2  }
0x40f: {  	v54 =	vld [tilespmem:$0xFCD7];
	v4 =	vsel vm0, $0x0, v4;
	v6 =	vmul.f32 v52, v52  }
0x410: {  	v8 =	vld [tilespmem:$0x10070];
	v2 =	vadd.f32 v4, v2  }
0x411: {  	v55 =	vld [tilespmem:$0xFD57];
	v6 =	vsel vm0, $0x0, v6;
	v3 =	vmul.f32 v3, v3  }
0x412: {  	v2 =	vadd.f32 v6, v2  }
0x413: {  	v56 =	vadd.s32 $0xFFFFFFFF, v7;
	v5 =	vmul.f32 v53, v53;
	v3 =	vsel vm0, $0x0, v3  }
0x414: {  	vm1 =	vgt.s32 v56, $0x0;
	v2 =	vadd.f32 v3, v2  }
0x415: {  	v58 =	vadd.s32 $0xFFFFFFFF, v8;
	v57 =	vnsel vm1, $0x0, v56;
	v3 =	vsel vm0, $0x0, v5  }
0x416: {  	v4 =	vmul.f32 v54, v54;
	v6 =	vmul.f32 v55, v55;
	v2 =	vadd.f32 v3, v2;
	v3 =	vld [tilespmem:$0xFDD7]  }
0x417: {  	vm1 =	vgt.s32 v58, $0x0;
	v10 =	vshll.u32 v57, $0x3  }
0x418: {  	v9 =	vld [tilespmem:$0xFE57];
	v10 =	vand.u32 $0xFFFFFC00, v10;
	v4 =	vsel vm0, $0x0, v4;
	v6 =	vsel vm0, $0x0, v6  }
0x419: {  	v5 =	vnsel vm1, $0x0, v58;
	v2 =	vadd.f32 v4, v2;
	v4 =	vand.u32 $0x7F, v57  }
0x41a: {  	v11 =	vld [tilespmem:$0xFED7];
	v59 =	vshll.u32 v5, $0x3;
	v5 =	vand.u32 $0x7F, v5;
	v4 =	vor.u32 v4, v10  }
0x41b: {  	v10 =	vand.u32 $0xFFFFFC00, v59;
	v4 =	vadd.s32 v0, v4;
	v3 =	vmul.f32 v3, v3  }
0x41c: {  	v60 =	vld [tilespmem:$0xFF57];
	v2 =	vadd.f32 v6, v2;
	v5 =	vor.u32 v5, v10  }
0x41d: {  	v9 =	vmul.f32 v9, v9;
	v5 =	vadd.s32 v1, v5;
	v3 =	vsel vm0, $0x0, v3  }
0x41e: {  	v2 =	vadd.f32 v3, v2;
	v3 =	vld [tilespmem:$0xFFD7]  }
0x41f: {  	v9 =	vsel vm0, $0x0, v9;
	v61 =	vmul.f32 v11, v11  }
0x420: {  	v4 =	vld.idx.msk [tilespmem:v4+s12+$0x0], $0xffff;
	v2 =	vadd.f32 v9, v2  }
0x421: {  	v62 =	vsel vm0, $0x0, v61;
	v6 =	vmul.f32 v60, v60  }
0x422: {  	v5 =	vld.idx.msk [tilespmem:v5+s12+$0x0], $0xffff;
	v2 =	vadd.f32 v62, v2  }
0x423: {  	v6 =	vsel vm0, $0x0, v6;
	v3 =	vmul.f32 v3, v3  }
0x424: {  	v2 =	vadd.f32 v6, v2  }
0x425: {  	v4 =	vadd.f32 v4, v4;
	v3 =	vsel vm0, $0x0, v3  }
0x426: {  	vm1 =	vgt.s32 v7, $0x0;
	v2 =	vadd.f32 v3, v2  }
0x427: {  	v63 =	vadd.f32 v5, v5;
	v3 =	vnsel vm1, $0x0, v4  }
0x428: {  	vm1 =	vgt.s32 v8, $0x0;
	v2 =	vsub.f32 v2, v3  }
0x429: {  	v3 =	vnsel vm1, $0x0, v63  }
0x42a: {  	s16 =	sadd.s32 $0x1, s16;
	v2 =	vsub.f32 v2, v3  }
0x42b: {  	p0 =	sne.s32 s16, s9  }
.Ltmp4:
0x42c: {  	[tilespmem:$0x10080] =	vst v2;
	(pc) =	sbr.rel @p0 .LBB2_1-.Ltmp4, $4  }
0x42d: {  	[hbm4b:s8+s2] =	stream.linear.scatter [tilespmem:s15], [sflag:$0x3], $0x80, $0x38;
	[tilespmem:$0x10100] =	vst v63  }
0x42e: {  	_ =	swait.ge [sflag:s11], $0x80  }
0x42f: {  	[sflag:s11] =	ssyncset.done $0x0  }
0x430: {  	[sflag:s11] =	ssyncadd.s32 $0xFFFFFF80  }
0x431: {  	_ =	sfence.sel $0x180000  }
0x432: {  	[bflag:$0x0] =	sbarrier.arrive $0xFFFF  }
0x433: {  	p0 =	sne.s32 s1, $0x0;
	_ =	strace $0x90000047  }
0x434: {  	s0 =	sadd.s32 @!p0 $0x100000, s0;
	[bflag:$0x2] =	sbarrier.arrive $0xFFFF  }
0x435: {  	[sflag:s0] =	ssyncadd.tile.s32 @!p0 $0x1;
	_ =	shalt  }
.Lfunc_end2:
_tile_overlayer_lowered:
.L_overlay_start_2:
0x436: {  	(tag) =	ssettag $0x2  }
0x437: {  	s0 =	rddreg [dreg:$0x0];
	s2 =	stileid.u32  }
0x438: {  	s1 =	rddreg [dreg:$0x1];
	p0 =	sne.s32 s2, $0x0  }
0x439: {  	s3 =	rddreg [dreg:$0x2];
	[bflag:$0x3] =	sbarrier.arrive $0xFFFF;
	s2 =	simm.s32 @!p0 $0x1C03  }
0x43a: {  	[timem:s3], [sflag:s2] =	dma.local @!p0 [hbm:s0], s1  }
0x43b: {  	s0 =	simm.s32 @!p0 $0x3  }
0x43c: {  	_ =	swait.ge @!p0 [sflag:s0], s1  }
0x43d: {  	s1 =	ssub.s32 @!p0 $0x0, s1;
	[sflag:s0] =	ssyncset.done @!p0 $0x0  }
0x43e: {  	[sflag:s0] =	ssyncadd.s32 @!p0 s1  }
0x43f: {  	[bflag:$0x3] =	sbarrier.arrive $0xFFFF  }
0x440: {  	_ =	shalt  }

</sc_bundles>
